<compile_context>
chip_gen: v7x
topology: tpu7x:2x2x1
jax: 0.10.2.dev20260603
libtpu: 0.0.44.dev20260713+nightly
codegen_flags: <defaults>
</compile_context>

<pallas_src>
import functools

import jax
import jax.numpy as jnp
from jax import lax
from jax.experimental import pallas as pl
from jax.experimental.pallas import tpu as pltpu
from jax.experimental.pallas import tpu_sc as plsc

jax.config.update('jax_enable_x64', True)

_N_SAMPLES = 9
_NPIX = 240 * 320
_NPTS = _NPIX * _N_SAMPLES
_CORNER = 8

_NC = 2
_NS = 16
_NW = _NC * _NS
_NPT = _NPTS // _NW
_C = 2160
_NCHUNK = _NPT // _C
_G = 128
_GRP = 15
_NGRP = (_CORNER * _C) // (_G * _GRP)

assert _NPT * _NW == _NPTS
assert _NCHUNK * _C == _NPT
assert _NGRP * _GRP * _G == _CORNER * _C


def _fusion_body(vol_hbm, wvol_hbm, lin_hbm, w_hbm, outv_hbm, outw_hbm,
                 idx_v, w_v, val_v, wval_v, outv_v, outw_v, sem_idx, sem_val):
    wid = lax.axis_index("s") * _NC + lax.axis_index("c")
    base = wid * _NPT

    def chunk(k, carry):
        start = base + k * _C
        for c in range(_CORNER):
            pltpu.make_async_copy(lin_hbm.at[pl.ds(c * _NPTS + start, _C)],
                                  idx_v.at[pl.ds(c * _C, _C)], sem_idx).start()
            pltpu.make_async_copy(w_hbm.at[pl.ds(c * _NPTS + start, _C)],
                                  w_v.at[pl.ds(c * _C, _C)], sem_idx).start()
        pltpu.make_async_copy(lin_hbm.at[pl.ds(0, _CORNER * _C)],
                              idx_v, sem_idx).wait()
        pltpu.make_async_copy(w_hbm.at[pl.ds(0, _CORNER * _C)],
                              w_v, sem_idx).wait()

        span = _GRP * _G

        def fire(g, carry):
            go = g * span
            for t in range(_GRP):
                o = go + t * _G
                pltpu.make_async_copy(vol_hbm.at[idx_v.at[pl.ds(o, _G)]],
                                      val_v.at[pl.ds(o, _G)], sem_val).start()
                pltpu.make_async_copy(wvol_hbm.at[idx_v.at[pl.ds(o, _G)]],
                                      wval_v.at[pl.ds(o, _G)], sem_val).start()
            pltpu.make_async_copy(vol_hbm.at[pl.ds(0, span)],
                                  val_v.at[pl.ds(go, span)], sem_val).wait()
            pltpu.make_async_copy(wvol_hbm.at[pl.ds(0, span)],
                                  wval_v.at[pl.ds(go, span)], sem_val).wait()
            return carry

        lax.fori_loop(jnp.int32(0), jnp.int32(_NGRP), fire, jnp.int32(0))

        def mac(i, carry):
            o = i * 16
            accv = jnp.zeros((16,), jnp.float32)
            accw = jnp.zeros((16,), jnp.float32)
            for c in range(_CORNER):
                wv = w_v[pl.ds(c * _C + o, 16)]
                accv = accv + val_v[pl.ds(c * _C + o, 16)] * wv
                accw = accw + wval_v[pl.ds(c * _C + o, 16)] * wv
            outv_v[pl.ds(o, 16)] = accv
            outw_v[pl.ds(o, 16)] = accw
            return carry

        lax.fori_loop(jnp.int32(0), jnp.int32(_C // 16), mac, jnp.int32(0))

        pltpu.sync_copy(outv_v, outv_hbm.at[pl.ds(start, _C)])
        pltpu.sync_copy(outw_v, outw_hbm.at[pl.ds(start, _C)])
        return carry

    lax.fori_loop(jnp.int32(0), jnp.int32(_NCHUNK), chunk, jnp.int32(0))


@functools.cache
def _fusion_kernel():
    return pl.kernel(
        _fusion_body,
        out_type=[jax.ShapeDtypeStruct((_NPTS,), jnp.float32),
                  jax.ShapeDtypeStruct((_NPTS,), jnp.float32)],
        mesh=plsc.VectorSubcoreMesh(core_axis_name="c", subcore_axis_name="s",
                                    num_cores=_NC, num_subcores=_NS),
        scratch_types=[
            pltpu.VMEM((_CORNER * _C,), jnp.int32),
            pltpu.VMEM((_CORNER * _C,), jnp.float32),
            pltpu.VMEM((_CORNER * _C,), jnp.float32),
            pltpu.VMEM((_CORNER * _C,), jnp.float32),
            pltpu.VMEM((_C,), jnp.float32),
            pltpu.VMEM((_C,), jnp.float32),
            pltpu.SemaphoreType.DMA,
            pltpu.SemaphoreType.DMA,
        ],
    )


def _inv3(m):
    a = m[..., 0, 0]; b = m[..., 0, 1]; c = m[..., 0, 2]
    d = m[..., 1, 0]; e = m[..., 1, 1]; f = m[..., 1, 2]
    g = m[..., 2, 0]; h = m[..., 2, 1]; i = m[..., 2, 2]
    A = e * i - f * h
    B = -(d * i - f * g)
    C = d * h - e * g
    D = -(b * i - c * h)
    E = a * i - c * g
    F = -(a * h - b * g)
    G = b * f - c * e
    H = -(a * f - c * d)
    I = a * e - b * d
    det = a * A + b * B + c * C
    adj = jnp.stack([
        jnp.stack([A, D, G], axis=-1),
        jnp.stack([B, E, H], axis=-1),
        jnp.stack([C, F, I], axis=-1),
    ], axis=-2)
    return adj / det[..., None, None]


def _world_coords(depth, extrinsics, intrinsics):
    b, h, w = depth.shape
    n = h * w
    xx, yy = jnp.meshgrid(jnp.arange(h, dtype=jnp.float64),
                          jnp.arange(w, dtype=jnp.float64), indexing='ij')
    xx = jnp.broadcast_to(xx.reshape(1, n, 1), (b, n, 1))
    yy = jnp.broadcast_to(yy.reshape(1, n, 1), (b, n, 1))
    zz = depth.reshape(b, n, 1)
    points_p = jnp.concatenate((yy * zz, xx * zz, zz), axis=2)
    intr_inv = _inv3(intrinsics)
    points_c = jnp.matmul(intr_inv, jnp.transpose(points_p, (0, 2, 1)))
    homog = jnp.ones((b, 1, n), dtype=jnp.float64)
    points_c = jnp.concatenate((points_c, homog), axis=1)
    points_w = jnp.matmul(extrinsics[:3], points_c)
    points_w = jnp.transpose(points_w, (0, 2, 1))[:, :, :3]
    return points_w


def _rays(coords, eye, origin, resolution, n_points, bin_size=1.0):
    center_v = (coords - origin) / resolution
    eye_v = (eye - origin) / resolution
    direction = center_v - eye_v[:, None, :]
    nrm = jnp.maximum(jnp.linalg.norm(direction, axis=2, keepdims=True), 1e-12)
    direction = direction / nrm
    points = [center_v]
    for i in range(1, n_points + 1):
        points.append(center_v + i * bin_size * direction)
        points.insert(0, center_v - i * bin_size * direction)
    return jnp.stack(points, axis=2)


def _prepare(depth, extrinsics, intrinsics, volume, origin, resolution):
    depth64 = depth.astype(jnp.float64)
    extr = extrinsics.astype(jnp.float64)
    intr = intrinsics.astype(jnp.float64)
    orig = origin.astype(jnp.float64)
    b, h, w = depth64.shape
    coords = _world_coords(depth64, extr, intr)
    eye_w = extr[:, :3, 3]
    n_pts = (_N_SAMPLES - 1) // 2
    ray_pts = _rays(coords, eye_w, orig, resolution, n_pts)
    bb, hh, nn, _dim = ray_pts.shape

    pts = ray_pts.reshape(bb * hh * nn, 3)
    center = 0.5 * jnp.ones_like(pts) + jnp.floor(pts)
    neighbor = jnp.sign(center - pts)
    idx = jnp.floor(pts)
    alpha = jnp.abs(pts - center)
    alpha_inv = 1.0 - alpha
    xs, ys, zs = volume.shape

    lin_rows, w_rows, w_cols, idx_cols = [], [], [], []
    for i in range(2):
        for j in range(2):
            for k in range(2):
                w1 = alpha_inv[:, 0] if i == 0 else alpha[:, 0]
                ix = idx[:, 0] if i == 0 else idx[:, 0] + neighbor[:, 0]
                w2 = alpha_inv[:, 1] if j == 0 else alpha[:, 1]
                iy = idx[:, 1] if j == 0 else idx[:, 1] + neighbor[:, 1]
                w3 = alpha_inv[:, 2] if k == 0 else alpha[:, 2]
                iz = idx[:, 2] if k == 0 else idx[:, 2] + neighbor[:, 2]
                wc = w1 * w2 * w3
                valid = ((ix >= 0) & (ix < xs) & (iy >= 0) & (iy < ys)
                         & (iz >= 0) & (iz < zs))
                ixs = jnp.where(valid, ix, 0.0).astype(jnp.int32)
                iys = jnp.where(valid, iy, 0.0).astype(jnp.int32)
                izs = jnp.where(valid, iz, 0.0).astype(jnp.int32)
                lin_rows.append((ixs * (ys * zs)) + (iys * zs) + izs)
                w_rows.append(jnp.where(valid, wc, 0.0).astype(jnp.float32))
                w_cols.append(wc)
                idx_cols.append(jnp.stack((ix, iy, iz), axis=1)
                                .astype(jnp.int64))

    indices_out = jnp.stack(idx_cols, axis=1).reshape(bb, hh, nn, _CORNER, 3)
    weights_out = jnp.stack(w_cols, axis=1).reshape(bb, hh, nn, _CORNER)
    lin = jnp.stack(lin_rows, axis=0).reshape(-1)
    weff = jnp.stack(w_rows, axis=0).reshape(-1)
    return (coords, ray_pts, depth64.reshape(b, h * w), indices_out,
            weights_out, lin, weff, (bb, hh, nn))


def kernel(depth, extrinsics, intrinsics, volume, origin, resolution, weights):
    (coords, ray_pts, depth_out, indices_out, weights_out, lin, weff,
     (bb, hh, nn)) = _prepare(depth, extrinsics, intrinsics, volume, origin,
                              resolution)
    fusion_v, fusion_w = _fusion_kernel()(volume.reshape(-1),
                                          weights.reshape(-1), lin, weff)
    fusion_values = fusion_v.reshape(bb, hh, nn)
    fusion_weights = fusion_w.reshape(bb, hh, nn)
    return (fusion_values, fusion_weights, ray_pts, depth_out, indices_out,
            weights_out, coords)

# --- scband reference (transcript-rebuilt; emitter-appended) ---
"""Pipeline reference for scband-extractor-56564719288936 (READ-ONLY COPY).

The authoritative reference and input builder live on the scoring server;
editing this copy changes nothing except your own understanding.
"""

import jax, jax.numpy as jnp
import numpy as np

jax.config.update('jax_enable_x64', True)

N_POINTS_CFG = 9


def setup_inputs(seed: int = 0):
    key = jax.random.key(seed)
    ks = jax.random.split(key, 5)
    return {
        'depth': jax.random.uniform(ks[0], (1, 240, 320), dtype=jnp.float32),
        'extrinsics': jax.random.normal(ks[1], (1, 4, 4), dtype=jnp.float32),
        'intrinsics': jax.random.normal(ks[2], (1, 3, 3), dtype=jnp.float32),
        'volume': jax.random.normal(ks[3], (256, 256, 256), dtype=jnp.float32),
        'origin': jnp.zeros((3,), dtype=jnp.float32),
        'resolution': 1,
        'weights': jax.random.uniform(ks[4], (256, 256, 256), dtype=jnp.float32),
    }


def _inv3(m):
    a = m[..., 0, 0]; b = m[..., 0, 1]; c = m[..., 0, 2]
    d = m[..., 1, 0]; e = m[..., 1, 1]; f = m[..., 1, 2]
    g = m[..., 2, 0]; h = m[..., 2, 1]; i = m[..., 2, 2]
    A = e * i - f * h
    B = -(d * i - f * g)
    C = d * h - e * g
    D = -(b * i - c * h)
    E = a * i - c * g
    F = -(a * h - b * g)
    G = b * f - c * e
    H = -(a * f - c * d)
    I = a * e - b * d
    det = a * A + b * B + c * C
    adj = jnp.stack([
        jnp.stack([A, D, G], axis=-1),
        jnp.stack([B, E, H], axis=-1),
        jnp.stack([C, F, I], axis=-1),
    ], axis=-2)
    return adj / det[..., None, None]


def _compute_coordinates(depth, extrinsics, intrinsics, origin, resolution):
    b, h, w = depth.shape
    n = h * w
    xx, yy = jnp.meshgrid(jnp.arange(h, dtype=jnp.float64), jnp.arange(w, dtype=jnp.float64), indexing='ij')
    xx = jnp.broadcast_to(xx.reshape(1, n, 1), (b, n, 1))
    yy = jnp.broadcast_to(yy.reshape(1, n, 1), (b, n, 1))
    zz = depth.reshape(b, n, 1)
    points_p = jnp.concatenate((yy * zz, xx * zz, zz), axis=2)
    intr_inv = _inv3(intrinsics)
    points_c = jnp.matmul(intr_inv, jnp.transpose(points_p, (0, 2, 1)))
    homog = jnp.ones((b, 1, n), dtype=jnp.float64)
    points_c = jnp.concatenate((points_c, homog), axis=1)
    points_w = jnp.matmul(extrinsics[:3], points_c)
    points_w = jnp.transpose(points_w, (0, 2, 1))[:, :, :3]
    return points_w


def _extract_rays(coords, eye, origin, resolution, n_points, bin_size=1.0):
    center_v = (coords - origin) / resolution
    eye_v = (eye - origin) / resolution
    direction = center_v - eye_v[:, None, :]
    nrm = jnp.maximum(jnp.linalg.norm(direction, axis=2, keepdims=True), 1e-12)
    direction = direction / nrm
    points = [center_v]
    dists = [jnp.zeros_like(center_v[:, :, 0])]
    for i in range(1, n_points + 1):
        points.append(center_v + i * bin_size * direction)
        points.insert(0, center_v - i * bin_size * direction)
        d = i * bin_size * jnp.ones_like(center_v[:, :, 0])
        dists.append(d)
        dists.insert(0, -1.0 * d)
    return jnp.stack(points, axis=2), jnp.stack(dists, axis=2)


def _interp_weights(points):
    b, h, n, dim = points.shape
    center = 0.5 * jnp.ones_like(points) + jnp.floor(points)
    neighbor = jnp.sign(center - points)
    idx = jnp.floor(points)
    N = b * h * n
    points = points.reshape(N, dim)
    center = center.reshape(N, dim)
    idx = idx.reshape(N, dim)
    neighbor = neighbor.reshape(N, dim)
    alpha = jnp.abs(points - center)
    alpha_inv = 1.0 - alpha
    weights = []
    indices = []
    for i in range(2):
        for j in range(2):
            for k in range(2):
                w1 = alpha_inv[:, 0] if i == 0 else alpha[:, 0]
                ix = idx[:, 0] if i == 0 else idx[:, 0] + neighbor[:, 0]
                w2 = alpha_inv[:, 1] if j == 0 else alpha[:, 1]
                iy = idx[:, 1] if j == 0 else idx[:, 1] + neighbor[:, 1]
                w3 = alpha_inv[:, 2] if k == 0 else alpha[:, 2]
                iz = idx[:, 2] if k == 0 else idx[:, 2] + neighbor[:, 2]
                weights.append((w1 * w2 * w3)[:, None])
                indices.append(jnp.stack((ix, iy, iz), axis=1)[:, None, :])
    return jnp.concatenate(weights, axis=1), jnp.concatenate(indices, axis=1)


def _masked_gather(volume, idx, valid):
    xs, ys, zs = volume.shape
    ix = jnp.clip(idx[:, 0], 0, xs - 1)
    iy = jnp.clip(idx[:, 1], 0, ys - 1)
    iz = jnp.clip(idx[:, 2], 0, zs - 1)
    return jnp.where(valid, volume[ix, iy, iz], jnp.zeros((), dtype=volume.dtype))


def _forward(depth, extrinsics, intrinsics, volume, origin, resolution, weights):
    depth = depth.astype(jnp.float64)
    extrinsics = extrinsics.astype(jnp.float64)
    intrinsics = intrinsics.astype(jnp.float64)
    origin = origin.astype(jnp.float64)
    b, h, w = depth.shape
    coords = _compute_coordinates(depth, extrinsics, intrinsics, origin, resolution)
    eye_w = extrinsics[:, :3, 3]
    n_pts = (N_POINTS_CFG - 1) // 2
    ray_pts, ray_dists = _extract_rays(coords, eye_w, origin, resolution, n_pts)
    bb, hh, nn, _ = ray_pts.shape
    w_interp, idx_interp = _interp_weights(ray_pts)
    n1, n2, n3 = idx_interp.shape
    idx_flat = idx_interp.reshape(n1 * n2, n3).astype(jnp.int64)
    xs, ys, zs = volume.shape
    valid = ((idx_flat[:, 0] >= 0) & (idx_flat[:, 0] < xs)
             & (idx_flat[:, 1] >= 0) & (idx_flat[:, 1] < ys)
             & (idx_flat[:, 2] >= 0) & (idx_flat[:, 2] < zs))
    v = _masked_gather(volume, idx_flat, valid).astype(jnp.float32)
    fusion_values = (v.reshape(n1, n2) * w_interp).sum(axis=1).reshape(bb, hh, nn).astype(jnp.float32)
    wv = _masked_gather(weights, idx_flat, valid).astype(jnp.float64)
    fusion_weights = (wv.reshape(n1, n2) * w_interp).sum(axis=1).reshape(bb, hh, nn).astype(jnp.float32)
    indices_out = idx_flat.reshape(bb, hh, nn, 8, 3)
    weights_out = w_interp.reshape(bb, hh, nn, 8)
    return fusion_values, fusion_weights, ray_pts, depth.reshape(b, h * w), indices_out, weights_out, coords


def reference(depth, extrinsics, intrinsics, volume, origin, resolution, weights):
    return _forward(depth, extrinsics, intrinsics, volume, origin, resolution, weights)

if __name__ == "__main__":
    import jax
    _d = setup_inputs()
    print(jax.jit(kernel)(*tuple(_d.values())))

</pallas_src>

<mosaic_0001>
#map = affine_map<(d0, d1) -> (0)>
module attributes {stable_mosaic.version = 14 : i64} {
  func.func @_fusion_body(%arg0: i32, %arg1: i32, %arg2: memref<16777216xf32, #tpu.memory_space<hbm>>, %arg3: memref<16777216xf32, #tpu.memory_space<hbm>>, %arg4: memref<5529600xi32, #tpu.memory_space<hbm>>, %arg5: memref<5529600xf32, #tpu.memory_space<hbm>>, %arg6: memref<691200xf32, #tpu.memory_space<hbm>>, %arg7: memref<691200xf32, #tpu.memory_space<hbm>>, %arg8: memref<17280xi32, #tpu.memory_space<vmem>>, %arg9: memref<17280xf32, #tpu.memory_space<vmem>>, %arg10: memref<17280xf32, #tpu.memory_space<vmem>>, %arg11: memref<17280xf32, #tpu.memory_space<vmem>>, %arg12: memref<2160xf32, #tpu.memory_space<vmem>>, %arg13: memref<2160xf32, #tpu.memory_space<vmem>>, %arg14: memref<!tpu.dma_semaphore, #tpu.memory_space<semaphore_mem>>, %arg15: memref<!tpu.dma_semaphore, #tpu.memory_space<semaphore_mem>>) attributes {dimension_semantics = [#tpu.dimension_semantics<core_parallel>, #tpu.dimension_semantics<subcore_parallel>], iteration_bounds = array<i64: 2, 16>, scalar_prefetch = 0 : i64, scratch_operands = 8 : i64, tpu.core_type = #tpu.core_type<sc_vector_subcore>, window_params = [{transform_indices = #map}, {transform_indices = #map}, {transform_indices = #map}, {transform_indices = #map}, {transform_indices = #map}, {transform_indices = #map}]} {
    %mul3A = arith.constant 2 : i32
    %mul3A_0 = arith.muli %arg1, %mul3A : i32
    %add3A = arith.addi %mul3A_0, %arg0 : i32
    %mul3A_1 = arith.constant 21600 : i32
    %mul3A_2 = arith.muli %add3A, %mul3A_1 : i32
    %while3A = arith.constant 0 : i32
    %while3A_3 = arith.constant 0 : i32
    %while3A_4 = arith.constant 10 : i32
    %while3A_5 = arith.subi %while3A_4, %while3A_3 : i32
    %while3A_6 = arith.addi %while3A_3, %while3A_5 : i32
    %while3A_7 = arith.constant 1 : i32
    %while3A_8 = arith.divsi %while3A_5, %while3A_7 : i32
    %while3A_9 = arith.muli %while3A_8, %while3A_7 : i32
    %while3A_10 = arith.addi %while3A_3, %while3A_9 : i32
    %while3A_11 = arith.constant 1 : i32
    scf.for %while3A_13 = %while3A_3 to %while3A_10 step %while3A_11  : i32 {
      %mul3A_14 = arith.constant 2160 : i32
      %mul3A_15 = arith.muli %while3A_13, %mul3A_14 : i32
      %add3A_16 = arith.addi %mul3A_2, %mul3A_15 : i32
      %add3A_17 = arith.constant 0 : i32
      %add3A_18 = arith.addi %add3A_17, %add3A_16 : i32
      %dma_start3A = arith.constant 0 : i32
      %dma_start3A_19 = tpu.memref_slice %arg8[%dma_start3A] : memref<17280xi32, #tpu.memory_space<vmem>> -> memref<2160xi32, #tpu.memory_space<vmem>>
      %dma_start3A_20 = tpu.memref_slice %arg4[%add3A_18] : memref<5529600xi32, #tpu.memory_space<hbm>> -> memref<2160xi32, #tpu.memory_space<hbm>>
      %dma_start3A_21 = arith.constant 0 : i32
      %dma_start3A_22 = tpu.memref_slice %arg8[%dma_start3A_21] : memref<17280xi32, #tpu.memory_space<vmem>> -> memref<2160xi32, #tpu.memory_space<vmem>>
      %dma_start3A_23 = tpu.memref_slice %arg4[%add3A_18] : memref<5529600xi32, #tpu.memory_space<hbm>> -> memref<2160xi32, #tpu.memory_space<hbm>>
      tpu.enqueue_dma source(%dma_start3A_23 : memref<2160xi32, #tpu.memory_space<hbm>>) target(%dma_start3A_22 : memref<2160xi32, #tpu.memory_space<vmem>>) target_semaphore(%arg14 : memref<!tpu.dma_semaphore, #tpu.memory_space<semaphore_mem>>)
      %add3A_24 = arith.constant 0 : i32
      %add3A_25 = arith.addi %add3A_24, %add3A_16 : i32
      %dma_start3A_26 = arith.constant 0 : i32
      %dma_start3A_27 = tpu.memref_slice %arg9[%dma_start3A_26] : memref<17280xf32, #tpu.memory_space<vmem>> -> memref<2160xf32, #tpu.memory_space<vmem>>
      %dma_start3A_28 = tpu.memref_slice %arg5[%add3A_25] : memref<5529600xf32, #tpu.memory_space<hbm>> -> memref<2160xf32, #tpu.memory_space<hbm>>
      %dma_start3A_29 = arith.constant 0 : i32
      %dma_start3A_30 = tpu.memref_slice %arg9[%dma_start3A_29] : memref<17280xf32, #tpu.memory_space<vmem>> -> memref<2160xf32, #tpu.memory_space<vmem>>
      %dma_start3A_31 = tpu.memref_slice %arg5[%add3A_25] : memref<5529600xf32, #tpu.memory_space<hbm>> -> memref<2160xf32, #tpu.memory_space<hbm>>
      tpu.enqueue_dma source(%dma_start3A_31 : memref<2160xf32, #tpu.memory_space<hbm>>) target(%dma_start3A_30 : memref<2160xf32, #tpu.memory_space<vmem>>) target_semaphore(%arg14 : memref<!tpu.dma_semaphore, #tpu.memory_space<semaphore_mem>>)
      %add3A_32 = arith.constant 691200 : i32
      %add3A_33 = arith.addi %add3A_32, %add3A_16 : i32
      %dma_start3A_34 = arith.constant 2160 : i32
      %dma_start3A_35 = tpu.memref_slice %arg8[%dma_start3A_34] : memref<17280xi32, #tpu.memory_space<vmem>> -> memref<2160xi32, #tpu.memory_space<vmem>>
      %dma_start3A_36 = tpu.memref_slice %arg4[%add3A_33] : memref<5529600xi32, #tpu.memory_space<hbm>> -> memref<2160xi32, #tpu.memory_space<hbm>>
      %dma_start3A_37 = arith.constant 2160 : i32
      %dma_start3A_38 = tpu.memref_slice %arg8[%dma_start3A_37] : memref<17280xi32, #tpu.memory_space<vmem>> -> memref<2160xi32, #tpu.memory_space<vmem>>
      %dma_start3A_39 = tpu.memref_slice %arg4[%add3A_33] : memref<5529600xi32, #tpu.memory_space<hbm>> -> memref<2160xi32, #tpu.memory_space<hbm>>
      tpu.enqueue_dma source(%dma_start3A_39 : memref<2160xi32, #tpu.memory_space<hbm>>) target(%dma_start3A_38 : memref<2160xi32, #tpu.memory_space<vmem>>) target_semaphore(%arg14 : memref<!tpu.dma_semaphore, #tpu.memory_space<semaphore_mem>>)
      %add3A_40 = arith.constant 691200 : i32
      %add3A_41 = arith.addi %add3A_40, %add3A_16 : i32
      %dma_start3A_42 = arith.constant 2160 : i32
      %dma_start3A_43 = tpu.memref_slice %arg9[%dma_start3A_42] : memref<17280xf32, #tpu.memory_space<vmem>> -> memref<2160xf32, #tpu.memory_space<vmem>>
      %dma_start3A_44 = tpu.memref_slice %arg5[%add3A_41] : memref<5529600xf32, #tpu.memory_space<hbm>> -> memref<2160xf32, #tpu.memory_space<hbm>>
      %dma_start3A_45 = arith.constant 2160 : i32
      %dma_start3A_46 = tpu.memref_slice %arg9[%dma_start3A_45] : memref<17280xf32, #tpu.memory_space<vmem>> -> memref<2160xf32, #tpu.memory_space<vmem>>
      %dma_start3A_47 = tpu.memref_slice %arg5[%add3A_41] : memref<5529600xf32, #tpu.memory_space<hbm>> -> memref<2160xf32, #tpu.memory_space<hbm>>
      tpu.enqueue_dma source(%dma_start3A_47 : memref<2160xf32, #tpu.memory_space<hbm>>) target(%dma_start3A_46 : memref<2160xf32, #tpu.memory_space<vmem>>) target_semaphore(%arg14 : memref<!tpu.dma_semaphore, #tpu.memory_space<semaphore_mem>>)
      %add3A_48 = arith.constant 1382400 : i32
      %add3A_49 = arith.addi %add3A_48, %add3A_16 : i32
      %dma_start3A_50 = arith.constant 4320 : i32
      %dma_start3A_51 = tpu.memref_slice %arg8[%dma_start3A_50] : memref<17280xi32, #tpu.memory_space<vmem>> -> memref<2160xi32, #tpu.memory_space<vmem>>
      %dma_start3A_52 = tpu.memref_slice %arg4[%add3A_49] : memref<5529600xi32, #tpu.memory_space<hbm>> -> memref<2160xi32, #tpu.memory_space<hbm>>
      %dma_start3A_53 = arith.constant 4320 : i32
      %dma_start3A_54 = tpu.memref_slice %arg8[%dma_start3A_53] : memref<17280xi32, #tpu.memory_space<vmem>> -> memref<2160xi32, #tpu.memory_space<vmem>>
      %dma_start3A_55 = tpu.memref_slice %arg4[%add3A_49] : memref<5529600xi32, #tpu.memory_space<hbm>> -> memref<2160xi32, #tpu.memory_space<hbm>>
      tpu.enqueue_dma source(%dma_start3A_55 : memref<2160xi32, #tpu.memory_space<hbm>>) target(%dma_start3A_54 : memref<2160xi32, #tpu.memory_space<vmem>>) target_semaphore(%arg14 : memref<!tpu.dma_semaphore, #tpu.memory_space<semaphore_mem>>)
      %add3A_56 = arith.constant 1382400 : i32
      %add3A_57 = arith.addi %add3A_56, %add3A_16 : i32
      %dma_start3A_58 = arith.constant 4320 : i32
      %dma_start3A_59 = tpu.memref_slice %arg9[%dma_start3A_58] : memref<17280xf32, #tpu.memory_space<vmem>> -> memref<2160xf32, #tpu.memory_space<vmem>>
      %dma_start3A_60 = tpu.memref_slice %arg5[%add3A_57] : memref<5529600xf32, #tpu.memory_space<hbm>> -> memref<2160xf32, #tpu.memory_space<hbm>>
      %dma_start3A_61 = arith.constant 4320 : i32
      %dma_start3A_62 = tpu.memref_slice %arg9[%dma_start3A_61] : memref<17280xf32, #tpu.memory_space<vmem>> -> memref<2160xf32, #tpu.memory_space<vmem>>
      %dma_start3A_63 = tpu.memref_slice %arg5[%add3A_57] : memref<5529600xf32, #tpu.memory_space<hbm>> -> memref<2160xf32, #tpu.memory_space<hbm>>
      tpu.enqueue_dma source(%dma_start3A_63 : memref<2160xf32, #tpu.memory_space<hbm>>) target(%dma_start3A_62 : memref<2160xf32, #tpu.memory_space<vmem>>) target_semaphore(%arg14 : memref<!tpu.dma_semaphore, #tpu.memory_space<semaphore_mem>>)
      %add3A_64 = arith.constant 2073600 : i32
      %add3A_65 = arith.addi %add3A_64, %add3A_16 : i32
      %dma_start3A_66 = arith.constant 6480 : i32
      %dma_start3A_67 = tpu.memref_slice %arg8[%dma_start3A_66] : memref<17280xi32, #tpu.memory_space<vmem>> -> memref<2160xi32, #tpu.memory_space<vmem>>
      %dma_start3A_68 = tpu.memref_slice %arg4[%add3A_65] : memref<5529600xi32, #tpu.memory_space<hbm>> -> memref<2160xi32, #tpu.memory_space<hbm>>
      %dma_start3A_69 = arith.constant 6480 : i32
      %dma_start3A_70 = tpu.memref_slice %arg8[%dma_start3A_69] : memref<17280xi32, #tpu.memory_space<vmem>> -> memref<2160xi32, #tpu.memory_space<vmem>>
      %dma_start3A_71 = tpu.memref_slice %arg4[%add3A_65] : memref<5529600xi32, #tpu.memory_space<hbm>> -> memref<2160xi32, #tpu.memory_space<hbm>>
      tpu.enqueue_dma source(%dma_start3A_71 : memref<2160xi32, #tpu.memory_space<hbm>>) target(%dma_start3A_70 : memref<2160xi32, #tpu.memory_space<vmem>>) target_semaphore(%arg14 : memref<!tpu.dma_semaphore, #tpu.memory_space<semaphore_mem>>)
      %add3A_72 = arith.constant 2073600 : i32
      %add3A_73 = arith.addi %add3A_72, %add3A_16 : i32
      %dma_start3A_74 = arith.constant 6480 : i32
      %dma_start3A_75 = tpu.memref_slice %arg9[%dma_start3A_74] : memref<17280xf32, #tpu.memory_space<vmem>> -> memref<2160xf32, #tpu.memory_space<vmem>>
      %dma_start3A_76 = tpu.memref_slice %arg5[%add3A_73] : memref<5529600xf32, #tpu.memory_space<hbm>> -> memref<2160xf32, #tpu.memory_space<hbm>>
      %dma_start3A_77 = arith.constant 6480 : i32
      %dma_start3A_78 = tpu.memref_slice %arg9[%dma_start3A_77] : memref<17280xf32, #tpu.memory_space<vmem>> -> memref<2160xf32, #tpu.memory_space<vmem>>
      %dma_start3A_79 = tpu.memref_slice %arg5[%add3A_73] : memref<5529600xf32, #tpu.memory_space<hbm>> -> memref<2160xf32, #tpu.memory_space<hbm>>
      tpu.enqueue_dma source(%dma_start3A_79 : memref<2160xf32, #tpu.memory_space<hbm>>) target(%dma_start3A_78 : memref<2160xf32, #tpu.memory_space<vmem>>) target_semaphore(%arg14 : memref<!tpu.dma_semaphore, #tpu.memory_space<semaphore_mem>>)
      %add3A_80 = arith.constant 2764800 : i32
      %add3A_81 = arith.addi %add3A_80, %add3A_16 : i32
      %dma_start3A_82 = arith.constant 8640 : i32
      %dma_start3A_83 = tpu.memref_slice %arg8[%dma_start3A_82] : memref<17280xi32, #tpu.memory_space<vmem>> -> memref<2160xi32, #tpu.memory_space<vmem>>
      %dma_start3A_84 = tpu.memref_slice %arg4[%add3A_81] : memref<5529600xi32, #tpu.memory_space<hbm>> -> memref<2160xi32, #tpu.memory_space<hbm>>
      %dma_start3A_85 = arith.constant 8640 : i32
      %dma_start3A_86 = tpu.memref_slice %arg8[%dma_start3A_85] : memref<17280xi32, #tpu.memory_space<vmem>> -> memref<2160xi32, #tpu.memory_space<vmem>>
      %dma_start3A_87 = tpu.memref_slice %arg4[%add3A_81] : memref<5529600xi32, #tpu.memory_space<hbm>> -> memref<2160xi32, #tpu.memory_space<hbm>>
      tpu.enqueue_dma source(%dma_start3A_87 : memref<2160xi32, #tpu.memory_space<hbm>>) target(%dma_start3A_86 : memref<2160xi32, #tpu.memory_space<vmem>>) target_semaphore(%arg14 : memref<!tpu.dma_semaphore, #tpu.memory_space<semaphore_mem>>)
      %add3A_88 = arith.constant 2764800 : i32
      %add3A_89 = arith.addi %add3A_88, %add3A_16 : i32
      %dma_start3A_90 = arith.constant 8640 : i32
      %dma_start3A_91 = tpu.memref_slice %arg9[%dma_start3A_90] : memref<17280xf32, #tpu.memory_space<vmem>> -> memref<2160xf32, #tpu.memory_space<vmem>>
      %dma_start3A_92 = tpu.memref_slice %arg5[%add3A_89] : memref<5529600xf32, #tpu.memory_space<hbm>> -> memref<2160xf32, #tpu.memory_space<hbm>>
      %dma_start3A_93 = arith.constant 8640 : i32
      %dma_start3A_94 = tpu.memref_slice %arg9[%dma_start3A_93] : memref<17280xf32, #tpu.memory_space<vmem>> -> memref<2160xf32, #tpu.memory_space<vmem>>
      %dma_start3A_95 = tpu.memref_slice %arg5[%add3A_89] : memref<5529600xf32, #tpu.memory_space<hbm>> -> memref<2160xf32, #tpu.memory_space<hbm>>
      tpu.enqueue_dma source(%dma_start3A_95 : memref<2160xf32, #tpu.memory_space<hbm>>) target(%dma_start3A_94 : memref<2160xf32, #tpu.memory_space<vmem>>) target_semaphore(%arg14 : memref<!tpu.dma_semaphore, #tpu.memory_space<semaphore_mem>>)
      %add3A_96 = arith.constant 3456000 : i32
      %add3A_97 = arith.addi %add3A_96, %add3A_16 : i32
      %dma_start3A_98 = arith.constant 10800 : i32
      %dma_start3A_99 = tpu.memref_slice %arg8[%dma_start3A_98] : memref<17280xi32, #tpu.memory_space<vmem>> -> memref<2160xi32, #tpu.memory_space<vmem>>
      %dma_start3A_100 = tpu.memref_slice %arg4[%add3A_97] : memref<5529600xi32, #tpu.memory_space<hbm>> -> memref<2160xi32, #tpu.memory_space<hbm>>
      %dma_start3A_101 = arith.constant 10800 : i32
      %dma_start3A_102 = tpu.memref_slice %arg8[%dma_start3A_101] : memref<17280xi32, #tpu.memory_space<vmem>> -> memref<2160xi32, #tpu.memory_space<vmem>>
      %dma_start3A_103 = tpu.memref_slice %arg4[%add3A_97] : memref<5529600xi32, #tpu.memory_space<hbm>> -> memref<2160xi32, #tpu.memory_space<hbm>>
      tpu.enqueue_dma source(%dma_start3A_103 : memref<2160xi32, #tpu.memory_space<hbm>>) target(%dma_start3A_102 : memref<2160xi32, #tpu.memory_space<vmem>>) target_semaphore(%arg14 : memref<!tpu.dma_semaphore, #tpu.memory_space<semaphore_mem>>)
      %add3A_104 = arith.constant 3456000 : i32
      %add3A_105 = arith.addi %add3A_104, %add3A_16 : i32
      %dma_start3A_106 = arith.constant 10800 : i32
      %dma_start3A_107 = tpu.memref_slice %arg9[%dma_start3A_106] : memref<17280xf32, #tpu.memory_space<vmem>> -> memref<2160xf32, #tpu.memory_space<vmem>>
      %dma_start3A_108 = tpu.memref_slice %arg5[%add3A_105] : memref<5529600xf32, #tpu.memory_space<hbm>> -> memref<2160xf32, #tpu.memory_space<hbm>>
      %dma_start3A_109 = arith.constant 10800 : i32
      %dma_start3A_110 = tpu.memref_slice %arg9[%dma_start3A_109] : memref<17280xf32, #tpu.memory_space<vmem>> -> memref<2160xf32, #tpu.memory_space<vmem>>
      %dma_start3A_111 = tpu.memref_slice %arg5[%add3A_105] : memref<5529600xf32, #tpu.memory_space<hbm>> -> memref<2160xf32, #tpu.memory_space<hbm>>
      tpu.enqueue_dma source(%dma_start3A_111 : memref<2160xf32, #tpu.memory_space<hbm>>) target(%dma_start3A_110 : memref<2160xf32, #tpu.memory_space<vmem>>) target_semaphore(%arg14 : memref<!tpu.dma_semaphore, #tpu.memory_space<semaphore_mem>>)
      %add3A_112 = arith.constant 4147200 : i32
      %add3A_113 = arith.addi %add3A_112, %add3A_16 : i32
      %dma_start3A_114 = arith.constant 12960 : i32
      %dma_start3A_115 = tpu.memref_slice %arg8[%dma_start3A_114] : memref<17280xi32, #tpu.memory_space<vmem>> -> memref<2160xi32, #tpu.memory_space<vmem>>
      %dma_start3A_116 = tpu.memref_slice %arg4[%add3A_113] : memref<5529600xi32, #tpu.memory_space<hbm>> -> memref<2160xi32, #tpu.memory_space<hbm>>
      %dma_start3A_117 = arith.constant 12960 : i32
      %dma_start3A_118 = tpu.memref_slice %arg8[%dma_start3A_117] : memref<17280xi32, #tpu.memory_space<vmem>> -> memref<2160xi32, #tpu.memory_space<vmem>>
      %dma_start3A_119 = tpu.memref_slice %arg4[%add3A_113] : memref<5529600xi32, #tpu.memory_space<hbm>> -> memref<2160xi32, #tpu.memory_space<hbm>>
      tpu.enqueue_dma source(%dma_start3A_119 : memref<2160xi32, #tpu.memory_space<hbm>>) target(%dma_start3A_118 : memref<2160xi32, #tpu.memory_space<vmem>>) target_semaphore(%arg14 : memref<!tpu.dma_semaphore, #tpu.memory_space<semaphore_mem>>)
      %add3A_120 = arith.constant 4147200 : i32
      %add3A_121 = arith.addi %add3A_120, %add3A_16 : i32
      %dma_start3A_122 = arith.constant 12960 : i32
      %dma_start3A_123 = tpu.memref_slice %arg9[%dma_start3A_122] : memref<17280xf32, #tpu.memory_space<vmem>> -> memref<2160xf32, #tpu.memory_space<vmem>>
      %dma_start3A_124 = tpu.memref_slice %arg5[%add3A_121] : memref<5529600xf32, #tpu.memory_space<hbm>> -> memref<2160xf32, #tpu.memory_space<hbm>>
      %dma_start3A_125 = arith.constant 12960 : i32
      %dma_start3A_126 = tpu.memref_slice %arg9[%dma_start3A_125] : memref<17280xf32, #tpu.memory_space<vmem>> -> memref<2160xf32, #tpu.memory_space<vmem>>
      %dma_start3A_127 = tpu.memref_slice %arg5[%add3A_121] : memref<5529600xf32, #tpu.memory_space<hbm>> -> memref<2160xf32, #tpu.memory_space<hbm>>
      tpu.enqueue_dma source(%dma_start3A_127 : memref<2160xf32, #tpu.memory_space<hbm>>) target(%dma_start3A_126 : memref<2160xf32, #tpu.memory_space<vmem>>) target_semaphore(%arg14 : memref<!tpu.dma_semaphore, #tpu.memory_space<semaphore_mem>>)
      %add3A_128 = arith.constant 4838400 : i32
      %add3A_129 = arith.addi %add3A_128, %add3A_16 : i32
      %dma_start3A_130 = arith.constant 15120 : i32
      %dma_start3A_131 = tpu.memref_slice %arg8[%dma_start3A_130] : memref<17280xi32, #tpu.memory_space<vmem>> -> memref<2160xi32, #tpu.memory_space<vmem>>
      %dma_start3A_132 = tpu.memref_slice %arg4[%add3A_129] : memref<5529600xi32, #tpu.memory_space<hbm>> -> memref<2160xi32, #tpu.memory_space<hbm>>
      %dma_start3A_133 = arith.constant 15120 : i32
      %dma_start3A_134 = tpu.memref_slice %arg8[%dma_start3A_133] : memref<17280xi32, #tpu.memory_space<vmem>> -> memref<2160xi32, #tpu.memory_space<vmem>>
      %dma_start3A_135 = tpu.memref_slice %arg4[%add3A_129] : memref<5529600xi32, #tpu.memory_space<hbm>> -> memref<2160xi32, #tpu.memory_space<hbm>>
      tpu.enqueue_dma source(%dma_start3A_135 : memref<2160xi32, #tpu.memory_space<hbm>>) target(%dma_start3A_134 : memref<2160xi32, #tpu.memory_space<vmem>>) target_semaphore(%arg14 : memref<!tpu.dma_semaphore, #tpu.memory_space<semaphore_mem>>)
      %add3A_136 = arith.constant 4838400 : i32
      %add3A_137 = arith.addi %add3A_136, %add3A_16 : i32
      %dma_start3A_138 = arith.constant 15120 : i32
      %dma_start3A_139 = tpu.memref_slice %arg9[%dma_start3A_138] : memref<17280xf32, #tpu.memory_space<vmem>> -> memref<2160xf32, #tpu.memory_space<vmem>>
      %dma_start3A_140 = tpu.memref_slice %arg5[%add3A_137] : memref<5529600xf32, #tpu.memory_space<hbm>> -> memref<2160xf32, #tpu.memory_space<hbm>>
      %dma_start3A_141 = arith.constant 15120 : i32
      %dma_start3A_142 = tpu.memref_slice %arg9[%dma_start3A_141] : memref<17280xf32, #tpu.memory_space<vmem>> -> memref<2160xf32, #tpu.memory_space<vmem>>
      %dma_start3A_143 = tpu.memref_slice %arg5[%add3A_137] : memref<5529600xf32, #tpu.memory_space<hbm>> -> memref<2160xf32, #tpu.memory_space<hbm>>
      tpu.enqueue_dma source(%dma_start3A_143 : memref<2160xf32, #tpu.memory_space<hbm>>) target(%dma_start3A_142 : memref<2160xf32, #tpu.memory_space<vmem>>) target_semaphore(%arg14 : memref<!tpu.dma_semaphore, #tpu.memory_space<semaphore_mem>>)
      %dma_wait3A = arith.constant 0 : i32
      %dma_wait3A_144 = tpu.memref_slice %arg4[%dma_wait3A] : memref<5529600xi32, #tpu.memory_space<hbm>> -> memref<17280xi32, #tpu.memory_space<hbm>>
      %dma_wait3A_145 = arith.constant 0 : i32
      %dma_wait3A_146 = tpu.memref_slice %arg4[%dma_wait3A_145] : memref<5529600xi32, #tpu.memory_space<hbm>> -> memref<17280xi32, #tpu.memory_space<hbm>>
      tpu.wait_dma2 semaphore(%arg14 : memref<!tpu.dma_semaphore, #tpu.memory_space<semaphore_mem>>) src(%dma_wait3A_146 : memref<17280xi32, #tpu.memory_space<hbm>>) dst(%arg8 : memref<17280xi32, #tpu.memory_space<vmem>>)
      %dma_wait3A_147 = arith.constant 0 : i32
      %dma_wait3A_148 = tpu.memref_slice %arg5[%dma_wait3A_147] : memref<5529600xf32, #tpu.memory_space<hbm>> -> memref<17280xf32, #tpu.memory_space<hbm>>
      %dma_wait3A_149 = arith.constant 0 : i32
      %dma_wait3A_150 = tpu.memref_slice %arg5[%dma_wait3A_149] : memref<5529600xf32, #tpu.memory_space<hbm>> -> memref<17280xf32, #tpu.memory_space<hbm>>
      tpu.wait_dma2 semaphore(%arg14 : memref<!tpu.dma_semaphore, #tpu.memory_space<semaphore_mem>>) src(%dma_wait3A_150 : memref<17280xf32, #tpu.memory_space<hbm>>) dst(%arg9 : memref<17280xf32, #tpu.memory_space<vmem>>)
      %while3A_151 = arith.constant 0 : i32
      %while3A_152 = arith.constant 0 : i32
      %while3A_153 = arith.constant 9 : i32
      %while3A_154 = arith.subi %while3A_153, %while3A_152 : i32
      %while3A_155 = arith.addi %while3A_152, %while3A_154 : i32
      %while3A_156 = arith.constant 1 : i32
      %while3A_157 = arith.divsi %while3A_154, %while3A_156 : i32
      %while3A_158 = arith.muli %while3A_157, %while3A_156 : i32
      %while3A_159 = arith.addi %while3A_152, %while3A_158 : i32
      %while3A_160 = arith.constant 1 : i32
      scf.for %while3A_173 = %while3A_152 to %while3A_159 step %while3A_160  : i32 {
        %mul3A_174 = arith.constant 1920 : i32
        %mul3A_175 = arith.muli %while3A_173, %mul3A_174 : i32
        %add3A_176 = arith.constant 0 : i32
        %add3A_177 = arith.addi %mul3A_175, %add3A_176 : i32
        %dma_start3A_178 = tpu.memref_slice %arg10[%add3A_177] : memref<17280xf32, #tpu.memory_space<vmem>> -> memref<128xf32, #tpu.memory_space<vmem>>
        %dma_start3A_179 = tpu.memref_slice %arg8[%add3A_177] : memref<17280xi32, #tpu.memory_space<vmem>> -> memref<128xi32, #tpu.memory_space<vmem>>
        %dma_start3A_180 = arith.constant 0 : i32
        %dma_start3A_181 = tpu.memref_slice %arg2[%dma_start3A_180] : memref<16777216xf32, #tpu.memory_space<hbm>> -> memref<16777216xf32, #tpu.memory_space<hbm>>
        tpu.enqueue_indirect_dma source(%dma_start3A_181 : memref<16777216xf32, #tpu.memory_space<hbm>>) target(%dma_start3A_178 : memref<128xf32, #tpu.memory_space<vmem>>) offsets(%dma_start3A_179 : memref<128xi32, #tpu.memory_space<vmem>>) semaphore(%arg15 : memref<!tpu.dma_semaphore, #tpu.memory_space<semaphore_mem>>)
        %dma_start3A_182 = tpu.memref_slice %arg11[%add3A_177] : memref<17280xf32, #tpu.memory_space<vmem>> -> memref<128xf32, #tpu.memory_space<vmem>>
        %dma_start3A_183 = tpu.memref_slice %arg8[%add3A_177] : memref<17280xi32, #tpu.memory_space<vmem>> -> memref<128xi32, #tpu.memory_space<vmem>>
        %dma_start3A_184 = arith.constant 0 : i32
        %dma_start3A_185 = tpu.memref_slice %arg3[%dma_start3A_184] : memref<16777216xf32, #tpu.memory_space<hbm>> -> memref<16777216xf32, #tpu.memory_space<hbm>>
        tpu.enqueue_indirect_dma source(%dma_start3A_185 : memref<16777216xf32, #tpu.memory_space<hbm>>) target(%dma_start3A_182 : memref<128xf32, #tpu.memory_space<vmem>>) offsets(%dma_start3A_183 : memref<128xi32, #tpu.memory_space<vmem>>) semaphore(%arg15 : memref<!tpu.dma_semaphore, #tpu.memory_space<semaphore_mem>>)
        %add3A_186 = arith.constant 128 : i32
        %add3A_187 = arith.addi %mul3A_175, %add3A_186 : i32
        %dma_start3A_188 = tpu.memref_slice %arg10[%add3A_187] : memref<17280xf32, #tpu.memory_space<vmem>> -> memref<128xf32, #tpu.memory_space<vmem>>
        %dma_start3A_189 = tpu.memref_slice %arg8[%add3A_187] : memref<17280xi32, #tpu.memory_space<vmem>> -> memref<128xi32, #tpu.memory_space<vmem>>
        %dma_start3A_190 = arith.constant 0 : i32
        %dma_start3A_191 = tpu.memref_slice %arg2[%dma_start3A_190] : memref<16777216xf32, #tpu.memory_space<hbm>> -> memref<16777216xf32, #tpu.memory_space<hbm>>
        tpu.enqueue_indirect_dma source(%dma_start3A_191 : memref<16777216xf32, #tpu.memory_space<hbm>>) target(%dma_start3A_188 : memref<128xf32, #tpu.memory_space<vmem>>) offsets(%dma_start3A_189 : memref<128xi32, #tpu.memory_space<vmem>>) semaphore(%arg15 : memref<!tpu.dma_semaphore, #tpu.memory_space<semaphore_mem>>)
        %dma_start3A_192 = tpu.memref_slice %arg11[%add3A_187] : memref<17280xf32, #tpu.memory_space<vmem>> -> memref<128xf32, #tpu.memory_space<vmem>>
        %dma_start3A_193 = tpu.memref_slice %arg8[%add3A_187] : memref<17280xi32, #tpu.memory_space<vmem>> -> memref<128xi32, #tpu.memory_space<vmem>>
        %dma_start3A_194 = arith.constant 0 : i32
        %dma_start3A_195 = tpu.memref_slice %arg3[%dma_start3A_194] : memref<16777216xf32, #tpu.memory_space<hbm>> -> memref<16777216xf32, #tpu.memory_space<hbm>>
        tpu.enqueue_indirect_dma source(%dma_start3A_195 : memref<16777216xf32, #tpu.memory_space<hbm>>) target(%dma_start3A_192 : memref<128xf32, #tpu.memory_space<vmem>>) offsets(%dma_start3A_193 : memref<128xi32, #tpu.memory_space<vmem>>) semaphore(%arg15 : memref<!tpu.dma_semaphore, #tpu.memory_space<semaphore_mem>>)
        %add3A_196 = arith.constant 256 : i32
        %add3A_197 = arith.addi %mul3A_175, %add3A_196 : i32
        %dma_start3A_198 = tpu.memref_slice %arg10[%add3A_197] : memref<17280xf32, #tpu.memory_space<vmem>> -> memref<128xf32, #tpu.memory_space<vmem>>
        %dma_start3A_199 = tpu.memref_slice %arg8[%add3A_197] : memref<17280xi32, #tpu.memory_space<vmem>> -> memref<128xi32, #tpu.memory_space<vmem>>
        %dma_start3A_200 = arith.constant 0 : i32
        %dma_start3A_201 = tpu.memref_slice %arg2[%dma_start3A_200] : memref<16777216xf32, #tpu.memory_space<hbm>> -> memref<16777216xf32, #tpu.memory_space<hbm>>
        tpu.enqueue_indirect_dma source(%dma_start3A_201 : memref<16777216xf32, #tpu.memory_space<hbm>>) target(%dma_start3A_198 : memref<128xf32, #tpu.memory_space<vmem>>) offsets(%dma_start3A_199 : memref<128xi32, #tpu.memory_space<vmem>>) semaphore(%arg15 : memref<!tpu.dma_semaphore, #tpu.memory_space<semaphore_mem>>)
        %dma_start3A_202 = tpu.memref_slice %arg11[%add3A_197] : memref<17280xf32, #tpu.memory_space<vmem>> -> memref<128xf32, #tpu.memory_space<vmem>>
        %dma_start3A_203 = tpu.memref_slice %arg8[%add3A_197] : memref<17280xi32, #tpu.memory_space<vmem>> -> memref<128xi32, #tpu.memory_space<vmem>>
        %dma_start3A_204 = arith.constant 0 : i32
        %dma_start3A_205 = tpu.memref_slice %arg3[%dma_start3A_204] : memref<16777216xf32, #tpu.memory_space<hbm>> -> memref<16777216xf32, #tpu.memory_space<hbm>>
        tpu.enqueue_indirect_dma source(%dma_start3A_205 : memref<16777216xf32, #tpu.memory_space<hbm>>) target(%dma_start3A_202 : memref<128xf32, #tpu.memory_space<vmem>>) offsets(%dma_start3A_203 : memref<128xi32, #tpu.memory_space<vmem>>) semaphore(%arg15 : memref<!tpu.dma_semaphore, #tpu.memory_space<semaphore_mem>>)
        %add3A_206 = arith.constant 384 : i32
        %add3A_207 = arith.addi %mul3A_175, %add3A_206 : i32
        %dma_start3A_208 = tpu.memref_slice %arg10[%add3A_207] : memref<17280xf32, #tpu.memory_space<vmem>> -> memref<128xf32, #tpu.memory_space<vmem>>
        %dma_start3A_209 = tpu.memref_slice %arg8[%add3A_207] : memref<17280xi32, #tpu.memory_space<vmem>> -> memref<128xi32, #tpu.memory_space<vmem>>
        %dma_start3A_210 = arith.constant 0 : i32
        %dma_start3A_211 = tpu.memref_slice %arg2[%dma_start3A_210] : memref<16777216xf32, #tpu.memory_space<hbm>> -> memref<16777216xf32, #tpu.memory_space<hbm>>
        tpu.enqueue_indirect_dma source(%dma_start3A_211 : memref<16777216xf32, #tpu.memory_space<hbm>>) target(%dma_start3A_208 : memref<128xf32, #tpu.memory_space<vmem>>) offsets(%dma_start3A_209 : memref<128xi32, #tpu.memory_space<vmem>>) semaphore(%arg15 : memref<!tpu.dma_semaphore, #tpu.memory_space<semaphore_mem>>)
        %dma_start3A_212 = tpu.memref_slice %arg11[%add3A_207] : memref<17280xf32, #tpu.memory_space<vmem>> -> memref<128xf32, #tpu.memory_space<vmem>>
        %dma_start3A_213 = tpu.memref_slice %arg8[%add3A_207] : memref<17280xi32, #tpu.memory_space<vmem>> -> memref<128xi32, #tpu.memory_space<vmem>>
        %dma_start3A_214 = arith.constant 0 : i32
        %dma_start3A_215 = tpu.memref_slice %arg3[%dma_start3A_214] : memref<16777216xf32, #tpu.memory_space<hbm>> -> memref<16777216xf32, #tpu.memory_space<hbm>>
        tpu.enqueue_indirect_dma source(%dma_start3A_215 : memref<16777216xf32, #tpu.memory_space<hbm>>) target(%dma_start3A_212 : memref<128xf32, #tpu.memory_space<vmem>>) offsets(%dma_start3A_213 : memref<128xi32, #tpu.memory_space<vmem>>) semaphore(%arg15 : memref<!tpu.dma_semaphore, #tpu.memory_space<semaphore_mem>>)
        %add3A_216 = arith.constant 512 : i32
        %add3A_217 = arith.addi %mul3A_175, %add3A_216 : i32
        %dma_start3A_218 = tpu.memref_slice %arg10[%add3A_217] : memref<17280xf32, #tpu.memory_space<vmem>> -> memref<128xf32, #tpu.memory_space<vmem>>
        %dma_start3A_219 = tpu.memref_slice %arg8[%add3A_217] : memref<17280xi32, #tpu.memory_space<vmem>> -> memref<128xi32, #tpu.memory_space<vmem>>
        %dma_start3A_220 = arith.constant 0 : i32
        %dma_start3A_221 = tpu.memref_slice %arg2[%dma_start3A_220] : memref<16777216xf32, #tpu.memory_space<hbm>> -> memref<16777216xf32, #tpu.memory_space<hbm>>
        tpu.enqueue_indirect_dma source(%dma_start3A_221 : memref<16777216xf32, #tpu.memory_space<hbm>>) target(%dma_start3A_218 : memref<128xf32, #tpu.memory_space<vmem>>) offsets(%dma_start3A_219 : memref<128xi32, #tpu.memory_space<vmem>>) semaphore(%arg15 : memref<!tpu.dma_semaphore, #tpu.memory_space<semaphore_mem>>)
        %dma_start3A_222 = tpu.memref_slice %arg11[%add3A_217] : memref<17280xf32, #tpu.memory_space<vmem>> -> memref<128xf32, #tpu.memory_space<vmem>>
        %dma_start3A_223 = tpu.memref_slice %arg8[%add3A_217] : memref<17280xi32, #tpu.memory_space<vmem>> -> memref<128xi32, #tpu.memory_space<vmem>>
        %dma_start3A_224 = arith.constant 0 : i32
        %dma_start3A_225 = tpu.memref_slice %arg3[%dma_start3A_224] : memref<16777216xf32, #tpu.memory_space<hbm>> -> memref<16777216xf32, #tpu.memory_space<hbm>>
        tpu.enqueue_indirect_dma source(%dma_start3A_225 : memref<16777216xf32, #tpu.memory_space<hbm>>) target(%dma_start3A_222 : memref<128xf32, #tpu.memory_space<vmem>>) offsets(%dma_start3A_223 : memref<128xi32, #tpu.memory_space<vmem>>) semaphore(%arg15 : memref<!tpu.dma_semaphore, #tpu.memory_space<semaphore_mem>>)
        %add3A_226 = arith.constant 640 : i32
        %add3A_227 = arith.addi %mul3A_175, %add3A_226 : i32
        %dma_start3A_228 = tpu.memref_slice %arg10[%add3A_227] : memref<17280xf32, #tpu.memory_space<vmem>> -> memref<128xf32, #tpu.memory_space<vmem>>
        %dma_start3A_229 = tpu.memref_slice %arg8[%add3A_227] : memref<17280xi32, #tpu.memory_space<vmem>> -> memref<128xi32, #tpu.memory_space<vmem>>
        %dma_start3A_230 = arith.constant 0 : i32
        %dma_start3A_231 = tpu.memref_slice %arg2[%dma_start3A_230] : memref<16777216xf32, #tpu.memory_space<hbm>> -> memref<16777216xf32, #tpu.memory_space<hbm>>
        tpu.enqueue_indirect_dma source(%dma_start3A_231 : memref<16777216xf32, #tpu.memory_space<hbm>>) target(%dma_start3A_228 : memref<128xf32, #tpu.memory_space<vmem>>) offsets(%dma_start3A_229 : memref<128xi32, #tpu.memory_space<vmem>>) semaphore(%arg15 : memref<!tpu.dma_semaphore, #tpu.memory_space<semaphore_mem>>)
        %dma_start3A_232 = tpu.memref_slice %arg11[%add3A_227] : memref<17280xf32, #tpu.memory_space<vmem>> -> memref<128xf32, #tpu.memory_space<vmem>>
        %dma_start3A_233 = tpu.memref_slice %arg8[%add3A_227] : memref<17280xi32, #tpu.memory_space<vmem>> -> memref<128xi32, #tpu.memory_space<vmem>>
        %dma_start3A_234 = arith.constant 0 : i32
        %dma_start3A_235 = tpu.memref_slice %arg3[%dma_start3A_234] : memref<16777216xf32, #tpu.memory_space<hbm>> -> memref<16777216xf32, #tpu.memory_space<hbm>>
        tpu.enqueue_indirect_dma source(%dma_start3A_235 : memref<16777216xf32, #tpu.memory_space<hbm>>) target(%dma_start3A_232 : memref<128xf32, #tpu.memory_space<vmem>>) offsets(%dma_start3A_233 : memref<128xi32, #tpu.memory_space<vmem>>) semaphore(%arg15 : memref<!tpu.dma_semaphore, #tpu.memory_space<semaphore_mem>>)
        %add3A_236 = arith.constant 768 : i32
        %add3A_237 = arith.addi %mul3A_175, %add3A_236 : i32
        %dma_start3A_238 = tpu.memref_slice %arg10[%add3A_237] : memref<17280xf32, #tpu.memory_space<vmem>> -> memref<128xf32, #tpu.memory_space<vmem>>
        %dma_start3A_239 = tpu.memref_slice %arg8[%add3A_237] : memref<17280xi32, #tpu.memory_space<vmem>> -> memref<128xi32, #tpu.memory_space<vmem>>
        %dma_start3A_240 = arith.constant 0 : i32
        %dma_start3A_241 = tpu.memref_slice %arg2[%dma_start3A_240] : memref<16777216xf32, #tpu.memory_space<hbm>> -> memref<16777216xf32, #tpu.memory_space<hbm>>
        tpu.enqueue_indirect_dma source(%dma_start3A_241 : memref<16777216xf32, #tpu.memory_space<hbm>>) target(%dma_start3A_238 : memref<128xf32, #tpu.memory_space<vmem>>) offsets(%dma_start3A_239 : memref<128xi32, #tpu.memory_space<vmem>>) semaphore(%arg15 : memref<!tpu.dma_semaphore, #tpu.memory_space<semaphore_mem>>)
        %dma_start3A_242 = tpu.memref_slice %arg11[%add3A_237] : memref<17280xf32, #tpu.memory_space<vmem>> -> memref<128xf32, #tpu.memory_space<vmem>>
        %dma_start3A_243 = tpu.memref_slice %arg8[%add3A_237] : memref<17280xi32, #tpu.memory_space<vmem>> -> memref<128xi32, #tpu.memory_space<vmem>>
        %dma_start3A_244 = arith.constant 0 : i32
        %dma_start3A_245 = tpu.memref_slice %arg3[%dma_start3A_244] : memref<16777216xf32, #tpu.memory_space<hbm>> -> memref<16777216xf32, #tpu.memory_space<hbm>>
        tpu.enqueue_indirect_dma source(%dma_start3A_245 : memref<16777216xf32, #tpu.memory_space<hbm>>) target(%dma_start3A_242 : memref<128xf32, #tpu.memory_space<vmem>>) offsets(%dma_start3A_243 : memref<128xi32, #tpu.memory_space<vmem>>) semaphore(%arg15 : memref<!tpu.dma_semaphore, #tpu.memory_space<semaphore_mem>>)
        %add3A_246 = arith.constant 896 : i32
        %add3A_247 = arith.addi %mul3A_175, %add3A_246 : i32
        %dma_start3A_248 = tpu.memref_slice %arg10[%add3A_247] : memref<17280xf32, #tpu.memory_space<vmem>> -> memref<128xf32, #tpu.memory_space<vmem>>
        %dma_start3A_249 = tpu.memref_slice %arg8[%add3A_247] : memref<17280xi32, #tpu.memory_space<vmem>> -> memref<128xi32, #tpu.memory_space<vmem>>
        %dma_start3A_250 = arith.constant 0 : i32
        %dma_start3A_251 = tpu.memref_slice %arg2[%dma_start3A_250] : memref<16777216xf32, #tpu.memory_space<hbm>> -> memref<16777216xf32, #tpu.memory_space<hbm>>
        tpu.enqueue_indirect_dma source(%dma_start3A_251 : memref<16777216xf32, #tpu.memory_space<hbm>>) target(%dma_start3A_248 : memref<128xf32, #tpu.memory_space<vmem>>) offsets(%dma_start3A_249 : memref<128xi32, #tpu.memory_space<vmem>>) semaphore(%arg15 : memref<!tpu.dma_semaphore, #tpu.memory_space<semaphore_mem>>)
        %dma_start3A_252 = tpu.memref_slice %arg11[%add3A_247] : memref<17280xf32, #tpu.memory_space<vmem>> -> memref<128xf32, #tpu.memory_space<vmem>>
        %dma_start3A_253 = tpu.memref_slice %arg8[%add3A_247] : memref<17280xi32, #tpu.memory_space<vmem>> -> memref<128xi32, #tpu.memory_space<vmem>>
        %dma_start3A_254 = arith.constant 0 : i32
        %dma_start3A_255 = tpu.memref_slice %arg3[%dma_start3A_254] : memref<16777216xf32, #tpu.memory_space<hbm>> -> memref<16777216xf32, #tpu.memory_space<hbm>>
        tpu.enqueue_indirect_dma source(%dma_start3A_255 : memref<16777216xf32, #tpu.memory_space<hbm>>) target(%dma_start3A_252 : memref<128xf32, #tpu.memory_space<vmem>>) offsets(%dma_start3A_253 : memref<128xi32, #tpu.memory_space<vmem>>) semaphore(%arg15 : memref<!tpu.dma_semaphore, #tpu.memory_space<semaphore_mem>>)
        %add3A_256 = arith.constant 1024 : i32
        %add3A_257 = arith.addi %mul3A_175, %add3A_256 : i32
        %dma_start3A_258 = tpu.memref_slice %arg10[%add3A_257] : memref<17280xf32, #tpu.memory_space<vmem>> -> memref<128xf32, #tpu.memory_space<vmem>>
        %dma_start3A_259 = tpu.memref_slice %arg8[%add3A_257] : memref<17280xi32, #tpu.memory_space<vmem>> -> memref<128xi32, #tpu.memory_space<vmem>>
        %dma_start3A_260 = arith.constant 0 : i32
        %dma_start3A_261 = tpu.memref_slice %arg2[%dma_start3A_260] : memref<16777216xf32, #tpu.memory_space<hbm>> -> memref<16777216xf32, #tpu.memory_space<hbm>>
        tpu.enqueue_indirect_dma source(%dma_start3A_261 : memref<16777216xf32, #tpu.memory_space<hbm>>) target(%dma_start3A_258 : memref<128xf32, #tpu.memory_space<vmem>>) offsets(%dma_start3A_259 : memref<128xi32, #tpu.memory_space<vmem>>) semaphore(%arg15 : memref<!tpu.dma_semaphore, #tpu.memory_space<semaphore_mem>>)
        %dma_start3A_262 = tpu.memref_slice %arg11[%add3A_257] : memref<17280xf32, #tpu.memory_space<vmem>> -> memref<128xf32, #tpu.memory_space<vmem>>
        %dma_start3A_263 = tpu.memref_slice %arg8[%add3A_257] : memref<17280xi32, #tpu.memory_space<vmem>> -> memref<128xi32, #tpu.memory_space<vmem>>
        %dma_start3A_264 = arith.constant 0 : i32
        %dma_start3A_265 = tpu.memref_slice %arg3[%dma_start3A_264] : memref<16777216xf32, #tpu.memory_space<hbm>> -> memref<16777216xf32, #tpu.memory_space<hbm>>
        tpu.enqueue_indirect_dma source(%dma_start3A_265 : memref<16777216xf32, #tpu.memory_space<hbm>>) target(%dma_start3A_262 : memref<128xf32, #tpu.memory_space<vmem>>) offsets(%dma_start3A_263 : memref<128xi32, #tpu.memory_space<vmem>>) semaphore(%arg15 : memref<!tpu.dma_semaphore, #tpu.memory_space<semaphore_mem>>)
        %add3A_266 = arith.constant 1152 : i32
        %add3A_267 = arith.addi %mul3A_175, %add3A_266 : i32
        %dma_start3A_268 = tpu.memref_slice %arg10[%add3A_267] : memref<17280xf32, #tpu.memory_space<vmem>> -> memref<128xf32, #tpu.memory_space<vmem>>
        %dma_start3A_269 = tpu.memref_slice %arg8[%add3A_267] : memref<17280xi32, #tpu.memory_space<vmem>> -> memref<128xi32, #tpu.memory_space<vmem>>
        %dma_start3A_270 = arith.constant 0 : i32
        %dma_start3A_271 = tpu.memref_slice %arg2[%dma_start3A_270] : memref<16777216xf32, #tpu.memory_space<hbm>> -> memref<16777216xf32, #tpu.memory_space<hbm>>
        tpu.enqueue_indirect_dma source(%dma_start3A_271 : memref<16777216xf32, #tpu.memory_space<hbm>>) target(%dma_start3A_268 : memref<128xf32, #tpu.memory_space<vmem>>) offsets(%dma_start3A_269 : memref<128xi32, #tpu.memory_space<vmem>>) semaphore(%arg15 : memref<!tpu.dma_semaphore, #tpu.memory_space<semaphore_mem>>)
        %dma_start3A_272 = tpu.memref_slice %arg11[%add3A_267] : memref<17280xf32, #tpu.memory_space<vmem>> -> memref<128xf32, #tpu.memory_space<vmem>>
        %dma_start3A_273 = tpu.memref_slice %arg8[%add3A_267] : memref<17280xi32, #tpu.memory_space<vmem>> -> memref<128xi32, #tpu.memory_space<vmem>>
        %dma_start3A_274 = arith.constant 0 : i32
        %dma_start3A_275 = tpu.memref_slice %arg3[%dma_start3A_274] : memref<16777216xf32, #tpu.memory_space<hbm>> -> memref<16777216xf32, #tpu.memory_space<hbm>>
        tpu.enqueue_indirect_dma source(%dma_start3A_275 : memref<16777216xf32, #tpu.memory_space<hbm>>) target(%dma_start3A_272 : memref<128xf32, #tpu.memory_space<vmem>>) offsets(%dma_start3A_273 : memref<128xi32, #tpu.memory_space<vmem>>) semaphore(%arg15 : memref<!tpu.dma_semaphore, #tpu.memory_space<semaphore_mem>>)
        %add3A_276 = arith.constant 1280 : i32
        %add3A_277 = arith.addi %mul3A_175, %add3A_276 : i32
        %dma_start3A_278 = tpu.memref_slice %arg10[%add3A_277] : memref<17280xf32, #tpu.memory_space<vmem>> -> memref<128xf32, #tpu.memory_space<vmem>>
        %dma_start3A_279 = tpu.memref_slice %arg8[%add3A_277] : memref<17280xi32, #tpu.memory_space<vmem>> -> memref<128xi32, #tpu.memory_space<vmem>>
        %dma_start3A_280 = arith.constant 0 : i32
        %dma_start3A_281 = tpu.memref_slice %arg2[%dma_start3A_280] : memref<16777216xf32, #tpu.memory_space<hbm>> -> memref<16777216xf32, #tpu.memory_space<hbm>>
        tpu.enqueue_indirect_dma source(%dma_start3A_281 : memref<16777216xf32, #tpu.memory_space<hbm>>) target(%dma_start3A_278 : memref<128xf32, #tpu.memory_space<vmem>>) offsets(%dma_start3A_279 : memref<128xi32, #tpu.memory_space<vmem>>) semaphore(%arg15 : memref<!tpu.dma_semaphore, #tpu.memory_space<semaphore_mem>>)
        %dma_start3A_282 = tpu.memref_slice %arg11[%add3A_277] : memref<17280xf32, #tpu.memory_space<vmem>> -> memref<128xf32, #tpu.memory_space<vmem>>
        %dma_start3A_283 = tpu.memref_slice %arg8[%add3A_277] : memref<17280xi32, #tpu.memory_space<vmem>> -> memref<128xi32, #tpu.memory_space<vmem>>
        %dma_start3A_284 = arith.constant 0 : i32
        %dma_start3A_285 = tpu.memref_slice %arg3[%dma_start3A_284] : memref<16777216xf32, #tpu.memory_space<hbm>> -> memref<16777216xf32, #tpu.memory_space<hbm>>
        tpu.enqueue_indirect_dma source(%dma_start3A_285 : memref<16777216xf32, #tpu.memory_space<hbm>>) target(%dma_start3A_282 : memref<128xf32, #tpu.memory_space<vmem>>) offsets(%dma_start3A_283 : memref<128xi32, #tpu.memory_space<vmem>>) semaphore(%arg15 : memref<!tpu.dma_semaphore, #tpu.memory_space<semaphore_mem>>)
        %add3A_286 = arith.constant 1408 : i32
        %add3A_287 = arith.addi %mul3A_175, %add3A_286 : i32
        %dma_start3A_288 = tpu.memref_slice %arg10[%add3A_287] : memref<17280xf32, #tpu.memory_space<vmem>> -> memref<128xf32, #tpu.memory_space<vmem>>
        %dma_start3A_289 = tpu.memref_slice %arg8[%add3A_287] : memref<17280xi32, #tpu.memory_space<vmem>> -> memref<128xi32, #tpu.memory_space<vmem>>
        %dma_start3A_290 = arith.constant 0 : i32
        %dma_start3A_291 = tpu.memref_slice %arg2[%dma_start3A_290] : memref<16777216xf32, #tpu.memory_space<hbm>> -> memref<16777216xf32, #tpu.memory_space<hbm>>
        tpu.enqueue_indirect_dma source(%dma_start3A_291 : memref<16777216xf32, #tpu.memory_space<hbm>>) target(%dma_start3A_288 : memref<128xf32, #tpu.memory_space<vmem>>) offsets(%dma_start3A_289 : memref<128xi32, #tpu.memory_space<vmem>>) semaphore(%arg15 : memref<!tpu.dma_semaphore, #tpu.memory_space<semaphore_mem>>)
        %dma_start3A_292 = tpu.memref_slice %arg11[%add3A_287] : memref<17280xf32, #tpu.memory_space<vmem>> -> memref<128xf32, #tpu.memory_space<vmem>>
        %dma_start3A_293 = tpu.memref_slice %arg8[%add3A_287] : memref<17280xi32, #tpu.memory_space<vmem>> -> memref<128xi32, #tpu.memory_space<vmem>>
        %dma_start3A_294 = arith.constant 0 : i32
        %dma_start3A_295 = tpu.memref_slice %arg3[%dma_start3A_294] : memref<16777216xf32, #tpu.memory_space<hbm>> -> memref<16777216xf32, #tpu.memory_space<hbm>>
        tpu.enqueue_indirect_dma source(%dma_start3A_295 : memref<16777216xf32, #tpu.memory_space<hbm>>) target(%dma_start3A_292 : memref<128xf32, #tpu.memory_space<vmem>>) offsets(%dma_start3A_293 : memref<128xi32, #tpu.memory_space<vmem>>) semaphore(%arg15 : memref<!tpu.dma_semaphore, #tpu.memory_space<semaphore_mem>>)
        %add3A_296 = arith.constant 1536 : i32
        %add3A_297 = arith.addi %mul3A_175, %add3A_296 : i32
        %dma_start3A_298 = tpu.memref_slice %arg10[%add3A_297] : memref<17280xf32, #tpu.memory_space<vmem>> -> memref<128xf32, #tpu.memory_space<vmem>>
        %dma_start3A_299 = tpu.memref_slice %arg8[%add3A_297] : memref<17280xi32, #tpu.memory_space<vmem>> -> memref<128xi32, #tpu.memory_space<vmem>>
        %dma_start3A_300 = arith.constant 0 : i32
        %dma_start3A_301 = tpu.memref_slice %arg2[%dma_start3A_300] : memref<16777216xf32, #tpu.memory_space<hbm>> -> memref<16777216xf32, #tpu.memory_space<hbm>>
        tpu.enqueue_indirect_dma source(%dma_start3A_301 : memref<16777216xf32, #tpu.memory_space<hbm>>) target(%dma_start3A_298 : memref<128xf32, #tpu.memory_space<vmem>>) offsets(%dma_start3A_299 : memref<128xi32, #tpu.memory_space<vmem>>) semaphore(%arg15 : memref<!tpu.dma_semaphore, #tpu.memory_space<semaphore_mem>>)
        %dma_start3A_302 = tpu.memref_slice %arg11[%add3A_297] : memref<17280xf32, #tpu.memory_space<vmem>> -> memref<128xf32, #tpu.memory_space<vmem>>
        %dma_start3A_303 = tpu.memref_slice %arg8[%add3A_297] : memref<17280xi32, #tpu.memory_space<vmem>> -> memref<128xi32, #tpu.memory_space<vmem>>
        %dma_start3A_304 = arith.constant 0 : i32
        %dma_start3A_305 = tpu.memref_slice %arg3[%dma_start3A_304] : memref<16777216xf32, #tpu.memory_space<hbm>> -> memref<16777216xf32, #tpu.memory_space<hbm>>
        tpu.enqueue_indirect_dma source(%dma_start3A_305 : memref<16777216xf32, #tpu.memory_space<hbm>>) target(%dma_start3A_302 : memref<128xf32, #tpu.memory_space<vmem>>) offsets(%dma_start3A_303 : memref<128xi32, #tpu.memory_space<vmem>>) semaphore(%arg15 : memref<!tpu.dma_semaphore, #tpu.memory_space<semaphore_mem>>)
        %add3A_306 = arith.constant 1664 : i32
        %add3A_307 = arith.addi %mul3A_175, %add3A_306 : i32
        %dma_start3A_308 = tpu.memref_slice %arg10[%add3A_307] : memref<17280xf32, #tpu.memory_space<vmem>> -> memref<128xf32, #tpu.memory_space<vmem>>
        %dma_start3A_309 = tpu.memref_slice %arg8[%add3A_307] : memref<17280xi32, #tpu.memory_space<vmem>> -> memref<128xi32, #tpu.memory_space<vmem>>
        %dma_start3A_310 = arith.constant 0 : i32
        %dma_start3A_311 = tpu.memref_slice %arg2[%dma_start3A_310] : memref<16777216xf32, #tpu.memory_space<hbm>> -> memref<16777216xf32, #tpu.memory_space<hbm>>
        tpu.enqueue_indirect_dma source(%dma_start3A_311 : memref<16777216xf32, #tpu.memory_space<hbm>>) target(%dma_start3A_308 : memref<128xf32, #tpu.memory_space<vmem>>) offsets(%dma_start3A_309 : memref<128xi32, #tpu.memory_space<vmem>>) semaphore(%arg15 : memref<!tpu.dma_semaphore, #tpu.memory_space<semaphore_mem>>)
        %dma_start3A_312 = tpu.memref_slice %arg11[%add3A_307] : memref<17280xf32, #tpu.memory_space<vmem>> -> memref<128xf32, #tpu.memory_space<vmem>>
        %dma_start3A_313 = tpu.memref_slice %arg8[%add3A_307] : memref<17280xi32, #tpu.memory_space<vmem>> -> memref<128xi32, #tpu.memory_space<vmem>>
        %dma_start3A_314 = arith.constant 0 : i32
        %dma_start3A_315 = tpu.memref_slice %arg3[%dma_start3A_314] : memref<16777216xf32, #tpu.memory_space<hbm>> -> memref<16777216xf32, #tpu.memory_space<hbm>>
        tpu.enqueue_indirect_dma source(%dma_start3A_315 : memref<16777216xf32, #tpu.memory_space<hbm>>) target(%dma_start3A_312 : memref<128xf32, #tpu.memory_space<vmem>>) offsets(%dma_start3A_313 : memref<128xi32, #tpu.memory_space<vmem>>) semaphore(%arg15 : memref<!tpu.dma_semaphore, #tpu.memory_space<semaphore_mem>>)
        %add3A_316 = arith.constant 1792 : i32
        %add3A_317 = arith.addi %mul3A_175, %add3A_316 : i32
        %dma_start3A_318 = tpu.memref_slice %arg10[%add3A_317] : memref<17280xf32, #tpu.memory_space<vmem>> -> memref<128xf32, #tpu.memory_space<vmem>>
        %dma_start3A_319 = tpu.memref_slice %arg8[%add3A_317] : memref<17280xi32, #tpu.memory_space<vmem>> -> memref<128xi32, #tpu.memory_space<vmem>>
        %dma_start3A_320 = arith.constant 0 : i32
        %dma_start3A_321 = tpu.memref_slice %arg2[%dma_start3A_320] : memref<16777216xf32, #tpu.memory_space<hbm>> -> memref<16777216xf32, #tpu.memory_space<hbm>>
        tpu.enqueue_indirect_dma source(%dma_start3A_321 : memref<16777216xf32, #tpu.memory_space<hbm>>) target(%dma_start3A_318 : memref<128xf32, #tpu.memory_space<vmem>>) offsets(%dma_start3A_319 : memref<128xi32, #tpu.memory_space<vmem>>) semaphore(%arg15 : memref<!tpu.dma_semaphore, #tpu.memory_space<semaphore_mem>>)
        %dma_start3A_322 = tpu.memref_slice %arg11[%add3A_317] : memref<17280xf32, #tpu.memory_space<vmem>> -> memref<128xf32, #tpu.memory_space<vmem>>
        %dma_start3A_323 = tpu.memref_slice %arg8[%add3A_317] : memref<17280xi32, #tpu.memory_space<vmem>> -> memref<128xi32, #tpu.memory_space<vmem>>
        %dma_start3A_324 = arith.constant 0 : i32
        %dma_start3A_325 = tpu.memref_slice %arg3[%dma_start3A_324] : memref<16777216xf32, #tpu.memory_space<hbm>> -> memref<16777216xf32, #tpu.memory_space<hbm>>
        tpu.enqueue_indirect_dma source(%dma_start3A_325 : memref<16777216xf32, #tpu.memory_space<hbm>>) target(%dma_start3A_322 : memref<128xf32, #tpu.memory_space<vmem>>) offsets(%dma_start3A_323 : memref<128xi32, #tpu.memory_space<vmem>>) semaphore(%arg15 : memref<!tpu.dma_semaphore, #tpu.memory_space<semaphore_mem>>)
        %dma_wait3A_326 = tpu.memref_slice %arg10[%mul3A_175] : memref<17280xf32, #tpu.memory_space<vmem>> -> memref<1920xf32, #tpu.memory_space<vmem>>
        %dma_wait3A_327 = arith.constant 0 : i32
        %dma_wait3A_328 = tpu.memref_slice %arg2[%dma_wait3A_327] : memref<16777216xf32, #tpu.memory_space<hbm>> -> memref<1920xf32, #tpu.memory_space<hbm>>
        %dma_wait3A_329 = tpu.memref_slice %arg10[%mul3A_175] : memref<17280xf32, #tpu.memory_space<vmem>> -> memref<1920xf32, #tpu.memory_space<vmem>>
        %dma_wait3A_330 = arith.constant 0 : i32
        %dma_wait3A_331 = tpu.memref_slice %arg2[%dma_wait3A_330] : memref<16777216xf32, #tpu.memory_space<hbm>> -> memref<1920xf32, #tpu.memory_space<hbm>>
        tpu.wait_dma2 semaphore(%arg15 : memref<!tpu.dma_semaphore, #tpu.memory_space<semaphore_mem>>) src(%dma_wait3A_331 : memref<1920xf32, #tpu.memory_space<hbm>>) dst(%dma_wait3A_329 : memref<1920xf32, #tpu.memory_space<vmem>>)
        %dma_wait3A_332 = tpu.memref_slice %arg11[%mul3A_175] : memref<17280xf32, #tpu.memory_space<vmem>> -> memref<1920xf32, #tpu.memory_space<vmem>>
        %dma_wait3A_333 = arith.constant 0 : i32
        %dma_wait3A_334 = tpu.memref_slice %arg3[%dma_wait3A_333] : memref<16777216xf32, #tpu.memory_space<hbm>> -> memref<1920xf32, #tpu.memory_space<hbm>>
        %dma_wait3A_335 = tpu.memref_slice %arg11[%mul3A_175] : memref<17280xf32, #tpu.memory_space<vmem>> -> memref<1920xf32, #tpu.memory_space<vmem>>
        %dma_wait3A_336 = arith.constant 0 : i32
        %dma_wait3A_337 = tpu.memref_slice %arg3[%dma_wait3A_336] : memref<16777216xf32, #tpu.memory_space<hbm>> -> memref<1920xf32, #tpu.memory_space<hbm>>
        tpu.wait_dma2 semaphore(%arg15 : memref<!tpu.dma_semaphore, #tpu.memory_space<semaphore_mem>>) src(%dma_wait3A_337 : memref<1920xf32, #tpu.memory_space<hbm>>) dst(%dma_wait3A_335 : memref<1920xf32, #tpu.memory_space<vmem>>)
      }
      %while3A_161 = arith.constant 1 : i32
      scf.for %while3A_173 = %while3A_159 to %while3A_155 step %while3A_161  : i32 {
        %mul3A_174 = arith.constant 1920 : i32
        %mul3A_175 = arith.muli %while3A_173, %mul3A_174 : i32
        %add3A_176 = arith.constant 0 : i32
        %add3A_177 = arith.addi %mul3A_175, %add3A_176 : i32
        %dma_start3A_178 = tpu.memref_slice %arg10[%add3A_177] : memref<17280xf32, #tpu.memory_space<vmem>> -> memref<128xf32, #tpu.memory_space<vmem>>
        %dma_start3A_179 = tpu.memref_slice %arg8[%add3A_177] : memref<17280xi32, #tpu.memory_space<vmem>> -> memref<128xi32, #tpu.memory_space<vmem>>
        %dma_start3A_180 = arith.constant 0 : i32
        %dma_start3A_181 = tpu.memref_slice %arg2[%dma_start3A_180] : memref<16777216xf32, #tpu.memory_space<hbm>> -> memref<16777216xf32, #tpu.memory_space<hbm>>
        tpu.enqueue_indirect_dma source(%dma_start3A_181 : memref<16777216xf32, #tpu.memory_space<hbm>>) target(%dma_start3A_178 : memref<128xf32, #tpu.memory_space<vmem>>) offsets(%dma_start3A_179 : memref<128xi32, #tpu.memory_space<vmem>>) semaphore(%arg15 : memref<!tpu.dma_semaphore, #tpu.memory_space<semaphore_mem>>)
        %dma_start3A_182 = tpu.memref_slice %arg11[%add3A_177] : memref<17280xf32, #tpu.memory_space<vmem>> -> memref<128xf32, #tpu.memory_space<vmem>>
        %dma_start3A_183 = tpu.memref_slice %arg8[%add3A_177] : memref<17280xi32, #tpu.memory_space<vmem>> -> memref<128xi32, #tpu.memory_space<vmem>>
        %dma_start3A_184 = arith.constant 0 : i32
        %dma_start3A_185 = tpu.memref_slice %arg3[%dma_start3A_184] : memref<16777216xf32, #tpu.memory_space<hbm>> -> memref<16777216xf32, #tpu.memory_space<hbm>>
        tpu.enqueue_indirect_dma source(%dma_start3A_185 : memref<16777216xf32, #tpu.memory_space<hbm>>) target(%dma_start3A_182 : memref<128xf32, #tpu.memory_space<vmem>>) offsets(%dma_start3A_183 : memref<128xi32, #tpu.memory_space<vmem>>) semaphore(%arg15 : memref<!tpu.dma_semaphore, #tpu.memory_space<semaphore_mem>>)
        %add3A_186 = arith.constant 128 : i32
        %add3A_187 = arith.addi %mul3A_175, %add3A_186 : i32
        %dma_start3A_188 = tpu.memref_slice %arg10[%add3A_187] : memref<17280xf32, #tpu.memory_space<vmem>> -> memref<128xf32, #tpu.memory_space<vmem>>
        %dma_start3A_189 = tpu.memref_slice %arg8[%add3A_187] : memref<17280xi32, #tpu.memory_space<vmem>> -> memref<128xi32, #tpu.memory_space<vmem>>
        %dma_start3A_190 = arith.constant 0 : i32
        %dma_start3A_191 = tpu.memref_slice %arg2[%dma_start3A_190] : memref<16777216xf32, #tpu.memory_space<hbm>> -> memref<16777216xf32, #tpu.memory_space<hbm>>
        tpu.enqueue_indirect_dma source(%dma_start3A_191 : memref<16777216xf32, #tpu.memory_space<hbm>>) target(%dma_start3A_188 : memref<128xf32, #tpu.memory_space<vmem>>) offsets(%dma_start3A_189 : memref<128xi32, #tpu.memory_space<vmem>>) semaphore(%arg15 : memref<!tpu.dma_semaphore, #tpu.memory_space<semaphore_mem>>)
        %dma_start3A_192 = tpu.memref_slice %arg11[%add3A_187] : memref<17280xf32, #tpu.memory_space<vmem>> -> memref<128xf32, #tpu.memory_space<vmem>>
        %dma_start3A_193 = tpu.memref_slice %arg8[%add3A_187] : memref<17280xi32, #tpu.memory_space<vmem>> -> memref<128xi32, #tpu.memory_space<vmem>>
        %dma_start3A_194 = arith.constant 0 : i32
        %dma_start3A_195 = tpu.memref_slice %arg3[%dma_start3A_194] : memref<16777216xf32, #tpu.memory_space<hbm>> -> memref<16777216xf32, #tpu.memory_space<hbm>>
        tpu.enqueue_indirect_dma source(%dma_start3A_195 : memref<16777216xf32, #tpu.memory_space<hbm>>) target(%dma_start3A_192 : memref<128xf32, #tpu.memory_space<vmem>>) offsets(%dma_start3A_193 : memref<128xi32, #tpu.memory_space<vmem>>) semaphore(%arg15 : memref<!tpu.dma_semaphore, #tpu.memory_space<semaphore_mem>>)
        %add3A_196 = arith.constant 256 : i32
        %add3A_197 = arith.addi %mul3A_175, %add3A_196 : i32
        %dma_start3A_198 = tpu.memref_slice %arg10[%add3A_197] : memref<17280xf32, #tpu.memory_space<vmem>> -> memref<128xf32, #tpu.memory_space<vmem>>
        %dma_start3A_199 = tpu.memref_slice %arg8[%add3A_197] : memref<17280xi32, #tpu.memory_space<vmem>> -> memref<128xi32, #tpu.memory_space<vmem>>
        %dma_start3A_200 = arith.constant 0 : i32
        %dma_start3A_201 = tpu.memref_slice %arg2[%dma_start3A_200] : memref<16777216xf32, #tpu.memory_space<hbm>> -> memref<16777216xf32, #tpu.memory_space<hbm>>
        tpu.enqueue_indirect_dma source(%dma_start3A_201 : memref<16777216xf32, #tpu.memory_space<hbm>>) target(%dma_start3A_198 : memref<128xf32, #tpu.memory_space<vmem>>) offsets(%dma_start3A_199 : memref<128xi32, #tpu.memory_space<vmem>>) semaphore(%arg15 : memref<!tpu.dma_semaphore, #tpu.memory_space<semaphore_mem>>)
        %dma_start3A_202 = tpu.memref_slice %arg11[%add3A_197] : memref<17280xf32, #tpu.memory_space<vmem>> -> memref<128xf32, #tpu.memory_space<vmem>>
        %dma_start3A_203 = tpu.memref_slice %arg8[%add3A_197] : memref<17280xi32, #tpu.memory_space<vmem>> -> memref<128xi32, #tpu.memory_space<vmem>>
        %dma_start3A_204 = arith.constant 0 : i32
        %dma_start3A_205 = tpu.memref_slice %arg3[%dma_start3A_204] : memref<16777216xf32, #tpu.memory_space<hbm>> -> memref<16777216xf32, #tpu.memory_space<hbm>>
        tpu.enqueue_indirect_dma source(%dma_start3A_205 : memref<16777216xf32, #tpu.memory_space<hbm>>) target(%dma_start3A_202 : memref<128xf32, #tpu.memory_space<vmem>>) offsets(%dma_start3A_203 : memref<128xi32, #tpu.memory_space<vmem>>) semaphore(%arg15 : memref<!tpu.dma_semaphore, #tpu.memory_space<semaphore_mem>>)
        %add3A_206 = arith.constant 384 : i32
        %add3A_207 = arith.addi %mul3A_175, %add3A_206 : i32
        %dma_start3A_208 = tpu.memref_slice %arg10[%add3A_207] : memref<17280xf32, #tpu.memory_space<vmem>> -> memref<128xf32, #tpu.memory_space<vmem>>
        %dma_start3A_209 = tpu.memref_slice %arg8[%add3A_207] : memref<17280xi32, #tpu.memory_space<vmem>> -> memref<128xi32, #tpu.memory_space<vmem>>
        %dma_start3A_210 = arith.constant 0 : i32
        %dma_start3A_211 = tpu.memref_slice %arg2[%dma_start3A_210] : memref<16777216xf32, #tpu.memory_space<hbm>> -> memref<16777216xf32, #tpu.memory_space<hbm>>
        tpu.enqueue_indirect_dma source(%dma_start3A_211 : memref<16777216xf32, #tpu.memory_space<hbm>>) target(%dma_start3A_208 : memref<128xf32, #tpu.memory_space<vmem>>) offsets(%dma_start3A_209 : memref<128xi32, #tpu.memory_space<vmem>>) semaphore(%arg15 : memref<!tpu.dma_semaphore, #tpu.memory_space<semaphore_mem>>)
        %dma_start3A_212 = tpu.memref_slice %arg11[%add3A_207] : memref<17280xf32, #tpu.memory_space<vmem>> -> memref<128xf32, #tpu.memory_space<vmem>>
        %dma_start3A_213 = tpu.memref_slice %arg8[%add3A_207] : memref<17280xi32, #tpu.memory_space<vmem>> -> memref<128xi32, #tpu.memory_space<vmem>>
        %dma_start3A_214 = arith.constant 0 : i32
        %dma_start3A_215 = tpu.memref_slice %arg3[%dma_start3A_214] : memref<16777216xf32, #tpu.memory_space<hbm>> -> memref<16777216xf32, #tpu.memory_space<hbm>>
        tpu.enqueue_indirect_dma source(%dma_start3A_215 : memref<16777216xf32, #tpu.memory_space<hbm>>) target(%dma_start3A_212 : memref<128xf32, #tpu.memory_space<vmem>>) offsets(%dma_start3A_213 : memref<128xi32, #tpu.memory_space<vmem>>) semaphore(%arg15 : memref<!tpu.dma_semaphore, #tpu.memory_space<semaphore_mem>>)
        %add3A_216 = arith.constant 512 : i32
        %add3A_217 = arith.addi %mul3A_175, %add3A_216 : i32
        %dma_start3A_218 = tpu.memref_slice %arg10[%add3A_217] : memref<17280xf32, #tpu.memory_space<vmem>> -> memref<128xf32, #tpu.memory_space<vmem>>
        %dma_start3A_219 = tpu.memref_slice %arg8[%add3A_217] : memref<17280xi32, #tpu.memory_space<vmem>> -> memref<128xi32, #tpu.memory_space<vmem>>
        %dma_start3A_220 = arith.constant 0 : i32
        %dma_start3A_221 = tpu.memref_slice %arg2[%dma_start3A_220] : memref<16777216xf32, #tpu.memory_space<hbm>> -> memref<16777216xf32, #tpu.memory_space<hbm>>
        tpu.enqueue_indirect_dma source(%dma_start3A_221 : memref<16777216xf32, #tpu.memory_space<hbm>>) target(%dma_start3A_218 : memref<128xf32, #tpu.memory_space<vmem>>) offsets(%dma_start3A_219 : memref<128xi32, #tpu.memory_space<vmem>>) semaphore(%arg15 : memref<!tpu.dma_semaphore, #tpu.memory_space<semaphore_mem>>)
        %dma_start3A_222 = tpu.memref_slice %arg11[%add3A_217] : memref<17280xf32, #tpu.memory_space<vmem>> -> memref<128xf32, #tpu.memory_space<vmem>>
        %dma_start3A_223 = tpu.memref_slice %arg8[%add3A_217] : memref<17280xi32, #tpu.memory_space<vmem>> -> memref<128xi32, #tpu.memory_space<vmem>>
        %dma_start3A_224 = arith.constant 0 : i32
        %dma_start3A_225 = tpu.memref_slice %arg3[%dma_start3A_224] : memref<16777216xf32, #tpu.memory_space<hbm>> -> memref<16777216xf32, #tpu.memory_space<hbm>>
        tpu.enqueue_indirect_dma source(%dma_start3A_225 : memref<16777216xf32, #tpu.memory_space<hbm>>) target(%dma_start3A_222 : memref<128xf32, #tpu.memory_space<vmem>>) offsets(%dma_start3A_223 : memref<128xi32, #tpu.memory_space<vmem>>) semaphore(%arg15 : memref<!tpu.dma_semaphore, #tpu.memory_space<semaphore_mem>>)
        %add3A_226 = arith.constant 640 : i32
        %add3A_227 = arith.addi %mul3A_175, %add3A_226 : i32
        %dma_start3A_228 = tpu.memref_slice %arg10[%add3A_227] : memref<17280xf32, #tpu.memory_space<vmem>> -> memref<128xf32, #tpu.memory_space<vmem>>
        %dma_start3A_229 = tpu.memref_slice %arg8[%add3A_227] : memref<17280xi32, #tpu.memory_space<vmem>> -> memref<128xi32, #tpu.memory_space<vmem>>
        %dma_start3A_230 = arith.constant 0 : i32
        %dma_start3A_231 = tpu.memref_slice %arg2[%dma_start3A_230] : memref<16777216xf32, #tpu.memory_space<hbm>> -> memref<16777216xf32, #tpu.memory_space<hbm>>
        tpu.enqueue_indirect_dma source(%dma_start3A_231 : memref<16777216xf32, #tpu.memory_space<hbm>>) target(%dma_start3A_228 : memref<128xf32, #tpu.memory_space<vmem>>) offsets(%dma_start3A_229 : memref<128xi32, #tpu.memory_space<vmem>>) semaphore(%arg15 : memref<!tpu.dma_semaphore, #tpu.memory_space<semaphore_mem>>)
        %dma_start3A_232 = tpu.memref_slice %arg11[%add3A_227] : memref<17280xf32, #tpu.memory_space<vmem>> -> memref<128xf32, #tpu.memory_space<vmem>>
        %dma_start3A_233 = tpu.memref_slice %arg8[%add3A_227] : memref<17280xi32, #tpu.memory_space<vmem>> -> memref<128xi32, #tpu.memory_space<vmem>>
        %dma_start3A_234 = arith.constant 0 : i32
        %dma_start3A_235 = tpu.memref_slice %arg3[%dma_start3A_234] : memref<16777216xf32, #tpu.memory_space<hbm>> -> memref<16777216xf32, #tpu.memory_space<hbm>>
        tpu.enqueue_indirect_dma source(%dma_start3A_235 : memref<16777216xf32, #tpu.memory_space<hbm>>) target(%dma_start3A_232 : memref<128xf32, #tpu.memory_space<vmem>>) offsets(%dma_start3A_233 : memref<128xi32, #tpu.memory_space<vmem>>) semaphore(%arg15 : memref<!tpu.dma_semaphore, #tpu.memory_space<semaphore_mem>>)
        %add3A_236 = arith.constant 768 : i32
        %add3A_237 = arith.addi %mul3A_175, %add3A_236 : i32
        %dma_start3A_238 = tpu.memref_slice %arg10[%add3A_237] : memref<17280xf32, #tpu.memory_space<vmem>> -> memref<128xf32, #tpu.memory_space<vmem>>
        %dma_start3A_239 = tpu.memref_slice %arg8[%add3A_237] : memref<17280xi32, #tpu.memory_space<vmem>> -> memref<128xi32, #tpu.memory_space<vmem>>
        %dma_start3A_240 = arith.constant 0 : i32
        %dma_start3A_241 = tpu.memref_slice %arg2[%dma_start3A_240] : memref<16777216xf32, #tpu.memory_space<hbm>> -> memref<16777216xf32, #tpu.memory_space<hbm>>
        tpu.enqueue_indirect_dma source(%dma_start3A_241 : memref<16777216xf32, #tpu.memory_space<hbm>>) target(%dma_start3A_238 : memref<128xf32, #tpu.memory_space<vmem>>) offsets(%dma_start3A_239 : memref<128xi32, #tpu.memory_space<vmem>>) semaphore(%arg15 : memref<!tpu.dma_semaphore, #tpu.memory_space<semaphore_mem>>)
        %dma_start3A_242 = tpu.memref_slice %arg11[%add3A_237] : memref<17280xf32, #tpu.memory_space<vmem>> -> memref<128xf32, #tpu.memory_space<vmem>>
        %dma_start3A_243 = tpu.memref_slice %arg8[%add3A_237] : memref<17280xi32, #tpu.memory_space<vmem>> -> memref<128xi32, #tpu.memory_space<vmem>>
        %dma_start3A_244 = arith.constant 0 : i32
        %dma_start3A_245 = tpu.memref_slice %arg3[%dma_start3A_244] : memref<16777216xf32, #tpu.memory_space<hbm>> -> memref<16777216xf32, #tpu.memory_space<hbm>>
        tpu.enqueue_indirect_dma source(%dma_start3A_245 : memref<16777216xf32, #tpu.memory_space<hbm>>) target(%dma_start3A_242 : memref<128xf32, #tpu.memory_space<vmem>>) offsets(%dma_start3A_243 : memref<128xi32, #tpu.memory_space<vmem>>) semaphore(%arg15 : memref<!tpu.dma_semaphore, #tpu.memory_space<semaphore_mem>>)
        %add3A_246 = arith.constant 896 : i32
        %add3A_247 = arith.addi %mul3A_175, %add3A_246 : i32
        %dma_start3A_248 = tpu.memref_slice %arg10[%add3A_247] : memref<17280xf32, #tpu.memory_space<vmem>> -> memref<128xf32, #tpu.memory_space<vmem>>
        %dma_start3A_249 = tpu.memref_slice %arg8[%add3A_247] : memref<17280xi32, #tpu.memory_space<vmem>> -> memref<128xi32, #tpu.memory_space<vmem>>
        %dma_start3A_250 = arith.constant 0 : i32
        %dma_start3A_251 = tpu.memref_slice %arg2[%dma_start3A_250] : memref<16777216xf32, #tpu.memory_space<hbm>> -> memref<16777216xf32, #tpu.memory_space<hbm>>
        tpu.enqueue_indirect_dma source(%dma_start3A_251 : memref<16777216xf32, #tpu.memory_space<hbm>>) target(%dma_start3A_248 : memref<128xf32, #tpu.memory_space<vmem>>) offsets(%dma_start3A_249 : memref<128xi32, #tpu.memory_space<vmem>>) semaphore(%arg15 : memref<!tpu.dma_semaphore, #tpu.memory_space<semaphore_mem>>)
        %dma_start3A_252 = tpu.memref_slice %arg11[%add3A_247] : memref<17280xf32, #tpu.memory_space<vmem>> -> memref<128xf32, #tpu.memory_space<vmem>>
        %dma_start3A_253 = tpu.memref_slice %arg8[%add3A_247] : memref<17280xi32, #tpu.memory_space<vmem>> -> memref<128xi32, #tpu.memory_space<vmem>>
        %dma_start3A_254 = arith.constant 0 : i32
        %dma_start3A_255 = tpu.memref_slice %arg3[%dma_start3A_254] : memref<16777216xf32, #tpu.memory_space<hbm>> -> memref<16777216xf32, #tpu.memory_space<hbm>>
        tpu.enqueue_indirect_dma source(%dma_start3A_255 : memref<16777216xf32, #tpu.memory_space<hbm>>) target(%dma_start3A_252 : memref<128xf32, #tpu.memory_space<vmem>>) offsets(%dma_start3A_253 : memref<128xi32, #tpu.memory_space<vmem>>) semaphore(%arg15 : memref<!tpu.dma_semaphore, #tpu.memory_space<semaphore_mem>>)
        %add3A_256 = arith.constant 1024 : i32
        %add3A_257 = arith.addi %mul3A_175, %add3A_256 : i32
        %dma_start3A_258 = tpu.memref_slice %arg10[%add3A_257] : memref<17280xf32, #tpu.memory_space<vmem>> -> memref<128xf32, #tpu.memory_space<vmem>>
        %dma_start3A_259 = tpu.memref_slice %arg8[%add3A_257] : memref<17280xi32, #tpu.memory_space<vmem>> -> memref<128xi32, #tpu.memory_space<vmem>>
        %dma_start3A_260 = arith.constant 0 : i32
        %dma_start3A_261 = tpu.memref_slice %arg2[%dma_start3A_260] : memref<16777216xf32, #tpu.memory_space<hbm>> -> memref<16777216xf32, #tpu.memory_space<hbm>>
        tpu.enqueue_indirect_dma source(%dma_start3A_261 : memref<16777216xf32, #tpu.memory_space<hbm>>) target(%dma_start3A_258 : memref<128xf32, #tpu.memory_space<vmem>>) offsets(%dma_start3A_259 : memref<128xi32, #tpu.memory_space<vmem>>) semaphore(%arg15 : memref<!tpu.dma_semaphore, #tpu.memory_space<semaphore_mem>>)
        %dma_start3A_262 = tpu.memref_slice %arg11[%add3A_257] : memref<17280xf32, #tpu.memory_space<vmem>> -> memref<128xf32, #tpu.memory_space<vmem>>
        %dma_start3A_263 = tpu.memref_slice %arg8[%add3A_257] : memref<17280xi32, #tpu.memory_space<vmem>> -> memref<128xi32, #tpu.memory_space<vmem>>
        %dma_start3A_264 = arith.constant 0 : i32
        %dma_start3A_265 = tpu.memref_slice %arg3[%dma_start3A_264] : memref<16777216xf32, #tpu.memory_space<hbm>> -> memref<16777216xf32, #tpu.memory_space<hbm>>
        tpu.enqueue_indirect_dma source(%dma_start3A_265 : memref<16777216xf32, #tpu.memory_space<hbm>>) target(%dma_start3A_262 : memref<128xf32, #tpu.memory_space<vmem>>) offsets(%dma_start3A_263 : memref<128xi32, #tpu.memory_space<vmem>>) semaphore(%arg15 : memref<!tpu.dma_semaphore, #tpu.memory_space<semaphore_mem>>)
        %add3A_266 = arith.constant 1152 : i32
        %add3A_267 = arith.addi %mul3A_175, %add3A_266 : i32
        %dma_start3A_268 = tpu.memref_slice %arg10[%add3A_267] : memref<17280xf32, #tpu.memory_space<vmem>> -> memref<128xf32, #tpu.memory_space<vmem>>
        %dma_start3A_269 = tpu.memref_slice %arg8[%add3A_267] : memref<17280xi32, #tpu.memory_space<vmem>> -> memref<128xi32, #tpu.memory_space<vmem>>
        %dma_start3A_270 = arith.constant 0 : i32
        %dma_start3A_271 = tpu.memref_slice %arg2[%dma_start3A_270] : memref<16777216xf32, #tpu.memory_space<hbm>> -> memref<16777216xf32, #tpu.memory_space<hbm>>
        tpu.enqueue_indirect_dma source(%dma_start3A_271 : memref<16777216xf32, #tpu.memory_space<hbm>>) target(%dma_start3A_268 : memref<128xf32, #tpu.memory_space<vmem>>) offsets(%dma_start3A_269 : memref<128xi32, #tpu.memory_space<vmem>>) semaphore(%arg15 : memref<!tpu.dma_semaphore, #tpu.memory_space<semaphore_mem>>)
        %dma_start3A_272 = tpu.memref_slice %arg11[%add3A_267] : memref<17280xf32, #tpu.memory_space<vmem>> -> memref<128xf32, #tpu.memory_space<vmem>>
        %dma_start3A_273 = tpu.memref_slice %arg8[%add3A_267] : memref<17280xi32, #tpu.memory_space<vmem>> -> memref<128xi32, #tpu.memory_space<vmem>>
        %dma_start3A_274 = arith.constant 0 : i32
        %dma_start3A_275 = tpu.memref_slice %arg3[%dma_start3A_274] : memref<16777216xf32, #tpu.memory_space<hbm>> -> memref<16777216xf32, #tpu.memory_space<hbm>>
        tpu.enqueue_indirect_dma source(%dma_start3A_275 : memref<16777216xf32, #tpu.memory_space<hbm>>) target(%dma_start3A_272 : memref<128xf32, #tpu.memory_space<vmem>>) offsets(%dma_start3A_273 : memref<128xi32, #tpu.memory_space<vmem>>) semaphore(%arg15 : memref<!tpu.dma_semaphore, #tpu.memory_space<semaphore_mem>>)
        %add3A_276 = arith.constant 1280 : i32
        %add3A_277 = arith.addi %mul3A_175, %add3A_276 : i32
        %dma_start3A_278 = tpu.memref_slice %arg10[%add3A_277] : memref<17280xf32, #tpu.memory_space<vmem>> -> memref<128xf32, #tpu.memory_space<vmem>>
        %dma_start3A_279 = tpu.memref_slice %arg8[%add3A_277] : memref<17280xi32, #tpu.memory_space<vmem>> -> memref<128xi32, #tpu.memory_space<vmem>>
        %dma_start3A_280 = arith.constant 0 : i32
        %dma_start3A_281 = tpu.memref_slice %arg2[%dma_start3A_280] : memref<16777216xf32, #tpu.memory_space<hbm>> -> memref<16777216xf32, #tpu.memory_space<hbm>>
        tpu.enqueue_indirect_dma source(%dma_start3A_281 : memref<16777216xf32, #tpu.memory_space<hbm>>) target(%dma_start3A_278 : memref<128xf32, #tpu.memory_space<vmem>>) offsets(%dma_start3A_279 : memref<128xi32, #tpu.memory_space<vmem>>) semaphore(%arg15 : memref<!tpu.dma_semaphore, #tpu.memory_space<semaphore_mem>>)
        %dma_start3A_282 = tpu.memref_slice %arg11[%add3A_277] : memref<17280xf32, #tpu.memory_space<vmem>> -> memref<128xf32, #tpu.memory_space<vmem>>
        %dma_start3A_283 = tpu.memref_slice %arg8[%add3A_277] : memref<17280xi32, #tpu.memory_space<vmem>> -> memref<128xi32, #tpu.memory_space<vmem>>
        %dma_start3A_284 = arith.constant 0 : i32
        %dma_start3A_285 = tpu.memref_slice %arg3[%dma_start3A_284] : memref<16777216xf32, #tpu.memory_space<hbm>> -> memref<16777216xf32, #tpu.memory_space<hbm>>
        tpu.enqueue_indirect_dma source(%dma_start3A_285 : memref<16777216xf32, #tpu.memory_space<hbm>>) target(%dma_start3A_282 : memref<128xf32, #tpu.memory_space<vmem>>) offsets(%dma_start3A_283 : memref<128xi32, #tpu.memory_space<vmem>>) semaphore(%arg15 : memref<!tpu.dma_semaphore, #tpu.memory_space<semaphore_mem>>)
        %add3A_286 = arith.constant 1408 : i32
        %add3A_287 = arith.addi %mul3A_175, %add3A_286 : i32
        %dma_start3A_288 = tpu.memref_slice %arg10[%add3A_287] : memref<17280xf32, #tpu.memory_space<vmem>> -> memref<128xf32, #tpu.memory_space<vmem>>
        %dma_start3A_289 = tpu.memref_slice %arg8[%add3A_287] : memref<17280xi32, #tpu.memory_space<vmem>> -> memref<128xi32, #tpu.memory_space<vmem>>
        %dma_start3A_290 = arith.constant 0 : i32
        %dma_start3A_291 = tpu.memref_slice %arg2[%dma_start3A_290] : memref<16777216xf32, #tpu.memory_space<hbm>> -> memref<16777216xf32, #tpu.memory_space<hbm>>
        tpu.enqueue_indirect_dma source(%dma_start3A_291 : memref<16777216xf32, #tpu.memory_space<hbm>>) target(%dma_start3A_288 : memref<128xf32, #tpu.memory_space<vmem>>) offsets(%dma_start3A_289 : memref<128xi32, #tpu.memory_space<vmem>>) semaphore(%arg15 : memref<!tpu.dma_semaphore, #tpu.memory_space<semaphore_mem>>)
        %dma_start3A_292 = tpu.memref_slice %arg11[%add3A_287] : memref<17280xf32, #tpu.memory_space<vmem>> -> memref<128xf32, #tpu.memory_space<vmem>>
        %dma_start3A_293 = tpu.memref_slice %arg8[%add3A_287] : memref<17280xi32, #tpu.memory_space<vmem>> -> memref<128xi32, #tpu.memory_space<vmem>>
        %dma_start3A_294 = arith.constant 0 : i32
        %dma_start3A_295 = tpu.memref_slice %arg3[%dma_start3A_294] : memref<16777216xf32, #tpu.memory_space<hbm>> -> memref<16777216xf32, #tpu.memory_space<hbm>>
        tpu.enqueue_indirect_dma source(%dma_start3A_295 : memref<16777216xf32, #tpu.memory_space<hbm>>) target(%dma_start3A_292 : memref<128xf32, #tpu.memory_space<vmem>>) offsets(%dma_start3A_293 : memref<128xi32, #tpu.memory_space<vmem>>) semaphore(%arg15 : memref<!tpu.dma_semaphore, #tpu.memory_space<semaphore_mem>>)
        %add3A_296 = arith.constant 1536 : i32
        %add3A_297 = arith.addi %mul3A_175, %add3A_296 : i32
        %dma_start3A_298 = tpu.memref_slice %arg10[%add3A_297] : memref<17280xf32, #tpu.memory_space<vmem>> -> memref<128xf32, #tpu.memory_space<vmem>>
        %dma_start3A_299 = tpu.memref_slice %arg8[%add3A_297] : memref<17280xi32, #tpu.memory_space<vmem>> -> memref<128xi32, #tpu.memory_space<vmem>>
        %dma_start3A_300 = arith.constant 0 : i32
        %dma_start3A_301 = tpu.memref_slice %arg2[%dma_start3A_300] : memref<16777216xf32, #tpu.memory_space<hbm>> -> memref<16777216xf32, #tpu.memory_space<hbm>>
        tpu.enqueue_indirect_dma source(%dma_start3A_301 : memref<16777216xf32, #tpu.memory_space<hbm>>) target(%dma_start3A_298 : memref<128xf32, #tpu.memory_space<vmem>>) offsets(%dma_start3A_299 : memref<128xi32, #tpu.memory_space<vmem>>) semaphore(%arg15 : memref<!tpu.dma_semaphore, #tpu.memory_space<semaphore_mem>>)
        %dma_start3A_302 = tpu.memref_slice %arg11[%add3A_297] : memref<17280xf32, #tpu.memory_space<vmem>> -> memref<128xf32, #tpu.memory_space<vmem>>
        %dma_start3A_303 = tpu.memref_slice %arg8[%add3A_297] : memref<17280xi32, #tpu.memory_space<vmem>> -> memref<128xi32, #tpu.memory_space<vmem>>
        %dma_start3A_304 = arith.constant 0 : i32
        %dma_start3A_305 = tpu.memref_slice %arg3[%dma_start3A_304] : memref<16777216xf32, #tpu.memory_space<hbm>> -> memref<16777216xf32, #tpu.memory_space<hbm>>
        tpu.enqueue_indirect_dma source(%dma_start3A_305 : memref<16777216xf32, #tpu.memory_space<hbm>>) target(%dma_start3A_302 : memref<128xf32, #tpu.memory_space<vmem>>) offsets(%dma_start3A_303 : memref<128xi32, #tpu.memory_space<vmem>>) semaphore(%arg15 : memref<!tpu.dma_semaphore, #tpu.memory_space<semaphore_mem>>)
        %add3A_306 = arith.constant 1664 : i32
        %add3A_307 = arith.addi %mul3A_175, %add3A_306 : i32
        %dma_start3A_308 = tpu.memref_slice %arg10[%add3A_307] : memref<17280xf32, #tpu.memory_space<vmem>> -> memref<128xf32, #tpu.memory_space<vmem>>
        %dma_start3A_309 = tpu.memref_slice %arg8[%add3A_307] : memref<17280xi32, #tpu.memory_space<vmem>> -> memref<128xi32, #tpu.memory_space<vmem>>
        %dma_start3A_310 = arith.constant 0 : i32
        %dma_start3A_311 = tpu.memref_slice %arg2[%dma_start3A_310] : memref<16777216xf32, #tpu.memory_space<hbm>> -> memref<16777216xf32, #tpu.memory_space<hbm>>
        tpu.enqueue_indirect_dma source(%dma_start3A_311 : memref<16777216xf32, #tpu.memory_space<hbm>>) target(%dma_start3A_308 : memref<128xf32, #tpu.memory_space<vmem>>) offsets(%dma_start3A_309 : memref<128xi32, #tpu.memory_space<vmem>>) semaphore(%arg15 : memref<!tpu.dma_semaphore, #tpu.memory_space<semaphore_mem>>)
        %dma_start3A_312 = tpu.memref_slice %arg11[%add3A_307] : memref<17280xf32, #tpu.memory_space<vmem>> -> memref<128xf32, #tpu.memory_space<vmem>>
        %dma_start3A_313 = tpu.memref_slice %arg8[%add3A_307] : memref<17280xi32, #tpu.memory_space<vmem>> -> memref<128xi32, #tpu.memory_space<vmem>>
        %dma_start3A_314 = arith.constant 0 : i32
        %dma_start3A_315 = tpu.memref_slice %arg3[%dma_start3A_314] : memref<16777216xf32, #tpu.memory_space<hbm>> -> memref<16777216xf32, #tpu.memory_space<hbm>>
        tpu.enqueue_indirect_dma source(%dma_start3A_315 : memref<16777216xf32, #tpu.memory_space<hbm>>) target(%dma_start3A_312 : memref<128xf32, #tpu.memory_space<vmem>>) offsets(%dma_start3A_313 : memref<128xi32, #tpu.memory_space<vmem>>) semaphore(%arg15 : memref<!tpu.dma_semaphore, #tpu.memory_space<semaphore_mem>>)
        %add3A_316 = arith.constant 1792 : i32
        %add3A_317 = arith.addi %mul3A_175, %add3A_316 : i32
        %dma_start3A_318 = tpu.memref_slice %arg10[%add3A_317] : memref<17280xf32, #tpu.memory_space<vmem>> -> memref<128xf32, #tpu.memory_space<vmem>>
        %dma_start3A_319 = tpu.memref_slice %arg8[%add3A_317] : memref<17280xi32, #tpu.memory_space<vmem>> -> memref<128xi32, #tpu.memory_space<vmem>>
        %dma_start3A_320 = arith.constant 0 : i32
        %dma_start3A_321 = tpu.memref_slice %arg2[%dma_start3A_320] : memref<16777216xf32, #tpu.memory_space<hbm>> -> memref<16777216xf32, #tpu.memory_space<hbm>>
        tpu.enqueue_indirect_dma source(%dma_start3A_321 : memref<16777216xf32, #tpu.memory_space<hbm>>) target(%dma_start3A_318 : memref<128xf32, #tpu.memory_space<vmem>>) offsets(%dma_start3A_319 : memref<128xi32, #tpu.memory_space<vmem>>) semaphore(%arg15 : memref<!tpu.dma_semaphore, #tpu.memory_space<semaphore_mem>>)
        %dma_start3A_322 = tpu.memref_slice %arg11[%add3A_317] : memref<17280xf32, #tpu.memory_space<vmem>> -> memref<128xf32, #tpu.memory_space<vmem>>
        %dma_start3A_323 = tpu.memref_slice %arg8[%add3A_317] : memref<17280xi32, #tpu.memory_space<vmem>> -> memref<128xi32, #tpu.memory_space<vmem>>
        %dma_start3A_324 = arith.constant 0 : i32
        %dma_start3A_325 = tpu.memref_slice %arg3[%dma_start3A_324] : memref<16777216xf32, #tpu.memory_space<hbm>> -> memref<16777216xf32, #tpu.memory_space<hbm>>
        tpu.enqueue_indirect_dma source(%dma_start3A_325 : memref<16777216xf32, #tpu.memory_space<hbm>>) target(%dma_start3A_322 : memref<128xf32, #tpu.memory_space<vmem>>) offsets(%dma_start3A_323 : memref<128xi32, #tpu.memory_space<vmem>>) semaphore(%arg15 : memref<!tpu.dma_semaphore, #tpu.memory_space<semaphore_mem>>)
        %dma_wait3A_326 = tpu.memref_slice %arg10[%mul3A_175] : memref<17280xf32, #tpu.memory_space<vmem>> -> memref<1920xf32, #tpu.memory_space<vmem>>
        %dma_wait3A_327 = arith.constant 0 : i32
        %dma_wait3A_328 = tpu.memref_slice %arg2[%dma_wait3A_327] : memref<16777216xf32, #tpu.memory_space<hbm>> -> memref<1920xf32, #tpu.memory_space<hbm>>
        %dma_wait3A_329 = tpu.memref_slice %arg10[%mul3A_175] : memref<17280xf32, #tpu.memory_space<vmem>> -> memref<1920xf32, #tpu.memory_space<vmem>>
        %dma_wait3A_330 = arith.constant 0 : i32
        %dma_wait3A_331 = tpu.memref_slice %arg2[%dma_wait3A_330] : memref<16777216xf32, #tpu.memory_space<hbm>> -> memref<1920xf32, #tpu.memory_space<hbm>>
        tpu.wait_dma2 semaphore(%arg15 : memref<!tpu.dma_semaphore, #tpu.memory_space<semaphore_mem>>) src(%dma_wait3A_331 : memref<1920xf32, #tpu.memory_space<hbm>>) dst(%dma_wait3A_329 : memref<1920xf32, #tpu.memory_space<vmem>>)
        %dma_wait3A_332 = tpu.memref_slice %arg11[%mul3A_175] : memref<17280xf32, #tpu.memory_space<vmem>> -> memref<1920xf32, #tpu.memory_space<vmem>>
        %dma_wait3A_333 = arith.constant 0 : i32
        %dma_wait3A_334 = tpu.memref_slice %arg3[%dma_wait3A_333] : memref<16777216xf32, #tpu.memory_space<hbm>> -> memref<1920xf32, #tpu.memory_space<hbm>>
        %dma_wait3A_335 = tpu.memref_slice %arg11[%mul3A_175] : memref<17280xf32, #tpu.memory_space<vmem>> -> memref<1920xf32, #tpu.memory_space<vmem>>
        %dma_wait3A_336 = arith.constant 0 : i32
        %dma_wait3A_337 = tpu.memref_slice %arg3[%dma_wait3A_336] : memref<16777216xf32, #tpu.memory_space<hbm>> -> memref<1920xf32, #tpu.memory_space<hbm>>
        tpu.wait_dma2 semaphore(%arg15 : memref<!tpu.dma_semaphore, #tpu.memory_space<semaphore_mem>>) src(%dma_wait3A_337 : memref<1920xf32, #tpu.memory_space<hbm>>) dst(%dma_wait3A_335 : memref<1920xf32, #tpu.memory_space<vmem>>)
      }
      %while3A_162 = arith.constant 0 : i32
      %while3A_163 = arith.constant 0 : i32
      %while3A_164 = arith.constant 135 : i32
      %while3A_165 = arith.subi %while3A_164, %while3A_163 : i32
      %while3A_166 = arith.addi %while3A_163, %while3A_165 : i32
      %while3A_167 = arith.constant 1 : i32
      %while3A_168 = arith.divsi %while3A_165, %while3A_167 : i32
      %while3A_169 = arith.muli %while3A_168, %while3A_167 : i32
      %while3A_170 = arith.addi %while3A_163, %while3A_169 : i32
      %while3A_171 = arith.constant 1 : i32
      scf.for %while3A_173 = %while3A_163 to %while3A_170 step %while3A_171  : i32 {
        %mul3A_174 = arith.constant 16 : i32
        %mul3A_175 = arith.muli %while3A_173, %mul3A_174 : i32
        %broadcast_in_dim3A = arith.constant 0.000000e+00 : f32
        %broadcast_in_dim3A_176 = vector.broadcast %broadcast_in_dim3A : f32 to vector<16xf32>
        %broadcast_in_dim3A_177 = arith.constant 0.000000e+00 : f32
        %broadcast_in_dim3A_178 = vector.broadcast %broadcast_in_dim3A_177 : f32 to vector<16xf32>
        %add3A_179 = arith.constant 0 : i32
        %add3A_180 = arith.addi %add3A_179, %mul3A_175 : i32
        %get3A = arith.index_cast %add3A_180 : i32 to index
        %get3A_181 = tpu.vector_load %arg9[%get3A] {strides = array<i32>} : memref<17280xf32, #tpu.memory_space<vmem>>, vector<16xf32>,
        %get3A_182 = vector.shape_cast %get3A_181 : vector<16xf32> to vector<16xf32>
        %add3A_183 = arith.constant 0 : i32
        %add3A_184 = arith.addi %add3A_183, %mul3A_175 : i32
        %get3A_185 = arith.index_cast %add3A_184 : i32 to index
        %get3A_186 = tpu.vector_load %arg10[%get3A_185] {strides = array<i32>} : memref<17280xf32, #tpu.memory_space<vmem>>, vector<16xf32>,
        %get3A_187 = vector.shape_cast %get3A_186 : vector<16xf32> to vector<16xf32>
        %mul3A_188 = arith.mulf %get3A_187, %get3A_182 : vector<16xf32>
        %add3A_189 = arith.addf %broadcast_in_dim3A_176, %mul3A_188 : vector<16xf32>
        %add3A_190 = arith.constant 0 : i32
        %add3A_191 = arith.addi %add3A_190, %mul3A_175 : i32
        %get3A_192 = arith.index_cast %add3A_191 : i32 to index
        %get3A_193 = tpu.vector_load %arg11[%get3A_192] {strides = array<i32>} : memref<17280xf32, #tpu.memory_space<vmem>>, vector<16xf32>,
        %get3A_194 = vector.shape_cast %get3A_193 : vector<16xf32> to vector<16xf32>
        %mul3A_195 = arith.mulf %get3A_194, %get3A_182 : vector<16xf32>
        %add3A_196 = arith.addf %broadcast_in_dim3A_178, %mul3A_195 : vector<16xf32>
        %add3A_197 = arith.constant 2160 : i32
        %add3A_198 = arith.addi %add3A_197, %mul3A_175 : i32
        %get3A_199 = arith.index_cast %add3A_198 : i32 to index
        %get3A_200 = tpu.vector_load %arg9[%get3A_199] {strides = array<i32>} : memref<17280xf32, #tpu.memory_space<vmem>>, vector<16xf32>,
        %get3A_201 = vector.shape_cast %get3A_200 : vector<16xf32> to vector<16xf32>
        %add3A_202 = arith.constant 2160 : i32
        %add3A_203 = arith.addi %add3A_202, %mul3A_175 : i32
        %get3A_204 = arith.index_cast %add3A_203 : i32 to index
        %get3A_205 = tpu.vector_load %arg10[%get3A_204] {strides = array<i32>} : memref<17280xf32, #tpu.memory_space<vmem>>, vector<16xf32>,
        %get3A_206 = vector.shape_cast %get3A_205 : vector<16xf32> to vector<16xf32>
        %mul3A_207 = arith.mulf %get3A_206, %get3A_201 : vector<16xf32>
        %add3A_208 = arith.addf %add3A_189, %mul3A_207 : vector<16xf32>
        %add3A_209 = arith.constant 2160 : i32
        %add3A_210 = arith.addi %add3A_209, %mul3A_175 : i32
        %get3A_211 = arith.index_cast %add3A_210 : i32 to index
        %get3A_212 = tpu.vector_load %arg11[%get3A_211] {strides = array<i32>} : memref<17280xf32, #tpu.memory_space<vmem>>, vector<16xf32>,
        %get3A_213 = vector.shape_cast %get3A_212 : vector<16xf32> to vector<16xf32>
        %mul3A_214 = arith.mulf %get3A_213, %get3A_201 : vector<16xf32>
        %add3A_215 = arith.addf %add3A_196, %mul3A_214 : vector<16xf32>
        %add3A_216 = arith.constant 4320 : i32
        %add3A_217 = arith.addi %add3A_216, %mul3A_175 : i32
        %get3A_218 = arith.index_cast %add3A_217 : i32 to index
        %get3A_219 = tpu.vector_load %arg9[%get3A_218] {strides = array<i32>} : memref<17280xf32, #tpu.memory_space<vmem>>, vector<16xf32>,
        %get3A_220 = vector.shape_cast %get3A_219 : vector<16xf32> to vector<16xf32>
        %add3A_221 = arith.constant 4320 : i32
        %add3A_222 = arith.addi %add3A_221, %mul3A_175 : i32
        %get3A_223 = arith.index_cast %add3A_222 : i32 to index
        %get3A_224 = tpu.vector_load %arg10[%get3A_223] {strides = array<i32>} : memref<17280xf32, #tpu.memory_space<vmem>>, vector<16xf32>,
        %get3A_225 = vector.shape_cast %get3A_224 : vector<16xf32> to vector<16xf32>
        %mul3A_226 = arith.mulf %get3A_225, %get3A_220 : vector<16xf32>
        %add3A_227 = arith.addf %add3A_208, %mul3A_226 : vector<16xf32>
        %add3A_228 = arith.constant 4320 : i32
        %add3A_229 = arith.addi %add3A_228, %mul3A_175 : i32
        %get3A_230 = arith.index_cast %add3A_229 : i32 to index
        %get3A_231 = tpu.vector_load %arg11[%get3A_230] {strides = array<i32>} : memref<17280xf32, #tpu.memory_space<vmem>>, vector<16xf32>,
        %get3A_232 = vector.shape_cast %get3A_231 : vector<16xf32> to vector<16xf32>
        %mul3A_233 = arith.mulf %get3A_232, %get3A_220 : vector<16xf32>
        %add3A_234 = arith.addf %add3A_215, %mul3A_233 : vector<16xf32>
        %add3A_235 = arith.constant 6480 : i32
        %add3A_236 = arith.addi %add3A_235, %mul3A_175 : i32
        %get3A_237 = arith.index_cast %add3A_236 : i32 to index
        %get3A_238 = tpu.vector_load %arg9[%get3A_237] {strides = array<i32>} : memref<17280xf32, #tpu.memory_space<vmem>>, vector<16xf32>,
        %get3A_239 = vector.shape_cast %get3A_238 : vector<16xf32> to vector<16xf32>
        %add3A_240 = arith.constant 6480 : i32
        %add3A_241 = arith.addi %add3A_240, %mul3A_175 : i32
        %get3A_242 = arith.index_cast %add3A_241 : i32 to index
        %get3A_243 = tpu.vector_load %arg10[%get3A_242] {strides = array<i32>} : memref<17280xf32, #tpu.memory_space<vmem>>, vector<16xf32>,
        %get3A_244 = vector.shape_cast %get3A_243 : vector<16xf32> to vector<16xf32>
        %mul3A_245 = arith.mulf %get3A_244, %get3A_239 : vector<16xf32>
        %add3A_246 = arith.addf %add3A_227, %mul3A_245 : vector<16xf32>
        %add3A_247 = arith.constant 6480 : i32
        %add3A_248 = arith.addi %add3A_247, %mul3A_175 : i32
        %get3A_249 = arith.index_cast %add3A_248 : i32 to index
        %get3A_250 = tpu.vector_load %arg11[%get3A_249] {strides = array<i32>} : memref<17280xf32, #tpu.memory_space<vmem>>, vector<16xf32>,
        %get3A_251 = vector.shape_cast %get3A_250 : vector<16xf32> to vector<16xf32>
        %mul3A_252 = arith.mulf %get3A_251, %get3A_239 : vector<16xf32>
        %add3A_253 = arith.addf %add3A_234, %mul3A_252 : vector<16xf32>
        %add3A_254 = arith.constant 8640 : i32
        %add3A_255 = arith.addi %add3A_254, %mul3A_175 : i32
        %get3A_256 = arith.index_cast %add3A_255 : i32 to index
        %get3A_257 = tpu.vector_load %arg9[%get3A_256] {strides = array<i32>} : memref<17280xf32, #tpu.memory_space<vmem>>, vector<16xf32>,
        %get3A_258 = vector.shape_cast %get3A_257 : vector<16xf32> to vector<16xf32>
        %add3A_259 = arith.constant 8640 : i32
        %add3A_260 = arith.addi %add3A_259, %mul3A_175 : i32
        %get3A_261 = arith.index_cast %add3A_260 : i32 to index
        %get3A_262 = tpu.vector_load %arg10[%get3A_261] {strides = array<i32>} : memref<17280xf32, #tpu.memory_space<vmem>>, vector<16xf32>,
        %get3A_263 = vector.shape_cast %get3A_262 : vector<16xf32> to vector<16xf32>
        %mul3A_264 = arith.mulf %get3A_263, %get3A_258 : vector<16xf32>
        %add3A_265 = arith.addf %add3A_246, %mul3A_264 : vector<16xf32>
        %add3A_266 = arith.constant 8640 : i32
        %add3A_267 = arith.addi %add3A_266, %mul3A_175 : i32
        %get3A_268 = arith.index_cast %add3A_267 : i32 to index
        %get3A_269 = tpu.vector_load %arg11[%get3A_268] {strides = array<i32>} : memref<17280xf32, #tpu.memory_space<vmem>>, vector<16xf32>,
        %get3A_270 = vector.shape_cast %get3A_269 : vector<16xf32> to vector<16xf32>
        %mul3A_271 = arith.mulf %get3A_270, %get3A_258 : vector<16xf32>
        %add3A_272 = arith.addf %add3A_253, %mul3A_271 : vector<16xf32>
        %add3A_273 = arith.constant 10800 : i32
        %add3A_274 = arith.addi %add3A_273, %mul3A_175 : i32
        %get3A_275 = arith.index_cast %add3A_274 : i32 to index
        %get3A_276 = tpu.vector_load %arg9[%get3A_275] {strides = array<i32>} : memref<17280xf32, #tpu.memory_space<vmem>>, vector<16xf32>,
        %get3A_277 = vector.shape_cast %get3A_276 : vector<16xf32> to vector<16xf32>
        %add3A_278 = arith.constant 10800 : i32
        %add3A_279 = arith.addi %add3A_278, %mul3A_175 : i32
        %get3A_280 = arith.index_cast %add3A_279 : i32 to index
        %get3A_281 = tpu.vector_load %arg10[%get3A_280] {strides = array<i32>} : memref<17280xf32, #tpu.memory_space<vmem>>, vector<16xf32>,
        %get3A_282 = vector.shape_cast %get3A_281 : vector<16xf32> to vector<16xf32>
        %mul3A_283 = arith.mulf %get3A_282, %get3A_277 : vector<16xf32>
        %add3A_284 = arith.addf %add3A_265, %mul3A_283 : vector<16xf32>
        %add3A_285 = arith.constant 10800 : i32
        %add3A_286 = arith.addi %add3A_285, %mul3A_175 : i32
        %get3A_287 = arith.index_cast %add3A_286 : i32 to index
        %get3A_288 = tpu.vector_load %arg11[%get3A_287] {strides = array<i32>} : memref<17280xf32, #tpu.memory_space<vmem>>, vector<16xf32>,
        %get3A_289 = vector.shape_cast %get3A_288 : vector<16xf32> to vector<16xf32>
        %mul3A_290 = arith.mulf %get3A_289, %get3A_277 : vector<16xf32>
        %add3A_291 = arith.addf %add3A_272, %mul3A_290 : vector<16xf32>
        %add3A_292 = arith.constant 12960 : i32
        %add3A_293 = arith.addi %add3A_292, %mul3A_175 : i32
        %get3A_294 = arith.index_cast %add3A_293 : i32 to index
        %get3A_295 = tpu.vector_load %arg9[%get3A_294] {strides = array<i32>} : memref<17280xf32, #tpu.memory_space<vmem>>, vector<16xf32>,
        %get3A_296 = vector.shape_cast %get3A_295 : vector<16xf32> to vector<16xf32>
        %add3A_297 = arith.constant 12960 : i32
        %add3A_298 = arith.addi %add3A_297, %mul3A_175 : i32
        %get3A_299 = arith.index_cast %add3A_298 : i32 to index
        %get3A_300 = tpu.vector_load %arg10[%get3A_299] {strides = array<i32>} : memref<17280xf32, #tpu.memory_space<vmem>>, vector<16xf32>,
        %get3A_301 = vector.shape_cast %get3A_300 : vector<16xf32> to vector<16xf32>
        %mul3A_302 = arith.mulf %get3A_301, %get3A_296 : vector<16xf32>
        %add3A_303 = arith.addf %add3A_284, %mul3A_302 : vector<16xf32>
        %add3A_304 = arith.constant 12960 : i32
        %add3A_305 = arith.addi %add3A_304, %mul3A_175 : i32
        %get3A_306 = arith.index_cast %add3A_305 : i32 to index
        %get3A_307 = tpu.vector_load %arg11[%get3A_306] {strides = array<i32>} : memref<17280xf32, #tpu.memory_space<vmem>>, vector<16xf32>,
        %get3A_308 = vector.shape_cast %get3A_307 : vector<16xf32> to vector<16xf32>
        %mul3A_309 = arith.mulf %get3A_308, %get3A_296 : vector<16xf32>
        %add3A_310 = arith.addf %add3A_291, %mul3A_309 : vector<16xf32>
        %add3A_311 = arith.constant 15120 : i32
        %add3A_312 = arith.addi %add3A_311, %mul3A_175 : i32
        %get3A_313 = arith.index_cast %add3A_312 : i32 to index
        %get3A_314 = tpu.vector_load %arg9[%get3A_313] {strides = array<i32>} : memref<17280xf32, #tpu.memory_space<vmem>>, vector<16xf32>,
        %get3A_315 = vector.shape_cast %get3A_314 : vector<16xf32> to vector<16xf32>
        %add3A_316 = arith.constant 15120 : i32
        %add3A_317 = arith.addi %add3A_316, %mul3A_175 : i32
        %get3A_318 = arith.index_cast %add3A_317 : i32 to index
        %get3A_319 = tpu.vector_load %arg10[%get3A_318] {strides = array<i32>} : memref<17280xf32, #tpu.memory_space<vmem>>, vector<16xf32>,
        %get3A_320 = vector.shape_cast %get3A_319 : vector<16xf32> to vector<16xf32>
        %mul3A_321 = arith.mulf %get3A_320, %get3A_315 : vector<16xf32>
        %add3A_322 = arith.addf %add3A_303, %mul3A_321 : vector<16xf32>
        %add3A_323 = arith.constant 15120 : i32
        %add3A_324 = arith.addi %add3A_323, %mul3A_175 : i32
        %get3A_325 = arith.index_cast %add3A_324 : i32 to index
        %get3A_326 = tpu.vector_load %arg11[%get3A_325] {strides = array<i32>} : memref<17280xf32, #tpu.memory_space<vmem>>, vector<16xf32>,
        %get3A_327 = vector.shape_cast %get3A_326 : vector<16xf32> to vector<16xf32>
        %mul3A_328 = arith.mulf %get3A_327, %get3A_315 : vector<16xf32>
        %add3A_329 = arith.addf %add3A_310, %mul3A_328 : vector<16xf32>
        %swap3A = arith.index_cast %mul3A_175 : i32 to index
        %swap3A_330 = tpu.vector_load %arg12[%swap3A] {strides = array<i32>} : memref<2160xf32, #tpu.memory_space<vmem>>, vector<16xf32>,
        %swap3A_331 = vector.shape_cast %swap3A_330 : vector<16xf32> to vector<16xf32>
        %swap3A_332 = vector.shape_cast %add3A_322 : vector<16xf32> to vector<16xf32>
        tpu.vector_store %arg12[%swap3A], %swap3A_332 {strides = array<i32>} : memref<2160xf32, #tpu.memory_space<vmem>>, vector<16xf32>,
        %swap3A_333 = arith.index_cast %mul3A_175 : i32 to index
        %swap3A_334 = tpu.vector_load %arg13[%swap3A_333] {strides = array<i32>} : memref<2160xf32, #tpu.memory_space<vmem>>, vector<16xf32>,
        %swap3A_335 = vector.shape_cast %swap3A_334 : vector<16xf32> to vector<16xf32>
        %swap3A_336 = vector.shape_cast %add3A_329 : vector<16xf32> to vector<16xf32>
        tpu.vector_store %arg13[%swap3A_333], %swap3A_336 {strides = array<i32>} : memref<2160xf32, #tpu.memory_space<vmem>>, vector<16xf32>,
      }
      %while3A_172 = arith.constant 1 : i32
      scf.for %while3A_173 = %while3A_170 to %while3A_166 step %while3A_172  : i32 {
        %mul3A_174 = arith.constant 16 : i32
        %mul3A_175 = arith.muli %while3A_173, %mul3A_174 : i32
        %broadcast_in_dim3A = arith.constant 0.000000e+00 : f32
        %broadcast_in_dim3A_176 = vector.broadcast %broadcast_in_dim3A : f32 to vector<16xf32>
        %broadcast_in_dim3A_177 = arith.constant 0.000000e+00 : f32
        %broadcast_in_dim3A_178 = vector.broadcast %broadcast_in_dim3A_177 : f32 to vector<16xf32>
        %add3A_179 = arith.constant 0 : i32
        %add3A_180 = arith.addi %add3A_179, %mul3A_175 : i32
        %get3A = arith.index_cast %add3A_180 : i32 to index
        %get3A_181 = tpu.vector_load %arg9[%get3A] {strides = array<i32>} : memref<17280xf32, #tpu.memory_space<vmem>>, vector<16xf32>,
        %get3A_182 = vector.shape_cast %get3A_181 : vector<16xf32> to vector<16xf32>
        %add3A_183 = arith.constant 0 : i32
        %add3A_184 = arith.addi %add3A_183, %mul3A_175 : i32
        %get3A_185 = arith.index_cast %add3A_184 : i32 to index
        %get3A_186 = tpu.vector_load %arg10[%get3A_185] {strides = array<i32>} : memref<17280xf32, #tpu.memory_space<vmem>>, vector<16xf32>,
        %get3A_187 = vector.shape_cast %get3A_186 : vector<16xf32> to vector<16xf32>
        %mul3A_188 = arith.mulf %get3A_187, %get3A_182 : vector<16xf32>
        %add3A_189 = arith.addf %broadcast_in_dim3A_176, %mul3A_188 : vector<16xf32>
        %add3A_190 = arith.constant 0 : i32
        %add3A_191 = arith.addi %add3A_190, %mul3A_175 : i32
        %get3A_192 = arith.index_cast %add3A_191 : i32 to index
        %get3A_193 = tpu.vector_load %arg11[%get3A_192] {strides = array<i32>} : memref<17280xf32, #tpu.memory_space<vmem>>, vector<16xf32>,
        %get3A_194 = vector.shape_cast %get3A_193 : vector<16xf32> to vector<16xf32>
        %mul3A_195 = arith.mulf %get3A_194, %get3A_182 : vector<16xf32>
        %add3A_196 = arith.addf %broadcast_in_dim3A_178, %mul3A_195 : vector<16xf32>
        %add3A_197 = arith.constant 2160 : i32
        %add3A_198 = arith.addi %add3A_197, %mul3A_175 : i32
        %get3A_199 = arith.index_cast %add3A_198 : i32 to index
        %get3A_200 = tpu.vector_load %arg9[%get3A_199] {strides = array<i32>} : memref<17280xf32, #tpu.memory_space<vmem>>, vector<16xf32>,
        %get3A_201 = vector.shape_cast %get3A_200 : vector<16xf32> to vector<16xf32>
        %add3A_202 = arith.constant 2160 : i32
        %add3A_203 = arith.addi %add3A_202, %mul3A_175 : i32
        %get3A_204 = arith.index_cast %add3A_203 : i32 to index
        %get3A_205 = tpu.vector_load %arg10[%get3A_204] {strides = array<i32>} : memref<17280xf32, #tpu.memory_space<vmem>>, vector<16xf32>,
        %get3A_206 = vector.shape_cast %get3A_205 : vector<16xf32> to vector<16xf32>
        %mul3A_207 = arith.mulf %get3A_206, %get3A_201 : vector<16xf32>
        %add3A_208 = arith.addf %add3A_189, %mul3A_207 : vector<16xf32>
        %add3A_209 = arith.constant 2160 : i32
        %add3A_210 = arith.addi %add3A_209, %mul3A_175 : i32
        %get3A_211 = arith.index_cast %add3A_210 : i32 to index
        %get3A_212 = tpu.vector_load %arg11[%get3A_211] {strides = array<i32>} : memref<17280xf32, #tpu.memory_space<vmem>>, vector<16xf32>,
        %get3A_213 = vector.shape_cast %get3A_212 : vector<16xf32> to vector<16xf32>
        %mul3A_214 = arith.mulf %get3A_213, %get3A_201 : vector<16xf32>
        %add3A_215 = arith.addf %add3A_196, %mul3A_214 : vector<16xf32>
        %add3A_216 = arith.constant 4320 : i32
        %add3A_217 = arith.addi %add3A_216, %mul3A_175 : i32
        %get3A_218 = arith.index_cast %add3A_217 : i32 to index
        %get3A_219 = tpu.vector_load %arg9[%get3A_218] {strides = array<i32>} : memref<17280xf32, #tpu.memory_space<vmem>>, vector<16xf32>,
        %get3A_220 = vector.shape_cast %get3A_219 : vector<16xf32> to vector<16xf32>
        %add3A_221 = arith.constant 4320 : i32
        %add3A_222 = arith.addi %add3A_221, %mul3A_175 : i32
        %get3A_223 = arith.index_cast %add3A_222 : i32 to index
        %get3A_224 = tpu.vector_load %arg10[%get3A_223] {strides = array<i32>} : memref<17280xf32, #tpu.memory_space<vmem>>, vector<16xf32>,
        %get3A_225 = vector.shape_cast %get3A_224 : vector<16xf32> to vector<16xf32>
        %mul3A_226 = arith.mulf %get3A_225, %get3A_220 : vector<16xf32>
        %add3A_227 = arith.addf %add3A_208, %mul3A_226 : vector<16xf32>
        %add3A_228 = arith.constant 4320 : i32
        %add3A_229 = arith.addi %add3A_228, %mul3A_175 : i32
        %get3A_230 = arith.index_cast %add3A_229 : i32 to index
        %get3A_231 = tpu.vector_load %arg11[%get3A_230] {strides = array<i32>} : memref<17280xf32, #tpu.memory_space<vmem>>, vector<16xf32>,
        %get3A_232 = vector.shape_cast %get3A_231 : vector<16xf32> to vector<16xf32>
        %mul3A_233 = arith.mulf %get3A_232, %get3A_220 : vector<16xf32>
        %add3A_234 = arith.addf %add3A_215, %mul3A_233 : vector<16xf32>
        %add3A_235 = arith.constant 6480 : i32
        %add3A_236 = arith.addi %add3A_235, %mul3A_175 : i32
        %get3A_237 = arith.index_cast %add3A_236 : i32 to index
        %get3A_238 = tpu.vector_load %arg9[%get3A_237] {strides = array<i32>} : memref<17280xf32, #tpu.memory_space<vmem>>, vector<16xf32>,
        %get3A_239 = vector.shape_cast %get3A_238 : vector<16xf32> to vector<16xf32>
        %add3A_240 = arith.constant 6480 : i32
        %add3A_241 = arith.addi %add3A_240, %mul3A_175 : i32
        %get3A_242 = arith.index_cast %add3A_241 : i32 to index
        %get3A_243 = tpu.vector_load %arg10[%get3A_242] {strides = array<i32>} : memref<17280xf32, #tpu.memory_space<vmem>>, vector<16xf32>,
        %get3A_244 = vector.shape_cast %get3A_243 : vector<16xf32> to vector<16xf32>
        %mul3A_245 = arith.mulf %get3A_244, %get3A_239 : vector<16xf32>
        %add3A_246 = arith.addf %add3A_227, %mul3A_245 : vector<16xf32>
        %add3A_247 = arith.constant 6480 : i32
        %add3A_248 = arith.addi %add3A_247, %mul3A_175 : i32
        %get3A_249 = arith.index_cast %add3A_248 : i32 to index
        %get3A_250 = tpu.vector_load %arg11[%get3A_249] {strides = array<i32>} : memref<17280xf32, #tpu.memory_space<vmem>>, vector<16xf32>,
        %get3A_251 = vector.shape_cast %get3A_250 : vector<16xf32> to vector<16xf32>
        %mul3A_252 = arith.mulf %get3A_251, %get3A_239 : vector<16xf32>
        %add3A_253 = arith.addf %add3A_234, %mul3A_252 : vector<16xf32>
        %add3A_254 = arith.constant 8640 : i32
        %add3A_255 = arith.addi %add3A_254, %mul3A_175 : i32
        %get3A_256 = arith.index_cast %add3A_255 : i32 to index
        %get3A_257 = tpu.vector_load %arg9[%get3A_256] {strides = array<i32>} : memref<17280xf32, #tpu.memory_space<vmem>>, vector<16xf32>,
        %get3A_258 = vector.shape_cast %get3A_257 : vector<16xf32> to vector<16xf32>
        %add3A_259 = arith.constant 8640 : i32
        %add3A_260 = arith.addi %add3A_259, %mul3A_175 : i32
        %get3A_261 = arith.index_cast %add3A_260 : i32 to index
        %get3A_262 = tpu.vector_load %arg10[%get3A_261] {strides = array<i32>} : memref<17280xf32, #tpu.memory_space<vmem>>, vector<16xf32>,
        %get3A_263 = vector.shape_cast %get3A_262 : vector<16xf32> to vector<16xf32>
        %mul3A_264 = arith.mulf %get3A_263, %get3A_258 : vector<16xf32>
        %add3A_265 = arith.addf %add3A_246, %mul3A_264 : vector<16xf32>
        %add3A_266 = arith.constant 8640 : i32
        %add3A_267 = arith.addi %add3A_266, %mul3A_175 : i32
        %get3A_268 = arith.index_cast %add3A_267 : i32 to index
        %get3A_269 = tpu.vector_load %arg11[%get3A_268] {strides = array<i32>} : memref<17280xf32, #tpu.memory_space<vmem>>, vector<16xf32>,
        %get3A_270 = vector.shape_cast %get3A_269 : vector<16xf32> to vector<16xf32>
        %mul3A_271 = arith.mulf %get3A_270, %get3A_258 : vector<16xf32>
        %add3A_272 = arith.addf %add3A_253, %mul3A_271 : vector<16xf32>
        %add3A_273 = arith.constant 10800 : i32
        %add3A_274 = arith.addi %add3A_273, %mul3A_175 : i32
        %get3A_275 = arith.index_cast %add3A_274 : i32 to index
        %get3A_276 = tpu.vector_load %arg9[%get3A_275] {strides = array<i32>} : memref<17280xf32, #tpu.memory_space<vmem>>, vector<16xf32>,
        %get3A_277 = vector.shape_cast %get3A_276 : vector<16xf32> to vector<16xf32>
        %add3A_278 = arith.constant 10800 : i32
        %add3A_279 = arith.addi %add3A_278, %mul3A_175 : i32
        %get3A_280 = arith.index_cast %add3A_279 : i32 to index
        %get3A_281 = tpu.vector_load %arg10[%get3A_280] {strides = array<i32>} : memref<17280xf32, #tpu.memory_space<vmem>>, vector<16xf32>,
        %get3A_282 = vector.shape_cast %get3A_281 : vector<16xf32> to vector<16xf32>
        %mul3A_283 = arith.mulf %get3A_282, %get3A_277 : vector<16xf32>
        %add3A_284 = arith.addf %add3A_265, %mul3A_283 : vector<16xf32>
        %add3A_285 = arith.constant 10800 : i32
        %add3A_286 = arith.addi %add3A_285, %mul3A_175 : i32
        %get3A_287 = arith.index_cast %add3A_286 : i32 to index
        %get3A_288 = tpu.vector_load %arg11[%get3A_287] {strides = array<i32>} : memref<17280xf32, #tpu.memory_space<vmem>>, vector<16xf32>,
        %get3A_289 = vector.shape_cast %get3A_288 : vector<16xf32> to vector<16xf32>
        %mul3A_290 = arith.mulf %get3A_289, %get3A_277 : vector<16xf32>
        %add3A_291 = arith.addf %add3A_272, %mul3A_290 : vector<16xf32>
        %add3A_292 = arith.constant 12960 : i32
        %add3A_293 = arith.addi %add3A_292, %mul3A_175 : i32
        %get3A_294 = arith.index_cast %add3A_293 : i32 to index
        %get3A_295 = tpu.vector_load %arg9[%get3A_294] {strides = array<i32>} : memref<17280xf32, #tpu.memory_space<vmem>>, vector<16xf32>,
        %get3A_296 = vector.shape_cast %get3A_295 : vector<16xf32> to vector<16xf32>
        %add3A_297 = arith.constant 12960 : i32
        %add3A_298 = arith.addi %add3A_297, %mul3A_175 : i32
        %get3A_299 = arith.index_cast %add3A_298 : i32 to index
        %get3A_300 = tpu.vector_load %arg10[%get3A_299] {strides = array<i32>} : memref<17280xf32, #tpu.memory_space<vmem>>, vector<16xf32>,
        %get3A_301 = vector.shape_cast %get3A_300 : vector<16xf32> to vector<16xf32>
        %mul3A_302 = arith.mulf %get3A_301, %get3A_296 : vector<16xf32>
        %add3A_303 = arith.addf %add3A_284, %mul3A_302 : vector<16xf32>
        %add3A_304 = arith.constant 12960 : i32
        %add3A_305 = arith.addi %add3A_304, %mul3A_175 : i32
        %get3A_306 = arith.index_cast %add3A_305 : i32 to index
        %get3A_307 = tpu.vector_load %arg11[%get3A_306] {strides = array<i32>} : memref<17280xf32, #tpu.memory_space<vmem>>, vector<16xf32>,
        %get3A_308 = vector.shape_cast %get3A_307 : vector<16xf32> to vector<16xf32>
        %mul3A_309 = arith.mulf %get3A_308, %get3A_296 : vector<16xf32>
        %add3A_310 = arith.addf %add3A_291, %mul3A_309 : vector<16xf32>
        %add3A_311 = arith.constant 15120 : i32
        %add3A_312 = arith.addi %add3A_311, %mul3A_175 : i32
        %get3A_313 = arith.index_cast %add3A_312 : i32 to index
        %get3A_314 = tpu.vector_load %arg9[%get3A_313] {strides = array<i32>} : memref<17280xf32, #tpu.memory_space<vmem>>, vector<16xf32>,
        %get3A_315 = vector.shape_cast %get3A_314 : vector<16xf32> to vector<16xf32>
        %add3A_316 = arith.constant 15120 : i32
        %add3A_317 = arith.addi %add3A_316, %mul3A_175 : i32
        %get3A_318 = arith.index_cast %add3A_317 : i32 to index
        %get3A_319 = tpu.vector_load %arg10[%get3A_318] {strides = array<i32>} : memref<17280xf32, #tpu.memory_space<vmem>>, vector<16xf32>,
        %get3A_320 = vector.shape_cast %get3A_319 : vector<16xf32> to vector<16xf32>
        %mul3A_321 = arith.mulf %get3A_320, %get3A_315 : vector<16xf32>
        %add3A_322 = arith.addf %add3A_303, %mul3A_321 : vector<16xf32>
        %add3A_323 = arith.constant 15120 : i32
        %add3A_324 = arith.addi %add3A_323, %mul3A_175 : i32
        %get3A_325 = arith.index_cast %add3A_324 : i32 to index
        %get3A_326 = tpu.vector_load %arg11[%get3A_325] {strides = array<i32>} : memref<17280xf32, #tpu.memory_space<vmem>>, vector<16xf32>,
        %get3A_327 = vector.shape_cast %get3A_326 : vector<16xf32> to vector<16xf32>
        %mul3A_328 = arith.mulf %get3A_327, %get3A_315 : vector<16xf32>
        %add3A_329 = arith.addf %add3A_310, %mul3A_328 : vector<16xf32>
        %swap3A = arith.index_cast %mul3A_175 : i32 to index
        %swap3A_330 = tpu.vector_load %arg12[%swap3A] {strides = array<i32>} : memref<2160xf32, #tpu.memory_space<vmem>>, vector<16xf32>,
        %swap3A_331 = vector.shape_cast %swap3A_330 : vector<16xf32> to vector<16xf32>
        %swap3A_332 = vector.shape_cast %add3A_322 : vector<16xf32> to vector<16xf32>
        tpu.vector_store %arg12[%swap3A], %swap3A_332 {strides = array<i32>} : memref<2160xf32, #tpu.memory_space<vmem>>, vector<16xf32>,
        %swap3A_333 = arith.index_cast %mul3A_175 : i32 to index
        %swap3A_334 = tpu.vector_load %arg13[%swap3A_333] {strides = array<i32>} : memref<2160xf32, #tpu.memory_space<vmem>>, vector<16xf32>,
        %swap3A_335 = vector.shape_cast %swap3A_334 : vector<16xf32> to vector<16xf32>
        %swap3A_336 = vector.shape_cast %add3A_329 : vector<16xf32> to vector<16xf32>
        tpu.vector_store %arg13[%swap3A_333], %swap3A_336 {strides = array<i32>} : memref<2160xf32, #tpu.memory_space<vmem>>, vector<16xf32>,
      }
      "tpu.region"() ({
        %run_scoped3A = tpu.sem_alloc : memref<!tpu.dma_semaphore, #tpu.memory_space<semaphore_mem>>
        %dma_start3A_173 = tpu.memref_slice %arg6[%add3A_16] : memref<691200xf32, #tpu.memory_space<hbm>> -> memref<2160xf32, #tpu.memory_space<hbm>>
        %dma_start3A_174 = tpu.memref_slice %arg6[%add3A_16] : memref<691200xf32, #tpu.memory_space<hbm>> -> memref<2160xf32, #tpu.memory_space<hbm>>
        tpu.enqueue_dma source(%arg12 : memref<2160xf32, #tpu.memory_space<vmem>>) target(%dma_start3A_174 : memref<2160xf32, #tpu.memory_space<hbm>>) target_semaphore(%run_scoped3A : memref<!tpu.dma_semaphore, #tpu.memory_space<semaphore_mem>>)
        %dma_wait3A_175 = tpu.memref_slice %arg6[%add3A_16] : memref<691200xf32, #tpu.memory_space<hbm>> -> memref<2160xf32, #tpu.memory_space<hbm>>
        %dma_wait3A_176 = tpu.memref_slice %arg6[%add3A_16] : memref<691200xf32, #tpu.memory_space<hbm>> -> memref<2160xf32, #tpu.memory_space<hbm>>
        tpu.wait_dma2 semaphore(%run_scoped3A : memref<!tpu.dma_semaphore, #tpu.memory_space<semaphore_mem>>) src(%arg12 : memref<2160xf32, #tpu.memory_space<vmem>>) dst(%dma_wait3A_176 : memref<2160xf32, #tpu.memory_space<hbm>>)
        tpu.yield
      }) : () -> ()
      "tpu.region"() ({
        %run_scoped3A = tpu.sem_alloc : memref<!tpu.dma_semaphore, #tpu.memory_space<semaphore_mem>>
        %dma_start3A_173 = tpu.memref_slice %arg7[%add3A_16] : memref<691200xf32, #tpu.memory_space<hbm>> -> memref<2160xf32, #tpu.memory_space<hbm>>
        %dma_start3A_174 = tpu.memref_slice %arg7[%add3A_16] : memref<691200xf32, #tpu.memory_space<hbm>> -> memref<2160xf32, #tpu.memory_space<hbm>>
        tpu.enqueue_dma source(%arg13 : memref<2160xf32, #tpu.memory_space<vmem>>) target(%dma_start3A_174 : memref<2160xf32, #tpu.memory_space<hbm>>) target_semaphore(%run_scoped3A : memref<!tpu.dma_semaphore, #tpu.memory_space<semaphore_mem>>)
        %dma_wait3A_175 = tpu.memref_slice %arg7[%add3A_16] : memref<691200xf32, #tpu.memory_space<hbm>> -> memref<2160xf32, #tpu.memory_space<hbm>>
        %dma_wait3A_176 = tpu.memref_slice %arg7[%add3A_16] : memref<691200xf32, #tpu.memory_space<hbm>> -> memref<2160xf32, #tpu.memory_space<hbm>>
        tpu.wait_dma2 semaphore(%run_scoped3A : memref<!tpu.dma_semaphore, #tpu.memory_space<semaphore_mem>>) src(%arg13 : memref<2160xf32, #tpu.memory_space<vmem>>) dst(%dma_wait3A_176 : memref<2160xf32, #tpu.memory_space<hbm>>)
        tpu.yield
      }) : () -> ()
    }
    %while3A_12 = arith.constant 1 : i32
    scf.for %while3A_13 = %while3A_10 to %while3A_6 step %while3A_12  : i32 {
      %mul3A_14 = arith.constant 2160 : i32
      %mul3A_15 = arith.muli %while3A_13, %mul3A_14 : i32
      %add3A_16 = arith.addi %mul3A_2, %mul3A_15 : i32
      %add3A_17 = arith.constant 0 : i32
      %add3A_18 = arith.addi %add3A_17, %add3A_16 : i32
      %dma_start3A = arith.constant 0 : i32
      %dma_start3A_19 = tpu.memref_slice %arg8[%dma_start3A] : memref<17280xi32, #tpu.memory_space<vmem>> -> memref<2160xi32, #tpu.memory_space<vmem>>
      %dma_start3A_20 = tpu.memref_slice %arg4[%add3A_18] : memref<5529600xi32, #tpu.memory_space<hbm>> -> memref<2160xi32, #tpu.memory_space<hbm>>
      %dma_start3A_21 = arith.constant 0 : i32
      %dma_start3A_22 = tpu.memref_slice %arg8[%dma_start3A_21] : memref<17280xi32, #tpu.memory_space<vmem>> -> memref<2160xi32, #tpu.memory_space<vmem>>
      %dma_start3A_23 = tpu.memref_slice %arg4[%add3A_18] : memref<5529600xi32, #tpu.memory_space<hbm>> -> memref<2160xi32, #tpu.memory_space<hbm>>
      tpu.enqueue_dma source(%dma_start3A_23 : memref<2160xi32, #tpu.memory_space<hbm>>) target(%dma_start3A_22 : memref<2160xi32, #tpu.memory_space<vmem>>) target_semaphore(%arg14 : memref<!tpu.dma_semaphore, #tpu.memory_space<semaphore_mem>>)
      %add3A_24 = arith.constant 0 : i32
      %add3A_25 = arith.addi %add3A_24, %add3A_16 : i32
      %dma_start3A_26 = arith.constant 0 : i32
      %dma_start3A_27 = tpu.memref_slice %arg9[%dma_start3A_26] : memref<17280xf32, #tpu.memory_space<vmem>> -> memref<2160xf32, #tpu.memory_space<vmem>>
      %dma_start3A_28 = tpu.memref_slice %arg5[%add3A_25] : memref<5529600xf32, #tpu.memory_space<hbm>> -> memref<2160xf32, #tpu.memory_space<hbm>>
      %dma_start3A_29 = arith.constant 0 : i32
      %dma_start3A_30 = tpu.memref_slice %arg9[%dma_start3A_29] : memref<17280xf32, #tpu.memory_space<vmem>> -> memref<2160xf32, #tpu.memory_space<vmem>>
      %dma_start3A_31 = tpu.memref_slice %arg5[%add3A_25] : memref<5529600xf32, #tpu.memory_space<hbm>> -> memref<2160xf32, #tpu.memory_space<hbm>>
      tpu.enqueue_dma source(%dma_start3A_31 : memref<2160xf32, #tpu.memory_space<hbm>>) target(%dma_start3A_30 : memref<2160xf32, #tpu.memory_space<vmem>>) target_semaphore(%arg14 : memref<!tpu.dma_semaphore, #tpu.memory_space<semaphore_mem>>)
      %add3A_32 = arith.constant 691200 : i32
      %add3A_33 = arith.addi %add3A_32, %add3A_16 : i32
      %dma_start3A_34 = arith.constant 2160 : i32
      %dma_start3A_35 = tpu.memref_slice %arg8[%dma_start3A_34] : memref<17280xi32, #tpu.memory_space<vmem>> -> memref<2160xi32, #tpu.memory_space<vmem>>
      %dma_start3A_36 = tpu.memref_slice %arg4[%add3A_33] : memref<5529600xi32, #tpu.memory_space<hbm>> -> memref<2160xi32, #tpu.memory_space<hbm>>
      %dma_start3A_37 = arith.constant 2160 : i32
      %dma_start3A_38 = tpu.memref_slice %arg8[%dma_start3A_37] : memref<17280xi32, #tpu.memory_space<vmem>> -> memref<2160xi32, #tpu.memory_space<vmem>>
      %dma_start3A_39 = tpu.memref_slice %arg4[%add3A_33] : memref<5529600xi32, #tpu.memory_space<hbm>> -> memref<2160xi32, #tpu.memory_space<hbm>>
      tpu.enqueue_dma source(%dma_start3A_39 : memref<2160xi32, #tpu.memory_space<hbm>>) target(%dma_start3A_38 : memref<2160xi32, #tpu.memory_space<vmem>>) target_semaphore(%arg14 : memref<!tpu.dma_semaphore, #tpu.memory_space<semaphore_mem>>)
      %add3A_40 = arith.constant 691200 : i32
      %add3A_41 = arith.addi %add3A_40, %add3A_16 : i32
      %dma_start3A_42 = arith.constant 2160 : i32
      %dma_start3A_43 = tpu.memref_slice %arg9[%dma_start3A_42] : memref<17280xf32, #tpu.memory_space<vmem>> -> memref<2160xf32, #tpu.memory_space<vmem>>
      %dma_start3A_44 = tpu.memref_slice %arg5[%add3A_41] : memref<5529600xf32, #tpu.memory_space<hbm>> -> memref<2160xf32, #tpu.memory_space<hbm>>
      %dma_start3A_45 = arith.constant 2160 : i32
      %dma_start3A_46 = tpu.memref_slice %arg9[%dma_start3A_45] : memref<17280xf32, #tpu.memory_space<vmem>> -> memref<2160xf32, #tpu.memory_space<vmem>>
      %dma_start3A_47 = tpu.memref_slice %arg5[%add3A_41] : memref<5529600xf32, #tpu.memory_space<hbm>> -> memref<2160xf32, #tpu.memory_space<hbm>>
      tpu.enqueue_dma source(%dma_start3A_47 : memref<2160xf32, #tpu.memory_space<hbm>>) target(%dma_start3A_46 : memref<2160xf32, #tpu.memory_space<vmem>>) target_semaphore(%arg14 : memref<!tpu.dma_semaphore, #tpu.memory_space<semaphore_mem>>)
      %add3A_48 = arith.constant 1382400 : i32
      %add3A_49 = arith.addi %add3A_48, %add3A_16 : i32
      %dma_start3A_50 = arith.constant 4320 : i32
      %dma_start3A_51 = tpu.memref_slice %arg8[%dma_start3A_50] : memref<17280xi32, #tpu.memory_space<vmem>> -> memref<2160xi32, #tpu.memory_space<vmem>>
      %dma_start3A_52 = tpu.memref_slice %arg4[%add3A_49] : memref<5529600xi32, #tpu.memory_space<hbm>> -> memref<2160xi32, #tpu.memory_space<hbm>>
      %dma_start3A_53 = arith.constant 4320 : i32
      %dma_start3A_54 = tpu.memref_slice %arg8[%dma_start3A_53] : memref<17280xi32, #tpu.memory_space<vmem>> -> memref<2160xi32, #tpu.memory_space<vmem>>
      %dma_start3A_55 = tpu.memref_slice %arg4[%add3A_49] : memref<5529600xi32, #tpu.memory_space<hbm>> -> memref<2160xi32, #tpu.memory_space<hbm>>
      tpu.enqueue_dma source(%dma_start3A_55 : memref<2160xi32, #tpu.memory_space<hbm>>) target(%dma_start3A_54 : memref<2160xi32, #tpu.memory_space<vmem>>) target_semaphore(%arg14 : memref<!tpu.dma_semaphore, #tpu.memory_space<semaphore_mem>>)
      %add3A_56 = arith.constant 1382400 : i32
      %add3A_57 = arith.addi %add3A_56, %add3A_16 : i32
      %dma_start3A_58 = arith.constant 4320 : i32
      %dma_start3A_59 = tpu.memref_slice %arg9[%dma_start3A_58] : memref<17280xf32, #tpu.memory_space<vmem>> -> memref<2160xf32, #tpu.memory_space<vmem>>
      %dma_start3A_60 = tpu.memref_slice %arg5[%add3A_57] : memref<5529600xf32, #tpu.memory_space<hbm>> -> memref<2160xf32, #tpu.memory_space<hbm>>
      %dma_start3A_61 = arith.constant 4320 : i32
      %dma_start3A_62 = tpu.memref_slice %arg9[%dma_start3A_61] : memref<17280xf32, #tpu.memory_space<vmem>> -> memref<2160xf32, #tpu.memory_space<vmem>>
      %dma_start3A_63 = tpu.memref_slice %arg5[%add3A_57] : memref<5529600xf32, #tpu.memory_space<hbm>> -> memref<2160xf32, #tpu.memory_space<hbm>>
      tpu.enqueue_dma source(%dma_start3A_63 : memref<2160xf32, #tpu.memory_space<hbm>>) target(%dma_start3A_62 : memref<2160xf32, #tpu.memory_space<vmem>>) target_semaphore(%arg14 : memref<!tpu.dma_semaphore, #tpu.memory_space<semaphore_mem>>)
      %add3A_64 = arith.constant 2073600 : i32
      %add3A_65 = arith.addi %add3A_64, %add3A_16 : i32
      %dma_start3A_66 = arith.constant 6480 : i32
      %dma_start3A_67 = tpu.memref_slice %arg8[%dma_start3A_66] : memref<17280xi32, #tpu.memory_space<vmem>> -> memref<2160xi32, #tpu.memory_space<vmem>>
      %dma_start3A_68 = tpu.memref_slice %arg4[%add3A_65] : memref<5529600xi32, #tpu.memory_space<hbm>> -> memref<2160xi32, #tpu.memory_space<hbm>>
      %dma_start3A_69 = arith.constant 6480 : i32
      %dma_start3A_70 = tpu.memref_slice %arg8[%dma_start3A_69] : memref<17280xi32, #tpu.memory_space<vmem>> -> memref<2160xi32, #tpu.memory_space<vmem>>
      %dma_start3A_71 = tpu.memref_slice %arg4[%add3A_65] : memref<5529600xi32, #tpu.memory_space<hbm>> -> memref<2160xi32, #tpu.memory_space<hbm>>
      tpu.enqueue_dma source(%dma_start3A_71 : memref<2160xi32, #tpu.memory_space<hbm>>) target(%dma_start3A_70 : memref<2160xi32, #tpu.memory_space<vmem>>) target_semaphore(%arg14 : memref<!tpu.dma_semaphore, #tpu.memory_space<semaphore_mem>>)
      %add3A_72 = arith.constant 2073600 : i32
      %add3A_73 = arith.addi %add3A_72, %add3A_16 : i32
      %dma_start3A_74 = arith.constant 6480 : i32
      %dma_start3A_75 = tpu.memref_slice %arg9[%dma_start3A_74] : memref<17280xf32, #tpu.memory_space<vmem>> -> memref<2160xf32, #tpu.memory_space<vmem>>
      %dma_start3A_76 = tpu.memref_slice %arg5[%add3A_73] : memref<5529600xf32, #tpu.memory_space<hbm>> -> memref<2160xf32, #tpu.memory_space<hbm>>
      %dma_start3A_77 = arith.constant 6480 : i32
      %dma_start3A_78 = tpu.memref_slice %arg9[%dma_start3A_77] : memref<17280xf32, #tpu.memory_space<vmem>> -> memref<2160xf32, #tpu.memory_space<vmem>>
      %dma_start3A_79 = tpu.memref_slice %arg5[%add3A_73] : memref<5529600xf32, #tpu.memory_space<hbm>> -> memref<2160xf32, #tpu.memory_space<hbm>>
      tpu.enqueue_dma source(%dma_start3A_79 : memref<2160xf32, #tpu.memory_space<hbm>>) target(%dma_start3A_78 : memref<2160xf32, #tpu.memory_space<vmem>>) target_semaphore(%arg14 : memref<!tpu.dma_semaphore, #tpu.memory_space<semaphore_mem>>)
      %add3A_80 = arith.constant 2764800 : i32
      %add3A_81 = arith.addi %add3A_80, %add3A_16 : i32
      %dma_start3A_82 = arith.constant 8640 : i32
      %dma_start3A_83 = tpu.memref_slice %arg8[%dma_start3A_82] : memref<17280xi32, #tpu.memory_space<vmem>> -> memref<2160xi32, #tpu.memory_space<vmem>>
      %dma_start3A_84 = tpu.memref_slice %arg4[%add3A_81] : memref<5529600xi32, #tpu.memory_space<hbm>> -> memref<2160xi32, #tpu.memory_space<hbm>>
      %dma_start3A_85 = arith.constant 8640 : i32
      %dma_start3A_86 = tpu.memref_slice %arg8[%dma_start3A_85] : memref<17280xi32, #tpu.memory_space<vmem>> -> memref<2160xi32, #tpu.memory_space<vmem>>
      %dma_start3A_87 = tpu.memref_slice %arg4[%add3A_81] : memref<5529600xi32, #tpu.memory_space<hbm>> -> memref<2160xi32, #tpu.memory_space<hbm>>
      tpu.enqueue_dma source(%dma_start3A_87 : memref<2160xi32, #tpu.memory_space<hbm>>) target(%dma_start3A_86 : memref<2160xi32, #tpu.memory_space<vmem>>) target_semaphore(%arg14 : memref<!tpu.dma_semaphore, #tpu.memory_space<semaphore_mem>>)
      %add3A_88 = arith.constant 2764800 : i32
      %add3A_89 = arith.addi %add3A_88, %add3A_16 : i32
      %dma_start3A_90 = arith.constant 8640 : i32
      %dma_start3A_91 = tpu.memref_slice %arg9[%dma_start3A_90] : memref<17280xf32, #tpu.memory_space<vmem>> -> memref<2160xf32, #tpu.memory_space<vmem>>
      %dma_start3A_92 = tpu.memref_slice %arg5[%add3A_89] : memref<5529600xf32, #tpu.memory_space<hbm>> -> memref<2160xf32, #tpu.memory_space<hbm>>
      %dma_start3A_93 = arith.constant 8640 : i32
      %dma_start3A_94 = tpu.memref_slice %arg9[%dma_start3A_93] : memref<17280xf32, #tpu.memory_space<vmem>> -> memref<2160xf32, #tpu.memory_space<vmem>>
      %dma_start3A_95 = tpu.memref_slice %arg5[%add3A_89] : memref<5529600xf32, #tpu.memory_space<hbm>> -> memref<2160xf32, #tpu.memory_space<hbm>>
      tpu.enqueue_dma source(%dma_start3A_95 : memref<2160xf32, #tpu.memory_space<hbm>>) target(%dma_start3A_94 : memref<2160xf32, #tpu.memory_space<vmem>>) target_semaphore(%arg14 : memref<!tpu.dma_semaphore, #tpu.memory_space<semaphore_mem>>)
      %add3A_96 = arith.constant 3456000 : i32
      %add3A_97 = arith.addi %add3A_96, %add3A_16 : i32
      %dma_start3A_98 = arith.constant 10800 : i32
      %dma_start3A_99 = tpu.memref_slice %arg8[%dma_start3A_98] : memref<17280xi32, #tpu.memory_space<vmem>> -> memref<2160xi32, #tpu.memory_space<vmem>>
      %dma_start3A_100 = tpu.memref_slice %arg4[%add3A_97] : memref<5529600xi32, #tpu.memory_space<hbm>> -> memref<2160xi32, #tpu.memory_space<hbm>>
      %dma_start3A_101 = arith.constant 10800 : i32
      %dma_start3A_102 = tpu.memref_slice %arg8[%dma_start3A_101] : memref<17280xi32, #tpu.memory_space<vmem>> -> memref<2160xi32, #tpu.memory_space<vmem>>
      %dma_start3A_103 = tpu.memref_slice %arg4[%add3A_97] : memref<5529600xi32, #tpu.memory_space<hbm>> -> memref<2160xi32, #tpu.memory_space<hbm>>
      tpu.enqueue_dma source(%dma_start3A_103 : memref<2160xi32, #tpu.memory_space<hbm>>) target(%dma_start3A_102 : memref<2160xi32, #tpu.memory_space<vmem>>) target_semaphore(%arg14 : memref<!tpu.dma_semaphore, #tpu.memory_space<semaphore_mem>>)
      %add3A_104 = arith.constant 3456000 : i32
      %add3A_105 = arith.addi %add3A_104, %add3A_16 : i32
      %dma_start3A_106 = arith.constant 10800 : i32
      %dma_start3A_107 = tpu.memref_slice %arg9[%dma_start3A_106] : memref<17280xf32, #tpu.memory_space<vmem>> -> memref<2160xf32, #tpu.memory_space<vmem>>
      %dma_start3A_108 = tpu.memref_slice %arg5[%add3A_105] : memref<5529600xf32, #tpu.memory_space<hbm>> -> memref<2160xf32, #tpu.memory_space<hbm>>
      %dma_start3A_109 = arith.constant 10800 : i32
      %dma_start3A_110 = tpu.memref_slice %arg9[%dma_start3A_109] : memref<17280xf32, #tpu.memory_space<vmem>> -> memref<2160xf32, #tpu.memory_space<vmem>>
      %dma_start3A_111 = tpu.memref_slice %arg5[%add3A_105] : memref<5529600xf32, #tpu.memory_space<hbm>> -> memref<2160xf32, #tpu.memory_space<hbm>>
      tpu.enqueue_dma source(%dma_start3A_111 : memref<2160xf32, #tpu.memory_space<hbm>>) target(%dma_start3A_110 : memref<2160xf32, #tpu.memory_space<vmem>>) target_semaphore(%arg14 : memref<!tpu.dma_semaphore, #tpu.memory_space<semaphore_mem>>)
      %add3A_112 = arith.constant 4147200 : i32
      %add3A_113 = arith.addi %add3A_112, %add3A_16 : i32
      %dma_start3A_114 = arith.constant 12960 : i32
      %dma_start3A_115 = tpu.memref_slice %arg8[%dma_start3A_114] : memref<17280xi32, #tpu.memory_space<vmem>> -> memref<2160xi32, #tpu.memory_space<vmem>>
      %dma_start3A_116 = tpu.memref_slice %arg4[%add3A_113] : memref<5529600xi32, #tpu.memory_space<hbm>> -> memref<2160xi32, #tpu.memory_space<hbm>>
      %dma_start3A_117 = arith.constant 12960 : i32
      %dma_start3A_118 = tpu.memref_slice %arg8[%dma_start3A_117] : memref<17280xi32, #tpu.memory_space<vmem>> -> memref<2160xi32, #tpu.memory_space<vmem>>
      %dma_start3A_119 = tpu.memref_slice %arg4[%add3A_113] : memref<5529600xi32, #tpu.memory_space<hbm>> -> memref<2160xi32, #tpu.memory_space<hbm>>
      tpu.enqueue_dma source(%dma_start3A_119 : memref<2160xi32, #tpu.memory_space<hbm>>) target(%dma_start3A_118 : memref<2160xi32, #tpu.memory_space<vmem>>) target_semaphore(%arg14 : memref<!tpu.dma_semaphore, #tpu.memory_space<semaphore_mem>>)
      %add3A_120 = arith.constant 4147200 : i32
      %add3A_121 = arith.addi %add3A_120, %add3A_16 : i32
      %dma_start3A_122 = arith.constant 12960 : i32
      %dma_start3A_123 = tpu.memref_slice %arg9[%dma_start3A_122] : memref<17280xf32, #tpu.memory_space<vmem>> -> memref<2160xf32, #tpu.memory_space<vmem>>
      %dma_start3A_124 = tpu.memref_slice %arg5[%add3A_121] : memref<5529600xf32, #tpu.memory_space<hbm>> -> memref<2160xf32, #tpu.memory_space<hbm>>
      %dma_start3A_125 = arith.constant 12960 : i32
      %dma_start3A_126 = tpu.memref_slice %arg9[%dma_start3A_125] : memref<17280xf32, #tpu.memory_space<vmem>> -> memref<2160xf32, #tpu.memory_space<vmem>>
      %dma_start3A_127 = tpu.memref_slice %arg5[%add3A_121] : memref<5529600xf32, #tpu.memory_space<hbm>> -> memref<2160xf32, #tpu.memory_space<hbm>>
      tpu.enqueue_dma source(%dma_start3A_127 : memref<2160xf32, #tpu.memory_space<hbm>>) target(%dma_start3A_126 : memref<2160xf32, #tpu.memory_space<vmem>>) target_semaphore(%arg14 : memref<!tpu.dma_semaphore, #tpu.memory_space<semaphore_mem>>)
      %add3A_128 = arith.constant 4838400 : i32
      %add3A_129 = arith.addi %add3A_128, %add3A_16 : i32
      %dma_start3A_130 = arith.constant 15120 : i32
      %dma_start3A_131 = tpu.memref_slice %arg8[%dma_start3A_130] : memref<17280xi32, #tpu.memory_space<vmem>> -> memref<2160xi32, #tpu.memory_space<vmem>>
      %dma_start3A_132 = tpu.memref_slice %arg4[%add3A_129] : memref<5529600xi32, #tpu.memory_space<hbm>> -> memref<2160xi32, #tpu.memory_space<hbm>>
      %dma_start3A_133 = arith.constant 15120 : i32
      %dma_start3A_134 = tpu.memref_slice %arg8[%dma_start3A_133] : memref<17280xi32, #tpu.memory_space<vmem>> -> memref<2160xi32, #tpu.memory_space<vmem>>
      %dma_start3A_135 = tpu.memref_slice %arg4[%add3A_129] : memref<5529600xi32, #tpu.memory_space<hbm>> -> memref<2160xi32, #tpu.memory_space<hbm>>
      tpu.enqueue_dma source(%dma_start3A_135 : memref<2160xi32, #tpu.memory_space<hbm>>) target(%dma_start3A_134 : memref<2160xi32, #tpu.memory_space<vmem>>) target_semaphore(%arg14 : memref<!tpu.dma_semaphore, #tpu.memory_space<semaphore_mem>>)
      %add3A_136 = arith.constant 4838400 : i32
      %add3A_137 = arith.addi %add3A_136, %add3A_16 : i32
      %dma_start3A_138 = arith.constant 15120 : i32
      %dma_start3A_139 = tpu.memref_slice %arg9[%dma_start3A_138] : memref<17280xf32, #tpu.memory_space<vmem>> -> memref<2160xf32, #tpu.memory_space<vmem>>
      %dma_start3A_140 = tpu.memref_slice %arg5[%add3A_137] : memref<5529600xf32, #tpu.memory_space<hbm>> -> memref<2160xf32, #tpu.memory_space<hbm>>
      %dma_start3A_141 = arith.constant 15120 : i32
      %dma_start3A_142 = tpu.memref_slice %arg9[%dma_start3A_141] : memref<17280xf32, #tpu.memory_space<vmem>> -> memref<2160xf32, #tpu.memory_space<vmem>>
      %dma_start3A_143 = tpu.memref_slice %arg5[%add3A_137] : memref<5529600xf32, #tpu.memory_space<hbm>> -> memref<2160xf32, #tpu.memory_space<hbm>>
      tpu.enqueue_dma source(%dma_start3A_143 : memref<2160xf32, #tpu.memory_space<hbm>>) target(%dma_start3A_142 : memref<2160xf32, #tpu.memory_space<vmem>>) target_semaphore(%arg14 : memref<!tpu.dma_semaphore, #tpu.memory_space<semaphore_mem>>)
      %dma_wait3A = arith.constant 0 : i32
      %dma_wait3A_144 = tpu.memref_slice %arg4[%dma_wait3A] : memref<5529600xi32, #tpu.memory_space<hbm>> -> memref<17280xi32, #tpu.memory_space<hbm>>
      %dma_wait3A_145 = arith.constant 0 : i32
      %dma_wait3A_146 = tpu.memref_slice %arg4[%dma_wait3A_145] : memref<5529600xi32, #tpu.memory_space<hbm>> -> memref<17280xi32, #tpu.memory_space<hbm>>
      tpu.wait_dma2 semaphore(%arg14 : memref<!tpu.dma_semaphore, #tpu.memory_space<semaphore_mem>>) src(%dma_wait3A_146 : memref<17280xi32, #tpu.memory_space<hbm>>) dst(%arg8 : memref<17280xi32, #tpu.memory_space<vmem>>)
      %dma_wait3A_147 = arith.constant 0 : i32
      %dma_wait3A_148 = tpu.memref_slice %arg5[%dma_wait3A_147] : memref<5529600xf32, #tpu.memory_space<hbm>> -> memref<17280xf32, #tpu.memory_space<hbm>>
      %dma_wait3A_149 = arith.constant 0 : i32
      %dma_wait3A_150 = tpu.memref_slice %arg5[%dma_wait3A_149] : memref<5529600xf32, #tpu.memory_space<hbm>> -> memref<17280xf32, #tpu.memory_space<hbm>>
      tpu.wait_dma2 semaphore(%arg14 : memref<!tpu.dma_semaphore, #tpu.memory_space<semaphore_mem>>) src(%dma_wait3A_150 : memref<17280xf32, #tpu.memory_space<hbm>>) dst(%arg9 : memref<17280xf32, #tpu.memory_space<vmem>>)
      %while3A_151 = arith.constant 0 : i32
      %while3A_152 = arith.constant 0 : i32
      %while3A_153 = arith.constant 9 : i32
      %while3A_154 = arith.subi %while3A_153, %while3A_152 : i32
      %while3A_155 = arith.addi %while3A_152, %while3A_154 : i32
      %while3A_156 = arith.constant 1 : i32
      %while3A_157 = arith.divsi %while3A_154, %while3A_156 : i32
      %while3A_158 = arith.muli %while3A_157, %while3A_156 : i32
      %while3A_159 = arith.addi %while3A_152, %while3A_158 : i32
      %while3A_160 = arith.constant 1 : i32
      scf.for %while3A_173 = %while3A_152 to %while3A_159 step %while3A_160  : i32 {
        %mul3A_174 = arith.constant 1920 : i32
        %mul3A_175 = arith.muli %while3A_173, %mul3A_174 : i32
        %add3A_176 = arith.constant 0 : i32
        %add3A_177 = arith.addi %mul3A_175, %add3A_176 : i32
        %dma_start3A_178 = tpu.memref_slice %arg10[%add3A_177] : memref<17280xf32, #tpu.memory_space<vmem>> -> memref<128xf32, #tpu.memory_space<vmem>>
        %dma_start3A_179 = tpu.memref_slice %arg8[%add3A_177] : memref<17280xi32, #tpu.memory_space<vmem>> -> memref<128xi32, #tpu.memory_space<vmem>>
        %dma_start3A_180 = arith.constant 0 : i32
        %dma_start3A_181 = tpu.memref_slice %arg2[%dma_start3A_180] : memref<16777216xf32, #tpu.memory_space<hbm>> -> memref<16777216xf32, #tpu.memory_space<hbm>>
        tpu.enqueue_indirect_dma source(%dma_start3A_181 : memref<16777216xf32, #tpu.memory_space<hbm>>) target(%dma_start3A_178 : memref<128xf32, #tpu.memory_space<vmem>>) offsets(%dma_start3A_179 : memref<128xi32, #tpu.memory_space<vmem>>) semaphore(%arg15 : memref<!tpu.dma_semaphore, #tpu.memory_space<semaphore_mem>>)
        %dma_start3A_182 = tpu.memref_slice %arg11[%add3A_177] : memref<17280xf32, #tpu.memory_space<vmem>> -> memref<128xf32, #tpu.memory_space<vmem>>
        %dma_start3A_183 = tpu.memref_slice %arg8[%add3A_177] : memref<17280xi32, #tpu.memory_space<vmem>> -> memref<128xi32, #tpu.memory_space<vmem>>
        %dma_start3A_184 = arith.constant 0 : i32
        %dma_start3A_185 = tpu.memref_slice %arg3[%dma_start3A_184] : memref<16777216xf32, #tpu.memory_space<hbm>> -> memref<16777216xf32, #tpu.memory_space<hbm>>
        tpu.enqueue_indirect_dma source(%dma_start3A_185 : memref<16777216xf32, #tpu.memory_space<hbm>>) target(%dma_start3A_182 : memref<128xf32, #tpu.memory_space<vmem>>) offsets(%dma_start3A_183 : memref<128xi32, #tpu.memory_space<vmem>>) semaphore(%arg15 : memref<!tpu.dma_semaphore, #tpu.memory_space<semaphore_mem>>)
        %add3A_186 = arith.constant 128 : i32
        %add3A_187 = arith.addi %mul3A_175, %add3A_186 : i32
        %dma_start3A_188 = tpu.memref_slice %arg10[%add3A_187] : memref<17280xf32, #tpu.memory_space<vmem>> -> memref<128xf32, #tpu.memory_space<vmem>>
        %dma_start3A_189 = tpu.memref_slice %arg8[%add3A_187] : memref<17280xi32, #tpu.memory_space<vmem>> -> memref<128xi32, #tpu.memory_space<vmem>>
        %dma_start3A_190 = arith.constant 0 : i32
        %dma_start3A_191 = tpu.memref_slice %arg2[%dma_start3A_190] : memref<16777216xf32, #tpu.memory_space<hbm>> -> memref<16777216xf32, #tpu.memory_space<hbm>>
        tpu.enqueue_indirect_dma source(%dma_start3A_191 : memref<16777216xf32, #tpu.memory_space<hbm>>) target(%dma_start3A_188 : memref<128xf32, #tpu.memory_space<vmem>>) offsets(%dma_start3A_189 : memref<128xi32, #tpu.memory_space<vmem>>) semaphore(%arg15 : memref<!tpu.dma_semaphore, #tpu.memory_space<semaphore_mem>>)
        %dma_start3A_192 = tpu.memref_slice %arg11[%add3A_187] : memref<17280xf32, #tpu.memory_space<vmem>> -> memref<128xf32, #tpu.memory_space<vmem>>
        %dma_start3A_193 = tpu.memref_slice %arg8[%add3A_187] : memref<17280xi32, #tpu.memory_space<vmem>> -> memref<128xi32, #tpu.memory_space<vmem>>
        %dma_start3A_194 = arith.constant 0 : i32
        %dma_start3A_195 = tpu.memref_slice %arg3[%dma_start3A_194] : memref<16777216xf32, #tpu.memory_space<hbm>> -> memref<16777216xf32, #tpu.memory_space<hbm>>
        tpu.enqueue_indirect_dma source(%dma_start3A_195 : memref<16777216xf32, #tpu.memory_space<hbm>>) target(%dma_start3A_192 : memref<128xf32, #tpu.memory_space<vmem>>) offsets(%dma_start3A_193 : memref<128xi32, #tpu.memory_space<vmem>>) semaphore(%arg15 : memref<!tpu.dma_semaphore, #tpu.memory_space<semaphore_mem>>)
        %add3A_196 = arith.constant 256 : i32
        %add3A_197 = arith.addi %mul3A_175, %add3A_196 : i32
        %dma_start3A_198 = tpu.memref_slice %arg10[%add3A_197] : memref<17280xf32, #tpu.memory_space<vmem>> -> memref<128xf32, #tpu.memory_space<vmem>>
        %dma_start3A_199 = tpu.memref_slice %arg8[%add3A_197] : memref<17280xi32, #tpu.memory_space<vmem>> -> memref<128xi32, #tpu.memory_space<vmem>>
        %dma_start3A_200 = arith.constant 0 : i32
        %dma_start3A_201 = tpu.memref_slice %arg2[%dma_start3A_200] : memref<16777216xf32, #tpu.memory_space<hbm>> -> memref<16777216xf32, #tpu.memory_space<hbm>>
        tpu.enqueue_indirect_dma source(%dma_start3A_201 : memref<16777216xf32, #tpu.memory_space<hbm>>) target(%dma_start3A_198 : memref<128xf32, #tpu.memory_space<vmem>>) offsets(%dma_start3A_199 : memref<128xi32, #tpu.memory_space<vmem>>) semaphore(%arg15 : memref<!tpu.dma_semaphore, #tpu.memory_space<semaphore_mem>>)
        %dma_start3A_202 = tpu.memref_slice %arg11[%add3A_197] : memref<17280xf32, #tpu.memory_space<vmem>> -> memref<128xf32, #tpu.memory_space<vmem>>
        %dma_start3A_203 = tpu.memref_slice %arg8[%add3A_197] : memref<17280xi32, #tpu.memory_space<vmem>> -> memref<128xi32, #tpu.memory_space<vmem>>
        %dma_start3A_204 = arith.constant 0 : i32
        %dma_start3A_205 = tpu.memref_slice %arg3[%dma_start3A_204] : memref<16777216xf32, #tpu.memory_space<hbm>> -> memref<16777216xf32, #tpu.memory_space<hbm>>
        tpu.enqueue_indirect_dma source(%dma_start3A_205 : memref<16777216xf32, #tpu.memory_space<hbm>>) target(%dma_start3A_202 : memref<128xf32, #tpu.memory_space<vmem>>) offsets(%dma_start3A_203 : memref<128xi32, #tpu.memory_space<vmem>>) semaphore(%arg15 : memref<!tpu.dma_semaphore, #tpu.memory_space<semaphore_mem>>)
        %add3A_206 = arith.constant 384 : i32
        %add3A_207 = arith.addi %mul3A_175, %add3A_206 : i32
        %dma_start3A_208 = tpu.memref_slice %arg10[%add3A_207] : memref<17280xf32, #tpu.memory_space<vmem>> -> memref<128xf32, #tpu.memory_space<vmem>>
        %dma_start3A_209 = tpu.memref_slice %arg8[%add3A_207] : memref<17280xi32, #tpu.memory_space<vmem>> -> memref<128xi32, #tpu.memory_space<vmem>>
        %dma_start3A_210 = arith.constant 0 : i32
        %dma_start3A_211 = tpu.memref_slice %arg2[%dma_start3A_210] : memref<16777216xf32, #tpu.memory_space<hbm>> -> memref<16777216xf32, #tpu.memory_space<hbm>>
        tpu.enqueue_indirect_dma source(%dma_start3A_211 : memref<16777216xf32, #tpu.memory_space<hbm>>) target(%dma_start3A_208 : memref<128xf32, #tpu.memory_space<vmem>>) offsets(%dma_start3A_209 : memref<128xi32, #tpu.memory_space<vmem>>) semaphore(%arg15 : memref<!tpu.dma_semaphore, #tpu.memory_space<semaphore_mem>>)
        %dma_start3A_212 = tpu.memref_slice %arg11[%add3A_207] : memref<17280xf32, #tpu.memory_space<vmem>> -> memref<128xf32, #tpu.memory_space<vmem>>
        %dma_start3A_213 = tpu.memref_slice %arg8[%add3A_207] : memref<17280xi32, #tpu.memory_space<vmem>> -> memref<128xi32, #tpu.memory_space<vmem>>
        %dma_start3A_214 = arith.constant 0 : i32
        %dma_start3A_215 = tpu.memref_slice %arg3[%dma_start3A_214] : memref<16777216xf32, #tpu.memory_space<hbm>> -> memref<16777216xf32, #tpu.memory_space<hbm>>
        tpu.enqueue_indirect_dma source(%dma_start3A_215 : memref<16777216xf32, #tpu.memory_space<hbm>>) target(%dma_start3A_212 : memref<128xf32, #tpu.memory_space<vmem>>) offsets(%dma_start3A_213 : memref<128xi32, #tpu.memory_space<vmem>>) semaphore(%arg15 : memref<!tpu.dma_semaphore, #tpu.memory_space<semaphore_mem>>)
        %add3A_216 = arith.constant 512 : i32
        %add3A_217 = arith.addi %mul3A_175, %add3A_216 : i32
        %dma_start3A_218 = tpu.memref_slice %arg10[%add3A_217] : memref<17280xf32, #tpu.memory_space<vmem>> -> memref<128xf32, #tpu.memory_space<vmem>>
        %dma_start3A_219 = tpu.memref_slice %arg8[%add3A_217] : memref<17280xi32, #tpu.memory_space<vmem>> -> memref<128xi32, #tpu.memory_space<vmem>>
        %dma_start3A_220 = arith.constant 0 : i32
        %dma_start3A_221 = tpu.memref_slice %arg2[%dma_start3A_220] : memref<16777216xf32, #tpu.memory_space<hbm>> -> memref<16777216xf32, #tpu.memory_space<hbm>>
        tpu.enqueue_indirect_dma source(%dma_start3A_221 : memref<16777216xf32, #tpu.memory_space<hbm>>) target(%dma_start3A_218 : memref<128xf32, #tpu.memory_space<vmem>>) offsets(%dma_start3A_219 : memref<128xi32, #tpu.memory_space<vmem>>) semaphore(%arg15 : memref<!tpu.dma_semaphore, #tpu.memory_space<semaphore_mem>>)
        %dma_start3A_222 = tpu.memref_slice %arg11[%add3A_217] : memref<17280xf32, #tpu.memory_space<vmem>> -> memref<128xf32, #tpu.memory_space<vmem>>
        %dma_start3A_223 = tpu.memref_slice %arg8[%add3A_217] : memref<17280xi32, #tpu.memory_space<vmem>> -> memref<128xi32, #tpu.memory_space<vmem>>
        %dma_start3A_224 = arith.constant 0 : i32
        %dma_start3A_225 = tpu.memref_slice %arg3[%dma_start3A_224] : memref<16777216xf32, #tpu.memory_space<hbm>> -> memref<16777216xf32, #tpu.memory_space<hbm>>
        tpu.enqueue_indirect_dma source(%dma_start3A_225 : memref<16777216xf32, #tpu.memory_space<hbm>>) target(%dma_start3A_222 : memref<128xf32, #tpu.memory_space<vmem>>) offsets(%dma_start3A_223 : memref<128xi32, #tpu.memory_space<vmem>>) semaphore(%arg15 : memref<!tpu.dma_semaphore, #tpu.memory_space<semaphore_mem>>)
        %add3A_226 = arith.constant 640 : i32
        %add3A_227 = arith.addi %mul3A_175, %add3A_226 : i32
        %dma_start3A_228 = tpu.memref_slice %arg10[%add3A_227] : memref<17280xf32, #tpu.memory_space<vmem>> -> memref<128xf32, #tpu.memory_space<vmem>>
        %dma_start3A_229 = tpu.memref_slice %arg8[%add3A_227] : memref<17280xi32, #tpu.memory_space<vmem>> -> memref<128xi32, #tpu.memory_space<vmem>>
        %dma_start3A_230 = arith.constant 0 : i32
        %dma_start3A_231 = tpu.memref_slice %arg2[%dma_start3A_230] : memref<16777216xf32, #tpu.memory_space<hbm>> -> memref<16777216xf32, #tpu.memory_space<hbm>>
        tpu.enqueue_indirect_dma source(%dma_start3A_231 : memref<16777216xf32, #tpu.memory_space<hbm>>) target(%dma_start3A_228 : memref<128xf32, #tpu.memory_space<vmem>>) offsets(%dma_start3A_229 : memref<128xi32, #tpu.memory_space<vmem>>) semaphore(%arg15 : memref<!tpu.dma_semaphore, #tpu.memory_space<semaphore_mem>>)
        %dma_start3A_232 = tpu.memref_slice %arg11[%add3A_227] : memref<17280xf32, #tpu.memory_space<vmem>> -> memref<128xf32, #tpu.memory_space<vmem>>
        %dma_start3A_233 = tpu.memref_slice %arg8[%add3A_227] : memref<17280xi32, #tpu.memory_space<vmem>> -> memref<128xi32, #tpu.memory_space<vmem>>
        %dma_start3A_234 = arith.constant 0 : i32
        %dma_start3A_235 = tpu.memref_slice %arg3[%dma_start3A_234] : memref<16777216xf32, #tpu.memory_space<hbm>> -> memref<16777216xf32, #tpu.memory_space<hbm>>
        tpu.enqueue_indirect_dma source(%dma_start3A_235 : memref<16777216xf32, #tpu.memory_space<hbm>>) target(%dma_start3A_232 : memref<128xf32, #tpu.memory_space<vmem>>) offsets(%dma_start3A_233 : memref<128xi32, #tpu.memory_space<vmem>>) semaphore(%arg15 : memref<!tpu.dma_semaphore, #tpu.memory_space<semaphore_mem>>)
        %add3A_236 = arith.constant 768 : i32
        %add3A_237 = arith.addi %mul3A_175, %add3A_236 : i32
        %dma_start3A_238 = tpu.memref_slice %arg10[%add3A_237] : memref<17280xf32, #tpu.memory_space<vmem>> -> memref<128xf32, #tpu.memory_space<vmem>>
        %dma_start3A_239 = tpu.memref_slice %arg8[%add3A_237] : memref<17280xi32, #tpu.memory_space<vmem>> -> memref<128xi32, #tpu.memory_space<vmem>>
        %dma_start3A_240 = arith.constant 0 : i32
        %dma_start3A_241 = tpu.memref_slice %arg2[%dma_start3A_240] : memref<16777216xf32, #tpu.memory_space<hbm>> -> memref<16777216xf32, #tpu.memory_space<hbm>>
        tpu.enqueue_indirect_dma source(%dma_start3A_241 : memref<16777216xf32, #tpu.memory_space<hbm>>) target(%dma_start3A_238 : memref<128xf32, #tpu.memory_space<vmem>>) offsets(%dma_start3A_239 : memref<128xi32, #tpu.memory_space<vmem>>) semaphore(%arg15 : memref<!tpu.dma_semaphore, #tpu.memory_space<semaphore_mem>>)
        %dma_start3A_242 = tpu.memref_slice %arg11[%add3A_237] : memref<17280xf32, #tpu.memory_space<vmem>> -> memref<128xf32, #tpu.memory_space<vmem>>
        %dma_start3A_243 = tpu.memref_slice %arg8[%add3A_237] : memref<17280xi32, #tpu.memory_space<vmem>> -> memref<128xi32, #tpu.memory_space<vmem>>
        %dma_start3A_244 = arith.constant 0 : i32
        %dma_start3A_245 = tpu.memref_slice %arg3[%dma_start3A_244] : memref<16777216xf32, #tpu.memory_space<hbm>> -> memref<16777216xf32, #tpu.memory_space<hbm>>
        tpu.enqueue_indirect_dma source(%dma_start3A_245 : memref<16777216xf32, #tpu.memory_space<hbm>>) target(%dma_start3A_242 : memref<128xf32, #tpu.memory_space<vmem>>) offsets(%dma_start3A_243 : memref<128xi32, #tpu.memory_space<vmem>>) semaphore(%arg15 : memref<!tpu.dma_semaphore, #tpu.memory_space<semaphore_mem>>)
        %add3A_246 = arith.constant 896 : i32
        %add3A_247 = arith.addi %mul3A_175, %add3A_246 : i32
        %dma_start3A_248 = tpu.memref_slice %arg10[%add3A_247] : memref<17280xf32, #tpu.memory_space<vmem>> -> memref<128xf32, #tpu.memory_space<vmem>>
        %dma_start3A_249 = tpu.memref_slice %arg8[%add3A_247] : memref<17280xi32, #tpu.memory_space<vmem>> -> memref<128xi32, #tpu.memory_space<vmem>>
        %dma_start3A_250 = arith.constant 0 : i32
        %dma_start3A_251 = tpu.memref_slice %arg2[%dma_start3A_250] : memref<16777216xf32, #tpu.memory_space<hbm>> -> memref<16777216xf32, #tpu.memory_space<hbm>>
        tpu.enqueue_indirect_dma source(%dma_start3A_251 : memref<16777216xf32, #tpu.memory_space<hbm>>) target(%dma_start3A_248 : memref<128xf32, #tpu.memory_space<vmem>>) offsets(%dma_start3A_249 : memref<128xi32, #tpu.memory_space<vmem>>) semaphore(%arg15 : memref<!tpu.dma_semaphore, #tpu.memory_space<semaphore_mem>>)
        %dma_start3A_252 = tpu.memref_slice %arg11[%add3A_247] : memref<17280xf32, #tpu.memory_space<vmem>> -> memref<128xf32, #tpu.memory_space<vmem>>
        %dma_start3A_253 = tpu.memref_slice %arg8[%add3A_247] : memref<17280xi32, #tpu.memory_space<vmem>> -> memref<128xi32, #tpu.memory_space<vmem>>
        %dma_start3A_254 = arith.constant 0 : i32
        %dma_start3A_255 = tpu.memref_slice %arg3[%dma_start3A_254] : memref<16777216xf32, #tpu.memory_space<hbm>> -> memref<16777216xf32, #tpu.memory_space<hbm>>
        tpu.enqueue_indirect_dma source(%dma_start3A_255 : memref<16777216xf32, #tpu.memory_space<hbm>>) target(%dma_start3A_252 : memref<128xf32, #tpu.memory_space<vmem>>) offsets(%dma_start3A_253 : memref<128xi32, #tpu.memory_space<vmem>>) semaphore(%arg15 : memref<!tpu.dma_semaphore, #tpu.memory_space<semaphore_mem>>)
        %add3A_256 = arith.constant 1024 : i32
        %add3A_257 = arith.addi %mul3A_175, %add3A_256 : i32
        %dma_start3A_258 = tpu.memref_slice %arg10[%add3A_257] : memref<17280xf32, #tpu.memory_space<vmem>> -> memref<128xf32, #tpu.memory_space<vmem>>
        %dma_start3A_259 = tpu.memref_slice %arg8[%add3A_257] : memref<17280xi32, #tpu.memory_space<vmem>> -> memref<128xi32, #tpu.memory_space<vmem>>
        %dma_start3A_260 = arith.constant 0 : i32
        %dma_start3A_261 = tpu.memref_slice %arg2[%dma_start3A_260] : memref<16777216xf32, #tpu.memory_space<hbm>> -> memref<16777216xf32, #tpu.memory_space<hbm>>
        tpu.enqueue_indirect_dma source(%dma_start3A_261 : memref<16777216xf32, #tpu.memory_space<hbm>>) target(%dma_start3A_258 : memref<128xf32, #tpu.memory_space<vmem>>) offsets(%dma_start3A_259 : memref<128xi32, #tpu.memory_space<vmem>>) semaphore(%arg15 : memref<!tpu.dma_semaphore, #tpu.memory_space<semaphore_mem>>)
        %dma_start3A_262 = tpu.memref_slice %arg11[%add3A_257] : memref<17280xf32, #tpu.memory_space<vmem>> -> memref<128xf32, #tpu.memory_space<vmem>>
        %dma_start3A_263 = tpu.memref_slice %arg8[%add3A_257] : memref<17280xi32, #tpu.memory_space<vmem>> -> memref<128xi32, #tpu.memory_space<vmem>>
        %dma_start3A_264 = arith.constant 0 : i32
        %dma_start3A_265 = tpu.memref_slice %arg3[%dma_start3A_264] : memref<16777216xf32, #tpu.memory_space<hbm>> -> memref<16777216xf32, #tpu.memory_space<hbm>>
        tpu.enqueue_indirect_dma source(%dma_start3A_265 : memref<16777216xf32, #tpu.memory_space<hbm>>) target(%dma_start3A_262 : memref<128xf32, #tpu.memory_space<vmem>>) offsets(%dma_start3A_263 : memref<128xi32, #tpu.memory_space<vmem>>) semaphore(%arg15 : memref<!tpu.dma_semaphore, #tpu.memory_space<semaphore_mem>>)
        %add3A_266 = arith.constant 1152 : i32
        %add3A_267 = arith.addi %mul3A_175, %add3A_266 : i32
        %dma_start3A_268 = tpu.memref_slice %arg10[%add3A_267] : memref<17280xf32, #tpu.memory_space<vmem>> -> memref<128xf32, #tpu.memory_space<vmem>>
        %dma_start3A_269 = tpu.memref_slice %arg8[%add3A_267] : memref<17280xi32, #tpu.memory_space<vmem>> -> memref<128xi32, #tpu.memory_space<vmem>>
        %dma_start3A_270 = arith.constant 0 : i32
        %dma_start3A_271 = tpu.memref_slice %arg2[%dma_start3A_270] : memref<16777216xf32, #tpu.memory_space<hbm>> -> memref<16777216xf32, #tpu.memory_space<hbm>>
        tpu.enqueue_indirect_dma source(%dma_start3A_271 : memref<16777216xf32, #tpu.memory_space<hbm>>) target(%dma_start3A_268 : memref<128xf32, #tpu.memory_space<vmem>>) offsets(%dma_start3A_269 : memref<128xi32, #tpu.memory_space<vmem>>) semaphore(%arg15 : memref<!tpu.dma_semaphore, #tpu.memory_space<semaphore_mem>>)
        %dma_start3A_272 = tpu.memref_slice %arg11[%add3A_267] : memref<17280xf32, #tpu.memory_space<vmem>> -> memref<128xf32, #tpu.memory_space<vmem>>
        %dma_start3A_273 = tpu.memref_slice %arg8[%add3A_267] : memref<17280xi32, #tpu.memory_space<vmem>> -> memref<128xi32, #tpu.memory_space<vmem>>
        %dma_start3A_274 = arith.constant 0 : i32
        %dma_start3A_275 = tpu.memref_slice %arg3[%dma_start3A_274] : memref<16777216xf32, #tpu.memory_space<hbm>> -> memref<16777216xf32, #tpu.memory_space<hbm>>
        tpu.enqueue_indirect_dma source(%dma_start3A_275 : memref<16777216xf32, #tpu.memory_space<hbm>>) target(%dma_start3A_272 : memref<128xf32, #tpu.memory_space<vmem>>) offsets(%dma_start3A_273 : memref<128xi32, #tpu.memory_space<vmem>>) semaphore(%arg15 : memref<!tpu.dma_semaphore, #tpu.memory_space<semaphore_mem>>)
        %add3A_276 = arith.constant 1280 : i32
        %add3A_277 = arith.addi %mul3A_175, %add3A_276 : i32
        %dma_start3A_278 = tpu.memref_slice %arg10[%add3A_277] : memref<17280xf32, #tpu.memory_space<vmem>> -> memref<128xf32, #tpu.memory_space<vmem>>
        %dma_start3A_279 = tpu.memref_slice %arg8[%add3A_277] : memref<17280xi32, #tpu.memory_space<vmem>> -> memref<128xi32, #tpu.memory_space<vmem>>
        %dma_start3A_280 = arith.constant 0 : i32
        %dma_start3A_281 = tpu.memref_slice %arg2[%dma_start3A_280] : memref<16777216xf32, #tpu.memory_space<hbm>> -> memref<16777216xf32, #tpu.memory_space<hbm>>
        tpu.enqueue_indirect_dma source(%dma_start3A_281 : memref<16777216xf32, #tpu.memory_space<hbm>>) target(%dma_start3A_278 : memref<128xf32, #tpu.memory_space<vmem>>) offsets(%dma_start3A_279 : memref<128xi32, #tpu.memory_space<vmem>>) semaphore(%arg15 : memref<!tpu.dma_semaphore, #tpu.memory_space<semaphore_mem>>)
        %dma_start3A_282 = tpu.memref_slice %arg11[%add3A_277] : memref<17280xf32, #tpu.memory_space<vmem>> -> memref<128xf32, #tpu.memory_space<vmem>>
        %dma_start3A_283 = tpu.memref_slice %arg8[%add3A_277] : memref<17280xi32, #tpu.memory_space<vmem>> -> memref<128xi32, #tpu.memory_space<vmem>>
        %dma_start3A_284 = arith.constant 0 : i32
        %dma_start3A_285 = tpu.memref_slice %arg3[%dma_start3A_284] : memref<16777216xf32, #tpu.memory_space<hbm>> -> memref<16777216xf32, #tpu.memory_space<hbm>>
        tpu.enqueue_indirect_dma source(%dma_start3A_285 : memref<16777216xf32, #tpu.memory_space<hbm>>) target(%dma_start3A_282 : memref<128xf32, #tpu.memory_space<vmem>>) offsets(%dma_start3A_283 : memref<128xi32, #tpu.memory_space<vmem>>) semaphore(%arg15 : memref<!tpu.dma_semaphore, #tpu.memory_space<semaphore_mem>>)
        %add3A_286 = arith.constant 1408 : i32
        %add3A_287 = arith.addi %mul3A_175, %add3A_286 : i32
        %dma_start3A_288 = tpu.memref_slice %arg10[%add3A_287] : memref<17280xf32, #tpu.memory_space<vmem>> -> memref<128xf32, #tpu.memory_space<vmem>>
        %dma_start3A_289 = tpu.memref_slice %arg8[%add3A_287] : memref<17280xi32, #tpu.memory_space<vmem>> -> memref<128xi32, #tpu.memory_space<vmem>>
        %dma_start3A_290 = arith.constant 0 : i32
        %dma_start3A_291 = tpu.memref_slice %arg2[%dma_start3A_290] : memref<16777216xf32, #tpu.memory_space<hbm>> -> memref<16777216xf32, #tpu.memory_space<hbm>>
        tpu.enqueue_indirect_dma source(%dma_start3A_291 : memref<16777216xf32, #tpu.memory_space<hbm>>) target(%dma_start3A_288 : memref<128xf32, #tpu.memory_space<vmem>>) offsets(%dma_start3A_289 : memref<128xi32, #tpu.memory_space<vmem>>) semaphore(%arg15 : memref<!tpu.dma_semaphore, #tpu.memory_space<semaphore_mem>>)
        %dma_start3A_292 = tpu.memref_slice %arg11[%add3A_287] : memref<17280xf32, #tpu.memory_space<vmem>> -> memref<128xf32, #tpu.memory_space<vmem>>
        %dma_start3A_293 = tpu.memref_slice %arg8[%add3A_287] : memref<17280xi32, #tpu.memory_space<vmem>> -> memref<128xi32, #tpu.memory_space<vmem>>
        %dma_start3A_294 = arith.constant 0 : i32
        %dma_start3A_295 = tpu.memref_slice %arg3[%dma_start3A_294] : memref<16777216xf32, #tpu.memory_space<hbm>> -> memref<16777216xf32, #tpu.memory_space<hbm>>
        tpu.enqueue_indirect_dma source(%dma_start3A_295 : memref<16777216xf32, #tpu.memory_space<hbm>>) target(%dma_start3A_292 : memref<128xf32, #tpu.memory_space<vmem>>) offsets(%dma_start3A_293 : memref<128xi32, #tpu.memory_space<vmem>>) semaphore(%arg15 : memref<!tpu.dma_semaphore, #tpu.memory_space<semaphore_mem>>)
        %add3A_296 = arith.constant 1536 : i32
        %add3A_297 = arith.addi %mul3A_175, %add3A_296 : i32
        %dma_start3A_298 = tpu.memref_slice %arg10[%add3A_297] : memref<17280xf32, #tpu.memory_space<vmem>> -> memref<128xf32, #tpu.memory_space<vmem>>
        %dma_start3A_299 = tpu.memref_slice %arg8[%add3A_297] : memref<17280xi32, #tpu.memory_space<vmem>> -> memref<128xi32, #tpu.memory_space<vmem>>
        %dma_start3A_300 = arith.constant 0 : i32
        %dma_start3A_301 = tpu.memref_slice %arg2[%dma_start3A_300] : memref<16777216xf32, #tpu.memory_space<hbm>> -> memref<16777216xf32, #tpu.memory_space<hbm>>
        tpu.enqueue_indirect_dma source(%dma_start3A_301 : memref<16777216xf32, #tpu.memory_space<hbm>>) target(%dma_start3A_298 : memref<128xf32, #tpu.memory_space<vmem>>) offsets(%dma_start3A_299 : memref<128xi32, #tpu.memory_space<vmem>>) semaphore(%arg15 : memref<!tpu.dma_semaphore, #tpu.memory_space<semaphore_mem>>)
        %dma_start3A_302 = tpu.memref_slice %arg11[%add3A_297] : memref<17280xf32, #tpu.memory_space<vmem>> -> memref<128xf32, #tpu.memory_space<vmem>>
        %dma_start3A_303 = tpu.memref_slice %arg8[%add3A_297] : memref<17280xi32, #tpu.memory_space<vmem>> -> memref<128xi32, #tpu.memory_space<vmem>>
        %dma_start3A_304 = arith.constant 0 : i32
        %dma_start3A_305 = tpu.memref_slice %arg3[%dma_start3A_304] : memref<16777216xf32, #tpu.memory_space<hbm>> -> memref<16777216xf32, #tpu.memory_space<hbm>>
        tpu.enqueue_indirect_dma source(%dma_start3A_305 : memref<16777216xf32, #tpu.memory_space<hbm>>) target(%dma_start3A_302 : memref<128xf32, #tpu.memory_space<vmem>>) offsets(%dma_start3A_303 : memref<128xi32, #tpu.memory_space<vmem>>) semaphore(%arg15 : memref<!tpu.dma_semaphore, #tpu.memory_space<semaphore_mem>>)
        %add3A_306 = arith.constant 1664 : i32
        %add3A_307 = arith.addi %mul3A_175, %add3A_306 : i32
        %dma_start3A_308 = tpu.memref_slice %arg10[%add3A_307] : memref<17280xf32, #tpu.memory_space<vmem>> -> memref<128xf32, #tpu.memory_space<vmem>>
        %dma_start3A_309 = tpu.memref_slice %arg8[%add3A_307] : memref<17280xi32, #tpu.memory_space<vmem>> -> memref<128xi32, #tpu.memory_space<vmem>>
        %dma_start3A_310 = arith.constant 0 : i32
        %dma_start3A_311 = tpu.memref_slice %arg2[%dma_start3A_310] : memref<16777216xf32, #tpu.memory_space<hbm>> -> memref<16777216xf32, #tpu.memory_space<hbm>>
        tpu.enqueue_indirect_dma source(%dma_start3A_311 : memref<16777216xf32, #tpu.memory_space<hbm>>) target(%dma_start3A_308 : memref<128xf32, #tpu.memory_space<vmem>>) offsets(%dma_start3A_309 : memref<128xi32, #tpu.memory_space<vmem>>) semaphore(%arg15 : memref<!tpu.dma_semaphore, #tpu.memory_space<semaphore_mem>>)
        %dma_start3A_312 = tpu.memref_slice %arg11[%add3A_307] : memref<17280xf32, #tpu.memory_space<vmem>> -> memref<128xf32, #tpu.memory_space<vmem>>
        %dma_start3A_313 = tpu.memref_slice %arg8[%add3A_307] : memref<17280xi32, #tpu.memory_space<vmem>> -> memref<128xi32, #tpu.memory_space<vmem>>
        %dma_start3A_314 = arith.constant 0 : i32
        %dma_start3A_315 = tpu.memref_slice %arg3[%dma_start3A_314] : memref<16777216xf32, #tpu.memory_space<hbm>> -> memref<16777216xf32, #tpu.memory_space<hbm>>
        tpu.enqueue_indirect_dma source(%dma_start3A_315 : memref<16777216xf32, #tpu.memory_space<hbm>>) target(%dma_start3A_312 : memref<128xf32, #tpu.memory_space<vmem>>) offsets(%dma_start3A_313 : memref<128xi32, #tpu.memory_space<vmem>>) semaphore(%arg15 : memref<!tpu.dma_semaphore, #tpu.memory_space<semaphore_mem>>)
        %add3A_316 = arith.constant 1792 : i32
        %add3A_317 = arith.addi %mul3A_175, %add3A_316 : i32
        %dma_start3A_318 = tpu.memref_slice %arg10[%add3A_317] : memref<17280xf32, #tpu.memory_space<vmem>> -> memref<128xf32, #tpu.memory_space<vmem>>
        %dma_start3A_319 = tpu.memref_slice %arg8[%add3A_317] : memref<17280xi32, #tpu.memory_space<vmem>> -> memref<128xi32, #tpu.memory_space<vmem>>
        %dma_start3A_320 = arith.constant 0 : i32
        %dma_start3A_321 = tpu.memref_slice %arg2[%dma_start3A_320] : memref<16777216xf32, #tpu.memory_space<hbm>> -> memref<16777216xf32, #tpu.memory_space<hbm>>
        tpu.enqueue_indirect_dma source(%dma_start3A_321 : memref<16777216xf32, #tpu.memory_space<hbm>>) target(%dma_start3A_318 : memref<128xf32, #tpu.memory_space<vmem>>) offsets(%dma_start3A_319 : memref<128xi32, #tpu.memory_space<vmem>>) semaphore(%arg15 : memref<!tpu.dma_semaphore, #tpu.memory_space<semaphore_mem>>)
        %dma_start3A_322 = tpu.memref_slice %arg11[%add3A_317] : memref<17280xf32, #tpu.memory_space<vmem>> -> memref<128xf32, #tpu.memory_space<vmem>>
        %dma_start3A_323 = tpu.memref_slice %arg8[%add3A_317] : memref<17280xi32, #tpu.memory_space<vmem>> -> memref<128xi32, #tpu.memory_space<vmem>>
        %dma_start3A_324 = arith.constant 0 : i32
        %dma_start3A_325 = tpu.memref_slice %arg3[%dma_start3A_324] : memref<16777216xf32, #tpu.memory_space<hbm>> -> memref<16777216xf32, #tpu.memory_space<hbm>>
        tpu.enqueue_indirect_dma source(%dma_start3A_325 : memref<16777216xf32, #tpu.memory_space<hbm>>) target(%dma_start3A_322 : memref<128xf32, #tpu.memory_space<vmem>>) offsets(%dma_start3A_323 : memref<128xi32, #tpu.memory_space<vmem>>) semaphore(%arg15 : memref<!tpu.dma_semaphore, #tpu.memory_space<semaphore_mem>>)
        %dma_wait3A_326 = tpu.memref_slice %arg10[%mul3A_175] : memref<17280xf32, #tpu.memory_space<vmem>> -> memref<1920xf32, #tpu.memory_space<vmem>>
        %dma_wait3A_327 = arith.constant 0 : i32
        %dma_wait3A_328 = tpu.memref_slice %arg2[%dma_wait3A_327] : memref<16777216xf32, #tpu.memory_space<hbm>> -> memref<1920xf32, #tpu.memory_space<hbm>>
        %dma_wait3A_329 = tpu.memref_slice %arg10[%mul3A_175] : memref<17280xf32, #tpu.memory_space<vmem>> -> memref<1920xf32, #tpu.memory_space<vmem>>
        %dma_wait3A_330 = arith.constant 0 : i32
        %dma_wait3A_331 = tpu.memref_slice %arg2[%dma_wait3A_330] : memref<16777216xf32, #tpu.memory_space<hbm>> -> memref<1920xf32, #tpu.memory_space<hbm>>
        tpu.wait_dma2 semaphore(%arg15 : memref<!tpu.dma_semaphore, #tpu.memory_space<semaphore_mem>>) src(%dma_wait3A_331 : memref<1920xf32, #tpu.memory_space<hbm>>) dst(%dma_wait3A_329 : memref<1920xf32, #tpu.memory_space<vmem>>)
        %dma_wait3A_332 = tpu.memref_slice %arg11[%mul3A_175] : memref<17280xf32, #tpu.memory_space<vmem>> -> memref<1920xf32, #tpu.memory_space<vmem>>
        %dma_wait3A_333 = arith.constant 0 : i32
        %dma_wait3A_334 = tpu.memref_slice %arg3[%dma_wait3A_333] : memref<16777216xf32, #tpu.memory_space<hbm>> -> memref<1920xf32, #tpu.memory_space<hbm>>
        %dma_wait3A_335 = tpu.memref_slice %arg11[%mul3A_175] : memref<17280xf32, #tpu.memory_space<vmem>> -> memref<1920xf32, #tpu.memory_space<vmem>>
        %dma_wait3A_336 = arith.constant 0 : i32
        %dma_wait3A_337 = tpu.memref_slice %arg3[%dma_wait3A_336] : memref<16777216xf32, #tpu.memory_space<hbm>> -> memref<1920xf32, #tpu.memory_space<hbm>>
        tpu.wait_dma2 semaphore(%arg15 : memref<!tpu.dma_semaphore, #tpu.memory_space<semaphore_mem>>) src(%dma_wait3A_337 : memref<1920xf32, #tpu.memory_space<hbm>>) dst(%dma_wait3A_335 : memref<1920xf32, #tpu.memory_space<vmem>>)
      }
      %while3A_161 = arith.constant 1 : i32
      scf.for %while3A_173 = %while3A_159 to %while3A_155 step %while3A_161  : i32 {
        %mul3A_174 = arith.constant 1920 : i32
        %mul3A_175 = arith.muli %while3A_173, %mul3A_174 : i32
        %add3A_176 = arith.constant 0 : i32
        %add3A_177 = arith.addi %mul3A_175, %add3A_176 : i32
        %dma_start3A_178 = tpu.memref_slice %arg10[%add3A_177] : memref<17280xf32, #tpu.memory_space<vmem>> -> memref<128xf32, #tpu.memory_space<vmem>>
        %dma_start3A_179 = tpu.memref_slice %arg8[%add3A_177] : memref<17280xi32, #tpu.memory_space<vmem>> -> memref<128xi32, #tpu.memory_space<vmem>>
        %dma_start3A_180 = arith.constant 0 : i32
        %dma_start3A_181 = tpu.memref_slice %arg2[%dma_start3A_180] : memref<16777216xf32, #tpu.memory_space<hbm>> -> memref<16777216xf32, #tpu.memory_space<hbm>>
        tpu.enqueue_indirect_dma source(%dma_start3A_181 : memref<16777216xf32, #tpu.memory_space<hbm>>) target(%dma_start3A_178 : memref<128xf32, #tpu.memory_space<vmem>>) offsets(%dma_start3A_179 : memref<128xi32, #tpu.memory_space<vmem>>) semaphore(%arg15 : memref<!tpu.dma_semaphore, #tpu.memory_space<semaphore_mem>>)
        %dma_start3A_182 = tpu.memref_slice %arg11[%add3A_177] : memref<17280xf32, #tpu.memory_space<vmem>> -> memref<128xf32, #tpu.memory_space<vmem>>
        %dma_start3A_183 = tpu.memref_slice %arg8[%add3A_177] : memref<17280xi32, #tpu.memory_space<vmem>> -> memref<128xi32, #tpu.memory_space<vmem>>
        %dma_start3A_184 = arith.constant 0 : i32
        %dma_start3A_185 = tpu.memref_slice %arg3[%dma_start3A_184] : memref<16777216xf32, #tpu.memory_space<hbm>> -> memref<16777216xf32, #tpu.memory_space<hbm>>
        tpu.enqueue_indirect_dma source(%dma_start3A_185 : memref<16777216xf32, #tpu.memory_space<hbm>>) target(%dma_start3A_182 : memref<128xf32, #tpu.memory_space<vmem>>) offsets(%dma_start3A_183 : memref<128xi32, #tpu.memory_space<vmem>>) semaphore(%arg15 : memref<!tpu.dma_semaphore, #tpu.memory_space<semaphore_mem>>)
        %add3A_186 = arith.constant 128 : i32
        %add3A_187 = arith.addi %mul3A_175, %add3A_186 : i32
        %dma_start3A_188 = tpu.memref_slice %arg10[%add3A_187] : memref<17280xf32, #tpu.memory_space<vmem>> -> memref<128xf32, #tpu.memory_space<vmem>>
        %dma_start3A_189 = tpu.memref_slice %arg8[%add3A_187] : memref<17280xi32, #tpu.memory_space<vmem>> -> memref<128xi32, #tpu.memory_space<vmem>>
        %dma_start3A_190 = arith.constant 0 : i32
        %dma_start3A_191 = tpu.memref_slice %arg2[%dma_start3A_190] : memref<16777216xf32, #tpu.memory_space<hbm>> -> memref<16777216xf32, #tpu.memory_space<hbm>>
        tpu.enqueue_indirect_dma source(%dma_start3A_191 : memref<16777216xf32, #tpu.memory_space<hbm>>) target(%dma_start3A_188 : memref<128xf32, #tpu.memory_space<vmem>>) offsets(%dma_start3A_189 : memref<128xi32, #tpu.memory_space<vmem>>) semaphore(%arg15 : memref<!tpu.dma_semaphore, #tpu.memory_space<semaphore_mem>>)
        %dma_start3A_192 = tpu.memref_slice %arg11[%add3A_187] : memref<17280xf32, #tpu.memory_space<vmem>> -> memref<128xf32, #tpu.memory_space<vmem>>
        %dma_start3A_193 = tpu.memref_slice %arg8[%add3A_187] : memref<17280xi32, #tpu.memory_space<vmem>> -> memref<128xi32, #tpu.memory_space<vmem>>
        %dma_start3A_194 = arith.constant 0 : i32
        %dma_start3A_195 = tpu.memref_slice %arg3[%dma_start3A_194] : memref<16777216xf32, #tpu.memory_space<hbm>> -> memref<16777216xf32, #tpu.memory_space<hbm>>
        tpu.enqueue_indirect_dma source(%dma_start3A_195 : memref<16777216xf32, #tpu.memory_space<hbm>>) target(%dma_start3A_192 : memref<128xf32, #tpu.memory_space<vmem>>) offsets(%dma_start3A_193 : memref<128xi32, #tpu.memory_space<vmem>>) semaphore(%arg15 : memref<!tpu.dma_semaphore, #tpu.memory_space<semaphore_mem>>)
        %add3A_196 = arith.constant 256 : i32
        %add3A_197 = arith.addi %mul3A_175, %add3A_196 : i32
        %dma_start3A_198 = tpu.memref_slice %arg10[%add3A_197] : memref<17280xf32, #tpu.memory_space<vmem>> -> memref<128xf32, #tpu.memory_space<vmem>>
        %dma_start3A_199 = tpu.memref_slice %arg8[%add3A_197] : memref<17280xi32, #tpu.memory_space<vmem>> -> memref<128xi32, #tpu.memory_space<vmem>>
        %dma_start3A_200 = arith.constant 0 : i32
        %dma_start3A_201 = tpu.memref_slice %arg2[%dma_start3A_200] : memref<16777216xf32, #tpu.memory_space<hbm>> -> memref<16777216xf32, #tpu.memory_space<hbm>>
        tpu.enqueue_indirect_dma source(%dma_start3A_201 : memref<16777216xf32, #tpu.memory_space<hbm>>) target(%dma_start3A_198 : memref<128xf32, #tpu.memory_space<vmem>>) offsets(%dma_start3A_199 : memref<128xi32, #tpu.memory_space<vmem>>) semaphore(%arg15 : memref<!tpu.dma_semaphore, #tpu.memory_space<semaphore_mem>>)
        %dma_start3A_202 = tpu.memref_slice %arg11[%add3A_197] : memref<17280xf32, #tpu.memory_space<vmem>> -> memref<128xf32, #tpu.memory_space<vmem>>
        %dma_start3A_203 = tpu.memref_slice %arg8[%add3A_197] : memref<17280xi32, #tpu.memory_space<vmem>> -> memref<128xi32, #tpu.memory_space<vmem>>
        %dma_start3A_204 = arith.constant 0 : i32
        %dma_start3A_205 = tpu.memref_slice %arg3[%dma_start3A_204] : memref<16777216xf32, #tpu.memory_space<hbm>> -> memref<16777216xf32, #tpu.memory_space<hbm>>
        tpu.enqueue_indirect_dma source(%dma_start3A_205 : memref<16777216xf32, #tpu.memory_space<hbm>>) target(%dma_start3A_202 : memref<128xf32, #tpu.memory_space<vmem>>) offsets(%dma_start3A_203 : memref<128xi32, #tpu.memory_space<vmem>>) semaphore(%arg15 : memref<!tpu.dma_semaphore, #tpu.memory_space<semaphore_mem>>)
        %add3A_206 = arith.constant 384 : i32
        %add3A_207 = arith.addi %mul3A_175, %add3A_206 : i32
        %dma_start3A_208 = tpu.memref_slice %arg10[%add3A_207] : memref<17280xf32, #tpu.memory_space<vmem>> -> memref<128xf32, #tpu.memory_space<vmem>>
        %dma_start3A_209 = tpu.memref_slice %arg8[%add3A_207] : memref<17280xi32, #tpu.memory_space<vmem>> -> memref<128xi32, #tpu.memory_space<vmem>>
        %dma_start3A_210 = arith.constant 0 : i32
        %dma_start3A_211 = tpu.memref_slice %arg2[%dma_start3A_210] : memref<16777216xf32, #tpu.memory_space<hbm>> -> memref<16777216xf32, #tpu.memory_space<hbm>>
        tpu.enqueue_indirect_dma source(%dma_start3A_211 : memref<16777216xf32, #tpu.memory_space<hbm>>) target(%dma_start3A_208 : memref<128xf32, #tpu.memory_space<vmem>>) offsets(%dma_start3A_209 : memref<128xi32, #tpu.memory_space<vmem>>) semaphore(%arg15 : memref<!tpu.dma_semaphore, #tpu.memory_space<semaphore_mem>>)
        %dma_start3A_212 = tpu.memref_slice %arg11[%add3A_207] : memref<17280xf32, #tpu.memory_space<vmem>> -> memref<128xf32, #tpu.memory_space<vmem>>
        %dma_start3A_213 = tpu.memref_slice %arg8[%add3A_207] : memref<17280xi32, #tpu.memory_space<vmem>> -> memref<128xi32, #tpu.memory_space<vmem>>
        %dma_start3A_214 = arith.constant 0 : i32
        %dma_start3A_215 = tpu.memref_slice %arg3[%dma_start3A_214] : memref<16777216xf32, #tpu.memory_space<hbm>> -> memref<16777216xf32, #tpu.memory_space<hbm>>
        tpu.enqueue_indirect_dma source(%dma_start3A_215 : memref<16777216xf32, #tpu.memory_space<hbm>>) target(%dma_start3A_212 : memref<128xf32, #tpu.memory_space<vmem>>) offsets(%dma_start3A_213 : memref<128xi32, #tpu.memory_space<vmem>>) semaphore(%arg15 : memref<!tpu.dma_semaphore, #tpu.memory_space<semaphore_mem>>)
        %add3A_216 = arith.constant 512 : i32
        %add3A_217 = arith.addi %mul3A_175, %add3A_216 : i32
        %dma_start3A_218 = tpu.memref_slice %arg10[%add3A_217] : memref<17280xf32, #tpu.memory_space<vmem>> -> memref<128xf32, #tpu.memory_space<vmem>>
        %dma_start3A_219 = tpu.memref_slice %arg8[%add3A_217] : memref<17280xi32, #tpu.memory_space<vmem>> -> memref<128xi32, #tpu.memory_space<vmem>>
        %dma_start3A_220 = arith.constant 0 : i32
        %dma_start3A_221 = tpu.memref_slice %arg2[%dma_start3A_220] : memref<16777216xf32, #tpu.memory_space<hbm>> -> memref<16777216xf32, #tpu.memory_space<hbm>>
        tpu.enqueue_indirect_dma source(%dma_start3A_221 : memref<16777216xf32, #tpu.memory_space<hbm>>) target(%dma_start3A_218 : memref<128xf32, #tpu.memory_space<vmem>>) offsets(%dma_start3A_219 : memref<128xi32, #tpu.memory_space<vmem>>) semaphore(%arg15 : memref<!tpu.dma_semaphore, #tpu.memory_space<semaphore_mem>>)
        %dma_start3A_222 = tpu.memref_slice %arg11[%add3A_217] : memref<17280xf32, #tpu.memory_space<vmem>> -> memref<128xf32, #tpu.memory_space<vmem>>
        %dma_start3A_223 = tpu.memref_slice %arg8[%add3A_217] : memref<17280xi32, #tpu.memory_space<vmem>> -> memref<128xi32, #tpu.memory_space<vmem>>
        %dma_start3A_224 = arith.constant 0 : i32
        %dma_start3A_225 = tpu.memref_slice %arg3[%dma_start3A_224] : memref<16777216xf32, #tpu.memory_space<hbm>> -> memref<16777216xf32, #tpu.memory_space<hbm>>
        tpu.enqueue_indirect_dma source(%dma_start3A_225 : memref<16777216xf32, #tpu.memory_space<hbm>>) target(%dma_start3A_222 : memref<128xf32, #tpu.memory_space<vmem>>) offsets(%dma_start3A_223 : memref<128xi32, #tpu.memory_space<vmem>>) semaphore(%arg15 : memref<!tpu.dma_semaphore, #tpu.memory_space<semaphore_mem>>)
        %add3A_226 = arith.constant 640 : i32
        %add3A_227 = arith.addi %mul3A_175, %add3A_226 : i32
        %dma_start3A_228 = tpu.memref_slice %arg10[%add3A_227] : memref<17280xf32, #tpu.memory_space<vmem>> -> memref<128xf32, #tpu.memory_space<vmem>>
        %dma_start3A_229 = tpu.memref_slice %arg8[%add3A_227] : memref<17280xi32, #tpu.memory_space<vmem>> -> memref<128xi32, #tpu.memory_space<vmem>>
        %dma_start3A_230 = arith.constant 0 : i32
        %dma_start3A_231 = tpu.memref_slice %arg2[%dma_start3A_230] : memref<16777216xf32, #tpu.memory_space<hbm>> -> memref<16777216xf32, #tpu.memory_space<hbm>>
        tpu.enqueue_indirect_dma source(%dma_start3A_231 : memref<16777216xf32, #tpu.memory_space<hbm>>) target(%dma_start3A_228 : memref<128xf32, #tpu.memory_space<vmem>>) offsets(%dma_start3A_229 : memref<128xi32, #tpu.memory_space<vmem>>) semaphore(%arg15 : memref<!tpu.dma_semaphore, #tpu.memory_space<semaphore_mem>>)
        %dma_start3A_232 = tpu.memref_slice %arg11[%add3A_227] : memref<17280xf32, #tpu.memory_space<vmem>> -> memref<128xf32, #tpu.memory_space<vmem>>
        %dma_start3A_233 = tpu.memref_slice %arg8[%add3A_227] : memref<17280xi32, #tpu.memory_space<vmem>> -> memref<128xi32, #tpu.memory_space<vmem>>
        %dma_start3A_234 = arith.constant 0 : i32
        %dma_start3A_235 = tpu.memref_slice %arg3[%dma_start3A_234] : memref<16777216xf32, #tpu.memory_space<hbm>> -> memref<16777216xf32, #tpu.memory_space<hbm>>
        tpu.enqueue_indirect_dma source(%dma_start3A_235 : memref<16777216xf32, #tpu.memory_space<hbm>>) target(%dma_start3A_232 : memref<128xf32, #tpu.memory_space<vmem>>) offsets(%dma_start3A_233 : memref<128xi32, #tpu.memory_space<vmem>>) semaphore(%arg15 : memref<!tpu.dma_semaphore, #tpu.memory_space<semaphore_mem>>)
        %add3A_236 = arith.constant 768 : i32
        %add3A_237 = arith.addi %mul3A_175, %add3A_236 : i32
        %dma_start3A_238 = tpu.memref_slice %arg10[%add3A_237] : memref<17280xf32, #tpu.memory_space<vmem>> -> memref<128xf32, #tpu.memory_space<vmem>>
        %dma_start3A_239 = tpu.memref_slice %arg8[%add3A_237] : memref<17280xi32, #tpu.memory_space<vmem>> -> memref<128xi32, #tpu.memory_space<vmem>>
        %dma_start3A_240 = arith.constant 0 : i32
        %dma_start3A_241 = tpu.memref_slice %arg2[%dma_start3A_240] : memref<16777216xf32, #tpu.memory_space<hbm>> -> memref<16777216xf32, #tpu.memory_space<hbm>>
        tpu.enqueue_indirect_dma source(%dma_start3A_241 : memref<16777216xf32, #tpu.memory_space<hbm>>) target(%dma_start3A_238 : memref<128xf32, #tpu.memory_space<vmem>>) offsets(%dma_start3A_239 : memref<128xi32, #tpu.memory_space<vmem>>) semaphore(%arg15 : memref<!tpu.dma_semaphore, #tpu.memory_space<semaphore_mem>>)
        %dma_start3A_242 = tpu.memref_slice %arg11[%add3A_237] : memref<17280xf32, #tpu.memory_space<vmem>> -> memref<128xf32, #tpu.memory_space<vmem>>
        %dma_start3A_243 = tpu.memref_slice %arg8[%add3A_237] : memref<17280xi32, #tpu.memory_space<vmem>> -> memref<128xi32, #tpu.memory_space<vmem>>
        %dma_start3A_244 = arith.constant 0 : i32
        %dma_start3A_245 = tpu.memref_slice %arg3[%dma_start3A_244] : memref<16777216xf32, #tpu.memory_space<hbm>> -> memref<16777216xf32, #tpu.memory_space<hbm>>
        tpu.enqueue_indirect_dma source(%dma_start3A_245 : memref<16777216xf32, #tpu.memory_space<hbm>>) target(%dma_start3A_242 : memref<128xf32, #tpu.memory_space<vmem>>) offsets(%dma_start3A_243 : memref<128xi32, #tpu.memory_space<vmem>>) semaphore(%arg15 : memref<!tpu.dma_semaphore, #tpu.memory_space<semaphore_mem>>)
        %add3A_246 = arith.constant 896 : i32
        %add3A_247 = arith.addi %mul3A_175, %add3A_246 : i32
        %dma_start3A_248 = tpu.memref_slice %arg10[%add3A_247] : memref<17280xf32, #tpu.memory_space<vmem>> -> memref<128xf32, #tpu.memory_space<vmem>>
        %dma_start3A_249 = tpu.memref_slice %arg8[%add3A_247] : memref<17280xi32, #tpu.memory_space<vmem>> -> memref<128xi32, #tpu.memory_space<vmem>>
        %dma_start3A_250 = arith.constant 0 : i32
        %dma_start3A_251 = tpu.memref_slice %arg2[%dma_start3A_250] : memref<16777216xf32, #tpu.memory_space<hbm>> -> memref<16777216xf32, #tpu.memory_space<hbm>>
        tpu.enqueue_indirect_dma source(%dma_start3A_251 : memref<16777216xf32, #tpu.memory_space<hbm>>) target(%dma_start3A_248 : memref<128xf32, #tpu.memory_space<vmem>>) offsets(%dma_start3A_249 : memref<128xi32, #tpu.memory_space<vmem>>) semaphore(%arg15 : memref<!tpu.dma_semaphore, #tpu.memory_space<semaphore_mem>>)
        %dma_start3A_252 = tpu.memref_slice %arg11[%add3A_247] : memref<17280xf32, #tpu.memory_space<vmem>> -> memref<128xf32, #tpu.memory_space<vmem>>
        %dma_start3A_253 = tpu.memref_slice %arg8[%add3A_247] : memref<17280xi32, #tpu.memory_space<vmem>> -> memref<128xi32, #tpu.memory_space<vmem>>
        %dma_start3A_254 = arith.constant 0 : i32
        %dma_start3A_255 = tpu.memref_slice %arg3[%dma_start3A_254] : memref<16777216xf32, #tpu.memory_space<hbm>> -> memref<16777216xf32, #tpu.memory_space<hbm>>
        tpu.enqueue_indirect_dma source(%dma_start3A_255 : memref<16777216xf32, #tpu.memory_space<hbm>>) target(%dma_start3A_252 : memref<128xf32, #tpu.memory_space<vmem>>) offsets(%dma_start3A_253 : memref<128xi32, #tpu.memory_space<vmem>>) semaphore(%arg15 : memref<!tpu.dma_semaphore, #tpu.memory_space<semaphore_mem>>)
        %add3A_256 = arith.constant 1024 : i32
        %add3A_257 = arith.addi %mul3A_175, %add3A_256 : i32
        %dma_start3A_258 = tpu.memref_slice %arg10[%add3A_257] : memref<17280xf32, #tpu.memory_space<vmem>> -> memref<128xf32, #tpu.memory_space<vmem>>
        %dma_start3A_259 = tpu.memref_slice %arg8[%add3A_257] : memref<17280xi32, #tpu.memory_space<vmem>> -> memref<128xi32, #tpu.memory_space<vmem>>
        %dma_start3A_260 = arith.constant 0 : i32
        %dma_start3A_261 = tpu.memref_slice %arg2[%dma_start3A_260] : memref<16777216xf32, #tpu.memory_space<hbm>> -> memref<16777216xf32, #tpu.memory_space<hbm>>
        tpu.enqueue_indirect_dma source(%dma_start3A_261 : memref<16777216xf32, #tpu.memory_space<hbm>>) target(%dma_start3A_258 : memref<128xf32, #tpu.memory_space<vmem>>) offsets(%dma_start3A_259 : memref<128xi32, #tpu.memory_space<vmem>>) semaphore(%arg15 : memref<!tpu.dma_semaphore, #tpu.memory_space<semaphore_mem>>)
        %dma_start3A_262 = tpu.memref_slice %arg11[%add3A_257] : memref<17280xf32, #tpu.memory_space<vmem>> -> memref<128xf32, #tpu.memory_space<vmem>>
        %dma_start3A_263 = tpu.memref_slice %arg8[%add3A_257] : memref<17280xi32, #tpu.memory_space<vmem>> -> memref<128xi32, #tpu.memory_space<vmem>>
        %dma_start3A_264 = arith.constant 0 : i32
        %dma_start3A_265 = tpu.memref_slice %arg3[%dma_start3A_264] : memref<16777216xf32, #tpu.memory_space<hbm>> -> memref<16777216xf32, #tpu.memory_space<hbm>>
        tpu.enqueue_indirect_dma source(%dma_start3A_265 : memref<16777216xf32, #tpu.memory_space<hbm>>) target(%dma_start3A_262 : memref<128xf32, #tpu.memory_space<vmem>>) offsets(%dma_start3A_263 : memref<128xi32, #tpu.memory_space<vmem>>) semaphore(%arg15 : memref<!tpu.dma_semaphore, #tpu.memory_space<semaphore_mem>>)
        %add3A_266 = arith.constant 1152 : i32
        %add3A_267 = arith.addi %mul3A_175, %add3A_266 : i32
        %dma_start3A_268 = tpu.memref_slice %arg10[%add3A_267] : memref<17280xf32, #tpu.memory_space<vmem>> -> memref<128xf32, #tpu.memory_space<vmem>>
        %dma_start3A_269 = tpu.memref_slice %arg8[%add3A_267] : memref<17280xi32, #tpu.memory_space<vmem>> -> memref<128xi32, #tpu.memory_space<vmem>>
        %dma_start3A_270 = arith.constant 0 : i32
        %dma_start3A_271 = tpu.memref_slice %arg2[%dma_start3A_270] : memref<16777216xf32, #tpu.memory_space<hbm>> -> memref<16777216xf32, #tpu.memory_space<hbm>>
        tpu.enqueue_indirect_dma source(%dma_start3A_271 : memref<16777216xf32, #tpu.memory_space<hbm>>) target(%dma_start3A_268 : memref<128xf32, #tpu.memory_space<vmem>>) offsets(%dma_start3A_269 : memref<128xi32, #tpu.memory_space<vmem>>) semaphore(%arg15 : memref<!tpu.dma_semaphore, #tpu.memory_space<semaphore_mem>>)
        %dma_start3A_272 = tpu.memref_slice %arg11[%add3A_267] : memref<17280xf32, #tpu.memory_space<vmem>> -> memref<128xf32, #tpu.memory_space<vmem>>
        %dma_start3A_273 = tpu.memref_slice %arg8[%add3A_267] : memref<17280xi32, #tpu.memory_space<vmem>> -> memref<128xi32, #tpu.memory_space<vmem>>
        %dma_start3A_274 = arith.constant 0 : i32
        %dma_start3A_275 = tpu.memref_slice %arg3[%dma_start3A_274] : memref<16777216xf32, #tpu.memory_space<hbm>> -> memref<16777216xf32, #tpu.memory_space<hbm>>
        tpu.enqueue_indirect_dma source(%dma_start3A_275 : memref<16777216xf32, #tpu.memory_space<hbm>>) target(%dma_start3A_272 : memref<128xf32, #tpu.memory_space<vmem>>) offsets(%dma_start3A_273 : memref<128xi32, #tpu.memory_space<vmem>>) semaphore(%arg15 : memref<!tpu.dma_semaphore, #tpu.memory_space<semaphore_mem>>)
        %add3A_276 = arith.constant 1280 : i32
        %add3A_277 = arith.addi %mul3A_175, %add3A_276 : i32
        %dma_start3A_278 = tpu.memref_slice %arg10[%add3A_277] : memref<17280xf32, #tpu.memory_space<vmem>> -> memref<128xf32, #tpu.memory_space<vmem>>
        %dma_start3A_279 = tpu.memref_slice %arg8[%add3A_277] : memref<17280xi32, #tpu.memory_space<vmem>> -> memref<128xi32, #tpu.memory_space<vmem>>
        %dma_start3A_280 = arith.constant 0 : i32
        %dma_start3A_281 = tpu.memref_slice %arg2[%dma_start3A_280] : memref<16777216xf32, #tpu.memory_space<hbm>> -> memref<16777216xf32, #tpu.memory_space<hbm>>
        tpu.enqueue_indirect_dma source(%dma_start3A_281 : memref<16777216xf32, #tpu.memory_space<hbm>>) target(%dma_start3A_278 : memref<128xf32, #tpu.memory_space<vmem>>) offsets(%dma_start3A_279 : memref<128xi32, #tpu.memory_space<vmem>>) semaphore(%arg15 : memref<!tpu.dma_semaphore, #tpu.memory_space<semaphore_mem>>)
        %dma_start3A_282 = tpu.memref_slice %arg11[%add3A_277] : memref<17280xf32, #tpu.memory_space<vmem>> -> memref<128xf32, #tpu.memory_space<vmem>>
        %dma_start3A_283 = tpu.memref_slice %arg8[%add3A_277] : memref<17280xi32, #tpu.memory_space<vmem>> -> memref<128xi32, #tpu.memory_space<vmem>>
        %dma_start3A_284 = arith.constant 0 : i32
        %dma_start3A_285 = tpu.memref_slice %arg3[%dma_start3A_284] : memref<16777216xf32, #tpu.memory_space<hbm>> -> memref<16777216xf32, #tpu.memory_space<hbm>>
        tpu.enqueue_indirect_dma source(%dma_start3A_285 : memref<16777216xf32, #tpu.memory_space<hbm>>) target(%dma_start3A_282 : memref<128xf32, #tpu.memory_space<vmem>>) offsets(%dma_start3A_283 : memref<128xi32, #tpu.memory_space<vmem>>) semaphore(%arg15 : memref<!tpu.dma_semaphore, #tpu.memory_space<semaphore_mem>>)
        %add3A_286 = arith.constant 1408 : i32
        %add3A_287 = arith.addi %mul3A_175, %add3A_286 : i32
        %dma_start3A_288 = tpu.memref_slice %arg10[%add3A_287] : memref<17280xf32, #tpu.memory_space<vmem>> -> memref<128xf32, #tpu.memory_space<vmem>>
        %dma_start3A_289 = tpu.memref_slice %arg8[%add3A_287] : memref<17280xi32, #tpu.memory_space<vmem>> -> memref<128xi32, #tpu.memory_space<vmem>>
        %dma_start3A_290 = arith.constant 0 : i32
        %dma_start3A_291 = tpu.memref_slice %arg2[%dma_start3A_290] : memref<16777216xf32, #tpu.memory_space<hbm>> -> memref<16777216xf32, #tpu.memory_space<hbm>>
        tpu.enqueue_indirect_dma source(%dma_start3A_291 : memref<16777216xf32, #tpu.memory_space<hbm>>) target(%dma_start3A_288 : memref<128xf32, #tpu.memory_space<vmem>>) offsets(%dma_start3A_289 : memref<128xi32, #tpu.memory_space<vmem>>) semaphore(%arg15 : memref<!tpu.dma_semaphore, #tpu.memory_space<semaphore_mem>>)
        %dma_start3A_292 = tpu.memref_slice %arg11[%add3A_287] : memref<17280xf32, #tpu.memory_space<vmem>> -> memref<128xf32, #tpu.memory_space<vmem>>
        %dma_start3A_293 = tpu.memref_slice %arg8[%add3A_287] : memref<17280xi32, #tpu.memory_space<vmem>> -> memref<128xi32, #tpu.memory_space<vmem>>
        %dma_start3A_294 = arith.constant 0 : i32
        %dma_start3A_295 = tpu.memref_slice %arg3[%dma_start3A_294] : memref<16777216xf32, #tpu.memory_space<hbm>> -> memref<16777216xf32, #tpu.memory_space<hbm>>
        tpu.enqueue_indirect_dma source(%dma_start3A_295 : memref<16777216xf32, #tpu.memory_space<hbm>>) target(%dma_start3A_292 : memref<128xf32, #tpu.memory_space<vmem>>) offsets(%dma_start3A_293 : memref<128xi32, #tpu.memory_space<vmem>>) semaphore(%arg15 : memref<!tpu.dma_semaphore, #tpu.memory_space<semaphore_mem>>)
        %add3A_296 = arith.constant 1536 : i32
        %add3A_297 = arith.addi %mul3A_175, %add3A_296 : i32
        %dma_start3A_298 = tpu.memref_slice %arg10[%add3A_297] : memref<17280xf32, #tpu.memory_space<vmem>> -> memref<128xf32, #tpu.memory_space<vmem>>
        %dma_start3A_299 = tpu.memref_slice %arg8[%add3A_297] : memref<17280xi32, #tpu.memory_space<vmem>> -> memref<128xi32, #tpu.memory_space<vmem>>
        %dma_start3A_300 = arith.constant 0 : i32
        %dma_start3A_301 = tpu.memref_slice %arg2[%dma_start3A_300] : memref<16777216xf32, #tpu.memory_space<hbm>> -> memref<16777216xf32, #tpu.memory_space<hbm>>
        tpu.enqueue_indirect_dma source(%dma_start3A_301 : memref<16777216xf32, #tpu.memory_space<hbm>>) target(%dma_start3A_298 : memref<128xf32, #tpu.memory_space<vmem>>) offsets(%dma_start3A_299 : memref<128xi32, #tpu.memory_space<vmem>>) semaphore(%arg15 : memref<!tpu.dma_semaphore, #tpu.memory_space<semaphore_mem>>)
        %dma_start3A_302 = tpu.memref_slice %arg11[%add3A_297] : memref<17280xf32, #tpu.memory_space<vmem>> -> memref<128xf32, #tpu.memory_space<vmem>>
        %dma_start3A_303 = tpu.memref_slice %arg8[%add3A_297] : memref<17280xi32, #tpu.memory_space<vmem>> -> memref<128xi32, #tpu.memory_space<vmem>>
        %dma_start3A_304 = arith.constant 0 : i32
        %dma_start3A_305 = tpu.memref_slice %arg3[%dma_start3A_304] : memref<16777216xf32, #tpu.memory_space<hbm>> -> memref<16777216xf32, #tpu.memory_space<hbm>>
        tpu.enqueue_indirect_dma source(%dma_start3A_305 : memref<16777216xf32, #tpu.memory_space<hbm>>) target(%dma_start3A_302 : memref<128xf32, #tpu.memory_space<vmem>>) offsets(%dma_start3A_303 : memref<128xi32, #tpu.memory_space<vmem>>) semaphore(%arg15 : memref<!tpu.dma_semaphore, #tpu.memory_space<semaphore_mem>>)
        %add3A_306 = arith.constant 1664 : i32
        %add3A_307 = arith.addi %mul3A_175, %add3A_306 : i32
        %dma_start3A_308 = tpu.memref_slice %arg10[%add3A_307] : memref<17280xf32, #tpu.memory_space<vmem>> -> memref<128xf32, #tpu.memory_space<vmem>>
        %dma_start3A_309 = tpu.memref_slice %arg8[%add3A_307] : memref<17280xi32, #tpu.memory_space<vmem>> -> memref<128xi32, #tpu.memory_space<vmem>>
        %dma_start3A_310 = arith.constant 0 : i32
        %dma_start3A_311 = tpu.memref_slice %arg2[%dma_start3A_310] : memref<16777216xf32, #tpu.memory_space<hbm>> -> memref<16777216xf32, #tpu.memory_space<hbm>>
        tpu.enqueue_indirect_dma source(%dma_start3A_311 : memref<16777216xf32, #tpu.memory_space<hbm>>) target(%dma_start3A_308 : memref<128xf32, #tpu.memory_space<vmem>>) offsets(%dma_start3A_309 : memref<128xi32, #tpu.memory_space<vmem>>) semaphore(%arg15 : memref<!tpu.dma_semaphore, #tpu.memory_space<semaphore_mem>>)
        %dma_start3A_312 = tpu.memref_slice %arg11[%add3A_307] : memref<17280xf32, #tpu.memory_space<vmem>> -> memref<128xf32, #tpu.memory_space<vmem>>
        %dma_start3A_313 = tpu.memref_slice %arg8[%add3A_307] : memref<17280xi32, #tpu.memory_space<vmem>> -> memref<128xi32, #tpu.memory_space<vmem>>
        %dma_start3A_314 = arith.constant 0 : i32
        %dma_start3A_315 = tpu.memref_slice %arg3[%dma_start3A_314] : memref<16777216xf32, #tpu.memory_space<hbm>> -> memref<16777216xf32, #tpu.memory_space<hbm>>
        tpu.enqueue_indirect_dma source(%dma_start3A_315 : memref<16777216xf32, #tpu.memory_space<hbm>>) target(%dma_start3A_312 : memref<128xf32, #tpu.memory_space<vmem>>) offsets(%dma_start3A_313 : memref<128xi32, #tpu.memory_space<vmem>>) semaphore(%arg15 : memref<!tpu.dma_semaphore, #tpu.memory_space<semaphore_mem>>)
        %add3A_316 = arith.constant 1792 : i32
        %add3A_317 = arith.addi %mul3A_175, %add3A_316 : i32
        %dma_start3A_318 = tpu.memref_slice %arg10[%add3A_317] : memref<17280xf32, #tpu.memory_space<vmem>> -> memref<128xf32, #tpu.memory_space<vmem>>
        %dma_start3A_319 = tpu.memref_slice %arg8[%add3A_317] : memref<17280xi32, #tpu.memory_space<vmem>> -> memref<128xi32, #tpu.memory_space<vmem>>
        %dma_start3A_320 = arith.constant 0 : i32
        %dma_start3A_321 = tpu.memref_slice %arg2[%dma_start3A_320] : memref<16777216xf32, #tpu.memory_space<hbm>> -> memref<16777216xf32, #tpu.memory_space<hbm>>
        tpu.enqueue_indirect_dma source(%dma_start3A_321 : memref<16777216xf32, #tpu.memory_space<hbm>>) target(%dma_start3A_318 : memref<128xf32, #tpu.memory_space<vmem>>) offsets(%dma_start3A_319 : memref<128xi32, #tpu.memory_space<vmem>>) semaphore(%arg15 : memref<!tpu.dma_semaphore, #tpu.memory_space<semaphore_mem>>)
        %dma_start3A_322 = tpu.memref_slice %arg11[%add3A_317] : memref<17280xf32, #tpu.memory_space<vmem>> -> memref<128xf32, #tpu.memory_space<vmem>>
        %dma_start3A_323 = tpu.memref_slice %arg8[%add3A_317] : memref<17280xi32, #tpu.memory_space<vmem>> -> memref<128xi32, #tpu.memory_space<vmem>>
        %dma_start3A_324 = arith.constant 0 : i32
        %dma_start3A_325 = tpu.memref_slice %arg3[%dma_start3A_324] : memref<16777216xf32, #tpu.memory_space<hbm>> -> memref<16777216xf32, #tpu.memory_space<hbm>>
        tpu.enqueue_indirect_dma source(%dma_start3A_325 : memref<16777216xf32, #tpu.memory_space<hbm>>) target(%dma_start3A_322 : memref<128xf32, #tpu.memory_space<vmem>>) offsets(%dma_start3A_323 : memref<128xi32, #tpu.memory_space<vmem>>) semaphore(%arg15 : memref<!tpu.dma_semaphore, #tpu.memory_space<semaphore_mem>>)
        %dma_wait3A_326 = tpu.memref_slice %arg10[%mul3A_175] : memref<17280xf32, #tpu.memory_space<vmem>> -> memref<1920xf32, #tpu.memory_space<vmem>>
        %dma_wait3A_327 = arith.constant 0 : i32
        %dma_wait3A_328 = tpu.memref_slice %arg2[%dma_wait3A_327] : memref<16777216xf32, #tpu.memory_space<hbm>> -> memref<1920xf32, #tpu.memory_space<hbm>>
        %dma_wait3A_329 = tpu.memref_slice %arg10[%mul3A_175] : memref<17280xf32, #tpu.memory_space<vmem>> -> memref<1920xf32, #tpu.memory_space<vmem>>
        %dma_wait3A_330 = arith.constant 0 : i32
        %dma_wait3A_331 = tpu.memref_slice %arg2[%dma_wait3A_330] : memref<16777216xf32, #tpu.memory_space<hbm>> -> memref<1920xf32, #tpu.memory_space<hbm>>
        tpu.wait_dma2 semaphore(%arg15 : memref<!tpu.dma_semaphore, #tpu.memory_space<semaphore_mem>>) src(%dma_wait3A_331 : memref<1920xf32, #tpu.memory_space<hbm>>) dst(%dma_wait3A_329 : memref<1920xf32, #tpu.memory_space<vmem>>)
        %dma_wait3A_332 = tpu.memref_slice %arg11[%mul3A_175] : memref<17280xf32, #tpu.memory_space<vmem>> -> memref<1920xf32, #tpu.memory_space<vmem>>
        %dma_wait3A_333 = arith.constant 0 : i32
        %dma_wait3A_334 = tpu.memref_slice %arg3[%dma_wait3A_333] : memref<16777216xf32, #tpu.memory_space<hbm>> -> memref<1920xf32, #tpu.memory_space<hbm>>
        %dma_wait3A_335 = tpu.memref_slice %arg11[%mul3A_175] : memref<17280xf32, #tpu.memory_space<vmem>> -> memref<1920xf32, #tpu.memory_space<vmem>>
        %dma_wait3A_336 = arith.constant 0 : i32
        %dma_wait3A_337 = tpu.memref_slice %arg3[%dma_wait3A_336] : memref<16777216xf32, #tpu.memory_space<hbm>> -> memref<1920xf32, #tpu.memory_space<hbm>>
        tpu.wait_dma2 semaphore(%arg15 : memref<!tpu.dma_semaphore, #tpu.memory_space<semaphore_mem>>) src(%dma_wait3A_337 : memref<1920xf32, #tpu.memory_space<hbm>>) dst(%dma_wait3A_335 : memref<1920xf32, #tpu.memory_space<vmem>>)
      }
      %while3A_162 = arith.constant 0 : i32
      %while3A_163 = arith.constant 0 : i32
      %while3A_164 = arith.constant 135 : i32
      %while3A_165 = arith.subi %while3A_164, %while3A_163 : i32
      %while3A_166 = arith.addi %while3A_163, %while3A_165 : i32
      %while3A_167 = arith.constant 1 : i32
      %while3A_168 = arith.divsi %while3A_165, %while3A_167 : i32
      %while3A_169 = arith.muli %while3A_168, %while3A_167 : i32
      %while3A_170 = arith.addi %while3A_163, %while3A_169 : i32
      %while3A_171 = arith.constant 1 : i32
      scf.for %while3A_173 = %while3A_163 to %while3A_170 step %while3A_171  : i32 {
        %mul3A_174 = arith.constant 16 : i32
        %mul3A_175 = arith.muli %while3A_173, %mul3A_174 : i32
        %broadcast_in_dim3A = arith.constant 0.000000e+00 : f32
        %broadcast_in_dim3A_176 = vector.broadcast %broadcast_in_dim3A : f32 to vector<16xf32>
        %broadcast_in_dim3A_177 = arith.constant 0.000000e+00 : f32
        %broadcast_in_dim3A_178 = vector.broadcast %broadcast_in_dim3A_177 : f32 to vector<16xf32>
        %add3A_179 = arith.constant 0 : i32
        %add3A_180 = arith.addi %add3A_179, %mul3A_175 : i32
        %get3A = arith.index_cast %add3A_180 : i32 to index
        %get3A_181 = tpu.vector_load %arg9[%get3A] {strides = array<i32>} : memref<17280xf32, #tpu.memory_space<vmem>>, vector<16xf32>,
        %get3A_182 = vector.shape_cast %get3A_181 : vector<16xf32> to vector<16xf32>
        %add3A_183 = arith.constant 0 : i32
        %add3A_184 = arith.addi %add3A_183, %mul3A_175 : i32
        %get3A_185 = arith.index_cast %add3A_184 : i32 to index
        %get3A_186 = tpu.vector_load %arg10[%get3A_185] {strides = array<i32>} : memref<17280xf32, #tpu.memory_space<vmem>>, vector<16xf32>,
        %get3A_187 = vector.shape_cast %get3A_186 : vector<16xf32> to vector<16xf32>
        %mul3A_188 = arith.mulf %get3A_187, %get3A_182 : vector<16xf32>
        %add3A_189 = arith.addf %broadcast_in_dim3A_176, %mul3A_188 : vector<16xf32>
        %add3A_190 = arith.constant 0 : i32
        %add3A_191 = arith.addi %add3A_190, %mul3A_175 : i32
        %get3A_192 = arith.index_cast %add3A_191 : i32 to index
        %get3A_193 = tpu.vector_load %arg11[%get3A_192] {strides = array<i32>} : memref<17280xf32, #tpu.memory_space<vmem>>, vector<16xf32>,
        %get3A_194 = vector.shape_cast %get3A_193 : vector<16xf32> to vector<16xf32>
        %mul3A_195 = arith.mulf %get3A_194, %get3A_182 : vector<16xf32>
        %add3A_196 = arith.addf %broadcast_in_dim3A_178, %mul3A_195 : vector<16xf32>
        %add3A_197 = arith.constant 2160 : i32
        %add3A_198 = arith.addi %add3A_197, %mul3A_175 : i32
        %get3A_199 = arith.index_cast %add3A_198 : i32 to index
        %get3A_200 = tpu.vector_load %arg9[%get3A_199] {strides = array<i32>} : memref<17280xf32, #tpu.memory_space<vmem>>, vector<16xf32>,
        %get3A_201 = vector.shape_cast %get3A_200 : vector<16xf32> to vector<16xf32>
        %add3A_202 = arith.constant 2160 : i32
        %add3A_203 = arith.addi %add3A_202, %mul3A_175 : i32
        %get3A_204 = arith.index_cast %add3A_203 : i32 to index
        %get3A_205 = tpu.vector_load %arg10[%get3A_204] {strides = array<i32>} : memref<17280xf32, #tpu.memory_space<vmem>>, vector<16xf32>,
        %get3A_206 = vector.shape_cast %get3A_205 : vector<16xf32> to vector<16xf32>
        %mul3A_207 = arith.mulf %get3A_206, %get3A_201 : vector<16xf32>
        %add3A_208 = arith.addf %add3A_189, %mul3A_207 : vector<16xf32>
        %add3A_209 = arith.constant 2160 : i32
        %add3A_210 = arith.addi %add3A_209, %mul3A_175 : i32
        %get3A_211 = arith.index_cast %add3A_210 : i32 to index
        %get3A_212 = tpu.vector_load %arg11[%get3A_211] {strides = array<i32>} : memref<17280xf32, #tpu.memory_space<vmem>>, vector<16xf32>,
        %get3A_213 = vector.shape_cast %get3A_212 : vector<16xf32> to vector<16xf32>
        %mul3A_214 = arith.mulf %get3A_213, %get3A_201 : vector<16xf32>
        %add3A_215 = arith.addf %add3A_196, %mul3A_214 : vector<16xf32>
        %add3A_216 = arith.constant 4320 : i32
        %add3A_217 = arith.addi %add3A_216, %mul3A_175 : i32
        %get3A_218 = arith.index_cast %add3A_217 : i32 to index
        %get3A_219 = tpu.vector_load %arg9[%get3A_218] {strides = array<i32>} : memref<17280xf32, #tpu.memory_space<vmem>>, vector<16xf32>,
        %get3A_220 = vector.shape_cast %get3A_219 : vector<16xf32> to vector<16xf32>
        %add3A_221 = arith.constant 4320 : i32
        %add3A_222 = arith.addi %add3A_221, %mul3A_175 : i32
        %get3A_223 = arith.index_cast %add3A_222 : i32 to index
        %get3A_224 = tpu.vector_load %arg10[%get3A_223] {strides = array<i32>} : memref<17280xf32, #tpu.memory_space<vmem>>, vector<16xf32>,
        %get3A_225 = vector.shape_cast %get3A_224 : vector<16xf32> to vector<16xf32>
        %mul3A_226 = arith.mulf %get3A_225, %get3A_220 : vector<16xf32>
        %add3A_227 = arith.addf %add3A_208, %mul3A_226 : vector<16xf32>
        %add3A_228 = arith.constant 4320 : i32
        %add3A_229 = arith.addi %add3A_228, %mul3A_175 : i32
        %get3A_230 = arith.index_cast %add3A_229 : i32 to index
        %get3A_231 = tpu.vector_load %arg11[%get3A_230] {strides = array<i32>} : memref<17280xf32, #tpu.memory_space<vmem>>, vector<16xf32>,
        %get3A_232 = vector.shape_cast %get3A_231 : vector<16xf32> to vector<16xf32>
        %mul3A_233 = arith.mulf %get3A_232, %get3A_220 : vector<16xf32>
        %add3A_234 = arith.addf %add3A_215, %mul3A_233 : vector<16xf32>
        %add3A_235 = arith.constant 6480 : i32
        %add3A_236 = arith.addi %add3A_235, %mul3A_175 : i32
        %get3A_237 = arith.index_cast %add3A_236 : i32 to index
        %get3A_238 = tpu.vector_load %arg9[%get3A_237] {strides = array<i32>} : memref<17280xf32, #tpu.memory_space<vmem>>, vector<16xf32>,
        %get3A_239 = vector.shape_cast %get3A_238 : vector<16xf32> to vector<16xf32>
        %add3A_240 = arith.constant 6480 : i32
        %add3A_241 = arith.addi %add3A_240, %mul3A_175 : i32
        %get3A_242 = arith.index_cast %add3A_241 : i32 to index
        %get3A_243 = tpu.vector_load %arg10[%get3A_242] {strides = array<i32>} : memref<17280xf32, #tpu.memory_space<vmem>>, vector<16xf32>,
        %get3A_244 = vector.shape_cast %get3A_243 : vector<16xf32> to vector<16xf32>
        %mul3A_245 = arith.mulf %get3A_244, %get3A_239 : vector<16xf32>
        %add3A_246 = arith.addf %add3A_227, %mul3A_245 : vector<16xf32>
        %add3A_247 = arith.constant 6480 : i32
        %add3A_248 = arith.addi %add3A_247, %mul3A_175 : i32
        %get3A_249 = arith.index_cast %add3A_248 : i32 to index
        %get3A_250 = tpu.vector_load %arg11[%get3A_249] {strides = array<i32>} : memref<17280xf32, #tpu.memory_space<vmem>>, vector<16xf32>,
        %get3A_251 = vector.shape_cast %get3A_250 : vector<16xf32> to vector<16xf32>
        %mul3A_252 = arith.mulf %get3A_251, %get3A_239 : vector<16xf32>
        %add3A_253 = arith.addf %add3A_234, %mul3A_252 : vector<16xf32>
        %add3A_254 = arith.constant 8640 : i32
        %add3A_255 = arith.addi %add3A_254, %mul3A_175 : i32
        %get3A_256 = arith.index_cast %add3A_255 : i32 to index
        %get3A_257 = tpu.vector_load %arg9[%get3A_256] {strides = array<i32>} : memref<17280xf32, #tpu.memory_space<vmem>>, vector<16xf32>,
        %get3A_258 = vector.shape_cast %get3A_257 : vector<16xf32> to vector<16xf32>
        %add3A_259 = arith.constant 8640 : i32
        %add3A_260 = arith.addi %add3A_259, %mul3A_175 : i32
        %get3A_261 = arith.index_cast %add3A_260 : i32 to index
        %get3A_262 = tpu.vector_load %arg10[%get3A_261] {strides = array<i32>} : memref<17280xf32, #tpu.memory_space<vmem>>, vector<16xf32>,
        %get3A_263 = vector.shape_cast %get3A_262 : vector<16xf32> to vector<16xf32>
        %mul3A_264 = arith.mulf %get3A_263, %get3A_258 : vector<16xf32>
        %add3A_265 = arith.addf %add3A_246, %mul3A_264 : vector<16xf32>
        %add3A_266 = arith.constant 8640 : i32
        %add3A_267 = arith.addi %add3A_266, %mul3A_175 : i32
        %get3A_268 = arith.index_cast %add3A_267 : i32 to index
        %get3A_269 = tpu.vector_load %arg11[%get3A_268] {strides = array<i32>} : memref<17280xf32, #tpu.memory_space<vmem>>, vector<16xf32>,
        %get3A_270 = vector.shape_cast %get3A_269 : vector<16xf32> to vector<16xf32>
        %mul3A_271 = arith.mulf %get3A_270, %get3A_258 : vector<16xf32>
        %add3A_272 = arith.addf %add3A_253, %mul3A_271 : vector<16xf32>
        %add3A_273 = arith.constant 10800 : i32
        %add3A_274 = arith.addi %add3A_273, %mul3A_175 : i32
        %get3A_275 = arith.index_cast %add3A_274 : i32 to index
        %get3A_276 = tpu.vector_load %arg9[%get3A_275] {strides = array<i32>} : memref<17280xf32, #tpu.memory_space<vmem>>, vector<16xf32>,
        %get3A_277 = vector.shape_cast %get3A_276 : vector<16xf32> to vector<16xf32>
        %add3A_278 = arith.constant 10800 : i32
        %add3A_279 = arith.addi %add3A_278, %mul3A_175 : i32
        %get3A_280 = arith.index_cast %add3A_279 : i32 to index
        %get3A_281 = tpu.vector_load %arg10[%get3A_280] {strides = array<i32>} : memref<17280xf32, #tpu.memory_space<vmem>>, vector<16xf32>,
        %get3A_282 = vector.shape_cast %get3A_281 : vector<16xf32> to vector<16xf32>
        %mul3A_283 = arith.mulf %get3A_282, %get3A_277 : vector<16xf32>
        %add3A_284 = arith.addf %add3A_265, %mul3A_283 : vector<16xf32>
        %add3A_285 = arith.constant 10800 : i32
        %add3A_286 = arith.addi %add3A_285, %mul3A_175 : i32
        %get3A_287 = arith.index_cast %add3A_286 : i32 to index
        %get3A_288 = tpu.vector_load %arg11[%get3A_287] {strides = array<i32>} : memref<17280xf32, #tpu.memory_space<vmem>>, vector<16xf32>,
        %get3A_289 = vector.shape_cast %get3A_288 : vector<16xf32> to vector<16xf32>
        %mul3A_290 = arith.mulf %get3A_289, %get3A_277 : vector<16xf32>
        %add3A_291 = arith.addf %add3A_272, %mul3A_290 : vector<16xf32>
        %add3A_292 = arith.constant 12960 : i32
        %add3A_293 = arith.addi %add3A_292, %mul3A_175 : i32
        %get3A_294 = arith.index_cast %add3A_293 : i32 to index
        %get3A_295 = tpu.vector_load %arg9[%get3A_294] {strides = array<i32>} : memref<17280xf32, #tpu.memory_space<vmem>>, vector<16xf32>,
        %get3A_296 = vector.shape_cast %get3A_295 : vector<16xf32> to vector<16xf32>
        %add3A_297 = arith.constant 12960 : i32
        %add3A_298 = arith.addi %add3A_297, %mul3A_175 : i32
        %get3A_299 = arith.index_cast %add3A_298 : i32 to index
        %get3A_300 = tpu.vector_load %arg10[%get3A_299] {strides = array<i32>} : memref<17280xf32, #tpu.memory_space<vmem>>, vector<16xf32>,
        %get3A_301 = vector.shape_cast %get3A_300 : vector<16xf32> to vector<16xf32>
        %mul3A_302 = arith.mulf %get3A_301, %get3A_296 : vector<16xf32>
        %add3A_303 = arith.addf %add3A_284, %mul3A_302 : vector<16xf32>
        %add3A_304 = arith.constant 12960 : i32
        %add3A_305 = arith.addi %add3A_304, %mul3A_175 : i32
        %get3A_306 = arith.index_cast %add3A_305 : i32 to index
        %get3A_307 = tpu.vector_load %arg11[%get3A_306] {strides = array<i32>} : memref<17280xf32, #tpu.memory_space<vmem>>, vector<16xf32>,
        %get3A_308 = vector.shape_cast %get3A_307 : vector<16xf32> to vector<16xf32>
        %mul3A_309 = arith.mulf %get3A_308, %get3A_296 : vector<16xf32>
        %add3A_310 = arith.addf %add3A_291, %mul3A_309 : vector<16xf32>
        %add3A_311 = arith.constant 15120 : i32
        %add3A_312 = arith.addi %add3A_311, %mul3A_175 : i32
        %get3A_313 = arith.index_cast %add3A_312 : i32 to index
        %get3A_314 = tpu.vector_load %arg9[%get3A_313] {strides = array<i32>} : memref<17280xf32, #tpu.memory_space<vmem>>, vector<16xf32>,
        %get3A_315 = vector.shape_cast %get3A_314 : vector<16xf32> to vector<16xf32>
        %add3A_316 = arith.constant 15120 : i32
        %add3A_317 = arith.addi %add3A_316, %mul3A_175 : i32
        %get3A_318 = arith.index_cast %add3A_317 : i32 to index
        %get3A_319 = tpu.vector_load %arg10[%get3A_318] {strides = array<i32>} : memref<17280xf32, #tpu.memory_space<vmem>>, vector<16xf32>,
        %get3A_320 = vector.shape_cast %get3A_319 : vector<16xf32> to vector<16xf32>
        %mul3A_321 = arith.mulf %get3A_320, %get3A_315 : vector<16xf32>
        %add3A_322 = arith.addf %add3A_303, %mul3A_321 : vector<16xf32>
        %add3A_323 = arith.constant 15120 : i32
        %add3A_324 = arith.addi %add3A_323, %mul3A_175 : i32
        %get3A_325 = arith.index_cast %add3A_324 : i32 to index
        %get3A_326 = tpu.vector_load %arg11[%get3A_325] {strides = array<i32>} : memref<17280xf32, #tpu.memory_space<vmem>>, vector<16xf32>,
        %get3A_327 = vector.shape_cast %get3A_326 : vector<16xf32> to vector<16xf32>
        %mul3A_328 = arith.mulf %get3A_327, %get3A_315 : vector<16xf32>
        %add3A_329 = arith.addf %add3A_310, %mul3A_328 : vector<16xf32>
        %swap3A = arith.index_cast %mul3A_175 : i32 to index
        %swap3A_330 = tpu.vector_load %arg12[%swap3A] {strides = array<i32>} : memref<2160xf32, #tpu.memory_space<vmem>>, vector<16xf32>,
        %swap3A_331 = vector.shape_cast %swap3A_330 : vector<16xf32> to vector<16xf32>
        %swap3A_332 = vector.shape_cast %add3A_322 : vector<16xf32> to vector<16xf32>
        tpu.vector_store %arg12[%swap3A], %swap3A_332 {strides = array<i32>} : memref<2160xf32, #tpu.memory_space<vmem>>, vector<16xf32>,
        %swap3A_333 = arith.index_cast %mul3A_175 : i32 to index
        %swap3A_334 = tpu.vector_load %arg13[%swap3A_333] {strides = array<i32>} : memref<2160xf32, #tpu.memory_space<vmem>>, vector<16xf32>,
        %swap3A_335 = vector.shape_cast %swap3A_334 : vector<16xf32> to vector<16xf32>
        %swap3A_336 = vector.shape_cast %add3A_329 : vector<16xf32> to vector<16xf32>
        tpu.vector_store %arg13[%swap3A_333], %swap3A_336 {strides = array<i32>} : memref<2160xf32, #tpu.memory_space<vmem>>, vector<16xf32>,
      }
      %while3A_172 = arith.constant 1 : i32
      scf.for %while3A_173 = %while3A_170 to %while3A_166 step %while3A_172  : i32 {
        %mul3A_174 = arith.constant 16 : i32
        %mul3A_175 = arith.muli %while3A_173, %mul3A_174 : i32
        %broadcast_in_dim3A = arith.constant 0.000000e+00 : f32
        %broadcast_in_dim3A_176 = vector.broadcast %broadcast_in_dim3A : f32 to vector<16xf32>
        %broadcast_in_dim3A_177 = arith.constant 0.000000e+00 : f32
        %broadcast_in_dim3A_178 = vector.broadcast %broadcast_in_dim3A_177 : f32 to vector<16xf32>
        %add3A_179 = arith.constant 0 : i32
        %add3A_180 = arith.addi %add3A_179, %mul3A_175 : i32
        %get3A = arith.index_cast %add3A_180 : i32 to index
        %get3A_181 = tpu.vector_load %arg9[%get3A] {strides = array<i32>} : memref<17280xf32, #tpu.memory_space<vmem>>, vector<16xf32>,
        %get3A_182 = vector.shape_cast %get3A_181 : vector<16xf32> to vector<16xf32>
        %add3A_183 = arith.constant 0 : i32
        %add3A_184 = arith.addi %add3A_183, %mul3A_175 : i32
        %get3A_185 = arith.index_cast %add3A_184 : i32 to index
        %get3A_186 = tpu.vector_load %arg10[%get3A_185] {strides = array<i32>} : memref<17280xf32, #tpu.memory_space<vmem>>, vector<16xf32>,
        %get3A_187 = vector.shape_cast %get3A_186 : vector<16xf32> to vector<16xf32>
        %mul3A_188 = arith.mulf %get3A_187, %get3A_182 : vector<16xf32>
        %add3A_189 = arith.addf %broadcast_in_dim3A_176, %mul3A_188 : vector<16xf32>
        %add3A_190 = arith.constant 0 : i32
        %add3A_191 = arith.addi %add3A_190, %mul3A_175 : i32
        %get3A_192 = arith.index_cast %add3A_191 : i32 to index
        %get3A_193 = tpu.vector_load %arg11[%get3A_192] {strides = array<i32>} : memref<17280xf32, #tpu.memory_space<vmem>>, vector<16xf32>,
        %get3A_194 = vector.shape_cast %get3A_193 : vector<16xf32> to vector<16xf32>
        %mul3A_195 = arith.mulf %get3A_194, %get3A_182 : vector<16xf32>
        %add3A_196 = arith.addf %broadcast_in_dim3A_178, %mul3A_195 : vector<16xf32>
        %add3A_197 = arith.constant 2160 : i32
        %add3A_198 = arith.addi %add3A_197, %mul3A_175 : i32
        %get3A_199 = arith.index_cast %add3A_198 : i32 to index
        %get3A_200 = tpu.vector_load %arg9[%get3A_199] {strides = array<i32>} : memref<17280xf32, #tpu.memory_space<vmem>>, vector<16xf32>,
        %get3A_201 = vector.shape_cast %get3A_200 : vector<16xf32> to vector<16xf32>
        %add3A_202 = arith.constant 2160 : i32
        %add3A_203 = arith.addi %add3A_202, %mul3A_175 : i32
        %get3A_204 = arith.index_cast %add3A_203 : i32 to index
        %get3A_205 = tpu.vector_load %arg10[%get3A_204] {strides = array<i32>} : memref<17280xf32, #tpu.memory_space<vmem>>, vector<16xf32>,
        %get3A_206 = vector.shape_cast %get3A_205 : vector<16xf32> to vector<16xf32>
        %mul3A_207 = arith.mulf %get3A_206, %get3A_201 : vector<16xf32>
        %add3A_208 = arith.addf %add3A_189, %mul3A_207 : vector<16xf32>
        %add3A_209 = arith.constant 2160 : i32
        %add3A_210 = arith.addi %add3A_209, %mul3A_175 : i32
        %get3A_211 = arith.index_cast %add3A_210 : i32 to index
        %get3A_212 = tpu.vector_load %arg11[%get3A_211] {strides = array<i32>} : memref<17280xf32, #tpu.memory_space<vmem>>, vector<16xf32>,
        %get3A_213 = vector.shape_cast %get3A_212 : vector<16xf32> to vector<16xf32>
        %mul3A_214 = arith.mulf %get3A_213, %get3A_201 : vector<16xf32>
        %add3A_215 = arith.addf %add3A_196, %mul3A_214 : vector<16xf32>
        %add3A_216 = arith.constant 4320 : i32
        %add3A_217 = arith.addi %add3A_216, %mul3A_175 : i32
        %get3A_218 = arith.index_cast %add3A_217 : i32 to index
        %get3A_219 = tpu.vector_load %arg9[%get3A_218] {strides = array<i32>} : memref<17280xf32, #tpu.memory_space<vmem>>, vector<16xf32>,
        %get3A_220 = vector.shape_cast %get3A_219 : vector<16xf32> to vector<16xf32>
        %add3A_221 = arith.constant 4320 : i32
        %add3A_222 = arith.addi %add3A_221, %mul3A_175 : i32
        %get3A_223 = arith.index_cast %add3A_222 : i32 to index
        %get3A_224 = tpu.vector_load %arg10[%get3A_223] {strides = array<i32>} : memref<17280xf32, #tpu.memory_space<vmem>>, vector<16xf32>,
        %get3A_225 = vector.shape_cast %get3A_224 : vector<16xf32> to vector<16xf32>
        %mul3A_226 = arith.mulf %get3A_225, %get3A_220 : vector<16xf32>
        %add3A_227 = arith.addf %add3A_208, %mul3A_226 : vector<16xf32>
        %add3A_228 = arith.constant 4320 : i32
        %add3A_229 = arith.addi %add3A_228, %mul3A_175 : i32
        %get3A_230 = arith.index_cast %add3A_229 : i32 to index
        %get3A_231 = tpu.vector_load %arg11[%get3A_230] {strides = array<i32>} : memref<17280xf32, #tpu.memory_space<vmem>>, vector<16xf32>,
        %get3A_232 = vector.shape_cast %get3A_231 : vector<16xf32> to vector<16xf32>
        %mul3A_233 = arith.mulf %get3A_232, %get3A_220 : vector<16xf32>
        %add3A_234 = arith.addf %add3A_215, %mul3A_233 : vector<16xf32>
        %add3A_235 = arith.constant 6480 : i32
        %add3A_236 = arith.addi %add3A_235, %mul3A_175 : i32
        %get3A_237 = arith.index_cast %add3A_236 : i32 to index
        %get3A_238 = tpu.vector_load %arg9[%get3A_237] {strides = array<i32>} : memref<17280xf32, #tpu.memory_space<vmem>>, vector<16xf32>,
        %get3A_239 = vector.shape_cast %get3A_238 : vector<16xf32> to vector<16xf32>
        %add3A_240 = arith.constant 6480 : i32
        %add3A_241 = arith.addi %add3A_240, %mul3A_175 : i32
        %get3A_242 = arith.index_cast %add3A_241 : i32 to index
        %get3A_243 = tpu.vector_load %arg10[%get3A_242] {strides = array<i32>} : memref<17280xf32, #tpu.memory_space<vmem>>, vector<16xf32>,
        %get3A_244 = vector.shape_cast %get3A_243 : vector<16xf32> to vector<16xf32>
        %mul3A_245 = arith.mulf %get3A_244, %get3A_239 : vector<16xf32>
        %add3A_246 = arith.addf %add3A_227, %mul3A_245 : vector<16xf32>
        %add3A_247 = arith.constant 6480 : i32
        %add3A_248 = arith.addi %add3A_247, %mul3A_175 : i32
        %get3A_249 = arith.index_cast %add3A_248 : i32 to index
        %get3A_250 = tpu.vector_load %arg11[%get3A_249] {strides = array<i32>} : memref<17280xf32, #tpu.memory_space<vmem>>, vector<16xf32>,
        %get3A_251 = vector.shape_cast %get3A_250 : vector<16xf32> to vector<16xf32>
        %mul3A_252 = arith.mulf %get3A_251, %get3A_239 : vector<16xf32>
        %add3A_253 = arith.addf %add3A_234, %mul3A_252 : vector<16xf32>
        %add3A_254 = arith.constant 8640 : i32
        %add3A_255 = arith.addi %add3A_254, %mul3A_175 : i32
        %get3A_256 = arith.index_cast %add3A_255 : i32 to index
        %get3A_257 = tpu.vector_load %arg9[%get3A_256] {strides = array<i32>} : memref<17280xf32, #tpu.memory_space<vmem>>, vector<16xf32>,
        %get3A_258 = vector.shape_cast %get3A_257 : vector<16xf32> to vector<16xf32>
        %add3A_259 = arith.constant 8640 : i32
        %add3A_260 = arith.addi %add3A_259, %mul3A_175 : i32
        %get3A_261 = arith.index_cast %add3A_260 : i32 to index
        %get3A_262 = tpu.vector_load %arg10[%get3A_261] {strides = array<i32>} : memref<17280xf32, #tpu.memory_space<vmem>>, vector<16xf32>,
        %get3A_263 = vector.shape_cast %get3A_262 : vector<16xf32> to vector<16xf32>
        %mul3A_264 = arith.mulf %get3A_263, %get3A_258 : vector<16xf32>
        %add3A_265 = arith.addf %add3A_246, %mul3A_264 : vector<16xf32>
        %add3A_266 = arith.constant 8640 : i32
        %add3A_267 = arith.addi %add3A_266, %mul3A_175 : i32
        %get3A_268 = arith.index_cast %add3A_267 : i32 to index
        %get3A_269 = tpu.vector_load %arg11[%get3A_268] {strides = array<i32>} : memref<17280xf32, #tpu.memory_space<vmem>>, vector<16xf32>,
        %get3A_270 = vector.shape_cast %get3A_269 : vector<16xf32> to vector<16xf32>
        %mul3A_271 = arith.mulf %get3A_270, %get3A_258 : vector<16xf32>
        %add3A_272 = arith.addf %add3A_253, %mul3A_271 : vector<16xf32>
        %add3A_273 = arith.constant 10800 : i32
        %add3A_274 = arith.addi %add3A_273, %mul3A_175 : i32
        %get3A_275 = arith.index_cast %add3A_274 : i32 to index
        %get3A_276 = tpu.vector_load %arg9[%get3A_275] {strides = array<i32>} : memref<17280xf32, #tpu.memory_space<vmem>>, vector<16xf32>,
        %get3A_277 = vector.shape_cast %get3A_276 : vector<16xf32> to vector<16xf32>
        %add3A_278 = arith.constant 10800 : i32
        %add3A_279 = arith.addi %add3A_278, %mul3A_175 : i32
        %get3A_280 = arith.index_cast %add3A_279 : i32 to index
        %get3A_281 = tpu.vector_load %arg10[%get3A_280] {strides = array<i32>} : memref<17280xf32, #tpu.memory_space<vmem>>, vector<16xf32>,
        %get3A_282 = vector.shape_cast %get3A_281 : vector<16xf32> to vector<16xf32>
        %mul3A_283 = arith.mulf %get3A_282, %get3A_277 : vector<16xf32>
        %add3A_284 = arith.addf %add3A_265, %mul3A_283 : vector<16xf32>
        %add3A_285 = arith.constant 10800 : i32
        %add3A_286 = arith.addi %add3A_285, %mul3A_175 : i32
        %get3A_287 = arith.index_cast %add3A_286 : i32 to index
        %get3A_288 = tpu.vector_load %arg11[%get3A_287] {strides = array<i32>} : memref<17280xf32, #tpu.memory_space<vmem>>, vector<16xf32>,
        %get3A_289 = vector.shape_cast %get3A_288 : vector<16xf32> to vector<16xf32>
        %mul3A_290 = arith.mulf %get3A_289, %get3A_277 : vector<16xf32>
        %add3A_291 = arith.addf %add3A_272, %mul3A_290 : vector<16xf32>
        %add3A_292 = arith.constant 12960 : i32
        %add3A_293 = arith.addi %add3A_292, %mul3A_175 : i32
        %get3A_294 = arith.index_cast %add3A_293 : i32 to index
        %get3A_295 = tpu.vector_load %arg9[%get3A_294] {strides = array<i32>} : memref<17280xf32, #tpu.memory_space<vmem>>, vector<16xf32>,
        %get3A_296 = vector.shape_cast %get3A_295 : vector<16xf32> to vector<16xf32>
        %add3A_297 = arith.constant 12960 : i32
        %add3A_298 = arith.addi %add3A_297, %mul3A_175 : i32
        %get3A_299 = arith.index_cast %add3A_298 : i32 to index
        %get3A_300 = tpu.vector_load %arg10[%get3A_299] {strides = array<i32>} : memref<17280xf32, #tpu.memory_space<vmem>>, vector<16xf32>,
        %get3A_301 = vector.shape_cast %get3A_300 : vector<16xf32> to vector<16xf32>
        %mul3A_302 = arith.mulf %get3A_301, %get3A_296 : vector<16xf32>
        %add3A_303 = arith.addf %add3A_284, %mul3A_302 : vector<16xf32>
        %add3A_304 = arith.constant 12960 : i32
        %add3A_305 = arith.addi %add3A_304, %mul3A_175 : i32
        %get3A_306 = arith.index_cast %add3A_305 : i32 to index
        %get3A_307 = tpu.vector_load %arg11[%get3A_306] {strides = array<i32>} : memref<17280xf32, #tpu.memory_space<vmem>>, vector<16xf32>,
        %get3A_308 = vector.shape_cast %get3A_307 : vector<16xf32> to vector<16xf32>
        %mul3A_309 = arith.mulf %get3A_308, %get3A_296 : vector<16xf32>
        %add3A_310 = arith.addf %add3A_291, %mul3A_309 : vector<16xf32>
        %add3A_311 = arith.constant 15120 : i32
        %add3A_312 = arith.addi %add3A_311, %mul3A_175 : i32
        %get3A_313 = arith.index_cast %add3A_312 : i32 to index
        %get3A_314 = tpu.vector_load %arg9[%get3A_313] {strides = array<i32>} : memref<17280xf32, #tpu.memory_space<vmem>>, vector<16xf32>,
        %get3A_315 = vector.shape_cast %get3A_314 : vector<16xf32> to vector<16xf32>
        %add3A_316 = arith.constant 15120 : i32
        %add3A_317 = arith.addi %add3A_316, %mul3A_175 : i32
        %get3A_318 = arith.index_cast %add3A_317 : i32 to index
        %get3A_319 = tpu.vector_load %arg10[%get3A_318] {strides = array<i32>} : memref<17280xf32, #tpu.memory_space<vmem>>, vector<16xf32>,
        %get3A_320 = vector.shape_cast %get3A_319 : vector<16xf32> to vector<16xf32>
        %mul3A_321 = arith.mulf %get3A_320, %get3A_315 : vector<16xf32>
        %add3A_322 = arith.addf %add3A_303, %mul3A_321 : vector<16xf32>
        %add3A_323 = arith.constant 15120 : i32
        %add3A_324 = arith.addi %add3A_323, %mul3A_175 : i32
        %get3A_325 = arith.index_cast %add3A_324 : i32 to index
        %get3A_326 = tpu.vector_load %arg11[%get3A_325] {strides = array<i32>} : memref<17280xf32, #tpu.memory_space<vmem>>, vector<16xf32>,
        %get3A_327 = vector.shape_cast %get3A_326 : vector<16xf32> to vector<16xf32>
        %mul3A_328 = arith.mulf %get3A_327, %get3A_315 : vector<16xf32>
        %add3A_329 = arith.addf %add3A_310, %mul3A_328 : vector<16xf32>
        %swap3A = arith.index_cast %mul3A_175 : i32 to index
        %swap3A_330 = tpu.vector_load %arg12[%swap3A] {strides = array<i32>} : memref<2160xf32, #tpu.memory_space<vmem>>, vector<16xf32>,
        %swap3A_331 = vector.shape_cast %swap3A_330 : vector<16xf32> to vector<16xf32>
        %swap3A_332 = vector.shape_cast %add3A_322 : vector<16xf32> to vector<16xf32>
        tpu.vector_store %arg12[%swap3A], %swap3A_332 {strides = array<i32>} : memref<2160xf32, #tpu.memory_space<vmem>>, vector<16xf32>,
        %swap3A_333 = arith.index_cast %mul3A_175 : i32 to index
        %swap3A_334 = tpu.vector_load %arg13[%swap3A_333] {strides = array<i32>} : memref<2160xf32, #tpu.memory_space<vmem>>, vector<16xf32>,
        %swap3A_335 = vector.shape_cast %swap3A_334 : vector<16xf32> to vector<16xf32>
        %swap3A_336 = vector.shape_cast %add3A_329 : vector<16xf32> to vector<16xf32>
        tpu.vector_store %arg13[%swap3A_333], %swap3A_336 {strides = array<i32>} : memref<2160xf32, #tpu.memory_space<vmem>>, vector<16xf32>,
      }
      "tpu.region"() ({
        %run_scoped3A = tpu.sem_alloc : memref<!tpu.dma_semaphore, #tpu.memory_space<semaphore_mem>>
        %dma_start3A_173 = tpu.memref_slice %arg6[%add3A_16] : memref<691200xf32, #tpu.memory_space<hbm>> -> memref<2160xf32, #tpu.memory_space<hbm>>
        %dma_start3A_174 = tpu.memref_slice %arg6[%add3A_16] : memref<691200xf32, #tpu.memory_space<hbm>> -> memref<2160xf32, #tpu.memory_space<hbm>>
        tpu.enqueue_dma source(%arg12 : memref<2160xf32, #tpu.memory_space<vmem>>) target(%dma_start3A_174 : memref<2160xf32, #tpu.memory_space<hbm>>) target_semaphore(%run_scoped3A : memref<!tpu.dma_semaphore, #tpu.memory_space<semaphore_mem>>)
        %dma_wait3A_175 = tpu.memref_slice %arg6[%add3A_16] : memref<691200xf32, #tpu.memory_space<hbm>> -> memref<2160xf32, #tpu.memory_space<hbm>>
        %dma_wait3A_176 = tpu.memref_slice %arg6[%add3A_16] : memref<691200xf32, #tpu.memory_space<hbm>> -> memref<2160xf32, #tpu.memory_space<hbm>>
        tpu.wait_dma2 semaphore(%run_scoped3A : memref<!tpu.dma_semaphore, #tpu.memory_space<semaphore_mem>>) src(%arg12 : memref<2160xf32, #tpu.memory_space<vmem>>) dst(%dma_wait3A_176 : memref<2160xf32, #tpu.memory_space<hbm>>)
        tpu.yield
      }) : () -> ()
      "tpu.region"() ({
        %run_scoped3A = tpu.sem_alloc : memref<!tpu.dma_semaphore, #tpu.memory_space<semaphore_mem>>
        %dma_start3A_173 = tpu.memref_slice %arg7[%add3A_16] : memref<691200xf32, #tpu.memory_space<hbm>> -> memref<2160xf32, #tpu.memory_space<hbm>>
        %dma_start3A_174 = tpu.memref_slice %arg7[%add3A_16] : memref<691200xf32, #tpu.memory_space<hbm>> -> memref<2160xf32, #tpu.memory_space<hbm>>
        tpu.enqueue_dma source(%arg13 : memref<2160xf32, #tpu.memory_space<vmem>>) target(%dma_start3A_174 : memref<2160xf32, #tpu.memory_space<hbm>>) target_semaphore(%run_scoped3A : memref<!tpu.dma_semaphore, #tpu.memory_space<semaphore_mem>>)
        %dma_wait3A_175 = tpu.memref_slice %arg7[%add3A_16] : memref<691200xf32, #tpu.memory_space<hbm>> -> memref<2160xf32, #tpu.memory_space<hbm>>
        %dma_wait3A_176 = tpu.memref_slice %arg7[%add3A_16] : memref<691200xf32, #tpu.memory_space<hbm>> -> memref<2160xf32, #tpu.memory_space<hbm>>
        tpu.wait_dma2 semaphore(%run_scoped3A : memref<!tpu.dma_semaphore, #tpu.memory_space<semaphore_mem>>) src(%arg13 : memref<2160xf32, #tpu.memory_space<vmem>>) dst(%dma_wait3A_176 : memref<2160xf32, #tpu.memory_space<hbm>>)
        tpu.yield
      }) : () -> ()
    }
    return
  }
}

</mosaic_0001>

<sc_bundles>
// kernel: kernel.3.cloned.1.call-start
scs
__scs_entry_jumppad:
0x0: {  	(pc) =	sbr.rel $0x88, $3  }
0x1: {  	(tag) =	ssettag $0x0;
	lr =	simm.s32 $0x1  }
0x2: {  	[smem:$0x3F9A] =	sst lr;
	_ =	strace $0xD0000000  }
0x3: {  	_ = 	snop  }
0x4: {  	_ = 	snop  }
0x5: {  	_ = 	snop  }
0x6: {  	_ = 	snop  }
0x7: {  	_ = 	snop  }
__scs_overlays_trampoline_lowered:
0x8: {  	[smem:$0x3FA9] =	sst s0  }
0x9: {  	[smem:$0x3FAA] =	sst s1  }
0xa: {  	[smem:$0x3FAB] =	sst s2  }
0xb: {  	[smem:$0x3FAC] =	sst s3  }
0xc: {  	[smem:$0x3FAD] =	sst s4  }
0xd: {  	[smem:$0x3FAE] =	sst s5  }
0xe: {  	[smem:$0x3FAF] =	sst s6  }
0xf: {  	[smem:$0x3FB0] =	sst s7  }
0x10: {  	[smem:$0x3FB1] =	sst s8  }
0x11: {  	[smem:$0x3FB2] =	sst s9;
	s0 =	simm.s32 @!p0 $0x0  }
0x12: {  	s1 =	sld [smem:$0x3F98];
	s0 =	simm.s32 @p0 $0x1  }
0x13: {  	[smem:$0x3FB3] =	sst s0;
	s0 =	simm.s32 @!p1 $0x0  }
0x14: {  	s2 =	sld [smem:$0x3F97];
	s0 =	simm.s32 @p1 $0x1  }
0x15: {  	[smem:$0x3FB4] =	sst s0;
	s0 =	simm.s32 @!p2 $0x0  }
0x16: {  	s3 =	sld [smem:$0x3FDB];
	s0 =	simm.s32 @p2 $0x1  }
0x17: {  	s4 =	simm.s32 $0x1BF5;
	[smem:$0x3FB6] =	sst s0  }
0x18: {  	s0 =	sld [smem:$0x3F99];
	_ =	swait.ge [sflag:s4], $0x0  }
0x19: {  	s7 =	sld [smem:$0x3F9A]  }
0x1a: {  	s8 =	sadd.s32 $0xFFFFE003, lr  }
0x1b: {  	s9 =	sadd.s32 $0xFFFFFEF7, lr;
	s5 =	simm.s32 $0xFFFFFFFF;
	p2 =	slt.u32 s8, $0xFFFFF086  }
0x1c: {  	p1 =	slt.u32 s9, $0xF7A;
	s5 =	simm.s32 @!p2 $0x0  }
0x1d: {  	s5 =	simm.s32 @p1 $0x1;
	p0 =	seq.s32 s7, s2  }
0x1e: {  	s7 =	smul.u32 @!p0 $0xF7A, s2;
	p2 =	seq.s32 @!p0 s5, $0x0  }
0x1f: {  	s9 =	smul.u32 $0xF7A, s1;
	s8 =	simm.s32 @!p0 $0x1BF5;
	p2 =	por !p2, p0  }
0x20: {  	[sflag:s8] =	ssyncset.s32 @!p0 $0xFFFFF086;
	s6 =	sadd.s32 @!p0 s3, s7;
	s7 =	simm.s32 @!p0 $0x108  }
0x21: {  	s3 =	sadd.s32 s3, s9;
	s6 =	sadd.s32 @!p0 $0x88, s6;
	s7 =	simm.s32 @p2 $0x1082  }
0x22: {  	[simem:s7], [sflag:s8] =	dma.local @!p0 [hbm:s6], $0xF7A  }
0x23: {  	s9 =	sor.u32 $0xD0000000, s2;
	s6 =	simm.s32 $0x108;
	_ =	swait.ge @!p0 [sflag:s8], $0x0  }
0x24: {  	s3 =	sadd.s32 $0x88, s3;
	s6 =	simm.s32 @!p1 $0x1082;
	[sflag:s4] =	ssyncset.s32 $0xFFFFF086  }
0x25: {  	[simem:s6], [sflag:s4] =	dma.local [hbm:s3], $0xF7A  }
0x26: {  	[smem:$0x3F9A] =	sst s1;
	(tag) =	ssettag s2;
	_ =	strace s9  }
0x27: {  	s1 =	sld [smem:$0x3FAA]  }
0x28: {  	s2 =	sld [smem:$0x3FAB]  }
0x29: {  	s4 =	sld [smem:$0x3FAD]  }
0x2a: {  	p0 =	seq.s32 s5, $0x0;
	s5 =	sld [smem:$0x3FAE]  }
0x2b: {  	s6 =	sld [smem:$0x3FAF]  }
0x2c: {  	s7 =	sld [smem:$0x3FB0]  }
0x2d: {  	s3 =	simm.s32 $0x108;
	s8 =	sld [smem:$0x3FB1]  }
0x2e: {  	s3 =	simm.s32 @!p0 $0x1082;
	s9 =	sld [smem:$0x3FB2]  }
0x2f: {  	lr =	sadd.s32 s0, s3;
	s0 =	sld [smem:$0x3FA9]  }
0x30: {  	s3 =	sld [smem:$0x3FAC]  }
0x31: {  	[smem:$0x3FB5] =	sst s10  }
0x32: {  	s10 =	sld [smem:$0x3FB3];
	_ =	sdelay $0x3  }
0x33: {  	p0 =	seq.s32 s10, $0x1;
	s10 =	sld [smem:$0x3FB5];
	_ =	sdelay $0x3  }
0x34: {  	[smem:$0x3FB5] =	sst s10  }
0x35: {  	s10 =	sld [smem:$0x3FB4];
	_ =	sdelay $0x3  }
0x36: {  	p1 =	seq.s32 s10, $0x1;
	s10 =	sld [smem:$0x3FB5];
	_ =	sdelay $0x3  }
0x37: {  	[smem:$0x3FB5] =	sst s10  }
0x38: {  	s10 =	sld [smem:$0x3FB6]  }
0x39: {  	_ = 	snop;
	(pc) =	sbr.ind lr, $3  }
0x3a: {  	_ = 	snop  }
0x3b: {  	_ = 	snop  }
0x3c: {  	p2 =	seq.s32 s10, $0x1;
	s10 =	sld [smem:$0x3FB5]  }
0x3d: {  	_ =	shalt  }
0x3e: {  	_ =	shalt  }
0x3f: {  	_ =	shalt  }
0x40: {  	_ =	shalt  }
0x41: {  	_ =	shalt  }
0x42: {  	_ =	shalt  }
0x43: {  	_ =	shalt  }
0x44: {  	_ =	shalt  }
0x45: {  	_ =	shalt  }
0x46: {  	_ =	shalt  }
0x47: {  	_ =	shalt  }
0x48: {  	_ =	shalt  }
0x49: {  	_ =	shalt  }
0x4a: {  	_ =	shalt  }
0x4b: {  	_ =	shalt  }
0x4c: {  	_ =	shalt  }
0x4d: {  	_ =	shalt  }
0x4e: {  	_ =	shalt  }
0x4f: {  	_ =	shalt  }
0x50: {  	_ =	shalt  }
0x51: {  	_ =	shalt  }
0x52: {  	_ =	shalt  }
0x53: {  	_ =	shalt  }
0x54: {  	_ =	shalt  }
0x55: {  	_ =	shalt  }
0x56: {  	_ =	shalt  }
0x57: {  	_ =	shalt  }
0x58: {  	_ =	shalt  }
0x59: {  	_ =	shalt  }
0x5a: {  	_ =	shalt  }
0x5b: {  	_ =	shalt  }
0x5c: {  	_ =	shalt  }
0x5d: {  	_ =	shalt  }
0x5e: {  	_ =	shalt  }
0x5f: {  	_ =	shalt  }
0x60: {  	_ =	shalt  }
0x61: {  	_ =	shalt  }
0x62: {  	_ =	shalt  }
0x63: {  	_ =	shalt  }
0x64: {  	_ =	shalt  }
0x65: {  	_ =	shalt  }
0x66: {  	_ =	shalt  }
0x67: {  	_ =	shalt  }
0x68: {  	_ =	shalt  }
0x69: {  	_ =	shalt  }
0x6a: {  	_ =	shalt  }
0x6b: {  	_ =	shalt  }
0x6c: {  	_ =	shalt  }
0x6d: {  	_ =	shalt  }
0x6e: {  	_ =	shalt  }
0x6f: {  	_ =	shalt  }
0x70: {  	_ =	shalt  }
0x71: {  	_ =	shalt  }
0x72: {  	_ =	shalt  }
0x73: {  	_ =	shalt  }
0x74: {  	_ =	shalt  }
0x75: {  	_ =	shalt  }
0x76: {  	_ =	shalt  }
0x77: {  	_ =	shalt  }
0x78: {  	_ =	shalt  }
0x79: {  	_ =	shalt  }
0x7a: {  	_ =	shalt  }
0x7b: {  	_ =	shalt  }
0x7c: {  	_ =	shalt  }
0x7d: {  	_ =	shalt  }
0x7e: {  	_ =	shalt  }
0x7f: {  	_ =	shalt  }
0x80: {  	_ =	shalt  }
0x81: {  	_ =	shalt  }
0x82: {  	_ =	shalt  }
0x83: {  	_ =	shalt  }
0x84: {  	_ =	shalt  }
0x85: {  	_ =	shalt  }
0x86: {  	_ =	shalt  }
0x87: {  	_ =	shalt  }
.Lfunc_end0:
.L_simem_size_0:
called_computation.2_lowered:
.L_overlay_start_0:
0x88: {  	s2 =	sld [smem:$0x3FD9]  }
0x89: {  	s3 =	sld [smem:$0x3FFE];
	_ =	sdelay $0x1  }
0x8a: {  	s1 =	srdreg.scid  }
0x8b: {  	s0 =	sand.u32 $0x1, s1  }
0x8c: {  	s16 =	sshll.u32 s0, $0xA;
	s2 =	sadd.s32 s3, s2  }
0x8d: {  	s2 =	sadd.s32 s2, s16  }
0x8e: {  	[smem:$0x3FC1] =	sst s2  }
0x8f: {  	_ = 	snop  }
0x90: {  	(tm) =	ssettm $0x1  }
0x91: {  	s17 =	sld [smem:$0x3FFB];
	_ =	sdelay $0x3  }
0x92: {  	_ =	strace s17  }
0x93: {  	s2 =	sld [smem:$0x3FFC];
	_ =	sdelay $0x3  }
0x94: {  	_ =	strace s2  }
0x95: {  	s2 =	sld [smem:$0x3FFD];
	_ =	sdelay $0x3  }
0x96: {  	_ =	strace s2  }
0x97: {  	_ =	strace $0x8FFFFFFF  }
0x98: {  	s18 =	sld [smem:$0x3FDB];
	_ =	sdelay $0x1  }
0x99: {  	s19 =	simm.s32 $_scs_section_size  }
0x9a: {  	s4 =	simm.s32 $_size__tile_overlayer_lowered;
	s5 =	simm.s32 $_tile_overlayer_lowered  }
0x9b: {  	s22 =	simm.s32 $0x1BFF;
	s21 =	sshll.u32 s5, $0x1;
	s2 =	sadd.s32 s19, s18  }
0x9c: {  	s6 =	simm.s32 $0x0;
	s20 =	sshll.u32 s4, $0x1;
	s4 =	sadd.s32 s21, s2  }
0x9d: {  	[timem:s6], [sflag:s22] =	dma.local [hbm:s4], s20  }
0x9e: {  	_ =	swait.ge [sflag:s22], s20  }
0x9f: {  	s3 =	ssub.s32 $0x0, s20;
	[sflag:s22] =	ssyncset.done $0x0  }
0xa0: {  	[sflag:s22] =	ssyncadd.s32 s3;
	_ =	sdelay $0x1  }
0xa1: {  	s23 =	simm.s32 $0x1B8B  }
0xa2: {  	_ =	swait.ge [sflag:s23], $0x1  }
0xa3: {  	[sflag:s23] =	ssyncset.done $0x0  }
0xa4: {  	s25 =	simm.s32 $0x1B8E;
	s24 =	sld [smem:$0x3FFE];
	[sflag:s23] =	ssyncadd.s32 $0xFFFFFFFF  }
0xa5: {  	s26 =	simm.s32 $execute0_lowered;
	[smem:$0x3FD2] =	sst s25  }
0xa6: {  	s4 =	sshll.u32 s26, $0x1;
	_ =	strace $0x8000004C;
	[dreg:$0x1] =	wrdreg $0xFFFFFFFF  }
0xa7: {  	s28 =	simm.s32 $_size_execute0_lowered;
	s2 =	sadd.s32 s2, s4;
	[dreg:$0x0] =	wrdreg $0x0  }
0xa8: {  	s4 =	sshll.u32 s28, $0x1;
	[dreg:$0x2] =	wrdreg s2  }
0xa9: {  	[dreg:$0x3] =	wrdreg s4  }
0xaa: {  	[dreg:$0x4] =	wrdreg $0xC0  }
0xab: {  	_ =	task [dreg:s6], $0x5FFFF  }
0xac: {  	[dreg:$0x1] =	wrdreg $0xFFFFFFFF  }
0xad: {  	[dreg:$0x0] =	wrdreg $0x60  }
0xae: {  	[dreg:$0x2] =	wrdreg s24  }
0xaf: {  	[dreg:$0x3] =	wrdreg $0x9  }
0xb0: {  	_ =	task.clear_ibuf [dreg:s6], $0x4FFFF;
	_ =	strace $0x9000004C  }
0xb1: {  	s29 =	simm.s32 $0x9;
	_ =	strace $0x8000004E  }
0xb2: {  	_ =	swait.ge [sflag:s29], $0x1  }
0xb3: {  	[sflag:s29] =	ssyncadd.s32 $0xFFFFFFFF  }
0xb4: {  	_ =	strace $0x9000004E  }
0xb5: {  	_ =	sfence  }
0xb6: {  	s30 =	sld [smem:$0x0];
	_ =	sdelay $0x2  }
0xb7: {  	s31 =	sshll.u32 s1, $0xD;
	s1 =	sshrl.u32 s1, $0x2  }
0xb8: {  	s3 =	sand.u32 $0x4000, s31;
	s1 =	sadd.s32 s1, s30  }
0xb9: {  	s0 =	sor.u32 s3, s0;
	s1 =	sshll.u32 s1, $0x11  }
0xba: {  	s0 =	sor.u32 s1, s0  }
0xbb: {  	s0 =	sadd.s32 $0x8F2B, s0  }
0xbc: {  	[sflag:s0] =	ssyncadd.remote.s32 $0x1  }
0xbd: {  	_ =	sfence.sel $0xFFFF  }
0xbe: {  	[dreg:$0x0] =	wrdreg $0xFFFFFFFF;
	(pc) =	sbr.abs _section_cstart, $3  }
0xbf: {  	[dreg:$0x1] =	wrdreg $0xFFFFFFFF  }
0xc0: {  	_ =	task.clear_ibuf [dreg:s6], $0x2FFFF;
	_ =	strace $0x9FFFFFFF  }
0xc1: {  	(tm) =	ssettm $0x7FFFFFFF  }
tec
execute0_lowered:
.L_overlay_start_1:
0x0: {  	(tag) =	ssettag $0x1  }
0x1: {  	s0 =	rddreg [dreg:$0x0]  }
0x2: {  	s1 =	simm.s32 $0x0;
	s25 =	srdreg.scid;
	s7 =	stileid.u32  }
0x3: {  	s28 =	simm.s32 $0x80;
	s20 =	simm.s32 $0x2;
	s9 =	simm.s32 $0x3C80  }
0x4: {  	s12 =	simm.s32 $0x3D80;
	s15 =	simm.s32 $0x3E00;
	s18 =	simm.s32 $0x3E80  }
0x5: {  	s21 =	simm.s32 $0x3F00;
	s24 =	simm.s32 $0x3F80;
	s30 =	simm.s32 $0x4000  }
0x6: {  	s10 =	simm.s32 $0x4080;
	s14 =	simm.s32 $0x4100;
	s19 =	simm.s32 $0x4180  }
0x7: {  	s23 =	simm.s32 $0x4200;
	s31 =	simm.s32 $0x4280;
	s13 =	simm.s32 $0x4300  }
0x8: {  	s22 =	simm.s32 $0x3;
	s11 =	simm.s32 $0x0;
	[smem:$0x7FF] =	sst s1  }
0x9: {  	s3 =	sadd.s32 $0xBE00, s0;
	s4 =	sadd.s32 $0x20BE00, s0;
	s5 =	sadd.s32 $0x6E7800, s0  }
0xa: {  	s1 =	sand.u32 $0x1, s25;
	s6 =	sadd.s32 $0x790400, s0;
	s8 =	sadd.s32 $0x498E00, s0  }
0xb: {  	s7 =	sshll.u32 s7, $0x1;
	s0 =	sadd.s32 $0x4AE000, s0;
	_ =	strace $0x8000004D  }
0xc: {  	s2 =	ssub.s32 $0x2, s1;
	[dreg:$0x2] =	wrdreg s8;
	s1 =	sor.u32 s1, s7  }
0xd: {  	[dreg:$0x3] =	wrdreg s0;
	s26 =	sshrl.u32 s2, $0x1;
	s1 =	smul.u32 $0x5460, s1  }
0xe: {  	s7 =	simm.s32 $0x3B80;
	s8 =	simm.s32 $0x3C00;
	s29 =	ssub.s32 s2, s26  }
0xf: {  	s26 =	simm.s32 $0x1;
	[dreg:$0x4] =	wrdreg s1;
	s0 =	smax.u32 s29, $0x1  }
0x10: {  	s2 =	simm.s32 $0x3D00;
	s1 =	simm.s32 $0x3B00;
	[dreg:$0x5] =	wrdreg s0  }
.LBB2_1:
0x11: {  	[dreg:$0x6] =	wrdreg s11;
	s0 =	simm.s32 $0x0  }
.LBB2_2:
0x12: {  	s11 =	smul.u32 $0x870, s0  }
0x13: {  	s16 =	rddreg [dreg:$0x4]  }
0x14: {  	s11 =	sadd.s32 s16, s11  }
0x15: {  	s17 =	sshrl.u32 s11, $0x3  }
0x16: {  	s16 =	simm.s32 $0x0;
	s11 =	sadd.s32 s5, s17  }
0x17: {  	[tilespmem:s16], [sflag:$0x1] =	stream.linear.gather [hbm4b:s11+s16], $0x870, $0x38;
	[tilespmem:$0x11F00] =	vst v63  }
0x18: {  	s29 =	simm.s32 $0x4380;
	s25 =	sadd.s32 s6, s17;
	s11 =	sadd.s32 $0x15180, s17  }
0x19: {  	[tilespmem:s29], [sflag:$0x1] =	stream.linear.gather [hbm4b:s25+s16], $0x870, $0x38;
	[tilespmem:$0x11F00] =	vst v63  }
0x1a: {  	s29 =	sadd.s32 s5, s11;
	s25 =	simm.s32 $0x870  }
0x1b: {  	[tilespmem:s25], [sflag:$0x1] =	stream.linear.gather [hbm4b:s29+s16], $0x870, $0x38;
	[tilespmem:$0x11F00] =	vst v63  }
0x1c: {  	s11 =	sadd.s32 s6, s11;
	s25 =	simm.s32 $0x4BF0  }
0x1d: {  	[tilespmem:s25], [sflag:$0x1] =	stream.linear.gather [hbm4b:s11+s16], $0x870, $0x38;
	[tilespmem:$0x11F00] =	vst v63  }
0x1e: {  	s11 =	sadd.s32 $0x2A300, s17  }
0x1f: {  	s25 =	simm.s32 $0x10E0;
	s29 =	sadd.s32 s5, s11  }
0x20: {  	[tilespmem:s25], [sflag:$0x1] =	stream.linear.gather [hbm4b:s29+s16], $0x870, $0x38;
	[tilespmem:$0x11F00] =	vst v63  }
0x21: {  	s11 =	sadd.s32 s6, s11;
	s25 =	simm.s32 $0x5460  }
0x22: {  	[tilespmem:s25], [sflag:$0x1] =	stream.linear.gather [hbm4b:s11+s16], $0x870, $0x38;
	[tilespmem:$0x11F00] =	vst v63  }
0x23: {  	s11 =	sadd.s32 $0x3F480, s17  }
0x24: {  	s25 =	simm.s32 $0x1950;
	s29 =	sadd.s32 s5, s11  }
0x25: {  	[tilespmem:s25], [sflag:$0x1] =	stream.linear.gather [hbm4b:s29+s16], $0x870, $0x38;
	[tilespmem:$0x11F00] =	vst v63  }
0x26: {  	s11 =	sadd.s32 s6, s11;
	s25 =	simm.s32 $0x5CD0  }
0x27: {  	[tilespmem:s25], [sflag:$0x1] =	stream.linear.gather [hbm4b:s11+s16], $0x870, $0x38;
	[tilespmem:$0x11F00] =	vst v63  }
0x28: {  	s11 =	sadd.s32 $0x54600, s17  }
0x29: {  	s25 =	simm.s32 $0x21C0;
	s29 =	sadd.s32 s5, s11  }
0x2a: {  	[tilespmem:s25], [sflag:$0x1] =	stream.linear.gather [hbm4b:s29+s16], $0x870, $0x38;
	[tilespmem:$0x11F00] =	vst v63  }
0x2b: {  	s11 =	sadd.s32 s6, s11;
	s25 =	simm.s32 $0x6540  }
0x2c: {  	[tilespmem:s25], [sflag:$0x1] =	stream.linear.gather [hbm4b:s11+s16], $0x870, $0x38;
	[tilespmem:$0x11F00] =	vst v63  }
0x2d: {  	s11 =	sadd.s32 $0x69780, s17  }
0x2e: {  	s25 =	simm.s32 $0x2A30;
	s29 =	sadd.s32 s5, s11  }
0x2f: {  	[tilespmem:s25], [sflag:$0x1] =	stream.linear.gather [hbm4b:s29+s16], $0x870, $0x38;
	[tilespmem:$0x11F00] =	vst v63  }
0x30: {  	s11 =	sadd.s32 s6, s11;
	s25 =	simm.s32 $0x6DB0  }
0x31: {  	[tilespmem:s25], [sflag:$0x1] =	stream.linear.gather [hbm4b:s11+s16], $0x870, $0x38;
	[tilespmem:$0x11F00] =	vst v63  }
0x32: {  	s11 =	sadd.s32 $0x7E900, s17  }
0x33: {  	s25 =	simm.s32 $0x32A0;
	s29 =	sadd.s32 s5, s11  }
0x34: {  	[tilespmem:s25], [sflag:$0x1] =	stream.linear.gather [hbm4b:s29+s16], $0x870, $0x38;
	[tilespmem:$0x11F00] =	vst v63  }
0x35: {  	s11 =	sadd.s32 s6, s11;
	s25 =	simm.s32 $0x7620  }
0x36: {  	[tilespmem:s25], [sflag:$0x1] =	stream.linear.gather [hbm4b:s11+s16], $0x870, $0x38;
	[tilespmem:$0x11F00] =	vst v63  }
0x37: {  	s11 =	sadd.s32 $0x93A80, s17  }
0x38: {  	s25 =	simm.s32 $0x3B10;
	s29 =	sadd.s32 s5, s11  }
0x39: {  	[tilespmem:s25], [sflag:$0x1] =	stream.linear.gather [hbm4b:s29+s16], $0x870, $0x38;
	[tilespmem:$0x11F00] =	vst v63  }
0x3a: {  	s11 =	sadd.s32 s6, s11;
	s25 =	simm.s32 $0x7E90  }
0x3b: {  	[tilespmem:s25], [sflag:$0x1] =	stream.linear.gather [hbm4b:s11+s16], $0x870, $0x38;
	[tilespmem:$0x11F00] =	vst v63  }
0x3c: {  	_ =	swait.ge [sflag:s26], $0x4380  }
0x3d: {  	[sflag:s26] =	ssyncset.done $0x0  }
0x3e: {  	[sflag:s26] =	ssyncadd.s32 $0xFFFFBC80  }
0x3f: {  	_ =	swait.ge [sflag:s26], $0x4380  }
0x40: {  	[sflag:s26] =	ssyncset.done $0x0  }
0x41: {  	s25 =	simm.s32 $0x8700;
	[sflag:s26] =	ssyncadd.s32 $0xFFFFBC80  }
0x42: {  	[tilespmem:s25], [sflag:$0x2] =	stream.indirect.gather [hbm4b:s3+s28], $0x1, s16, s28, $0xb8;
	[tilespmem:$0x11F00] =	vst v63  }
0x43: {  	s25 =	simm.s32 $0xCA80  }
0x44: {  	[tilespmem:s25], [sflag:$0x2] =	stream.indirect.gather [hbm4b:s4+s28], $0x1, s16, s28, $0xb8;
	[tilespmem:$0x11F00] =	vst v63  }
0x45: {  	s25 =	simm.s32 $0x8780  }
0x46: {  	[tilespmem:s25], [sflag:$0x2] =	stream.indirect.gather [hbm4b:s3+s28], $0x1, s28, s28, $0xb8;
	[tilespmem:$0x11F00] =	vst v63  }
0x47: {  	s16 =	simm.s32 $0xCB00  }
0x48: {  	[tilespmem:s16], [sflag:$0x2] =	stream.indirect.gather [hbm4b:s4+s28], $0x1, s28, s28, $0xb8;
	[tilespmem:$0x11F00] =	vst v63  }
0x49: {  	s11 =	simm.s32 $0x100;
	s25 =	simm.s32 $0x8800  }
0x4a: {  	[tilespmem:s25], [sflag:$0x2] =	stream.indirect.gather [hbm4b:s3+s28], $0x1, s11, s28, $0xb8;
	[tilespmem:$0x11F00] =	vst v63  }
0x4b: {  	s25 =	simm.s32 $0xCB80  }
0x4c: {  	[tilespmem:s25], [sflag:$0x2] =	stream.indirect.gather [hbm4b:s4+s28], $0x1, s11, s28, $0xb8;
	[tilespmem:$0x11F00] =	vst v63  }
0x4d: {  	s11 =	simm.s32 $0x180;
	s25 =	simm.s32 $0x8880  }
0x4e: {  	[tilespmem:s25], [sflag:$0x2] =	stream.indirect.gather [hbm4b:s3+s28], $0x1, s11, s28, $0xb8;
	[tilespmem:$0x11F00] =	vst v63  }
0x4f: {  	s25 =	simm.s32 $0xCC00  }
0x50: {  	[tilespmem:s25], [sflag:$0x2] =	stream.indirect.gather [hbm4b:s4+s28], $0x1, s11, s28, $0xb8;
	[tilespmem:$0x11F00] =	vst v63  }
0x51: {  	s11 =	simm.s32 $0x200;
	s25 =	simm.s32 $0x8900  }
0x52: {  	[tilespmem:s25], [sflag:$0x2] =	stream.indirect.gather [hbm4b:s3+s28], $0x1, s11, s28, $0xb8;
	[tilespmem:$0x11F00] =	vst v63  }
0x53: {  	s25 =	simm.s32 $0xCC80  }
0x54: {  	[tilespmem:s25], [sflag:$0x2] =	stream.indirect.gather [hbm4b:s4+s28], $0x1, s11, s28, $0xb8;
	[tilespmem:$0x11F00] =	vst v63  }
0x55: {  	s11 =	simm.s32 $0x280;
	s25 =	simm.s32 $0x8980  }
0x56: {  	[tilespmem:s25], [sflag:$0x2] =	stream.indirect.gather [hbm4b:s3+s28], $0x1, s11, s28, $0xb8;
	[tilespmem:$0x11F00] =	vst v63  }
0x57: {  	s25 =	simm.s32 $0xCD00  }
0x58: {  	[tilespmem:s25], [sflag:$0x2] =	stream.indirect.gather [hbm4b:s4+s28], $0x1, s11, s28, $0xb8;
	[tilespmem:$0x11F00] =	vst v63  }
0x59: {  	s11 =	simm.s32 $0x300;
	s25 =	simm.s32 $0x8A00  }
0x5a: {  	[tilespmem:s25], [sflag:$0x2] =	stream.indirect.gather [hbm4b:s3+s28], $0x1, s11, s28, $0xb8;
	[tilespmem:$0x11F00] =	vst v63  }
0x5b: {  	s25 =	simm.s32 $0xCD80  }
0x5c: {  	[tilespmem:s25], [sflag:$0x2] =	stream.indirect.gather [hbm4b:s4+s28], $0x1, s11, s28, $0xb8;
	[tilespmem:$0x11F00] =	vst v63  }
0x5d: {  	s11 =	simm.s32 $0x380;
	s25 =	simm.s32 $0x8A80  }
0x5e: {  	[tilespmem:s25], [sflag:$0x2] =	stream.indirect.gather [hbm4b:s3+s28], $0x1, s11, s28, $0xb8;
	[tilespmem:$0x11F00] =	vst v63  }
0x5f: {  	s25 =	simm.s32 $0xCE00  }
0x60: {  	[tilespmem:s25], [sflag:$0x2] =	stream.indirect.gather [hbm4b:s4+s28], $0x1, s11, s28, $0xb8;
	[tilespmem:$0x11F00] =	vst v63  }
0x61: {  	s11 =	simm.s32 $0x400;
	s25 =	simm.s32 $0x8B00  }
0x62: {  	[tilespmem:s25], [sflag:$0x2] =	stream.indirect.gather [hbm4b:s3+s28], $0x1, s11, s28, $0xb8;
	[tilespmem:$0x11F00] =	vst v63  }
0x63: {  	s25 =	simm.s32 $0xCE80  }
0x64: {  	[tilespmem:s25], [sflag:$0x2] =	stream.indirect.gather [hbm4b:s4+s28], $0x1, s11, s28, $0xb8;
	[tilespmem:$0x11F00] =	vst v63  }
0x65: {  	s11 =	simm.s32 $0x480;
	s25 =	simm.s32 $0x8B80  }
0x66: {  	[tilespmem:s25], [sflag:$0x2] =	stream.indirect.gather [hbm4b:s3+s28], $0x1, s11, s28, $0xb8;
	[tilespmem:$0x11F00] =	vst v63  }
0x67: {  	s25 =	simm.s32 $0xCF00  }
0x68: {  	[tilespmem:s25], [sflag:$0x2] =	stream.indirect.gather [hbm4b:s4+s28], $0x1, s11, s28, $0xb8;
	[tilespmem:$0x11F00] =	vst v63  }
0x69: {  	s11 =	simm.s32 $0x500;
	s25 =	simm.s32 $0x8C00  }
0x6a: {  	[tilespmem:s25], [sflag:$0x2] =	stream.indirect.gather [hbm4b:s3+s28], $0x1, s11, s28, $0xb8;
	[tilespmem:$0x11F00] =	vst v63  }
0x6b: {  	s25 =	simm.s32 $0xCF80  }
0x6c: {  	[tilespmem:s25], [sflag:$0x2] =	stream.indirect.gather [hbm4b:s4+s28], $0x1, s11, s28, $0xb8;
	[tilespmem:$0x11F00] =	vst v63  }
0x6d: {  	s11 =	simm.s32 $0x580;
	s25 =	simm.s32 $0x8C80  }
0x6e: {  	[tilespmem:s25], [sflag:$0x2] =	stream.indirect.gather [hbm4b:s3+s28], $0x1, s11, s28, $0xb8;
	[tilespmem:$0x11F00] =	vst v63  }
0x6f: {  	s25 =	simm.s32 $0xD000  }
0x70: {  	[tilespmem:s25], [sflag:$0x2] =	stream.indirect.gather [hbm4b:s4+s28], $0x1, s11, s28, $0xb8;
	[tilespmem:$0x11F00] =	vst v63  }
0x71: {  	s11 =	simm.s32 $0x600;
	s25 =	simm.s32 $0x8D00  }
0x72: {  	[tilespmem:s25], [sflag:$0x2] =	stream.indirect.gather [hbm4b:s3+s28], $0x1, s11, s28, $0xb8;
	[tilespmem:$0x11F00] =	vst v63  }
0x73: {  	s25 =	simm.s32 $0xD080  }
0x74: {  	[tilespmem:s25], [sflag:$0x2] =	stream.indirect.gather [hbm4b:s4+s28], $0x1, s11, s28, $0xb8;
	[tilespmem:$0x11F00] =	vst v63  }
0x75: {  	s11 =	simm.s32 $0x680;
	s25 =	simm.s32 $0x8D80  }
0x76: {  	[tilespmem:s25], [sflag:$0x2] =	stream.indirect.gather [hbm4b:s3+s28], $0x1, s11, s28, $0xb8;
	[tilespmem:$0x11F00] =	vst v63  }
0x77: {  	s25 =	simm.s32 $0xD100  }
0x78: {  	[tilespmem:s25], [sflag:$0x2] =	stream.indirect.gather [hbm4b:s4+s28], $0x1, s11, s28, $0xb8;
	[tilespmem:$0x11F00] =	vst v63  }
0x79: {  	s11 =	simm.s32 $0x700;
	s25 =	simm.s32 $0x8E00  }
0x7a: {  	[tilespmem:s25], [sflag:$0x2] =	stream.indirect.gather [hbm4b:s3+s28], $0x1, s11, s28, $0xb8;
	[tilespmem:$0x11F00] =	vst v63  }
0x7b: {  	s25 =	simm.s32 $0xD180  }
0x7c: {  	[tilespmem:s25], [sflag:$0x2] =	stream.indirect.gather [hbm4b:s4+s28], $0x1, s11, s28, $0xb8;
	[tilespmem:$0x11F00] =	vst v63  }
0x7d: {  	_ =	swait.ge [sflag:s20], $0x780  }
0x7e: {  	[sflag:s20] =	ssyncset.done $0x0  }
0x7f: {  	[sflag:s20] =	ssyncadd.s32 $0xFFFFF880  }
0x80: {  	_ =	swait.ge [sflag:s20], $0x780  }
0x81: {  	[sflag:s20] =	ssyncset.done $0x0  }
0x82: {  	s11 =	simm.s32 $0x780;
	s25 =	simm.s32 $0x8E80;
	[sflag:s20] =	ssyncadd.s32 $0xFFFFF880  }
0x83: {  	[tilespmem:s25], [sflag:$0x2] =	stream.indirect.gather [hbm4b:s3+s28], $0x1, s11, s28, $0xb8;
	[tilespmem:$0x11F00] =	vst v63  }
0x84: {  	s25 =	simm.s32 $0xD200  }
0x85: {  	[tilespmem:s25], [sflag:$0x2] =	stream.indirect.gather [hbm4b:s4+s28], $0x1, s11, s28, $0xb8;
	[tilespmem:$0x11F00] =	vst v63  }
0x86: {  	s11 =	simm.s32 $0x800;
	s25 =	simm.s32 $0x8F00  }
0x87: {  	[tilespmem:s25], [sflag:$0x2] =	stream.indirect.gather [hbm4b:s3+s28], $0x1, s11, s28, $0xb8;
	[tilespmem:$0x11F00] =	vst v63  }
0x88: {  	s25 =	simm.s32 $0xD280  }
0x89: {  	[tilespmem:s25], [sflag:$0x2] =	stream.indirect.gather [hbm4b:s4+s28], $0x1, s11, s28, $0xb8;
	[tilespmem:$0x11F00] =	vst v63  }
0x8a: {  	s11 =	simm.s32 $0x880;
	s25 =	simm.s32 $0x8F80  }
0x8b: {  	[tilespmem:s25], [sflag:$0x2] =	stream.indirect.gather [hbm4b:s3+s28], $0x1, s11, s28, $0xb8;
	[tilespmem:$0x11F00] =	vst v63  }
0x8c: {  	s25 =	simm.s32 $0xD300  }
0x8d: {  	[tilespmem:s25], [sflag:$0x2] =	stream.indirect.gather [hbm4b:s4+s28], $0x1, s11, s28, $0xb8;
	[tilespmem:$0x11F00] =	vst v63  }
0x8e: {  	s11 =	simm.s32 $0x900;
	s25 =	simm.s32 $0x9000  }
0x8f: {  	[tilespmem:s25], [sflag:$0x2] =	stream.indirect.gather [hbm4b:s3+s28], $0x1, s11, s28, $0xb8;
	[tilespmem:$0x11F00] =	vst v63  }
0x90: {  	s25 =	simm.s32 $0xD380  }
0x91: {  	[tilespmem:s25], [sflag:$0x2] =	stream.indirect.gather [hbm4b:s4+s28], $0x1, s11, s28, $0xb8;
	[tilespmem:$0x11F00] =	vst v63  }
0x92: {  	s11 =	simm.s32 $0x980;
	s25 =	simm.s32 $0x9080  }
0x93: {  	[tilespmem:s25], [sflag:$0x2] =	stream.indirect.gather [hbm4b:s3+s28], $0x1, s11, s28, $0xb8;
	[tilespmem:$0x11F00] =	vst v63  }
0x94: {  	s25 =	simm.s32 $0xD400  }
0x95: {  	[tilespmem:s25], [sflag:$0x2] =	stream.indirect.gather [hbm4b:s4+s28], $0x1, s11, s28, $0xb8;
	[tilespmem:$0x11F00] =	vst v63  }
0x96: {  	s11 =	simm.s32 $0xA00;
	s25 =	simm.s32 $0x9100  }
0x97: {  	[tilespmem:s25], [sflag:$0x2] =	stream.indirect.gather [hbm4b:s3+s28], $0x1, s11, s28, $0xb8;
	[tilespmem:$0x11F00] =	vst v63  }
0x98: {  	s25 =	simm.s32 $0xD480  }
0x99: {  	[tilespmem:s25], [sflag:$0x2] =	stream.indirect.gather [hbm4b:s4+s28], $0x1, s11, s28, $0xb8;
	[tilespmem:$0x11F00] =	vst v63  }
0x9a: {  	s11 =	simm.s32 $0xA80;
	s25 =	simm.s32 $0x9180  }
0x9b: {  	[tilespmem:s25], [sflag:$0x2] =	stream.indirect.gather [hbm4b:s3+s28], $0x1, s11, s28, $0xb8;
	[tilespmem:$0x11F00] =	vst v63  }
0x9c: {  	s25 =	simm.s32 $0xD500  }
0x9d: {  	[tilespmem:s25], [sflag:$0x2] =	stream.indirect.gather [hbm4b:s4+s28], $0x1, s11, s28, $0xb8;
	[tilespmem:$0x11F00] =	vst v63  }
0x9e: {  	s11 =	simm.s32 $0xB00;
	s25 =	simm.s32 $0x9200  }
0x9f: {  	[tilespmem:s25], [sflag:$0x2] =	stream.indirect.gather [hbm4b:s3+s28], $0x1, s11, s28, $0xb8;
	[tilespmem:$0x11F00] =	vst v63  }
0xa0: {  	s25 =	simm.s32 $0xD580  }
0xa1: {  	[tilespmem:s25], [sflag:$0x2] =	stream.indirect.gather [hbm4b:s4+s28], $0x1, s11, s28, $0xb8;
	[tilespmem:$0x11F00] =	vst v63  }
0xa2: {  	s11 =	simm.s32 $0xB80;
	s25 =	simm.s32 $0x9280  }
0xa3: {  	[tilespmem:s25], [sflag:$0x2] =	stream.indirect.gather [hbm4b:s3+s28], $0x1, s11, s28, $0xb8;
	[tilespmem:$0x11F00] =	vst v63  }
0xa4: {  	s25 =	simm.s32 $0xD600  }
0xa5: {  	[tilespmem:s25], [sflag:$0x2] =	stream.indirect.gather [hbm4b:s4+s28], $0x1, s11, s28, $0xb8;
	[tilespmem:$0x11F00] =	vst v63  }
0xa6: {  	s11 =	simm.s32 $0xC00;
	s25 =	simm.s32 $0x9300  }
0xa7: {  	[tilespmem:s25], [sflag:$0x2] =	stream.indirect.gather [hbm4b:s3+s28], $0x1, s11, s28, $0xb8;
	[tilespmem:$0x11F00] =	vst v63  }
0xa8: {  	s25 =	simm.s32 $0xD680  }
0xa9: {  	[tilespmem:s25], [sflag:$0x2] =	stream.indirect.gather [hbm4b:s4+s28], $0x1, s11, s28, $0xb8;
	[tilespmem:$0x11F00] =	vst v63  }
0xaa: {  	s11 =	simm.s32 $0xC80;
	s25 =	simm.s32 $0x9380  }
0xab: {  	[tilespmem:s25], [sflag:$0x2] =	stream.indirect.gather [hbm4b:s3+s28], $0x1, s11, s28, $0xb8;
	[tilespmem:$0x11F00] =	vst v63  }
0xac: {  	s25 =	simm.s32 $0xD700  }
0xad: {  	[tilespmem:s25], [sflag:$0x2] =	stream.indirect.gather [hbm4b:s4+s28], $0x1, s11, s28, $0xb8;
	[tilespmem:$0x11F00] =	vst v63  }
0xae: {  	s11 =	simm.s32 $0xD00;
	s25 =	simm.s32 $0x9400  }
0xaf: {  	[tilespmem:s25], [sflag:$0x2] =	stream.indirect.gather [hbm4b:s3+s28], $0x1, s11, s28, $0xb8;
	[tilespmem:$0x11F00] =	vst v63  }
0xb0: {  	s25 =	simm.s32 $0xD780  }
0xb1: {  	[tilespmem:s25], [sflag:$0x2] =	stream.indirect.gather [hbm4b:s4+s28], $0x1, s11, s28, $0xb8;
	[tilespmem:$0x11F00] =	vst v63  }
0xb2: {  	s11 =	simm.s32 $0xD80;
	s25 =	simm.s32 $0x9480  }
0xb3: {  	[tilespmem:s25], [sflag:$0x2] =	stream.indirect.gather [hbm4b:s3+s28], $0x1, s11, s28, $0xb8;
	[tilespmem:$0x11F00] =	vst v63  }
0xb4: {  	s25 =	simm.s32 $0xD800  }
0xb5: {  	[tilespmem:s25], [sflag:$0x2] =	stream.indirect.gather [hbm4b:s4+s28], $0x1, s11, s28, $0xb8;
	[tilespmem:$0x11F00] =	vst v63  }
0xb6: {  	s11 =	simm.s32 $0xE00;
	s25 =	simm.s32 $0x9500  }
0xb7: {  	[tilespmem:s25], [sflag:$0x2] =	stream.indirect.gather [hbm4b:s3+s28], $0x1, s11, s28, $0xb8;
	[tilespmem:$0x11F00] =	vst v63  }
0xb8: {  	s25 =	simm.s32 $0xD880  }
0xb9: {  	[tilespmem:s25], [sflag:$0x2] =	stream.indirect.gather [hbm4b:s4+s28], $0x1, s11, s28, $0xb8;
	[tilespmem:$0x11F00] =	vst v63  }
0xba: {  	s11 =	simm.s32 $0xE80;
	s25 =	simm.s32 $0x9580  }
0xbb: {  	[tilespmem:s25], [sflag:$0x2] =	stream.indirect.gather [hbm4b:s3+s28], $0x1, s11, s28, $0xb8;
	[tilespmem:$0x11F00] =	vst v63  }
0xbc: {  	s25 =	simm.s32 $0xD900  }
0xbd: {  	[tilespmem:s25], [sflag:$0x2] =	stream.indirect.gather [hbm4b:s4+s28], $0x1, s11, s28, $0xb8;
	[tilespmem:$0x11F00] =	vst v63  }
0xbe: {  	_ =	swait.ge [sflag:s20], $0x780  }
0xbf: {  	[sflag:s20] =	ssyncset.done $0x0  }
0xc0: {  	[sflag:s20] =	ssyncadd.s32 $0xFFFFF880  }
0xc1: {  	_ =	swait.ge [sflag:s20], $0x780  }
0xc2: {  	[sflag:s20] =	ssyncset.done $0x0  }
0xc3: {  	s11 =	simm.s32 $0xF00;
	s25 =	simm.s32 $0x9600;
	[sflag:s20] =	ssyncadd.s32 $0xFFFFF880  }
0xc4: {  	[tilespmem:s25], [sflag:$0x2] =	stream.indirect.gather [hbm4b:s3+s28], $0x1, s11, s28, $0xb8;
	[tilespmem:$0x11F00] =	vst v63  }
0xc5: {  	s25 =	simm.s32 $0xD980  }
0xc6: {  	[tilespmem:s25], [sflag:$0x2] =	stream.indirect.gather [hbm4b:s4+s28], $0x1, s11, s28, $0xb8;
	[tilespmem:$0x11F00] =	vst v63  }
0xc7: {  	s11 =	simm.s32 $0xF80;
	s25 =	simm.s32 $0x9680  }
0xc8: {  	[tilespmem:s25], [sflag:$0x2] =	stream.indirect.gather [hbm4b:s3+s28], $0x1, s11, s28, $0xb8;
	[tilespmem:$0x11F00] =	vst v63  }
0xc9: {  	s25 =	simm.s32 $0xDA00  }
0xca: {  	[tilespmem:s25], [sflag:$0x2] =	stream.indirect.gather [hbm4b:s4+s28], $0x1, s11, s28, $0xb8;
	[tilespmem:$0x11F00] =	vst v63  }
0xcb: {  	s11 =	simm.s32 $0x1000;
	s25 =	simm.s32 $0x9700  }
0xcc: {  	[tilespmem:s25], [sflag:$0x2] =	stream.indirect.gather [hbm4b:s3+s28], $0x1, s11, s28, $0xb8;
	[tilespmem:$0x11F00] =	vst v63  }
0xcd: {  	s25 =	simm.s32 $0xDA80  }
0xce: {  	[tilespmem:s25], [sflag:$0x2] =	stream.indirect.gather [hbm4b:s4+s28], $0x1, s11, s28, $0xb8;
	[tilespmem:$0x11F00] =	vst v63  }
0xcf: {  	s11 =	simm.s32 $0x1080;
	s25 =	simm.s32 $0x9780  }
0xd0: {  	[tilespmem:s25], [sflag:$0x2] =	stream.indirect.gather [hbm4b:s3+s28], $0x1, s11, s28, $0xb8;
	[tilespmem:$0x11F00] =	vst v63  }
0xd1: {  	s25 =	simm.s32 $0xDB00  }
0xd2: {  	[tilespmem:s25], [sflag:$0x2] =	stream.indirect.gather [hbm4b:s4+s28], $0x1, s11, s28, $0xb8;
	[tilespmem:$0x11F00] =	vst v63  }
0xd3: {  	s11 =	simm.s32 $0x1100;
	s25 =	simm.s32 $0x9800  }
0xd4: {  	[tilespmem:s25], [sflag:$0x2] =	stream.indirect.gather [hbm4b:s3+s28], $0x1, s11, s28, $0xb8;
	[tilespmem:$0x11F00] =	vst v63  }
0xd5: {  	s25 =	simm.s32 $0xDB80  }
0xd6: {  	[tilespmem:s25], [sflag:$0x2] =	stream.indirect.gather [hbm4b:s4+s28], $0x1, s11, s28, $0xb8;
	[tilespmem:$0x11F00] =	vst v63  }
0xd7: {  	s11 =	simm.s32 $0x1180;
	s25 =	simm.s32 $0x9880  }
0xd8: {  	[tilespmem:s25], [sflag:$0x2] =	stream.indirect.gather [hbm4b:s3+s28], $0x1, s11, s28, $0xb8;
	[tilespmem:$0x11F00] =	vst v63  }
0xd9: {  	s25 =	simm.s32 $0xDC00  }
0xda: {  	[tilespmem:s25], [sflag:$0x2] =	stream.indirect.gather [hbm4b:s4+s28], $0x1, s11, s28, $0xb8;
	[tilespmem:$0x11F00] =	vst v63  }
0xdb: {  	s11 =	simm.s32 $0x1200;
	s25 =	simm.s32 $0x9900  }
0xdc: {  	[tilespmem:s25], [sflag:$0x2] =	stream.indirect.gather [hbm4b:s3+s28], $0x1, s11, s28, $0xb8;
	[tilespmem:$0x11F00] =	vst v63  }
0xdd: {  	s25 =	simm.s32 $0xDC80  }
0xde: {  	[tilespmem:s25], [sflag:$0x2] =	stream.indirect.gather [hbm4b:s4+s28], $0x1, s11, s28, $0xb8;
	[tilespmem:$0x11F00] =	vst v63  }
0xdf: {  	s11 =	simm.s32 $0x1280;
	s25 =	simm.s32 $0x9980  }
0xe0: {  	[tilespmem:s25], [sflag:$0x2] =	stream.indirect.gather [hbm4b:s3+s28], $0x1, s11, s28, $0xb8;
	[tilespmem:$0x11F00] =	vst v63  }
0xe1: {  	s25 =	simm.s32 $0xDD00  }
0xe2: {  	[tilespmem:s25], [sflag:$0x2] =	stream.indirect.gather [hbm4b:s4+s28], $0x1, s11, s28, $0xb8;
	[tilespmem:$0x11F00] =	vst v63  }
0xe3: {  	s11 =	simm.s32 $0x1300;
	s25 =	simm.s32 $0x9A00  }
0xe4: {  	[tilespmem:s25], [sflag:$0x2] =	stream.indirect.gather [hbm4b:s3+s28], $0x1, s11, s28, $0xb8;
	[tilespmem:$0x11F00] =	vst v63  }
0xe5: {  	s25 =	simm.s32 $0xDD80  }
0xe6: {  	[tilespmem:s25], [sflag:$0x2] =	stream.indirect.gather [hbm4b:s4+s28], $0x1, s11, s28, $0xb8;
	[tilespmem:$0x11F00] =	vst v63  }
0xe7: {  	s11 =	simm.s32 $0x1380;
	s25 =	simm.s32 $0x9A80  }
0xe8: {  	[tilespmem:s25], [sflag:$0x2] =	stream.indirect.gather [hbm4b:s3+s28], $0x1, s11, s28, $0xb8;
	[tilespmem:$0x11F00] =	vst v63  }
0xe9: {  	s25 =	simm.s32 $0xDE00  }
0xea: {  	[tilespmem:s25], [sflag:$0x2] =	stream.indirect.gather [hbm4b:s4+s28], $0x1, s11, s28, $0xb8;
	[tilespmem:$0x11F00] =	vst v63  }
0xeb: {  	s11 =	simm.s32 $0x1400;
	s25 =	simm.s32 $0x9B00  }
0xec: {  	[tilespmem:s25], [sflag:$0x2] =	stream.indirect.gather [hbm4b:s3+s28], $0x1, s11, s28, $0xb8;
	[tilespmem:$0x11F00] =	vst v63  }
0xed: {  	s25 =	simm.s32 $0xDE80  }
0xee: {  	[tilespmem:s25], [sflag:$0x2] =	stream.indirect.gather [hbm4b:s4+s28], $0x1, s11, s28, $0xb8;
	[tilespmem:$0x11F00] =	vst v63  }
0xef: {  	s11 =	simm.s32 $0x1480;
	s25 =	simm.s32 $0x9B80  }
0xf0: {  	[tilespmem:s25], [sflag:$0x2] =	stream.indirect.gather [hbm4b:s3+s28], $0x1, s11, s28, $0xb8;
	[tilespmem:$0x11F00] =	vst v63  }
0xf1: {  	s25 =	simm.s32 $0xDF00  }
0xf2: {  	[tilespmem:s25], [sflag:$0x2] =	stream.indirect.gather [hbm4b:s4+s28], $0x1, s11, s28, $0xb8;
	[tilespmem:$0x11F00] =	vst v63  }
0xf3: {  	s11 =	simm.s32 $0x1500;
	s25 =	simm.s32 $0x9C00  }
0xf4: {  	[tilespmem:s25], [sflag:$0x2] =	stream.indirect.gather [hbm4b:s3+s28], $0x1, s11, s28, $0xb8;
	[tilespmem:$0x11F00] =	vst v63  }
0xf5: {  	s25 =	simm.s32 $0xDF80  }
0xf6: {  	[tilespmem:s25], [sflag:$0x2] =	stream.indirect.gather [hbm4b:s4+s28], $0x1, s11, s28, $0xb8;
	[tilespmem:$0x11F00] =	vst v63  }
0xf7: {  	s11 =	simm.s32 $0x1580;
	s25 =	simm.s32 $0x9C80  }
0xf8: {  	[tilespmem:s25], [sflag:$0x2] =	stream.indirect.gather [hbm4b:s3+s28], $0x1, s11, s28, $0xb8;
	[tilespmem:$0x11F00] =	vst v63  }
0xf9: {  	s25 =	simm.s32 $0xE000  }
0xfa: {  	[tilespmem:s25], [sflag:$0x2] =	stream.indirect.gather [hbm4b:s4+s28], $0x1, s11, s28, $0xb8;
	[tilespmem:$0x11F00] =	vst v63  }
0xfb: {  	s11 =	simm.s32 $0x1600;
	s25 =	simm.s32 $0x9D00  }
0xfc: {  	[tilespmem:s25], [sflag:$0x2] =	stream.indirect.gather [hbm4b:s3+s28], $0x1, s11, s28, $0xb8;
	[tilespmem:$0x11F00] =	vst v63  }
0xfd: {  	s25 =	simm.s32 $0xE080  }
0xfe: {  	[tilespmem:s25], [sflag:$0x2] =	stream.indirect.gather [hbm4b:s4+s28], $0x1, s11, s28, $0xb8;
	[tilespmem:$0x11F00] =	vst v63  }
0xff: {  	_ =	swait.ge [sflag:s20], $0x780  }
0x100: {  	[sflag:s20] =	ssyncset.done $0x0  }
0x101: {  	[sflag:s20] =	ssyncadd.s32 $0xFFFFF880  }
0x102: {  	_ =	swait.ge [sflag:s20], $0x780  }
0x103: {  	[sflag:s20] =	ssyncset.done $0x0  }
0x104: {  	s11 =	simm.s32 $0x1680;
	s25 =	simm.s32 $0x9D80;
	[sflag:s20] =	ssyncadd.s32 $0xFFFFF880  }
0x105: {  	[tilespmem:s25], [sflag:$0x2] =	stream.indirect.gather [hbm4b:s3+s28], $0x1, s11, s28, $0xb8;
	[tilespmem:$0x11F00] =	vst v63  }
0x106: {  	s25 =	simm.s32 $0xE100  }
0x107: {  	[tilespmem:s25], [sflag:$0x2] =	stream.indirect.gather [hbm4b:s4+s28], $0x1, s11, s28, $0xb8;
	[tilespmem:$0x11F00] =	vst v63  }
0x108: {  	s11 =	simm.s32 $0x1700;
	s25 =	simm.s32 $0x9E00  }
0x109: {  	[tilespmem:s25], [sflag:$0x2] =	stream.indirect.gather [hbm4b:s3+s28], $0x1, s11, s28, $0xb8;
	[tilespmem:$0x11F00] =	vst v63  }
0x10a: {  	s25 =	simm.s32 $0xE180  }
0x10b: {  	[tilespmem:s25], [sflag:$0x2] =	stream.indirect.gather [hbm4b:s4+s28], $0x1, s11, s28, $0xb8;
	[tilespmem:$0x11F00] =	vst v63  }
0x10c: {  	s11 =	simm.s32 $0x1780;
	s25 =	simm.s32 $0x9E80  }
0x10d: {  	[tilespmem:s25], [sflag:$0x2] =	stream.indirect.gather [hbm4b:s3+s28], $0x1, s11, s28, $0xb8;
	[tilespmem:$0x11F00] =	vst v63  }
0x10e: {  	s25 =	simm.s32 $0xE200  }
0x10f: {  	[tilespmem:s25], [sflag:$0x2] =	stream.indirect.gather [hbm4b:s4+s28], $0x1, s11, s28, $0xb8;
	[tilespmem:$0x11F00] =	vst v63  }
0x110: {  	s11 =	simm.s32 $0x1800;
	s25 =	simm.s32 $0x9F00  }
0x111: {  	[tilespmem:s25], [sflag:$0x2] =	stream.indirect.gather [hbm4b:s3+s28], $0x1, s11, s28, $0xb8;
	[tilespmem:$0x11F00] =	vst v63  }
0x112: {  	s25 =	simm.s32 $0xE280  }
0x113: {  	[tilespmem:s25], [sflag:$0x2] =	stream.indirect.gather [hbm4b:s4+s28], $0x1, s11, s28, $0xb8;
	[tilespmem:$0x11F00] =	vst v63  }
0x114: {  	s11 =	simm.s32 $0x1880;
	s25 =	simm.s32 $0x9F80  }
0x115: {  	[tilespmem:s25], [sflag:$0x2] =	stream.indirect.gather [hbm4b:s3+s28], $0x1, s11, s28, $0xb8;
	[tilespmem:$0x11F00] =	vst v63  }
0x116: {  	s25 =	simm.s32 $0xE300  }
0x117: {  	[tilespmem:s25], [sflag:$0x2] =	stream.indirect.gather [hbm4b:s4+s28], $0x1, s11, s28, $0xb8;
	[tilespmem:$0x11F00] =	vst v63  }
0x118: {  	s11 =	simm.s32 $0x1900;
	s25 =	simm.s32 $0xA000  }
0x119: {  	[tilespmem:s25], [sflag:$0x2] =	stream.indirect.gather [hbm4b:s3+s28], $0x1, s11, s28, $0xb8;
	[tilespmem:$0x11F00] =	vst v63  }
0x11a: {  	s25 =	simm.s32 $0xE380  }
0x11b: {  	[tilespmem:s25], [sflag:$0x2] =	stream.indirect.gather [hbm4b:s4+s28], $0x1, s11, s28, $0xb8;
	[tilespmem:$0x11F00] =	vst v63  }
0x11c: {  	s11 =	simm.s32 $0x1980;
	s25 =	simm.s32 $0xA080  }
0x11d: {  	[tilespmem:s25], [sflag:$0x2] =	stream.indirect.gather [hbm4b:s3+s28], $0x1, s11, s28, $0xb8;
	[tilespmem:$0x11F00] =	vst v63  }
0x11e: {  	s25 =	simm.s32 $0xE400  }
0x11f: {  	[tilespmem:s25], [sflag:$0x2] =	stream.indirect.gather [hbm4b:s4+s28], $0x1, s11, s28, $0xb8;
	[tilespmem:$0x11F00] =	vst v63  }
0x120: {  	s11 =	simm.s32 $0x1A00;
	s25 =	simm.s32 $0xA100  }
0x121: {  	[tilespmem:s25], [sflag:$0x2] =	stream.indirect.gather [hbm4b:s3+s28], $0x1, s11, s28, $0xb8;
	[tilespmem:$0x11F00] =	vst v63  }
0x122: {  	s25 =	simm.s32 $0xE480  }
0x123: {  	[tilespmem:s25], [sflag:$0x2] =	stream.indirect.gather [hbm4b:s4+s28], $0x1, s11, s28, $0xb8;
	[tilespmem:$0x11F00] =	vst v63  }
0x124: {  	s11 =	simm.s32 $0x1A80;
	s25 =	simm.s32 $0xA180  }
0x125: {  	[tilespmem:s25], [sflag:$0x2] =	stream.indirect.gather [hbm4b:s3+s28], $0x1, s11, s28, $0xb8;
	[tilespmem:$0x11F00] =	vst v63  }
0x126: {  	s25 =	simm.s32 $0xE500  }
0x127: {  	[tilespmem:s25], [sflag:$0x2] =	stream.indirect.gather [hbm4b:s4+s28], $0x1, s11, s28, $0xb8;
	[tilespmem:$0x11F00] =	vst v63  }
0x128: {  	s11 =	simm.s32 $0x1B00;
	s25 =	simm.s32 $0xA200  }
0x129: {  	[tilespmem:s25], [sflag:$0x2] =	stream.indirect.gather [hbm4b:s3+s28], $0x1, s11, s28, $0xb8;
	[tilespmem:$0x11F00] =	vst v63  }
0x12a: {  	s25 =	simm.s32 $0xE580  }
0x12b: {  	[tilespmem:s25], [sflag:$0x2] =	stream.indirect.gather [hbm4b:s4+s28], $0x1, s11, s28, $0xb8;
	[tilespmem:$0x11F00] =	vst v63  }
0x12c: {  	s11 =	simm.s32 $0x1B80;
	s25 =	simm.s32 $0xA280  }
0x12d: {  	[tilespmem:s25], [sflag:$0x2] =	stream.indirect.gather [hbm4b:s3+s28], $0x1, s11, s28, $0xb8;
	[tilespmem:$0x11F00] =	vst v63  }
0x12e: {  	s25 =	simm.s32 $0xE600  }
0x12f: {  	[tilespmem:s25], [sflag:$0x2] =	stream.indirect.gather [hbm4b:s4+s28], $0x1, s11, s28, $0xb8;
	[tilespmem:$0x11F00] =	vst v63  }
0x130: {  	s11 =	simm.s32 $0x1C00;
	s25 =	simm.s32 $0xA300  }
0x131: {  	[tilespmem:s25], [sflag:$0x2] =	stream.indirect.gather [hbm4b:s3+s28], $0x1, s11, s28, $0xb8;
	[tilespmem:$0x11F00] =	vst v63  }
0x132: {  	s25 =	simm.s32 $0xE680  }
0x133: {  	[tilespmem:s25], [sflag:$0x2] =	stream.indirect.gather [hbm4b:s4+s28], $0x1, s11, s28, $0xb8;
	[tilespmem:$0x11F00] =	vst v63  }
0x134: {  	s11 =	simm.s32 $0x1C80;
	s25 =	simm.s32 $0xA380  }
0x135: {  	[tilespmem:s25], [sflag:$0x2] =	stream.indirect.gather [hbm4b:s3+s28], $0x1, s11, s28, $0xb8;
	[tilespmem:$0x11F00] =	vst v63  }
0x136: {  	s25 =	simm.s32 $0xE700  }
0x137: {  	[tilespmem:s25], [sflag:$0x2] =	stream.indirect.gather [hbm4b:s4+s28], $0x1, s11, s28, $0xb8;
	[tilespmem:$0x11F00] =	vst v63  }
0x138: {  	s11 =	simm.s32 $0x1D00;
	s25 =	simm.s32 $0xA400  }
0x139: {  	[tilespmem:s25], [sflag:$0x2] =	stream.indirect.gather [hbm4b:s3+s28], $0x1, s11, s28, $0xb8;
	[tilespmem:$0x11F00] =	vst v63  }
0x13a: {  	s25 =	simm.s32 $0xE780  }
0x13b: {  	[tilespmem:s25], [sflag:$0x2] =	stream.indirect.gather [hbm4b:s4+s28], $0x1, s11, s28, $0xb8;
	[tilespmem:$0x11F00] =	vst v63  }
0x13c: {  	s11 =	simm.s32 $0x1D80;
	s25 =	simm.s32 $0xA480  }
0x13d: {  	[tilespmem:s25], [sflag:$0x2] =	stream.indirect.gather [hbm4b:s3+s28], $0x1, s11, s28, $0xb8;
	[tilespmem:$0x11F00] =	vst v63  }
0x13e: {  	s25 =	simm.s32 $0xE800  }
0x13f: {  	[tilespmem:s25], [sflag:$0x2] =	stream.indirect.gather [hbm4b:s4+s28], $0x1, s11, s28, $0xb8;
	[tilespmem:$0x11F00] =	vst v63  }
0x140: {  	_ =	swait.ge [sflag:s20], $0x780  }
0x141: {  	[sflag:s20] =	ssyncset.done $0x0  }
0x142: {  	[sflag:s20] =	ssyncadd.s32 $0xFFFFF880  }
0x143: {  	_ =	swait.ge [sflag:s20], $0x780  }
0x144: {  	[sflag:s20] =	ssyncset.done $0x0  }
0x145: {  	s11 =	simm.s32 $0x1E00;
	s25 =	simm.s32 $0xA500;
	[sflag:s20] =	ssyncadd.s32 $0xFFFFF880  }
0x146: {  	[tilespmem:s25], [sflag:$0x2] =	stream.indirect.gather [hbm4b:s3+s28], $0x1, s11, s28, $0xb8;
	[tilespmem:$0x11F00] =	vst v63  }
0x147: {  	s25 =	simm.s32 $0xE880  }
0x148: {  	[tilespmem:s25], [sflag:$0x2] =	stream.indirect.gather [hbm4b:s4+s28], $0x1, s11, s28, $0xb8;
	[tilespmem:$0x11F00] =	vst v63  }
0x149: {  	s11 =	simm.s32 $0x1E80;
	s25 =	simm.s32 $0xA580  }
0x14a: {  	[tilespmem:s25], [sflag:$0x2] =	stream.indirect.gather [hbm4b:s3+s28], $0x1, s11, s28, $0xb8;
	[tilespmem:$0x11F00] =	vst v63  }
0x14b: {  	s25 =	simm.s32 $0xE900  }
0x14c: {  	[tilespmem:s25], [sflag:$0x2] =	stream.indirect.gather [hbm4b:s4+s28], $0x1, s11, s28, $0xb8;
	[tilespmem:$0x11F00] =	vst v63  }
0x14d: {  	s11 =	simm.s32 $0x1F00;
	s25 =	simm.s32 $0xA600  }
0x14e: {  	[tilespmem:s25], [sflag:$0x2] =	stream.indirect.gather [hbm4b:s3+s28], $0x1, s11, s28, $0xb8;
	[tilespmem:$0x11F00] =	vst v63  }
0x14f: {  	s25 =	simm.s32 $0xE980  }
0x150: {  	[tilespmem:s25], [sflag:$0x2] =	stream.indirect.gather [hbm4b:s4+s28], $0x1, s11, s28, $0xb8;
	[tilespmem:$0x11F00] =	vst v63  }
0x151: {  	s11 =	simm.s32 $0x1F80;
	s25 =	simm.s32 $0xA680  }
0x152: {  	[tilespmem:s25], [sflag:$0x2] =	stream.indirect.gather [hbm4b:s3+s28], $0x1, s11, s28, $0xb8;
	[tilespmem:$0x11F00] =	vst v63  }
0x153: {  	s25 =	simm.s32 $0xEA00  }
0x154: {  	[tilespmem:s25], [sflag:$0x2] =	stream.indirect.gather [hbm4b:s4+s28], $0x1, s11, s28, $0xb8;
	[tilespmem:$0x11F00] =	vst v63  }
0x155: {  	s11 =	simm.s32 $0x2000;
	s25 =	simm.s32 $0xA700  }
0x156: {  	[tilespmem:s25], [sflag:$0x2] =	stream.indirect.gather [hbm4b:s3+s28], $0x1, s11, s28, $0xb8;
	[tilespmem:$0x11F00] =	vst v63  }
0x157: {  	s25 =	simm.s32 $0xEA80  }
0x158: {  	[tilespmem:s25], [sflag:$0x2] =	stream.indirect.gather [hbm4b:s4+s28], $0x1, s11, s28, $0xb8;
	[tilespmem:$0x11F00] =	vst v63  }
0x159: {  	s11 =	simm.s32 $0x2080;
	s25 =	simm.s32 $0xA780  }
0x15a: {  	[tilespmem:s25], [sflag:$0x2] =	stream.indirect.gather [hbm4b:s3+s28], $0x1, s11, s28, $0xb8;
	[tilespmem:$0x11F00] =	vst v63  }
0x15b: {  	s25 =	simm.s32 $0xEB00  }
0x15c: {  	[tilespmem:s25], [sflag:$0x2] =	stream.indirect.gather [hbm4b:s4+s28], $0x1, s11, s28, $0xb8;
	[tilespmem:$0x11F00] =	vst v63  }
0x15d: {  	s11 =	simm.s32 $0x2100;
	s25 =	simm.s32 $0xA800  }
0x15e: {  	[tilespmem:s25], [sflag:$0x2] =	stream.indirect.gather [hbm4b:s3+s28], $0x1, s11, s28, $0xb8;
	[tilespmem:$0x11F00] =	vst v63  }
0x15f: {  	s25 =	simm.s32 $0xEB80  }
0x160: {  	[tilespmem:s25], [sflag:$0x2] =	stream.indirect.gather [hbm4b:s4+s28], $0x1, s11, s28, $0xb8;
	[tilespmem:$0x11F00] =	vst v63  }
0x161: {  	s11 =	simm.s32 $0x2180;
	s25 =	simm.s32 $0xA880  }
0x162: {  	[tilespmem:s25], [sflag:$0x2] =	stream.indirect.gather [hbm4b:s3+s28], $0x1, s11, s28, $0xb8;
	[tilespmem:$0x11F00] =	vst v63  }
0x163: {  	s25 =	simm.s32 $0xEC00  }
0x164: {  	[tilespmem:s25], [sflag:$0x2] =	stream.indirect.gather [hbm4b:s4+s28], $0x1, s11, s28, $0xb8;
	[tilespmem:$0x11F00] =	vst v63  }
0x165: {  	s11 =	simm.s32 $0x2200;
	s25 =	simm.s32 $0xA900  }
0x166: {  	[tilespmem:s25], [sflag:$0x2] =	stream.indirect.gather [hbm4b:s3+s28], $0x1, s11, s28, $0xb8;
	[tilespmem:$0x11F00] =	vst v63  }
0x167: {  	s25 =	simm.s32 $0xEC80  }
0x168: {  	[tilespmem:s25], [sflag:$0x2] =	stream.indirect.gather [hbm4b:s4+s28], $0x1, s11, s28, $0xb8;
	[tilespmem:$0x11F00] =	vst v63  }
0x169: {  	s11 =	simm.s32 $0x2280;
	s25 =	simm.s32 $0xA980  }
0x16a: {  	[tilespmem:s25], [sflag:$0x2] =	stream.indirect.gather [hbm4b:s3+s28], $0x1, s11, s28, $0xb8;
	[tilespmem:$0x11F00] =	vst v63  }
0x16b: {  	s25 =	simm.s32 $0xED00  }
0x16c: {  	[tilespmem:s25], [sflag:$0x2] =	stream.indirect.gather [hbm4b:s4+s28], $0x1, s11, s28, $0xb8;
	[tilespmem:$0x11F00] =	vst v63  }
0x16d: {  	s11 =	simm.s32 $0x2300;
	s25 =	simm.s32 $0xAA00  }
0x16e: {  	[tilespmem:s25], [sflag:$0x2] =	stream.indirect.gather [hbm4b:s3+s28], $0x1, s11, s28, $0xb8;
	[tilespmem:$0x11F00] =	vst v63  }
0x16f: {  	s25 =	simm.s32 $0xED80  }
0x170: {  	[tilespmem:s25], [sflag:$0x2] =	stream.indirect.gather [hbm4b:s4+s28], $0x1, s11, s28, $0xb8;
	[tilespmem:$0x11F00] =	vst v63  }
0x171: {  	s11 =	simm.s32 $0x2380;
	s25 =	simm.s32 $0xAA80  }
0x172: {  	[tilespmem:s25], [sflag:$0x2] =	stream.indirect.gather [hbm4b:s3+s28], $0x1, s11, s28, $0xb8;
	[tilespmem:$0x11F00] =	vst v63  }
0x173: {  	s25 =	simm.s32 $0xEE00  }
0x174: {  	[tilespmem:s25], [sflag:$0x2] =	stream.indirect.gather [hbm4b:s4+s28], $0x1, s11, s28, $0xb8;
	[tilespmem:$0x11F00] =	vst v63  }
0x175: {  	s11 =	simm.s32 $0x2400;
	s25 =	simm.s32 $0xAB00  }
0x176: {  	[tilespmem:s25], [sflag:$0x2] =	stream.indirect.gather [hbm4b:s3+s28], $0x1, s11, s28, $0xb8;
	[tilespmem:$0x11F00] =	vst v63  }
0x177: {  	s25 =	simm.s32 $0xEE80  }
0x178: {  	[tilespmem:s25], [sflag:$0x2] =	stream.indirect.gather [hbm4b:s4+s28], $0x1, s11, s28, $0xb8;
	[tilespmem:$0x11F00] =	vst v63  }
0x179: {  	s11 =	simm.s32 $0x2480;
	s25 =	simm.s32 $0xAB80  }
0x17a: {  	[tilespmem:s25], [sflag:$0x2] =	stream.indirect.gather [hbm4b:s3+s28], $0x1, s11, s28, $0xb8;
	[tilespmem:$0x11F00] =	vst v63  }
0x17b: {  	s25 =	simm.s32 $0xEF00  }
0x17c: {  	[tilespmem:s25], [sflag:$0x2] =	stream.indirect.gather [hbm4b:s4+s28], $0x1, s11, s28, $0xb8;
	[tilespmem:$0x11F00] =	vst v63  }
0x17d: {  	s11 =	simm.s32 $0x2500;
	s25 =	simm.s32 $0xAC00  }
0x17e: {  	[tilespmem:s25], [sflag:$0x2] =	stream.indirect.gather [hbm4b:s3+s28], $0x1, s11, s28, $0xb8;
	[tilespmem:$0x11F00] =	vst v63  }
0x17f: {  	s25 =	simm.s32 $0xEF80  }
0x180: {  	[tilespmem:s25], [sflag:$0x2] =	stream.indirect.gather [hbm4b:s4+s28], $0x1, s11, s28, $0xb8;
	[tilespmem:$0x11F00] =	vst v63  }
0x181: {  	_ =	swait.ge [sflag:s20], $0x780  }
0x182: {  	[sflag:s20] =	ssyncset.done $0x0  }
0x183: {  	[sflag:s20] =	ssyncadd.s32 $0xFFFFF880  }
0x184: {  	_ =	swait.ge [sflag:s20], $0x780  }
0x185: {  	[sflag:s20] =	ssyncset.done $0x0  }
0x186: {  	s11 =	simm.s32 $0x2580;
	s25 =	simm.s32 $0xAC80;
	[sflag:s20] =	ssyncadd.s32 $0xFFFFF880  }
0x187: {  	[tilespmem:s25], [sflag:$0x2] =	stream.indirect.gather [hbm4b:s3+s28], $0x1, s11, s28, $0xb8;
	[tilespmem:$0x11F00] =	vst v63  }
0x188: {  	s25 =	simm.s32 $0xF000  }
0x189: {  	[tilespmem:s25], [sflag:$0x2] =	stream.indirect.gather [hbm4b:s4+s28], $0x1, s11, s28, $0xb8;
	[tilespmem:$0x11F00] =	vst v63  }
0x18a: {  	s11 =	simm.s32 $0x2600;
	s25 =	simm.s32 $0xAD00  }
0x18b: {  	[tilespmem:s25], [sflag:$0x2] =	stream.indirect.gather [hbm4b:s3+s28], $0x1, s11, s28, $0xb8;
	[tilespmem:$0x11F00] =	vst v63  }
0x18c: {  	s25 =	simm.s32 $0xF080  }
0x18d: {  	[tilespmem:s25], [sflag:$0x2] =	stream.indirect.gather [hbm4b:s4+s28], $0x1, s11, s28, $0xb8;
	[tilespmem:$0x11F00] =	vst v63  }
0x18e: {  	s11 =	simm.s32 $0x2680;
	s25 =	simm.s32 $0xAD80  }
0x18f: {  	[tilespmem:s25], [sflag:$0x2] =	stream.indirect.gather [hbm4b:s3+s28], $0x1, s11, s28, $0xb8;
	[tilespmem:$0x11F00] =	vst v63  }
0x190: {  	s25 =	simm.s32 $0xF100  }
0x191: {  	[tilespmem:s25], [sflag:$0x2] =	stream.indirect.gather [hbm4b:s4+s28], $0x1, s11, s28, $0xb8;
	[tilespmem:$0x11F00] =	vst v63  }
0x192: {  	s11 =	simm.s32 $0x2700;
	s25 =	simm.s32 $0xAE00  }
0x193: {  	[tilespmem:s25], [sflag:$0x2] =	stream.indirect.gather [hbm4b:s3+s28], $0x1, s11, s28, $0xb8;
	[tilespmem:$0x11F00] =	vst v63  }
0x194: {  	s25 =	simm.s32 $0xF180  }
0x195: {  	[tilespmem:s25], [sflag:$0x2] =	stream.indirect.gather [hbm4b:s4+s28], $0x1, s11, s28, $0xb8;
	[tilespmem:$0x11F00] =	vst v63  }
0x196: {  	s11 =	simm.s32 $0x2780;
	s25 =	simm.s32 $0xAE80  }
0x197: {  	[tilespmem:s25], [sflag:$0x2] =	stream.indirect.gather [hbm4b:s3+s28], $0x1, s11, s28, $0xb8;
	[tilespmem:$0x11F00] =	vst v63  }
0x198: {  	s25 =	simm.s32 $0xF200  }
0x199: {  	[tilespmem:s25], [sflag:$0x2] =	stream.indirect.gather [hbm4b:s4+s28], $0x1, s11, s28, $0xb8;
	[tilespmem:$0x11F00] =	vst v63  }
0x19a: {  	s11 =	simm.s32 $0x2800;
	s25 =	simm.s32 $0xAF00  }
0x19b: {  	[tilespmem:s25], [sflag:$0x2] =	stream.indirect.gather [hbm4b:s3+s28], $0x1, s11, s28, $0xb8;
	[tilespmem:$0x11F00] =	vst v63  }
0x19c: {  	s25 =	simm.s32 $0xF280  }
0x19d: {  	[tilespmem:s25], [sflag:$0x2] =	stream.indirect.gather [hbm4b:s4+s28], $0x1, s11, s28, $0xb8;
	[tilespmem:$0x11F00] =	vst v63  }
0x19e: {  	s11 =	simm.s32 $0x2880;
	s25 =	simm.s32 $0xAF80  }
0x19f: {  	[tilespmem:s25], [sflag:$0x2] =	stream.indirect.gather [hbm4b:s3+s28], $0x1, s11, s28, $0xb8;
	[tilespmem:$0x11F00] =	vst v63  }
0x1a0: {  	s25 =	simm.s32 $0xF300  }
0x1a1: {  	[tilespmem:s25], [sflag:$0x2] =	stream.indirect.gather [hbm4b:s4+s28], $0x1, s11, s28, $0xb8;
	[tilespmem:$0x11F00] =	vst v63  }
0x1a2: {  	s11 =	simm.s32 $0x2900;
	s25 =	simm.s32 $0xB000  }
0x1a3: {  	[tilespmem:s25], [sflag:$0x2] =	stream.indirect.gather [hbm4b:s3+s28], $0x1, s11, s28, $0xb8;
	[tilespmem:$0x11F00] =	vst v63  }
0x1a4: {  	s25 =	simm.s32 $0xF380  }
0x1a5: {  	[tilespmem:s25], [sflag:$0x2] =	stream.indirect.gather [hbm4b:s4+s28], $0x1, s11, s28, $0xb8;
	[tilespmem:$0x11F00] =	vst v63  }
0x1a6: {  	s11 =	simm.s32 $0x2980;
	s25 =	simm.s32 $0xB080  }
0x1a7: {  	[tilespmem:s25], [sflag:$0x2] =	stream.indirect.gather [hbm4b:s3+s28], $0x1, s11, s28, $0xb8;
	[tilespmem:$0x11F00] =	vst v63  }
0x1a8: {  	s25 =	simm.s32 $0xF400  }
0x1a9: {  	[tilespmem:s25], [sflag:$0x2] =	stream.indirect.gather [hbm4b:s4+s28], $0x1, s11, s28, $0xb8;
	[tilespmem:$0x11F00] =	vst v63  }
0x1aa: {  	s11 =	simm.s32 $0x2A00;
	s25 =	simm.s32 $0xB100  }
0x1ab: {  	[tilespmem:s25], [sflag:$0x2] =	stream.indirect.gather [hbm4b:s3+s28], $0x1, s11, s28, $0xb8;
	[tilespmem:$0x11F00] =	vst v63  }
0x1ac: {  	s25 =	simm.s32 $0xF480  }
0x1ad: {  	[tilespmem:s25], [sflag:$0x2] =	stream.indirect.gather [hbm4b:s4+s28], $0x1, s11, s28, $0xb8;
	[tilespmem:$0x11F00] =	vst v63  }
0x1ae: {  	s11 =	simm.s32 $0x2A80;
	s25 =	simm.s32 $0xB180  }
0x1af: {  	[tilespmem:s25], [sflag:$0x2] =	stream.indirect.gather [hbm4b:s3+s28], $0x1, s11, s28, $0xb8;
	[tilespmem:$0x11F00] =	vst v63  }
0x1b0: {  	s25 =	simm.s32 $0xF500  }
0x1b1: {  	[tilespmem:s25], [sflag:$0x2] =	stream.indirect.gather [hbm4b:s4+s28], $0x1, s11, s28, $0xb8;
	[tilespmem:$0x11F00] =	vst v63  }
0x1b2: {  	s11 =	simm.s32 $0x2B00;
	s25 =	simm.s32 $0xB200  }
0x1b3: {  	[tilespmem:s25], [sflag:$0x2] =	stream.indirect.gather [hbm4b:s3+s28], $0x1, s11, s28, $0xb8;
	[tilespmem:$0x11F00] =	vst v63  }
0x1b4: {  	s25 =	simm.s32 $0xF580  }
0x1b5: {  	[tilespmem:s25], [sflag:$0x2] =	stream.indirect.gather [hbm4b:s4+s28], $0x1, s11, s28, $0xb8;
	[tilespmem:$0x11F00] =	vst v63  }
0x1b6: {  	s11 =	simm.s32 $0x2B80;
	s25 =	simm.s32 $0xB280  }
0x1b7: {  	[tilespmem:s25], [sflag:$0x2] =	stream.indirect.gather [hbm4b:s3+s28], $0x1, s11, s28, $0xb8;
	[tilespmem:$0x11F00] =	vst v63  }
0x1b8: {  	s25 =	simm.s32 $0xF600  }
0x1b9: {  	[tilespmem:s25], [sflag:$0x2] =	stream.indirect.gather [hbm4b:s4+s28], $0x1, s11, s28, $0xb8;
	[tilespmem:$0x11F00] =	vst v63  }
0x1ba: {  	s11 =	simm.s32 $0x2C00;
	s25 =	simm.s32 $0xB300  }
0x1bb: {  	[tilespmem:s25], [sflag:$0x2] =	stream.indirect.gather [hbm4b:s3+s28], $0x1, s11, s28, $0xb8;
	[tilespmem:$0x11F00] =	vst v63  }
0x1bc: {  	s25 =	simm.s32 $0xF680  }
0x1bd: {  	[tilespmem:s25], [sflag:$0x2] =	stream.indirect.gather [hbm4b:s4+s28], $0x1, s11, s28, $0xb8;
	[tilespmem:$0x11F00] =	vst v63  }
0x1be: {  	s11 =	simm.s32 $0x2C80;
	s25 =	simm.s32 $0xB380  }
0x1bf: {  	[tilespmem:s25], [sflag:$0x2] =	stream.indirect.gather [hbm4b:s3+s28], $0x1, s11, s28, $0xb8;
	[tilespmem:$0x11F00] =	vst v63  }
0x1c0: {  	s25 =	simm.s32 $0xF700  }
0x1c1: {  	[tilespmem:s25], [sflag:$0x2] =	stream.indirect.gather [hbm4b:s4+s28], $0x1, s11, s28, $0xb8;
	[tilespmem:$0x11F00] =	vst v63  }
0x1c2: {  	_ =	swait.ge [sflag:s20], $0x780  }
0x1c3: {  	[sflag:s20] =	ssyncset.done $0x0  }
0x1c4: {  	[sflag:s20] =	ssyncadd.s32 $0xFFFFF880  }
0x1c5: {  	_ =	swait.ge [sflag:s20], $0x780  }
0x1c6: {  	[sflag:s20] =	ssyncset.done $0x0  }
0x1c7: {  	s11 =	simm.s32 $0x2D00;
	s25 =	simm.s32 $0xB400;
	[sflag:s20] =	ssyncadd.s32 $0xFFFFF880  }
0x1c8: {  	[tilespmem:s25], [sflag:$0x2] =	stream.indirect.gather [hbm4b:s3+s28], $0x1, s11, s28, $0xb8;
	[tilespmem:$0x11F00] =	vst v63  }
0x1c9: {  	s25 =	simm.s32 $0xF780  }
0x1ca: {  	[tilespmem:s25], [sflag:$0x2] =	stream.indirect.gather [hbm4b:s4+s28], $0x1, s11, s28, $0xb8;
	[tilespmem:$0x11F00] =	vst v63  }
0x1cb: {  	s11 =	simm.s32 $0x2D80;
	s25 =	simm.s32 $0xB480  }
0x1cc: {  	[tilespmem:s25], [sflag:$0x2] =	stream.indirect.gather [hbm4b:s3+s28], $0x1, s11, s28, $0xb8;
	[tilespmem:$0x11F00] =	vst v63  }
0x1cd: {  	s25 =	simm.s32 $0xF800  }
0x1ce: {  	[tilespmem:s25], [sflag:$0x2] =	stream.indirect.gather [hbm4b:s4+s28], $0x1, s11, s28, $0xb8;
	[tilespmem:$0x11F00] =	vst v63  }
0x1cf: {  	s11 =	simm.s32 $0x2E00;
	s25 =	simm.s32 $0xB500  }
0x1d0: {  	[tilespmem:s25], [sflag:$0x2] =	stream.indirect.gather [hbm4b:s3+s28], $0x1, s11, s28, $0xb8;
	[tilespmem:$0x11F00] =	vst v63  }
0x1d1: {  	s25 =	simm.s32 $0xF880  }
0x1d2: {  	[tilespmem:s25], [sflag:$0x2] =	stream.indirect.gather [hbm4b:s4+s28], $0x1, s11, s28, $0xb8;
	[tilespmem:$0x11F00] =	vst v63  }
0x1d3: {  	s11 =	simm.s32 $0x2E80;
	s25 =	simm.s32 $0xB580  }
0x1d4: {  	[tilespmem:s25], [sflag:$0x2] =	stream.indirect.gather [hbm4b:s3+s28], $0x1, s11, s28, $0xb8;
	[tilespmem:$0x11F00] =	vst v63  }
0x1d5: {  	s25 =	simm.s32 $0xF900  }
0x1d6: {  	[tilespmem:s25], [sflag:$0x2] =	stream.indirect.gather [hbm4b:s4+s28], $0x1, s11, s28, $0xb8;
	[tilespmem:$0x11F00] =	vst v63  }
0x1d7: {  	s11 =	simm.s32 $0x2F00;
	s25 =	simm.s32 $0xB600  }
0x1d8: {  	[tilespmem:s25], [sflag:$0x2] =	stream.indirect.gather [hbm4b:s3+s28], $0x1, s11, s28, $0xb8;
	[tilespmem:$0x11F00] =	vst v63  }
0x1d9: {  	s25 =	simm.s32 $0xF980  }
0x1da: {  	[tilespmem:s25], [sflag:$0x2] =	stream.indirect.gather [hbm4b:s4+s28], $0x1, s11, s28, $0xb8;
	[tilespmem:$0x11F00] =	vst v63  }
0x1db: {  	s11 =	simm.s32 $0x2F80;
	s25 =	simm.s32 $0xB680  }
0x1dc: {  	[tilespmem:s25], [sflag:$0x2] =	stream.indirect.gather [hbm4b:s3+s28], $0x1, s11, s28, $0xb8;
	[tilespmem:$0x11F00] =	vst v63  }
0x1dd: {  	s25 =	simm.s32 $0xFA00  }
0x1de: {  	[tilespmem:s25], [sflag:$0x2] =	stream.indirect.gather [hbm4b:s4+s28], $0x1, s11, s28, $0xb8;
	[tilespmem:$0x11F00] =	vst v63  }
0x1df: {  	s11 =	simm.s32 $0x3000;
	s25 =	simm.s32 $0xB700  }
0x1e0: {  	[tilespmem:s25], [sflag:$0x2] =	stream.indirect.gather [hbm4b:s3+s28], $0x1, s11, s28, $0xb8;
	[tilespmem:$0x11F00] =	vst v63  }
0x1e1: {  	s25 =	simm.s32 $0xFA80  }
0x1e2: {  	[tilespmem:s25], [sflag:$0x2] =	stream.indirect.gather [hbm4b:s4+s28], $0x1, s11, s28, $0xb8;
	[tilespmem:$0x11F00] =	vst v63  }
0x1e3: {  	s11 =	simm.s32 $0x3080;
	s25 =	simm.s32 $0xB780  }
0x1e4: {  	[tilespmem:s25], [sflag:$0x2] =	stream.indirect.gather [hbm4b:s3+s28], $0x1, s11, s28, $0xb8;
	[tilespmem:$0x11F00] =	vst v63  }
0x1e5: {  	s25 =	simm.s32 $0xFB00  }
0x1e6: {  	[tilespmem:s25], [sflag:$0x2] =	stream.indirect.gather [hbm4b:s4+s28], $0x1, s11, s28, $0xb8;
	[tilespmem:$0x11F00] =	vst v63  }
0x1e7: {  	s11 =	simm.s32 $0x3100;
	s25 =	simm.s32 $0xB800  }
0x1e8: {  	[tilespmem:s25], [sflag:$0x2] =	stream.indirect.gather [hbm4b:s3+s28], $0x1, s11, s28, $0xb8;
	[tilespmem:$0x11F00] =	vst v63  }
0x1e9: {  	s25 =	simm.s32 $0xFB80  }
0x1ea: {  	[tilespmem:s25], [sflag:$0x2] =	stream.indirect.gather [hbm4b:s4+s28], $0x1, s11, s28, $0xb8;
	[tilespmem:$0x11F00] =	vst v63  }
0x1eb: {  	s11 =	simm.s32 $0x3180;
	s25 =	simm.s32 $0xB880  }
0x1ec: {  	[tilespmem:s25], [sflag:$0x2] =	stream.indirect.gather [hbm4b:s3+s28], $0x1, s11, s28, $0xb8;
	[tilespmem:$0x11F00] =	vst v63  }
0x1ed: {  	s25 =	simm.s32 $0xFC00  }
0x1ee: {  	[tilespmem:s25], [sflag:$0x2] =	stream.indirect.gather [hbm4b:s4+s28], $0x1, s11, s28, $0xb8;
	[tilespmem:$0x11F00] =	vst v63  }
0x1ef: {  	s11 =	simm.s32 $0x3200;
	s25 =	simm.s32 $0xB900  }
0x1f0: {  	[tilespmem:s25], [sflag:$0x2] =	stream.indirect.gather [hbm4b:s3+s28], $0x1, s11, s28, $0xb8;
	[tilespmem:$0x11F00] =	vst v63  }
0x1f1: {  	s25 =	simm.s32 $0xFC80  }
0x1f2: {  	[tilespmem:s25], [sflag:$0x2] =	stream.indirect.gather [hbm4b:s4+s28], $0x1, s11, s28, $0xb8;
	[tilespmem:$0x11F00] =	vst v63  }
0x1f3: {  	s11 =	simm.s32 $0x3280;
	s25 =	simm.s32 $0xB980  }
0x1f4: {  	[tilespmem:s25], [sflag:$0x2] =	stream.indirect.gather [hbm4b:s3+s28], $0x1, s11, s28, $0xb8;
	[tilespmem:$0x11F00] =	vst v63  }
0x1f5: {  	s25 =	simm.s32 $0xFD00  }
0x1f6: {  	[tilespmem:s25], [sflag:$0x2] =	stream.indirect.gather [hbm4b:s4+s28], $0x1, s11, s28, $0xb8;
	[tilespmem:$0x11F00] =	vst v63  }
0x1f7: {  	s11 =	simm.s32 $0x3300;
	s25 =	simm.s32 $0xBA00  }
0x1f8: {  	[tilespmem:s25], [sflag:$0x2] =	stream.indirect.gather [hbm4b:s3+s28], $0x1, s11, s28, $0xb8;
	[tilespmem:$0x11F00] =	vst v63  }
0x1f9: {  	s25 =	simm.s32 $0xFD80  }
0x1fa: {  	[tilespmem:s25], [sflag:$0x2] =	stream.indirect.gather [hbm4b:s4+s28], $0x1, s11, s28, $0xb8;
	[tilespmem:$0x11F00] =	vst v63  }
0x1fb: {  	s11 =	simm.s32 $0x3380;
	s25 =	simm.s32 $0xBA80  }
0x1fc: {  	[tilespmem:s25], [sflag:$0x2] =	stream.indirect.gather [hbm4b:s3+s28], $0x1, s11, s28, $0xb8;
	[tilespmem:$0x11F00] =	vst v63  }
0x1fd: {  	s25 =	simm.s32 $0xFE00  }
0x1fe: {  	[tilespmem:s25], [sflag:$0x2] =	stream.indirect.gather [hbm4b:s4+s28], $0x1, s11, s28, $0xb8;
	[tilespmem:$0x11F00] =	vst v63  }
0x1ff: {  	s11 =	simm.s32 $0x3400;
	s25 =	simm.s32 $0xBB00  }
0x200: {  	[tilespmem:s25], [sflag:$0x2] =	stream.indirect.gather [hbm4b:s3+s28], $0x1, s11, s28, $0xb8;
	[tilespmem:$0x11F00] =	vst v63  }
0x201: {  	s25 =	simm.s32 $0xFE80  }
0x202: {  	[tilespmem:s25], [sflag:$0x2] =	stream.indirect.gather [hbm4b:s4+s28], $0x1, s11, s28, $0xb8;
	[tilespmem:$0x11F00] =	vst v63  }
0x203: {  	_ =	swait.ge [sflag:s20], $0x780  }
0x204: {  	[sflag:s20] =	ssyncset.done $0x0  }
0x205: {  	[sflag:s20] =	ssyncadd.s32 $0xFFFFF880  }
0x206: {  	_ =	swait.ge [sflag:s20], $0x780  }
0x207: {  	[sflag:s20] =	ssyncset.done $0x0  }
0x208: {  	s11 =	simm.s32 $0x3480;
	s25 =	simm.s32 $0xBB80;
	[sflag:s20] =	ssyncadd.s32 $0xFFFFF880  }
0x209: {  	[tilespmem:s25], [sflag:$0x2] =	stream.indirect.gather [hbm4b:s3+s28], $0x1, s11, s28, $0xb8;
	[tilespmem:$0x11F00] =	vst v63  }
0x20a: {  	s25 =	simm.s32 $0xFF00  }
0x20b: {  	[tilespmem:s25], [sflag:$0x2] =	stream.indirect.gather [hbm4b:s4+s28], $0x1, s11, s28, $0xb8;
	[tilespmem:$0x11F00] =	vst v63  }
0x20c: {  	s11 =	simm.s32 $0x3500;
	s25 =	simm.s32 $0xBC00  }
0x20d: {  	[tilespmem:s25], [sflag:$0x2] =	stream.indirect.gather [hbm4b:s3+s28], $0x1, s11, s28, $0xb8;
	[tilespmem:$0x11F00] =	vst v63  }
0x20e: {  	s25 =	simm.s32 $0xFF80  }
0x20f: {  	[tilespmem:s25], [sflag:$0x2] =	stream.indirect.gather [hbm4b:s4+s28], $0x1, s11, s28, $0xb8;
	[tilespmem:$0x11F00] =	vst v63  }
0x210: {  	s11 =	simm.s32 $0x3580;
	s25 =	simm.s32 $0xBC80  }
0x211: {  	[tilespmem:s25], [sflag:$0x2] =	stream.indirect.gather [hbm4b:s3+s28], $0x1, s11, s28, $0xb8;
	[tilespmem:$0x11F00] =	vst v63  }
0x212: {  	s25 =	simm.s32 $0x10000  }
0x213: {  	[tilespmem:s25], [sflag:$0x2] =	stream.indirect.gather [hbm4b:s4+s28], $0x1, s11, s28, $0xb8;
	[tilespmem:$0x11F00] =	vst v63  }
0x214: {  	s11 =	simm.s32 $0x3600;
	s25 =	simm.s32 $0xBD00  }
0x215: {  	[tilespmem:s25], [sflag:$0x2] =	stream.indirect.gather [hbm4b:s3+s28], $0x1, s11, s28, $0xb8;
	[tilespmem:$0x11F00] =	vst v63  }
0x216: {  	s25 =	simm.s32 $0x10080  }
0x217: {  	[tilespmem:s25], [sflag:$0x2] =	stream.indirect.gather [hbm4b:s4+s28], $0x1, s11, s28, $0xb8;
	[tilespmem:$0x11F00] =	vst v63  }
0x218: {  	s11 =	simm.s32 $0x3680;
	s25 =	simm.s32 $0xBD80  }
0x219: {  	[tilespmem:s25], [sflag:$0x2] =	stream.indirect.gather [hbm4b:s3+s28], $0x1, s11, s28, $0xb8;
	[tilespmem:$0x11F00] =	vst v63  }
0x21a: {  	s25 =	simm.s32 $0x10100  }
0x21b: {  	[tilespmem:s25], [sflag:$0x2] =	stream.indirect.gather [hbm4b:s4+s28], $0x1, s11, s28, $0xb8;
	[tilespmem:$0x11F00] =	vst v63  }
0x21c: {  	s11 =	simm.s32 $0x3700;
	s25 =	simm.s32 $0xBE00  }
0x21d: {  	[tilespmem:s25], [sflag:$0x2] =	stream.indirect.gather [hbm4b:s3+s28], $0x1, s11, s28, $0xb8;
	[tilespmem:$0x11F00] =	vst v63  }
0x21e: {  	s25 =	simm.s32 $0x10180  }
0x21f: {  	[tilespmem:s25], [sflag:$0x2] =	stream.indirect.gather [hbm4b:s4+s28], $0x1, s11, s28, $0xb8;
	[tilespmem:$0x11F00] =	vst v63  }
0x220: {  	s11 =	simm.s32 $0x3780;
	s25 =	simm.s32 $0xBE80  }
0x221: {  	[tilespmem:s25], [sflag:$0x2] =	stream.indirect.gather [hbm4b:s3+s28], $0x1, s11, s28, $0xb8;
	[tilespmem:$0x11F00] =	vst v63  }
0x222: {  	s25 =	simm.s32 $0x10200  }
0x223: {  	[tilespmem:s25], [sflag:$0x2] =	stream.indirect.gather [hbm4b:s4+s28], $0x1, s11, s28, $0xb8;
	[tilespmem:$0x11F00] =	vst v63  }
0x224: {  	s11 =	simm.s32 $0x3800;
	s25 =	simm.s32 $0xBF00  }
0x225: {  	[tilespmem:s25], [sflag:$0x2] =	stream.indirect.gather [hbm4b:s3+s28], $0x1, s11, s28, $0xb8;
	[tilespmem:$0x11F00] =	vst v63  }
0x226: {  	s25 =	simm.s32 $0x10280  }
0x227: {  	[tilespmem:s25], [sflag:$0x2] =	stream.indirect.gather [hbm4b:s4+s28], $0x1, s11, s28, $0xb8;
	[tilespmem:$0x11F00] =	vst v63  }
0x228: {  	s11 =	simm.s32 $0x3880;
	s25 =	simm.s32 $0xBF80  }
0x229: {  	[tilespmem:s25], [sflag:$0x2] =	stream.indirect.gather [hbm4b:s3+s28], $0x1, s11, s28, $0xb8;
	[tilespmem:$0x11F00] =	vst v63  }
0x22a: {  	s25 =	simm.s32 $0x10300  }
0x22b: {  	[tilespmem:s25], [sflag:$0x2] =	stream.indirect.gather [hbm4b:s4+s28], $0x1, s11, s28, $0xb8;
	[tilespmem:$0x11F00] =	vst v63  }
0x22c: {  	s11 =	simm.s32 $0x3900;
	s25 =	simm.s32 $0xC000  }
0x22d: {  	[tilespmem:s25], [sflag:$0x2] =	stream.indirect.gather [hbm4b:s3+s28], $0x1, s11, s28, $0xb8;
	[tilespmem:$0x11F00] =	vst v63  }
0x22e: {  	s25 =	simm.s32 $0x10380  }
0x22f: {  	[tilespmem:s25], [sflag:$0x2] =	stream.indirect.gather [hbm4b:s4+s28], $0x1, s11, s28, $0xb8;
	[tilespmem:$0x11F00] =	vst v63  }
0x230: {  	s11 =	simm.s32 $0x3980;
	s25 =	simm.s32 $0xC080  }
0x231: {  	[tilespmem:s25], [sflag:$0x2] =	stream.indirect.gather [hbm4b:s3+s28], $0x1, s11, s28, $0xb8;
	[tilespmem:$0x11F00] =	vst v63  }
0x232: {  	s25 =	simm.s32 $0x10400  }
0x233: {  	[tilespmem:s25], [sflag:$0x2] =	stream.indirect.gather [hbm4b:s4+s28], $0x1, s11, s28, $0xb8;
	[tilespmem:$0x11F00] =	vst v63  }
0x234: {  	s11 =	simm.s32 $0x3A00;
	s25 =	simm.s32 $0xC100  }
0x235: {  	[tilespmem:s25], [sflag:$0x2] =	stream.indirect.gather [hbm4b:s3+s28], $0x1, s11, s28, $0xb8;
	[tilespmem:$0x11F00] =	vst v63  }
0x236: {  	s25 =	simm.s32 $0x10480  }
0x237: {  	[tilespmem:s25], [sflag:$0x2] =	stream.indirect.gather [hbm4b:s4+s28], $0x1, s11, s28, $0xb8;
	[tilespmem:$0x11F00] =	vst v63  }
0x238: {  	s11 =	simm.s32 $0x3A80;
	s25 =	simm.s32 $0xC180  }
0x239: {  	[tilespmem:s25], [sflag:$0x2] =	stream.indirect.gather [hbm4b:s3+s28], $0x1, s11, s28, $0xb8;
	[tilespmem:$0x11F00] =	vst v63  }
0x23a: {  	s25 =	simm.s32 $0x10500  }
0x23b: {  	[tilespmem:s25], [sflag:$0x2] =	stream.indirect.gather [hbm4b:s4+s28], $0x1, s11, s28, $0xb8;
	[tilespmem:$0x11F00] =	vst v63  }
0x23c: {  	s16 =	simm.s32 $0xC200  }
0x23d: {  	[tilespmem:s16], [sflag:$0x2] =	stream.indirect.gather [hbm4b:s3+s28], $0x1, s1, s28, $0xb8;
	[tilespmem:$0x11F00] =	vst v63  }
0x23e: {  	s25 =	simm.s32 $0x10580  }
0x23f: {  	[tilespmem:s25], [sflag:$0x2] =	stream.indirect.gather [hbm4b:s4+s28], $0x1, s1, s28, $0xb8;
	[tilespmem:$0x11F00] =	vst v63  }
0x240: {  	s16 =	simm.s32 $0xC280  }
0x241: {  	[tilespmem:s16], [sflag:$0x2] =	stream.indirect.gather [hbm4b:s3+s28], $0x1, s7, s28, $0xb8;
	[tilespmem:$0x11F00] =	vst v63  }
0x242: {  	s25 =	simm.s32 $0x10600  }
0x243: {  	[tilespmem:s25], [sflag:$0x2] =	stream.indirect.gather [hbm4b:s4+s28], $0x1, s7, s28, $0xb8;
	[tilespmem:$0x11F00] =	vst v63  }
0x244: {  	_ =	swait.ge [sflag:s20], $0x780  }
0x245: {  	[sflag:s20] =	ssyncset.done $0x0  }
0x246: {  	[sflag:s20] =	ssyncadd.s32 $0xFFFFF880  }
0x247: {  	_ =	swait.ge [sflag:s20], $0x780  }
0x248: {  	[sflag:s20] =	ssyncset.done $0x0  }
0x249: {  	s16 =	simm.s32 $0xC300;
	[sflag:s20] =	ssyncadd.s32 $0xFFFFF880  }
0x24a: {  	[tilespmem:s16], [sflag:$0x2] =	stream.indirect.gather [hbm4b:s3+s28], $0x1, s8, s28, $0xb8;
	[tilespmem:$0x11F00] =	vst v63  }
0x24b: {  	s25 =	simm.s32 $0x10680  }
0x24c: {  	[tilespmem:s25], [sflag:$0x2] =	stream.indirect.gather [hbm4b:s4+s28], $0x1, s8, s28, $0xb8;
	[tilespmem:$0x11F00] =	vst v63  }
0x24d: {  	s16 =	simm.s32 $0xC380  }
0x24e: {  	[tilespmem:s16], [sflag:$0x2] =	stream.indirect.gather [hbm4b:s3+s28], $0x1, s9, s28, $0xb8;
	[tilespmem:$0x11F00] =	vst v63  }
0x24f: {  	s25 =	simm.s32 $0x10700  }
0x250: {  	[tilespmem:s25], [sflag:$0x2] =	stream.indirect.gather [hbm4b:s4+s28], $0x1, s9, s28, $0xb8;
	[tilespmem:$0x11F00] =	vst v63  }
0x251: {  	s16 =	simm.s32 $0xC400  }
0x252: {  	[tilespmem:s16], [sflag:$0x2] =	stream.indirect.gather [hbm4b:s3+s28], $0x1, s2, s28, $0xb8;
	[tilespmem:$0x11F00] =	vst v63  }
0x253: {  	s25 =	simm.s32 $0x10780  }
0x254: {  	[tilespmem:s25], [sflag:$0x2] =	stream.indirect.gather [hbm4b:s4+s28], $0x1, s2, s28, $0xb8;
	[tilespmem:$0x11F00] =	vst v63  }
0x255: {  	s16 =	simm.s32 $0xC480  }
0x256: {  	[tilespmem:s16], [sflag:$0x2] =	stream.indirect.gather [hbm4b:s3+s28], $0x1, s12, s28, $0xb8;
	[tilespmem:$0x11F00] =	vst v63  }
0x257: {  	s25 =	simm.s32 $0x10800  }
0x258: {  	[tilespmem:s25], [sflag:$0x2] =	stream.indirect.gather [hbm4b:s4+s28], $0x1, s12, s28, $0xb8;
	[tilespmem:$0x11F00] =	vst v63  }
0x259: {  	s16 =	simm.s32 $0xC500  }
0x25a: {  	[tilespmem:s16], [sflag:$0x2] =	stream.indirect.gather [hbm4b:s3+s28], $0x1, s15, s28, $0xb8;
	[tilespmem:$0x11F00] =	vst v63  }
0x25b: {  	s25 =	simm.s32 $0x10880  }
0x25c: {  	[tilespmem:s25], [sflag:$0x2] =	stream.indirect.gather [hbm4b:s4+s28], $0x1, s15, s28, $0xb8;
	[tilespmem:$0x11F00] =	vst v63  }
0x25d: {  	s16 =	simm.s32 $0xC580  }
0x25e: {  	[tilespmem:s16], [sflag:$0x2] =	stream.indirect.gather [hbm4b:s3+s28], $0x1, s18, s28, $0xb8;
	[tilespmem:$0x11F00] =	vst v63  }
0x25f: {  	s25 =	simm.s32 $0x10900  }
0x260: {  	[tilespmem:s25], [sflag:$0x2] =	stream.indirect.gather [hbm4b:s4+s28], $0x1, s18, s28, $0xb8;
	[tilespmem:$0x11F00] =	vst v63  }
0x261: {  	s16 =	simm.s32 $0xC600  }
0x262: {  	[tilespmem:s16], [sflag:$0x2] =	stream.indirect.gather [hbm4b:s3+s28], $0x1, s21, s28, $0xb8;
	[tilespmem:$0x11F00] =	vst v63  }
0x263: {  	s25 =	simm.s32 $0x10980  }
0x264: {  	[tilespmem:s25], [sflag:$0x2] =	stream.indirect.gather [hbm4b:s4+s28], $0x1, s21, s28, $0xb8;
	[tilespmem:$0x11F00] =	vst v63  }
0x265: {  	s16 =	simm.s32 $0xC680  }
0x266: {  	[tilespmem:s16], [sflag:$0x2] =	stream.indirect.gather [hbm4b:s3+s28], $0x1, s24, s28, $0xb8;
	[tilespmem:$0x11F00] =	vst v63  }
0x267: {  	s25 =	simm.s32 $0x10A00  }
0x268: {  	[tilespmem:s25], [sflag:$0x2] =	stream.indirect.gather [hbm4b:s4+s28], $0x1, s24, s28, $0xb8;
	[tilespmem:$0x11F00] =	vst v63  }
0x269: {  	s16 =	simm.s32 $0xC700  }
0x26a: {  	[tilespmem:s16], [sflag:$0x2] =	stream.indirect.gather [hbm4b:s3+s28], $0x1, s30, s28, $0xb8;
	[tilespmem:$0x11F00] =	vst v63  }
0x26b: {  	s25 =	simm.s32 $0x10A80  }
0x26c: {  	[tilespmem:s25], [sflag:$0x2] =	stream.indirect.gather [hbm4b:s4+s28], $0x1, s30, s28, $0xb8;
	[tilespmem:$0x11F00] =	vst v63  }
0x26d: {  	s16 =	simm.s32 $0xC780  }
0x26e: {  	[tilespmem:s16], [sflag:$0x2] =	stream.indirect.gather [hbm4b:s3+s28], $0x1, s10, s28, $0xb8;
	[tilespmem:$0x11F00] =	vst v63  }
0x26f: {  	s25 =	simm.s32 $0x10B00  }
0x270: {  	[tilespmem:s25], [sflag:$0x2] =	stream.indirect.gather [hbm4b:s4+s28], $0x1, s10, s28, $0xb8;
	[tilespmem:$0x11F00] =	vst v63  }
0x271: {  	s16 =	simm.s32 $0xC800  }
0x272: {  	[tilespmem:s16], [sflag:$0x2] =	stream.indirect.gather [hbm4b:s3+s28], $0x1, s14, s28, $0xb8;
	[tilespmem:$0x11F00] =	vst v63  }
0x273: {  	s25 =	simm.s32 $0x10B80  }
0x274: {  	[tilespmem:s25], [sflag:$0x2] =	stream.indirect.gather [hbm4b:s4+s28], $0x1, s14, s28, $0xb8;
	[tilespmem:$0x11F00] =	vst v63  }
0x275: {  	s16 =	simm.s32 $0xC880  }
0x276: {  	[tilespmem:s16], [sflag:$0x2] =	stream.indirect.gather [hbm4b:s3+s28], $0x1, s19, s28, $0xb8;
	[tilespmem:$0x11F00] =	vst v63  }
0x277: {  	s25 =	simm.s32 $0x10C00  }
0x278: {  	[tilespmem:s25], [sflag:$0x2] =	stream.indirect.gather [hbm4b:s4+s28], $0x1, s19, s28, $0xb8;
	[tilespmem:$0x11F00] =	vst v63  }
0x279: {  	s16 =	simm.s32 $0xC900  }
0x27a: {  	[tilespmem:s16], [sflag:$0x2] =	stream.indirect.gather [hbm4b:s3+s28], $0x1, s23, s28, $0xb8;
	[tilespmem:$0x11F00] =	vst v63  }
0x27b: {  	s25 =	simm.s32 $0x10C80  }
0x27c: {  	[tilespmem:s25], [sflag:$0x2] =	stream.indirect.gather [hbm4b:s4+s28], $0x1, s23, s28, $0xb8;
	[tilespmem:$0x11F00] =	vst v63  }
0x27d: {  	s16 =	simm.s32 $0xC980  }
0x27e: {  	[tilespmem:s16], [sflag:$0x2] =	stream.indirect.gather [hbm4b:s3+s28], $0x1, s31, s28, $0xb8;
	[tilespmem:$0x11F00] =	vst v63  }
0x27f: {  	s25 =	simm.s32 $0x10D00  }
0x280: {  	[tilespmem:s25], [sflag:$0x2] =	stream.indirect.gather [hbm4b:s4+s28], $0x1, s31, s28, $0xb8;
	[tilespmem:$0x11F00] =	vst v63  }
0x281: {  	s16 =	simm.s32 $0xCA00  }
0x282: {  	[tilespmem:s16], [sflag:$0x2] =	stream.indirect.gather [hbm4b:s3+s28], $0x1, s13, s28, $0xb8;
	[tilespmem:$0x11F00] =	vst v63  }
0x283: {  	s25 =	simm.s32 $0x10D80  }
0x284: {  	[tilespmem:s25], [sflag:$0x2] =	stream.indirect.gather [hbm4b:s4+s28], $0x1, s13, s28, $0xb8;
	[tilespmem:$0x11F00] =	vst v63  }
0x285: {  	_ =	swait.ge [sflag:s20], $0x780  }
0x286: {  	[sflag:s20] =	ssyncset.done $0x0  }
0x287: {  	[sflag:s20] =	ssyncadd.s32 $0xFFFFF880  }
0x288: {  	_ =	swait.ge [sflag:s20], $0x780  }
0x289: {  	[sflag:s20] =	ssyncset.done $0x0  }
0x28a: {  	s11 =	simm.s32 $0x0;
	[sflag:s20] =	ssyncadd.s32 $0xFFFFF880  }
0x28b: {  	v0 =	vld [tilespmem:s11+$0x4380]  }
0x28c: {  	v1 =	vld [tilespmem:s11+$0xCA80]  }
0x28d: {  	v9 =	vld [tilespmem:s11+$0x4BF0]  }
0x28e: {  	v2 =	vld [tilespmem:s11+$0xD2F0]  }
0x28f: {  	v10 =	vld [tilespmem:s11+$0x5460]  }
0x290: {  	v3 =	vld [tilespmem:s11+$0xDB60]  }
0x291: {  	v13 =	vld [tilespmem:s11+$0x5CD0];
	v4 =	vmul.f32 v1, v0  }
0x292: {  	v5 =	vld [tilespmem:s11+$0xE3D0]  }
0x293: {  	v7 =	vld [tilespmem:s11+$0xEC40];
	v6 =	vmul.f32 v2, v9;
	v4 =	vadd.f32 $0.0e+00, v4  }
0x294: {  	v1 =	vld [tilespmem:s11+$0x6540]  }
0x295: {  	v8 =	vld [tilespmem:s11+$0xF4B0];
	v4 =	vadd.f32 v6, v4;
	v6 =	vmul.f32 v3, v10  }
0x296: {  	v2 =	vld [tilespmem:s11+$0x6DB0]  }
0x297: {  	v11 =	vld [tilespmem:s11+$0xFD20];
	v5 =	vmul.f32 v5, v13;
	v6 =	vadd.f32 v6, v4  }
0x298: {  	v3 =	vld [tilespmem:s11+$0x7620]  }
0x299: {  	v4 =	vld [tilespmem:s11+$0x7E90];
	v5 =	vadd.f32 v5, v6;
	v6 =	vmul.f32 v7, v1  }
0x29a: {  	v7 =	vld [tilespmem:s11+$0x10590]  }
0x29b: {  	v12 =	vld [tilespmem:s11+$0x8700];
	v5 =	vadd.f32 v6, v5;
	v6 =	vmul.f32 v8, v2  }
0x29c: {  	v14 =	vld [tilespmem:s11+$0x8F70]  }
0x29d: {  	v15 =	vld [tilespmem:s11+$0x97E0];
	v8 =	vmul.f32 v11, v3;
	v5 =	vadd.f32 v6, v5  }
0x29e: {  	v16 =	vld [tilespmem:s11+$0xA050]  }
0x29f: {  	v6 =	vld [tilespmem:s11+$0xA8C0];
	v7 =	vmul.f32 v7, v4;
	v11 =	vadd.f32 v8, v5  }
0x2a0: {  	v12 =	vmul.f32 v12, v0;
	v8 =	vld [tilespmem:s11+$0xB130]  }
0x2a1: {  	v5 =	vld [tilespmem:s11+$0xB9A0];
	v17 =	vadd.f32 v7, v11  }
0x2a2: {  	s29 =	simm.s32 $0x10;
	v12 =	vadd.f32 $0.0e+00, v12;
	v7 =	vld [tilespmem:s11+$0xC210];
	v11 =	vmul.f32 v14, v9  }
0x2a3: {  	s16 =	simm.s32 $0x80;
	v0 =	vld [tilespmem:s29+$0x4380];
	v10 =	vmul.f32 v15, v10;
	v9 =	vmul.f32 v16, v13;
	[tilespmem:s11+$0x11680] =	vst v17  }
.LBB2_3:
0x2a4: {  	p0 =	sne.s32 s16, $0x2180;
	v13 =	vld [tilespmem:s29+$0xCA80];
	v11 =	vadd.f32 v11, v12;
	v1 =	vmul.f32 v6, v1  }
0x2a5: {  	v12 =	vld [tilespmem:s29+$0x4BF0];
	v2 =	vmul.f32 v8, v2  }
0x2a6: {  	v6 =	vld [tilespmem:s29+$0xD2F0];
	v8 =	vadd.f32 v10, v11;
	v3 =	vmul.f32 v5, v3  }
0x2a7: {  	v10 =	vld [tilespmem:s29+$0x5460];
	v4 =	vmul.f32 v7, v4  }
0x2a8: {  	v5 =	vld [tilespmem:s29+$0xDB60];
	v7 =	vadd.f32 v9, v8  }
0x2a9: {  	v8 =	vmul.f32 v13, v0;
	v9 =	vld [tilespmem:s29+$0x5CD0]  }
0x2aa: {  	v11 =	vld [tilespmem:s29+$0xE3D0];
	v7 =	vadd.f32 v1, v7  }
0x2ab: {  	v8 =	vadd.f32 $0.0e+00, v8;
	v6 =	vmul.f32 v6, v12;
	v1 =	vld [tilespmem:s29+$0x6540]  }
0x2ac: {  	v13 =	vld [tilespmem:s29+$0xEC40];
	v7 =	vadd.f32 v2, v7  }
0x2ad: {  	v6 =	vadd.f32 v6, v8;
	v5 =	vmul.f32 v5, v10;
	v2 =	vld [tilespmem:s29+$0x6DB0]  }
0x2ae: {  	v8 =	vld [tilespmem:s29+$0xF4B0];
	v7 =	vadd.f32 v3, v7  }
0x2af: {  	v5 =	vadd.f32 v5, v6;
	v6 =	vmul.f32 v11, v9;
	v3 =	vld [tilespmem:s29+$0x7620]  }
0x2b0: {  	v11 =	vld [tilespmem:s29+$0xFD20];
	v7 =	vadd.f32 v4, v7  }
0x2b1: {  	v5 =	vadd.f32 v6, v5;
	v6 =	vmul.f32 v13, v1;
	v4 =	vld [tilespmem:s29+$0x7E90]  }
0x2b2: {  	v13 =	vld [tilespmem:s29+$0x10590];
	[tilespmem:s11+$0x10E00] =	vst v7;
	s11 =	smov.u32 s29  }
0x2b3: {  	v7 =	vld [tilespmem:s11+$0x8700];
	v5 =	vadd.f32 v6, v5;
	v6 =	vmul.f32 v8, v2  }
0x2b4: {  	v14 =	vld [tilespmem:s11+$0x8F70]  }
0x2b5: {  	v15 =	vld [tilespmem:s11+$0x97E0];
	v5 =	vadd.f32 v6, v5;
	v8 =	vmul.f32 v11, v3  }
0x2b6: {  	v16 =	vld [tilespmem:s11+$0xA050]  }
.Ltmp0:
0x2b7: {  	v6 =	vld [tilespmem:s11+$0xA8C0];
	v17 =	vadd.f32 v8, v5;
	v13 =	vmul.f32 v13, v4;
	(pc) =	sbr.rel @p0 .LBB2_3-.Ltmp0, $4  }
0x2b8: {  	v0 =	vmul.f32 v7, v0;
	v8 =	vld [tilespmem:s11+$0xB130]  }
0x2b9: {  	v11 =	vmul.f32 v14, v12;
	v5 =	vld [tilespmem:s11+$0xB9A0];
	v13 =	vadd.f32 v13, v17  }
0x2ba: {  	s29 =	sshra.s32 s16, $0x2;
	v12 =	vadd.f32 $0.0e+00, v0;
	v10 =	vmul.f32 v15, v10;
	v7 =	vld [tilespmem:s11+$0xC210]  }
0x2bb: {  	s16 =	sadd.s32 $0x40, s16;
	v0 =	vld [tilespmem:s29+$0x4380];
	v9 =	vmul.f32 v16, v9;
	[tilespmem:s11+$0x11680] =	vst v13  }
0x2bc: {  	v13 =	vld [tilespmem:s29+$0xCA80];
	v11 =	vadd.f32 v11, v12  }
0x2bd: {  	v41 =	vld [tilespmem:s29+$0x4BF0]  }
0x2be: {  	v14 =	vld [tilespmem:s29+$0xD2F0];
	v10 =	vadd.f32 v10, v11  }
0x2bf: {  	v42 =	vld [tilespmem:s29+$0x5460]  }
0x2c0: {  	v15 =	vld [tilespmem:s29+$0xDB60];
	v1 =	vmul.f32 v6, v1;
	v43 =	vadd.f32 v9, v10  }
0x2c1: {  	v44 =	vld [tilespmem:s29+$0x5CD0]  }
0x2c2: {  	v45 =	vld [tilespmem:s29+$0xE3D0];
	v2 =	vmul.f32 v8, v2;
	v1 =	vadd.f32 v1, v43  }
0x2c3: {  	v46 =	vld [tilespmem:s29+$0x6540]  }
0x2c4: {  	v47 =	vld [tilespmem:s29+$0xEC40];
	v3 =	vmul.f32 v5, v3;
	v1 =	vadd.f32 v2, v1  }
0x2c5: {  	v48 =	vld [tilespmem:s29+$0x6DB0]  }
0x2c6: {  	v49 =	vld [tilespmem:s29+$0xF4B0];
	v4 =	vmul.f32 v7, v4;
	v1 =	vadd.f32 v3, v1  }
0x2c7: {  	v50 =	vld [tilespmem:s29+$0x7620]  }
0x2c8: {  	v51 =	vld [tilespmem:s29+$0xFD20];
	v1 =	vadd.f32 v4, v1  }
0x2c9: {  	v52 =	vld [tilespmem:s29+$0x7E90]  }
0x2ca: {  	v16 =	vld [tilespmem:s29+$0x10590];
	[tilespmem:s11+$0x10E00] =	vst v1  }
0x2cb: {  	v1 =	vld [tilespmem:s29+$0x8700];
	_ =	sdelay $0x1  }
0x2cc: {  	v17 =	vld [tilespmem:s29+$0x8F70];
	_ =	sdelay $0x1  }
0x2cd: {  	v13 =	vmul.f32 v13, v0;
	v18 =	vld [tilespmem:s29+$0x97E0]  }
0x2ce: {  	v53 =	vmul.f32 v1, v0  }
0x2cf: {  	v55 =	vmul.f32 v14, v41;
	v54 =	vadd.f32 $0.0e+00, v13;
	v56 =	vld [tilespmem:s29+$0xA050]  }
0x2d0: {  	v12 =	vmul.f32 v17, v41;
	v0 =	vadd.f32 $0.0e+00, v53  }
0x2d1: {  	v57 =	vmul.f32 v15, v42;
	v58 =	vld [tilespmem:s29+$0xA8C0];
	v1 =	vadd.f32 v55, v54  }
0x2d2: {  	v11 =	vmul.f32 v18, v42;
	v0 =	vadd.f32 v12, v0  }
0x2d3: {  	v10 =	vmul.f32 v45, v44;
	v59 =	vld [tilespmem:s29+$0xB130];
	v1 =	vadd.f32 v57, v1  }
0x2d4: {  	v9 =	vmul.f32 v56, v44;
	v0 =	vadd.f32 v11, v0  }
0x2d5: {  	v8 =	vmul.f32 v47, v46;
	v60 =	vld [tilespmem:s29+$0xB9A0];
	v1 =	vadd.f32 v10, v1  }
0x2d6: {  	v6 =	vmul.f32 v58, v46;
	v0 =	vadd.f32 v9, v0  }
0x2d7: {  	v5 =	vmul.f32 v49, v48;
	v61 =	vld [tilespmem:s29+$0xC210];
	v1 =	vadd.f32 v8, v1  }
0x2d8: {  	v2 =	vmul.f32 v59, v48;
	v0 =	vadd.f32 v6, v0  }
0x2d9: {  	v62 =	vmul.f32 v51, v50;
	v1 =	vadd.f32 v5, v1  }
0x2da: {  	v3 =	vmul.f32 v60, v50;
	v0 =	vadd.f32 v2, v0  }
0x2db: {  	v63 =	vmul.f32 v16, v52;
	v1 =	vadd.f32 v62, v1  }
0x2dc: {  	v4 =	vmul.f32 v61, v52;
	v0 =	vadd.f32 v3, v0  }
0x2dd: {  	v1 =	vadd.f32 v63, v1  }
0x2de: {  	v0 =	vadd.f32 v4, v0  }
0x2df: {  	s16 =	rddreg [dreg:$0x2];
	s25 =	simm.s32 $0x10E00;
	[tilespmem:s29+$0x11680] =	vst v1  }
0x2e0: {  	s0 =	sadd.s32 $0x1, s0;
	s11 =	sadd.s32 s16, s17;
	s16 =	simm.s32 $0x0;
	[tilespmem:s29+$0x10E00] =	vst v0  }
0x2e1: {  	[hbm4b:s11+s16] =	stream.linear.scatter [tilespmem:s25], [sflag:$0x3], $0x870, $0x38;
	[tilespmem:$0x11F00] =	vst v63  }
0x2e2: {  	p0 =	sne.s32 s0, $0xA;
	_ =	swait.ge [sflag:s22], $0x870  }
0x2e3: {  	s29 =	simm.s32 $0x11680;
	[sflag:s22] =	ssyncset.done $0x0;
	s25 =	rddreg [dreg:$0x3]  }
.Ltmp1:
0x2e4: {  	[sflag:s22] =	ssyncadd.s32 $0xFFFFF790;
	s11 =	sadd.s32 s25, s17;
	(pc) =	sbr.rel @p0 .LBB2_2-.Ltmp1, $4  }
0x2e5: {  	[hbm4b:s11+s16] =	stream.linear.scatter [tilespmem:s29], [sflag:$0x3], $0x870, $0x38;
	[tilespmem:$0x11F00] =	vst v63  }
0x2e6: {  	_ =	swait.ge [sflag:s22], $0x870  }
0x2e7: {  	[sflag:s22] =	ssyncset.done $0x0  }
0x2e8: {  	[sflag:s22] =	ssyncadd.s32 $0xFFFFF790  }
0x2e9: {  	s11 =	rddreg [dreg:$0x6]  }
0x2ea: {  	s0 =	rddreg [dreg:$0x5];
	s11 =	sadd.s32 $0x1, s11  }
0x2eb: {  	p0 =	sne.s32 s11, s0  }
.Ltmp2:
0x2ec: {  	_ = 	snop;
	(pc) =	sbr.rel @p0 .LBB2_1-.Ltmp2, $1  }
0x2ed: {  	_ =	sdelay $0x3  }
0x2ee: {  	_ =	sfence.sel $0x180000  }
0x2ef: {  	[bflag:$0x0] =	sbarrier.arrive $0xFFFF  }
0x2f0: {  	_ =	strace $0x9000004D  }
0x2f1: {  	s0 =	stileid.u32;
	[bflag:$0x2] =	sbarrier.arrive $0xFFFF  }
0x2f2: {  	p0 =	sne.s32 s0, $0x0;
	s0 =	rddreg [dreg:$0x1]  }
0x2f3: {  	s0 =	sadd.s32 @!p0 $0x100000, s0  }
0x2f4: {  	[sflag:s0] =	ssyncadd.tile.s32 @!p0 $0x1;
	_ =	shalt  }
.Lfunc_end2:
_tile_overlayer_lowered:
.L_overlay_start_2:
0x2f5: {  	(tag) =	ssettag $0x2  }
0x2f6: {  	s0 =	rddreg [dreg:$0x0];
	s2 =	stileid.u32  }
0x2f7: {  	s1 =	rddreg [dreg:$0x1];
	p0 =	sne.s32 s2, $0x0  }
0x2f8: {  	s3 =	rddreg [dreg:$0x2];
	[bflag:$0x3] =	sbarrier.arrive $0xFFFF;
	s2 =	simm.s32 @!p0 $0x1C03  }
0x2f9: {  	[timem:s3], [sflag:s2] =	dma.local @!p0 [hbm:s0], s1  }
0x2fa: {  	s0 =	simm.s32 @!p0 $0x3  }
0x2fb: {  	_ =	swait.ge @!p0 [sflag:s0], s1  }
0x2fc: {  	s1 =	ssub.s32 @!p0 $0x0, s1;
	[sflag:s0] =	ssyncset.done @!p0 $0x0  }
0x2fd: {  	[sflag:s0] =	ssyncadd.s32 @!p0 s1  }
0x2fe: {  	[bflag:$0x3] =	sbarrier.arrive $0xFFFF  }
0x2ff: {  	_ =	shalt  }

// kernel: sparse-core-data-format-call.1.cloned.1.call-start
scs
called_computation.1_lowered:
.L_overlay_start_0:
0x0: {  	s2 =	sld [smem:$0x3FD9]  }
0x1: {  	s3 =	sld [smem:$0x3FFE];
	_ =	sdelay $0x1  }
0x2: {  	s1 =	srdreg.scid  }
0x3: {  	s0 =	sand.u32 $0x1, s1  }
0x4: {  	s18 =	sshll.u32 s0, $0xA;
	s2 =	sadd.s32 s3, s2  }
0x5: {  	s2 =	sadd.s32 s2, s18  }
0x6: {  	[smem:$0x3FC1] =	sst s2  }
0x7: {  	_ = 	snop  }
0x8: {  	s2 =	sld [smem:$0x3FC6];
	(tm) =	ssettm $0x1  }
0x9: {  	s19 =	sld [smem:$0x3FFB];
	_ =	sdelay $0x3  }
0xa: {  	_ =	strace s19  }
0xb: {  	s3 =	sld [smem:$0x3FFC];
	_ =	sdelay $0x3  }
0xc: {  	_ =	strace s3  }
0xd: {  	s3 =	sld [smem:$0x3FFD];
	_ =	sdelay $0x3  }
0xe: {  	_ =	strace s3  }
0xf: {  	_ =	strace $0x8FFFFFFF  }
0x10: {  	s20 =	sld [smem:$0x3FDB];
	_ =	sdelay $0x1  }
0x11: {  	s4 =	simm.s32 $_scs_section_size  }
0x12: {  	s5 =	simm.s32 $_size__tile_overlayer_lowered;
	s6 =	simm.s32 $_tile_overlayer_lowered  }
0x13: {  	s23 =	simm.s32 $0x1BFF;
	s22 =	sshll.u32 s6, $0x1;
	s3 =	sadd.s32 s4, s20  }
0x14: {  	s7 =	simm.s32 $0x0;
	s21 =	sshll.u32 s5, $0x1;
	s5 =	sadd.s32 s22, s3  }
0x15: {  	[timem:s7], [sflag:s23] =	dma.local [hbm:s5], s21  }
0x16: {  	_ =	swait.ge [sflag:s23], s21  }
0x17: {  	s4 =	ssub.s32 $0x0, s21;
	[sflag:s23] =	ssyncset.done $0x0  }
0x18: {  	[sflag:s23] =	ssyncadd.s32 s4;
	_ =	sdelay $0x1  }
0x19: {  	s24 =	simm.s32 $0x1B8B  }
0x1a: {  	_ =	swait.ge [sflag:s24], $0x1  }
0x1b: {  	[sflag:s24] =	ssyncset.done $0x0  }
0x1c: {  	s26 =	simm.s32 $0x1B8E;
	s25 =	sld [smem:$0x3FFE];
	[sflag:s24] =	ssyncadd.s32 $0xFFFFFFFF  }
0x1d: {  	s27 =	simm.s32 $execute0_lowered;
	[smem:$0x3FD2] =	sst s26  }
0x1e: {  	s5 =	sshll.u32 s27, $0x1;
	_ =	strace $0x80000046;
	[dreg:$0x1] =	wrdreg $0xFFFFFFFF  }
0x1f: {  	s28 =	simm.s32 $_size_execute0_lowered;
	s3 =	sadd.s32 s3, s5;
	[dreg:$0x0] =	wrdreg $0x0  }
0x20: {  	s5 =	sshll.u32 s28, $0x1;
	[dreg:$0x2] =	wrdreg s3  }
0x21: {  	[dreg:$0x3] =	wrdreg s5  }
0x22: {  	[dreg:$0x4] =	wrdreg $0xC0  }
0x23: {  	_ =	task [dreg:s7], $0x5FFFF  }
0x24: {  	[dreg:$0x1] =	wrdreg $0xFFFFFFFF  }
0x25: {  	[dreg:$0x0] =	wrdreg $0x60  }
0x26: {  	[dreg:$0x2] =	wrdreg s2  }
0x27: {  	[dreg:$0x3] =	wrdreg s25  }
0x28: {  	[dreg:$0x4] =	wrdreg $0xA  }
0x29: {  	_ =	task.clear_ibuf [dreg:s7], $0x5FFFF;
	_ =	strace $0x90000046  }
0x2a: {  	s29 =	simm.s32 $0xA;
	_ =	strace $0x80000048  }
0x2b: {  	_ =	swait.ge [sflag:s29], $0x1  }
0x2c: {  	[sflag:s29] =	ssyncadd.s32 $0xFFFFFFFF  }
0x2d: {  	_ =	strace $0x90000048  }
0x2e: {  	_ =	sfence  }
0x2f: {  	s30 =	sld [smem:$0x0];
	_ =	sdelay $0x2  }
0x30: {  	s31 =	sshll.u32 s1, $0xD;
	s1 =	sshrl.u32 s1, $0x2  }
0x31: {  	s3 =	sand.u32 $0x4000, s31;
	s1 =	sadd.s32 s1, s30  }
0x32: {  	s0 =	sor.u32 s3, s0;
	s1 =	sshll.u32 s1, $0x11  }
0x33: {  	s0 =	sor.u32 s1, s0  }
0x34: {  	s0 =	sadd.s32 $0x8F2B, s0  }
0x35: {  	[sflag:s0] =	ssyncadd.remote.s32 $0x1  }
0x36: {  	_ =	sfence.sel $0xFFFF  }
0x37: {  	[dreg:$0x0] =	wrdreg $0xFFFFFFFF;
	(pc) =	sbr.abs _section_cstart, $3  }
0x38: {  	[dreg:$0x1] =	wrdreg $0xFFFFFFFF  }
0x39: {  	_ =	task.clear_ibuf [dreg:s7], $0x2FFFF;
	_ =	strace $0x9FFFFFFF  }
0x3a: {  	(tm) =	ssettm $0x7FFFFFFF  }
0x3b: {  	_ =	shalt  }
tec
execute0_lowered:
.L_overlay_start_1:
0x0: {  	(tag) =	ssettag $0x1  }
0x1: {  	s0 =	srdreg.scid  }
0x2: {  	s1 =	sshll.u32 s0, $0x4  }
0x3: {  	s2 =	rddreg [dreg:$0x0];
	s0 =	stileid.u32;
	s1 =	sand.u32 $0x10, s1  }
0x4: {  	s4 =	rddreg [dreg:$0x1];
	s7 =	simm.s32 $0x1;
	s1 =	sor.u32 s0, s1  }
0x5: {  	s8 =	simm.s32 $0x2;
	s9 =	simm.s32 $0x0;
	s3 =	sshll.u32 s1, $0x3  }
0x6: {  	s12 =	simm.s32 $0x0;
	s11 =	simm.s32 $0x0;
	s6 =	ssub.s32 $0x2000, s3  }
.Ltmp0:
0x7: {  	s4 =	sadd.s32 $0xBE00, s4;
	s5 =	sand.u32 $0xF8, s6;
	(pc) =	sbr.rel .LBB1_1-.Ltmp0, $4  }
0x8: {  	s1 =	rddreg [dreg:$0x2];
	_ =	strace $0x80000047;
	p0 =	sne.s32 s5, $0x0  }
0x9: {  	s6 =	sshrl.u32 s6, $0x8;
	s5 =	simm.s32 $0x1;
	s7 =	simm.s32 @!p0 $0x0  }
0xa: {  	s10 =	smov.u32 s3;
	[sflag:s5] =	ssyncpa.u1 $0x0;
	s6 =	sadd.s32 s7, s6  }
0xb: {  	[sflag:s8] =	ssyncpa.u1 $0x0;
	s8 =	simm.s32 $0x0;
	s7 =	sadd.s32 $0x1, s6  }
.LBB1_9:
0xc: {  	s14 =	sadd.s32 $0x100, s10  }
0xd: {  	p1 =	sgt.s32 s14, $0x1FFF  }
0xe: {  	s14 =	smov.u32 @p1 s3;
	p1 =	sne.s32 s11, s7  }
.Ltmp1:
0xf: {  	p0 =	slt.u32 s11, $0x2;
	(pc) =	sbr.rel @!p1 .LBB1_10-.Ltmp1, $4  }
0x10: {  	s13 =	simm.s32 @!p0 $0x2  }
0x11: {  	s15 =	sadd.s32 $0x1, s11;
	_ =	swait.ge @!p0 [sflag:s13], $0x4000  }
0x12: {  	s12 =	smov.u32 s10;
	s9 =	sadd.s32 $0x4000, s9;
	[sflag:s13] =	ssyncset.done @!p0 $0x0  }
0x13: {  	s11 =	smov.u32 s15;
	s10 =	smov.u32 s14;
	[sflag:s13] =	ssyncadd.s32 @!p0 $0xFFFFC000  }
.LBB1_1:
0x14: {  	p0 =	sge.u32 s11, s6  }
0x15: {  	s13 =	sxor.u32 @!p0 $0xFFFFFFFF, s11  }
0x16: {  	s31 =	sadd.s32 $0xFFFFFFFF, s11;
	s14 =	sshll.u32 @!p0 s10, $0x8;
	s13 =	sshll.u32 @!p0 s13, $0xE  }
0x17: {  	s15 =	simm.s32 @!p0 $0x0;
	s14 =	sadd.s32 @!p0 s2, s14;
	s13 =	sand.u32 @!p0 $0x4000, s13  }
0x18: {  	[tilespmem:s13], [sflag:$0x1] =	stream.linear.gather @!p0 [hbm4b:s14+s15], $0x4000, $0x38;
	[tilespmem:$0x10000] =	vst v63  }
0x19: {  	p0 =	sge.u32 s31, s6  }
.Ltmp2:
0x1a: {  	_ = 	snop;
	(pc) =	sbr.rel @p0 .LBB1_9-.Ltmp2, $1  }
0x1b: {  	_ =	sdelay $0x3  }
0x1c: {  	s13 =	sshll.u32 s9, $0x2;
	_ =	swait.ge [sflag:s5], $0x4000;
	s14 =	sshll.u32 s11, $0xE  }
0x1d: {  	s16 =	simm.s32 $0x0;
	s17 =	simm.s32 $0x0;
	s15 =	sand.u32 $0x10000, s13  }
0x1e: {  	[sflag:s5] =	ssyncset.done $0x0;
	s31 =	sand.u32 $0x4000, s14;
	s14 =	sshrl.u32 s15, $0x2  }
0x1f: {  	[sflag:s5] =	ssyncadd.s32 $0xFFFFC000;
	s13 =	sor.u32 $0x8000, s31;
	s15 =	sor.u32 $0x8000, s14  }
.LBB1_3:
0x20: {  	s18 =	sshra.s32 s16, $0x2  }
0x21: {  	v0 =	vmov s18;
	_ =	sdelay $0x3  }
0x22: {  	p1 =	por $0x1, $0x1;
	s18 =	simm.s32 $0x0  }
.LBB1_4:
0x23: {  	_ = 	snop  }
0x24: {  	s19 =	sshll.u32 s18, $0xA  }
0x25: {  	s19 =	sand.u32 $0x3FFFFC00, s19  }
0x26: {  	s19 =	sadd.s32 s19, s14  }
0x27: {  	v5 =	vld.idx.msk [tilespmem:v0+s19+$0x70 ss:$0x1], $0xffff  }
0x28: {  	v6 =	vld.idx.msk [tilespmem:v0+s19+$0x10 ss:$0x1], $0xffff  }
0x29: {  	v7 =	vld.idx.msk [tilespmem:v0+s19+$0x20 ss:$0x1], $0xffff  }
0x2a: {  	s31 =	sshll.u32 s18, $0x7;
	v1 =	vld.idx.msk [tilespmem:v0+s19+$0x30 ss:$0x1], $0xffff  }
0x2b: {  	s18 =	sand.u32 $0x3FFFFF80, s31;
	v2 =	vld.idx.msk [tilespmem:v0+s19+$0x40 ss:$0x1], $0xffff  }
0x2c: {  	s18 =	sadd.s32 s18, s15;
	v3 =	vld.idx.msk [tilespmem:v0+s19+$0x50 ss:$0x1], $0xffff  }
0x2d: {  	v4 =	vld.idx.msk [tilespmem:v0+s19+$0x60 ss:$0x1], $0xffff;
	[tilespmem:v0+s18+$0x70 ss:$0x1] =	vst.idx.msk $0xffff, v5  }
0x2e: {  	v5 =	vld.idx.msk [tilespmem:v0+s19+$0x0 ss:$0x1], $0xffff;
	[tilespmem:v0+s18+$0x10 ss:$0x1] =	vst.idx.msk $0xffff, v6;
	s19 =	sadd.s32 $0x80, s19  }
0x2f: {  	p0 =	por p1, p1;
	s20 =	simm.s32 $0x6;
	[tilespmem:v0+s18+$0x20 ss:$0x1] =	vst.idx.msk $0xffff, v7;
	v6 =	vld.idx.msk [tilespmem:v0+s19+$0x70 ss:$0x1], $0xffff  }
.LBB1_5:
0x30: {  	p1 =	sne.s32 s20, $0x1;
	v7 =	vld.idx.msk [tilespmem:v0+s19+$0x10 ss:$0x1], $0xffff;
	[tilespmem:v0+s18+$0x30 ss:$0x1] =	vst.idx.msk $0xffff, v1  }
0x31: {  	v8 =	vld.idx.msk [tilespmem:v0+s19+$0x20 ss:$0x1], $0xffff;
	[tilespmem:v0+s18+$0x40 ss:$0x1] =	vst.idx.msk $0xffff, v2  }
0x32: {  	v1 =	vld.idx.msk [tilespmem:v0+s19+$0x30 ss:$0x1], $0xffff;
	[tilespmem:v0+s18+$0x50 ss:$0x1] =	vst.idx.msk $0xffff, v3  }
.Ltmp3:
0x33: {  	v2 =	vld.idx.msk [tilespmem:v0+s19+$0x40 ss:$0x1], $0xffff;
	[tilespmem:v0+s18+$0x60 ss:$0x1] =	vst.idx.msk $0xffff, v4;
	(pc) =	sbr.rel @p1 .LBB1_5-.Ltmp3, $4  }
0x34: {  	v3 =	vld.idx.msk [tilespmem:v0+s19+$0x50 ss:$0x1], $0xffff;
	[tilespmem:v0+s18+$0x0 ss:$0x1] =	vst.idx.msk $0xffff, v5;
	s18 =	sadd.s32 $0x100, s18  }
0x35: {  	v4 =	vld.idx.msk [tilespmem:v0+s19+$0x60 ss:$0x1], $0xffff;
	[tilespmem:v0+s18+$0x70 ss:$0x1] =	vst.idx.msk $0xffff, v6  }
0x36: {  	v5 =	vld.idx.msk [tilespmem:v0+s19+$0x0 ss:$0x1], $0xffff;
	[tilespmem:v0+s18+$0x10 ss:$0x1] =	vst.idx.msk $0xffff, v7;
	s19 =	sadd.s32 $0x80, s19  }
0x37: {  	s20 =	sadd.s32 $0xFFFFFFFF, s20;
	v6 =	vld.idx.msk [tilespmem:v0+s19+$0x70 ss:$0x1], $0xffff;
	[tilespmem:v0+s18+$0x20 ss:$0x1] =	vst.idx.msk $0xffff, v8  }
0x38: {  	_ =	sdelay $0x3  }
0x39: {  	[tilespmem:v0+s18+$0x30 ss:$0x1] =	vst.idx.msk $0xffff, v1  }
0x3a: {  	v1 =	vld.idx.msk [tilespmem:v0+s19+$0x10 ss:$0x1], $0xffff;
	[tilespmem:v0+s18+$0x40 ss:$0x1] =	vst.idx.msk $0xffff, v2  }
0x3b: {  	v2 =	vld.idx.msk [tilespmem:v0+s19+$0x20 ss:$0x1], $0xffff;
	[tilespmem:v0+s18+$0x50 ss:$0x1] =	vst.idx.msk $0xffff, v3  }
0x3c: {  	v61 =	vld.idx.msk [tilespmem:v0+s19+$0x40 ss:$0x1], $0xffff;
	[tilespmem:v0+s18+$0x60 ss:$0x1] =	vst.idx.msk $0xffff, v4  }
0x3d: {  	s31 =	sadd.s32 $0x100, s18;
	v62 =	vld.idx.msk [tilespmem:v0+s19+$0x50 ss:$0x1], $0xffff;
	[tilespmem:v0+s18+$0x0 ss:$0x1] =	vst.idx.msk $0xffff, v5  }
0x3e: {  	v63 =	vld.idx.msk [tilespmem:v0+s19+$0x60 ss:$0x1], $0xffff;
	[tilespmem:v0+s31+$0x70 ss:$0x1] =	vst.idx.msk $0xffff, v6  }
0x3f: {  	v3 =	vld.idx.msk [tilespmem:v0+s19+$0x30 ss:$0x1], $0xffff;
	[tilespmem:v0+s31+$0x10 ss:$0x1] =	vst.idx.msk $0xffff, v1  }
0x40: {  	v1 =	vld.idx.msk [tilespmem:v0+s19+$0x0 ss:$0x1], $0xffff;
	[tilespmem:v0+s31+$0x20 ss:$0x1] =	vst.idx.msk $0xffff, v2  }
.Ltmp4:
0x41: {  	[tilespmem:v0+s31+$0x40 ss:$0x1] =	vst.idx.msk $0xffff, v61;
	(pc) =	sbr.rel @p0 .LBB1_4-.Ltmp4, $4  }
0x42: {  	[tilespmem:v0+s31+$0x50 ss:$0x1] =	vst.idx.msk $0xffff, v62  }
0x43: {  	[tilespmem:v0+s31+$0x60 ss:$0x1] =	vst.idx.msk $0xffff, v63  }
0x44: {  	[tilespmem:v0+s31+$0x30 ss:$0x1] =	vst.idx.msk $0xffff, v3  }
0x45: {  	p1 =	por $0x0, $0x0;
	s18 =	simm.s32 $0x1;
	[tilespmem:v0+s31+$0x0 ss:$0x1] =	vst.idx.msk $0xffff, v1  }
0x46: {  	s17 =	sadd.s32 $0x1, s17  }
0x47: {  	p0 =	sne.s32 s17, $0x8  }
.Ltmp5:
0x48: {  	_ = 	snop;
	(pc) =	sbr.rel @p0 .LBB1_3-.Ltmp5, $2  }
0x49: {  	_ =	sdelay $0x2  }
0x4a: {  	s16 =	sadd.s32 $0x2000, s16  }
.Ltmp6:
0x4b: {  	(pc) =	sbr.rel .LBB1_9-.Ltmp6, $4  }
0x4c: {  	_ = 	snop  }
0x4d: {  	s12 =	sshll.u32 s12, $0x8  }
0x4e: {  	s12 =	sadd.s32 s4, s12  }
0x4f: {  	[hbm4b:s12+s8] =	stream.linear.scatter [tilespmem:s13], [sflag:$0x2], $0x4000, $0x38;
	[tilespmem:$0x10000] =	vst v63  }
.LBB1_10:
0x50: {  	_ =	sfence.sel $0x180000  }
0x51: {  	s2 =	simm.s32 $0x1;
	[bflag:$0x0] =	sbarrier.arrive $0xFFFF  }
0x52: {  	s31 =	simm.s32 $0x2;
	[sflag:s2] =	ssyncpa.u1 $0x1  }
0x53: {  	[sflag:s31] =	ssyncpa.u1 $0x1  }
0x54: {  	p0 =	sne.s32 s0, $0x0;
	_ =	strace $0x90000047  }
0x55: {  	s0 =	sadd.s32 @!p0 $0x100000, s1;
	[bflag:$0x2] =	sbarrier.arrive $0xFFFF  }
0x56: {  	[sflag:s0] =	ssyncadd.tile.s32 @!p0 $0x1;
	_ =	shalt  }
.Lfunc_end1:
_tile_overlayer_lowered:
.L_overlay_start_2:
0x57: {  	(tag) =	ssettag $0x2  }
0x58: {  	s0 =	rddreg [dreg:$0x0];
	s2 =	stileid.u32  }
0x59: {  	s1 =	rddreg [dreg:$0x1];
	p0 =	sne.s32 s2, $0x0  }
0x5a: {  	s3 =	rddreg [dreg:$0x2];
	[bflag:$0x3] =	sbarrier.arrive $0xFFFF;
	s2 =	simm.s32 @!p0 $0x1C01  }
0x5b: {  	[timem:s3], [sflag:s2] =	dma.local @!p0 [hbm:s0], s1  }
0x5c: {  	s0 =	simm.s32 @!p0 $0x1  }
0x5d: {  	_ =	swait.ge @!p0 [sflag:s0], s1  }
0x5e: {  	s1 =	ssub.s32 @!p0 $0x0, s1;
	[sflag:s0] =	ssyncset.done @!p0 $0x0  }
0x5f: {  	[sflag:s0] =	ssyncadd.s32 @!p0 s1  }
0x60: {  	[bflag:$0x3] =	sbarrier.arrive $0xFFFF  }
0x61: {  	_ =	shalt  }

// kernel: sparse-core-data-format-call.cloned.1.call-start
scs
called_computation_lowered:
.L_overlay_start_0:
0x0: {  	s2 =	sld [smem:$0x3FD9]  }
0x1: {  	s3 =	sld [smem:$0x3FFE];
	_ =	sdelay $0x1  }
0x2: {  	s1 =	srdreg.scid  }
0x3: {  	s0 =	sand.u32 $0x1, s1  }
0x4: {  	s18 =	sshll.u32 s0, $0xA;
	s2 =	sadd.s32 s3, s2  }
0x5: {  	s2 =	sadd.s32 s2, s18  }
0x6: {  	[smem:$0x3FC1] =	sst s2  }
0x7: {  	_ = 	snop  }
0x8: {  	s19 =	sld [smem:$0x3FC3];
	(tm) =	ssettm $0x1  }
0x9: {  	s20 =	sld [smem:$0x3FFB];
	_ =	sdelay $0x3  }
0xa: {  	_ =	strace s20  }
0xb: {  	s2 =	sld [smem:$0x3FFC];
	_ =	sdelay $0x3  }
0xc: {  	_ =	strace s2  }
0xd: {  	s2 =	sld [smem:$0x3FFD];
	_ =	sdelay $0x3  }
0xe: {  	_ =	strace s2  }
0xf: {  	_ =	strace $0x8FFFFFFF  }
0x10: {  	s21 =	sld [smem:$0x3FDB];
	_ =	sdelay $0x1  }
0x11: {  	s4 =	simm.s32 $_scs_section_size  }
0x12: {  	s5 =	simm.s32 $_size__tile_overlayer_lowered;
	s6 =	simm.s32 $_tile_overlayer_lowered  }
0x13: {  	s7 =	simm.s32 $0x1BFF;
	s22 =	sshll.u32 s6, $0x1;
	s4 =	sadd.s32 s4, s21  }
0x14: {  	s23 =	simm.s32 $0x0;
	s5 =	sshll.u32 s5, $0x1;
	s6 =	sadd.s32 s22, s4  }
0x15: {  	[timem:s23], [sflag:s7] =	dma.local [hbm:s6], s5  }
0x16: {  	_ =	swait.ge [sflag:s7], s5  }
0x17: {  	s5 =	ssub.s32 $0x0, s5;
	[sflag:s7] =	ssyncset.done $0x0  }
0x18: {  	[sflag:s7] =	ssyncadd.s32 s5;
	_ =	sdelay $0x1  }
0x19: {  	s24 =	simm.s32 $0x1B8B  }
0x1a: {  	_ =	swait.ge [sflag:s24], $0x1  }
0x1b: {  	[sflag:s24] =	ssyncset.done $0x0  }
0x1c: {  	[sflag:s24] =	ssyncadd.s32 $0xFFFFFFFF  }
0x1d: {  	s5 =	sld [smem:$0x0]  }
0x1e: {  	s6 =	sand.u32 $0xFFFFFFFE, s1  }
0x1f: {  	p0 =	sne.s32 s1, s6  }
0x20: {  	s6 =	sshll.u32 @p0 s6, $0xE  }
0x21: {  	s6 =	sadd.s32 @p0 $0x11B8D, s6;
	s7 =	sshll.u32 @p0 s5, $0x11  }
0x22: {  	s6 =	sor.u32 @p0 s7, s6  }
0x23: {  	[sflag:s6] =	ssyncadd.remote.s32 @p0 $0x1;
	_ =	sdelay $0x1  }
0x24: {  	s6 =	simm.s32 @p0 $0x1B8D  }
0x25: {  	_ =	swait.eq @p0 [sflag:s6], $0x1  }
0x26: {  	[sflag:s6] =	ssyncadd.s32 @p0 $0xFFFFFFFF  }
0x27: {  	s7 =	sshll.u32 @!p0 s1, $0xE  }
0x28: {  	s7 =	sor.u32 @!p0 $0x4000, s7;
	s6 =	simm.s32 @!p0 $0x1B8D  }
0x29: {  	s5 =	sshll.u32 @!p0 s5, $0x11;
	s7 =	sadd.s32 @!p0 $0x11B8D, s7;
	_ =	swait.eq @!p0 [sflag:s6], $0x1  }
0x2a: {  	s5 =	sor.u32 @!p0 s5, s7;
	[sflag:s6] =	ssyncadd.s32 @!p0 $0xFFFFFFFF  }
0x2b: {  	s26 =	simm.s32 $0x1B8E;
	s25 =	sld [smem:$0x3FFE];
	[sflag:s5] =	ssyncadd.remote.s32 @!p0 $0x1  }
0x2c: {  	s27 =	simm.s32 $execute0_lowered;
	[smem:$0x3FD2] =	sst s26  }
0x2d: {  	s6 =	sshll.u32 s27, $0x1;
	_ =	strace $0x80000049;
	[dreg:$0x1] =	wrdreg $0xFFFFFFFF  }
0x2e: {  	s28 =	simm.s32 $_size_execute0_lowered;
	s4 =	sadd.s32 s4, s6;
	[dreg:$0x0] =	wrdreg $0x0  }
0x2f: {  	s6 =	sshll.u32 s28, $0x1;
	[dreg:$0x2] =	wrdreg s4  }
0x30: {  	[dreg:$0x3] =	wrdreg s6  }
0x31: {  	[dreg:$0x4] =	wrdreg $0xC0  }
0x32: {  	_ =	task [dreg:s23], $0x5FFFF  }
0x33: {  	[dreg:$0x1] =	wrdreg $0xFFFFFFFF  }
0x34: {  	[dreg:$0x0] =	wrdreg $0x60  }
0x35: {  	[dreg:$0x2] =	wrdreg s19  }
0x36: {  	[dreg:$0x3] =	wrdreg s25  }
0x37: {  	[dreg:$0x4] =	wrdreg $0x9  }
0x38: {  	_ =	task.clear_ibuf [dreg:s23], $0x5FFFF;
	_ =	strace $0x90000049  }
0x39: {  	s29 =	simm.s32 $0x9;
	_ =	strace $0x8000004B  }
0x3a: {  	_ =	swait.ge [sflag:s29], $0x1  }
0x3b: {  	[sflag:s29] =	ssyncadd.s32 $0xFFFFFFFF  }
0x3c: {  	_ =	strace $0x9000004B  }
0x3d: {  	_ =	sfence  }
0x3e: {  	s30 =	sld [smem:$0x0];
	_ =	sdelay $0x2  }
0x3f: {  	s31 =	sshll.u32 s1, $0xD;
	s1 =	sshrl.u32 s1, $0x2  }
0x40: {  	s4 =	sand.u32 $0x4000, s31;
	s1 =	sadd.s32 s1, s30  }
0x41: {  	s0 =	sor.u32 s4, s0;
	s1 =	sshll.u32 s1, $0x11  }
0x42: {  	s0 =	sor.u32 s1, s0  }
0x43: {  	s0 =	sadd.s32 $0x8F2B, s0  }
0x44: {  	[sflag:s0] =	ssyncadd.remote.s32 $0x1  }
0x45: {  	_ =	sfence.sel $0xFFFF  }
0x46: {  	[dreg:$0x0] =	wrdreg $0xFFFFFFFF;
	(pc) =	sbr.abs _section_cstart, $3  }
0x47: {  	[dreg:$0x1] =	wrdreg $0xFFFFFFFF  }
0x48: {  	_ =	task.clear_ibuf [dreg:s23], $0x2FFFF;
	_ =	strace $0x9FFFFFFF  }
0x49: {  	(tm) =	ssettm $0x7FFFFFFF  }
tec
execute0_lowered:
.L_overlay_start_1:
0x0: {  	(tag) =	ssettag $0x1  }
0x1: {  	s0 =	srdreg.scid  }
0x2: {  	s1 =	sshll.u32 s0, $0x4  }
0x3: {  	s2 =	rddreg [dreg:$0x0];
	s0 =	stileid.u32;
	s1 =	sand.u32 $0x10, s1  }
0x4: {  	s4 =	rddreg [dreg:$0x1];
	s7 =	simm.s32 $0x1;
	s1 =	sor.u32 s0, s1  }
0x5: {  	s8 =	simm.s32 $0x2;
	s9 =	simm.s32 $0x0;
	s3 =	sshll.u32 s1, $0x3  }
0x6: {  	s12 =	simm.s32 $0x0;
	s11 =	simm.s32 $0x0;
	s6 =	ssub.s32 $0x2000, s3  }
.Ltmp0:
0x7: {  	s4 =	sadd.s32 $0x20BE00, s4;
	s5 =	sand.u32 $0xF8, s6;
	(pc) =	sbr.rel .LBB1_1-.Ltmp0, $4  }
0x8: {  	s1 =	rddreg [dreg:$0x2];
	_ =	strace $0x8000004A;
	p0 =	sne.s32 s5, $0x0  }
0x9: {  	s6 =	sshrl.u32 s6, $0x8;
	s5 =	simm.s32 $0x1;
	s7 =	simm.s32 @!p0 $0x0  }
0xa: {  	s10 =	smov.u32 s3;
	[sflag:s5] =	ssyncpa.u1 $0x0;
	s6 =	sadd.s32 s7, s6  }
0xb: {  	[sflag:s8] =	ssyncpa.u1 $0x0;
	s8 =	simm.s32 $0x0;
	s7 =	sadd.s32 $0x1, s6  }
.LBB1_9:
0xc: {  	s14 =	sadd.s32 $0x100, s10  }
0xd: {  	p1 =	sgt.s32 s14, $0x1FFF  }
0xe: {  	s14 =	smov.u32 @p1 s3;
	p1 =	sne.s32 s11, s7  }
.Ltmp1:
0xf: {  	p0 =	slt.u32 s11, $0x2;
	(pc) =	sbr.rel @!p1 .LBB1_10-.Ltmp1, $4  }
0x10: {  	s13 =	simm.s32 @!p0 $0x2  }
0x11: {  	s15 =	sadd.s32 $0x1, s11;
	_ =	swait.ge @!p0 [sflag:s13], $0x4000  }
0x12: {  	s12 =	smov.u32 s10;
	s9 =	sadd.s32 $0x4000, s9;
	[sflag:s13] =	ssyncset.done @!p0 $0x0  }
0x13: {  	s11 =	smov.u32 s15;
	s10 =	smov.u32 s14;
	[sflag:s13] =	ssyncadd.s32 @!p0 $0xFFFFC000  }
.LBB1_1:
0x14: {  	p0 =	sge.u32 s11, s6  }
0x15: {  	s13 =	sxor.u32 @!p0 $0xFFFFFFFF, s11  }
0x16: {  	s31 =	sadd.s32 $0xFFFFFFFF, s11;
	s14 =	sshll.u32 @!p0 s10, $0x8;
	s13 =	sshll.u32 @!p0 s13, $0xE  }
0x17: {  	s15 =	simm.s32 @!p0 $0x0;
	s14 =	sadd.s32 @!p0 s2, s14;
	s13 =	sand.u32 @!p0 $0x4000, s13  }
0x18: {  	[tilespmem:s13], [sflag:$0x1] =	stream.linear.gather @!p0 [hbm4b:s14+s15], $0x4000, $0x38;
	[tilespmem:$0x10000] =	vst v63  }
0x19: {  	p0 =	sge.u32 s31, s6  }
.Ltmp2:
0x1a: {  	_ = 	snop;
	(pc) =	sbr.rel @p0 .LBB1_9-.Ltmp2, $1  }
0x1b: {  	_ =	sdelay $0x3  }
0x1c: {  	s13 =	sshll.u32 s9, $0x2;
	_ =	swait.ge [sflag:s5], $0x4000;
	s14 =	sshll.u32 s11, $0xE  }
0x1d: {  	s16 =	simm.s32 $0x0;
	s17 =	simm.s32 $0x0;
	s15 =	sand.u32 $0x10000, s13  }
0x1e: {  	[sflag:s5] =	ssyncset.done $0x0;
	s31 =	sand.u32 $0x4000, s14;
	s14 =	sshrl.u32 s15, $0x2  }
0x1f: {  	[sflag:s5] =	ssyncadd.s32 $0xFFFFC000;
	s13 =	sor.u32 $0x8000, s31;
	s15 =	sor.u32 $0x8000, s14  }
.LBB1_3:
0x20: {  	s18 =	sshra.s32 s16, $0x2  }
0x21: {  	v0 =	vmov s18;
	_ =	sdelay $0x3  }
0x22: {  	p1 =	por $0x1, $0x1;
	s18 =	simm.s32 $0x0  }
.LBB1_4:
0x23: {  	_ = 	snop  }
0x24: {  	s19 =	sshll.u32 s18, $0xA  }
0x25: {  	s19 =	sand.u32 $0x3FFFFC00, s19  }
0x26: {  	s19 =	sadd.s32 s19, s14  }
0x27: {  	v5 =	vld.idx.msk [tilespmem:v0+s19+$0x70 ss:$0x1], $0xffff  }
0x28: {  	v6 =	vld.idx.msk [tilespmem:v0+s19+$0x10 ss:$0x1], $0xffff  }
0x29: {  	v7 =	vld.idx.msk [tilespmem:v0+s19+$0x20 ss:$0x1], $0xffff  }
0x2a: {  	s31 =	sshll.u32 s18, $0x7;
	v1 =	vld.idx.msk [tilespmem:v0+s19+$0x30 ss:$0x1], $0xffff  }
0x2b: {  	s18 =	sand.u32 $0x3FFFFF80, s31;
	v2 =	vld.idx.msk [tilespmem:v0+s19+$0x40 ss:$0x1], $0xffff  }
0x2c: {  	s18 =	sadd.s32 s18, s15;
	v3 =	vld.idx.msk [tilespmem:v0+s19+$0x50 ss:$0x1], $0xffff  }
0x2d: {  	v4 =	vld.idx.msk [tilespmem:v0+s19+$0x60 ss:$0x1], $0xffff;
	[tilespmem:v0+s18+$0x70 ss:$0x1] =	vst.idx.msk $0xffff, v5  }
0x2e: {  	v5 =	vld.idx.msk [tilespmem:v0+s19+$0x0 ss:$0x1], $0xffff;
	[tilespmem:v0+s18+$0x10 ss:$0x1] =	vst.idx.msk $0xffff, v6;
	s19 =	sadd.s32 $0x80, s19  }
0x2f: {  	p0 =	por p1, p1;
	s20 =	simm.s32 $0x6;
	[tilespmem:v0+s18+$0x20 ss:$0x1] =	vst.idx.msk $0xffff, v7;
	v6 =	vld.idx.msk [tilespmem:v0+s19+$0x70 ss:$0x1], $0xffff  }
.LBB1_5:
0x30: {  	p1 =	sne.s32 s20, $0x1;
	v7 =	vld.idx.msk [tilespmem:v0+s19+$0x10 ss:$0x1], $0xffff;
	[tilespmem:v0+s18+$0x30 ss:$0x1] =	vst.idx.msk $0xffff, v1  }
0x31: {  	v8 =	vld.idx.msk [tilespmem:v0+s19+$0x20 ss:$0x1], $0xffff;
	[tilespmem:v0+s18+$0x40 ss:$0x1] =	vst.idx.msk $0xffff, v2  }
0x32: {  	v1 =	vld.idx.msk [tilespmem:v0+s19+$0x30 ss:$0x1], $0xffff;
	[tilespmem:v0+s18+$0x50 ss:$0x1] =	vst.idx.msk $0xffff, v3  }
.Ltmp3:
0x33: {  	v2 =	vld.idx.msk [tilespmem:v0+s19+$0x40 ss:$0x1], $0xffff;
	[tilespmem:v0+s18+$0x60 ss:$0x1] =	vst.idx.msk $0xffff, v4;
	(pc) =	sbr.rel @p1 .LBB1_5-.Ltmp3, $4  }
0x34: {  	v3 =	vld.idx.msk [tilespmem:v0+s19+$0x50 ss:$0x1], $0xffff;
	[tilespmem:v0+s18+$0x0 ss:$0x1] =	vst.idx.msk $0xffff, v5;
	s18 =	sadd.s32 $0x100, s18  }
0x35: {  	v4 =	vld.idx.msk [tilespmem:v0+s19+$0x60 ss:$0x1], $0xffff;
	[tilespmem:v0+s18+$0x70 ss:$0x1] =	vst.idx.msk $0xffff, v6  }
0x36: {  	v5 =	vld.idx.msk [tilespmem:v0+s19+$0x0 ss:$0x1], $0xffff;
	[tilespmem:v0+s18+$0x10 ss:$0x1] =	vst.idx.msk $0xffff, v7;
	s19 =	sadd.s32 $0x80, s19  }
0x37: {  	s20 =	sadd.s32 $0xFFFFFFFF, s20;
	v6 =	vld.idx.msk [tilespmem:v0+s19+$0x70 ss:$0x1], $0xffff;
	[tilespmem:v0+s18+$0x20 ss:$0x1] =	vst.idx.msk $0xffff, v8  }
0x38: {  	_ =	sdelay $0x3  }
0x39: {  	[tilespmem:v0+s18+$0x30 ss:$0x1] =	vst.idx.msk $0xffff, v1  }
0x3a: {  	v1 =	vld.idx.msk [tilespmem:v0+s19+$0x10 ss:$0x1], $0xffff;
	[tilespmem:v0+s18+$0x40 ss:$0x1] =	vst.idx.msk $0xffff, v2  }
0x3b: {  	v2 =	vld.idx.msk [tilespmem:v0+s19+$0x20 ss:$0x1], $0xffff;
	[tilespmem:v0+s18+$0x50 ss:$0x1] =	vst.idx.msk $0xffff, v3  }
0x3c: {  	v61 =	vld.idx.msk [tilespmem:v0+s19+$0x40 ss:$0x1], $0xffff;
	[tilespmem:v0+s18+$0x60 ss:$0x1] =	vst.idx.msk $0xffff, v4  }
0x3d: {  	s31 =	sadd.s32 $0x100, s18;
	v62 =	vld.idx.msk [tilespmem:v0+s19+$0x50 ss:$0x1], $0xffff;
	[tilespmem:v0+s18+$0x0 ss:$0x1] =	vst.idx.msk $0xffff, v5  }
0x3e: {  	v63 =	vld.idx.msk [tilespmem:v0+s19+$0x60 ss:$0x1], $0xffff;
	[tilespmem:v0+s31+$0x70 ss:$0x1] =	vst.idx.msk $0xffff, v6  }
0x3f: {  	v3 =	vld.idx.msk [tilespmem:v0+s19+$0x30 ss:$0x1], $0xffff;
	[tilespmem:v0+s31+$0x10 ss:$0x1] =	vst.idx.msk $0xffff, v1  }
0x40: {  	v1 =	vld.idx.msk [tilespmem:v0+s19+$0x0 ss:$0x1], $0xffff;
	[tilespmem:v0+s31+$0x20 ss:$0x1] =	vst.idx.msk $0xffff, v2  }
.Ltmp4:
0x41: {  	[tilespmem:v0+s31+$0x40 ss:$0x1] =	vst.idx.msk $0xffff, v61;
	(pc) =	sbr.rel @p0 .LBB1_4-.Ltmp4, $4  }
0x42: {  	[tilespmem:v0+s31+$0x50 ss:$0x1] =	vst.idx.msk $0xffff, v62  }
0x43: {  	[tilespmem:v0+s31+$0x60 ss:$0x1] =	vst.idx.msk $0xffff, v63  }
0x44: {  	[tilespmem:v0+s31+$0x30 ss:$0x1] =	vst.idx.msk $0xffff, v3  }
0x45: {  	p1 =	por $0x0, $0x0;
	s18 =	simm.s32 $0x1;
	[tilespmem:v0+s31+$0x0 ss:$0x1] =	vst.idx.msk $0xffff, v1  }
0x46: {  	s17 =	sadd.s32 $0x1, s17  }
0x47: {  	p0 =	sne.s32 s17, $0x8  }
.Ltmp5:
0x48: {  	_ = 	snop;
	(pc) =	sbr.rel @p0 .LBB1_3-.Ltmp5, $2  }
0x49: {  	_ =	sdelay $0x2  }
0x4a: {  	s16 =	sadd.s32 $0x2000, s16  }
.Ltmp6:
0x4b: {  	(pc) =	sbr.rel .LBB1_9-.Ltmp6, $4  }
0x4c: {  	_ = 	snop  }
0x4d: {  	s12 =	sshll.u32 s12, $0x8  }
0x4e: {  	s12 =	sadd.s32 s4, s12  }
0x4f: {  	[hbm4b:s12+s8] =	stream.linear.scatter [tilespmem:s13], [sflag:$0x2], $0x4000, $0x38;
	[tilespmem:$0x10000] =	vst v63  }
.LBB1_10:
0x50: {  	_ =	sfence.sel $0x180000  }
0x51: {  	s2 =	simm.s32 $0x1;
	[bflag:$0x0] =	sbarrier.arrive $0xFFFF  }
0x52: {  	s31 =	simm.s32 $0x2;
	[sflag:s2] =	ssyncpa.u1 $0x1  }
0x53: {  	[sflag:s31] =	ssyncpa.u1 $0x1  }
0x54: {  	p0 =	sne.s32 s0, $0x0;
	_ =	strace $0x9000004A  }
0x55: {  	s0 =	sadd.s32 @!p0 $0x100000, s1;
	[bflag:$0x2] =	sbarrier.arrive $0xFFFF  }
0x56: {  	[sflag:s0] =	ssyncadd.tile.s32 @!p0 $0x1;
	_ =	shalt  }
.Lfunc_end1:
_tile_overlayer_lowered:
.L_overlay_start_2:
0x57: {  	(tag) =	ssettag $0x2  }
0x58: {  	s0 =	rddreg [dreg:$0x0];
	s2 =	stileid.u32  }
0x59: {  	s1 =	rddreg [dreg:$0x1];
	p0 =	sne.s32 s2, $0x0  }
0x5a: {  	s3 =	rddreg [dreg:$0x2];
	[bflag:$0x3] =	sbarrier.arrive $0xFFFF;
	s2 =	simm.s32 @!p0 $0x1C01  }
0x5b: {  	[timem:s3], [sflag:s2] =	dma.local @!p0 [hbm:s0], s1  }
0x5c: {  	s0 =	simm.s32 @!p0 $0x1  }
0x5d: {  	_ =	swait.ge @!p0 [sflag:s0], s1  }
0x5e: {  	s1 =	ssub.s32 @!p0 $0x0, s1;
	[sflag:s0] =	ssyncset.done @!p0 $0x0  }
0x5f: {  	[sflag:s0] =	ssyncadd.s32 @!p0 s1  }
0x60: {  	[bflag:$0x3] =	sbarrier.arrive $0xFFFF  }
0x61: {  	_ =	shalt  }

</sc_bundles>
